<compile_context>
chip_gen: v7x
topology: tpu7x:2x2x1
jax: 0.10.2.dev20260603
libtpu: 0.0.44.dev20260713+nightly
codegen_flags: <defaults>
</compile_context>

<pallas_src>
import functools

import jax
import jax.numpy as jnp
from jax import lax
from jax.experimental import pallas as pl
from jax.experimental.pallas import tpu as pltpu
from jax.experimental.pallas import tpu_sc as plsc

N = 10000
NP = 10240
NACC = 10496
NDEG = 10256
TRASH = 10240
E = 320000
EP = 327680
CH = 128
NCHUNK = EP // CH
W = 64
BLK = 256
NBLK = NP // BLK

_f32 = jnp.float32
_i32 = jnp.int32



def _mesh():
    return plsc.VectorSubcoreMesh(core_axis_name="c", subcore_axis_name="s")


_SC_PARAMS = pltpu.CompilerParams(needs_layout_passes=False,
                                  use_tc_tiling_on_sc=False)


def _deg_body(col_hbm, out_hbm, idx_col, acc):
    c = lax.axis_index("c")
    s = lax.axis_index("s")
    w = c * 16 + s
    nck = NCHUNK // 32
    pltpu.sync_copy(col_hbm.at[pl.ds(w * nck, nck)], idx_col)

    @pl.loop(0, NDEG // 16)
    def _(i):
        acc[pl.ds(i * 16, 16)] = jnp.zeros((16,), _f32)

    ones = jnp.ones((16,), _f32)

    @pl.loop(0, nck)
    def _(j):
        for k in range(CH // 16):
            idx = idx_col[j, pl.ds(k * 16, 16)]
            plsc.addupdate_scatter(acc, [idx], ones)

    pltpu.sync_copy(acc.at[pl.ds(0, NP)], out_hbm.at[pl.ds(w * NP, NP)])


def _make_deg():
    return pl.kernel(
        _deg_body,
        out_type=jax.ShapeDtypeStruct((32 * NP,), _f32),
        mesh=_mesh(),
        compiler_params=_SC_PARAMS,
        scratch_types=[
            pltpu.VMEM((NCHUNK // 32, CH), _i32),
            pltpu.VMEM((NDEG,), _f32),
        ],
    )


def _seg_body(passes, split32, hs_hbm, row_hbm, col_hbm, out_hbm,
              idx_row, idx_col, idx_g, bufa, bufb, zbuf, acc, sema, semb):
    c = lax.axis_index("c")
    s = lax.axis_index("s")
    if split32:
        nck = NCHUNK // 32
        base = c * (NCHUNK // 2) + s * nck
    else:
        nck = NCHUNK // 16
        base = s * nck
    pltpu.sync_copy(row_hbm.at[pl.ds(base, nck)], idx_row)
    pltpu.sync_copy(col_hbm.at[pl.ds(base, nck)], idx_col)

    @pl.loop(0, CH)
    def _(i):
        for k in range(W // 16):
            zbuf[i, pl.ds(k * 16, 16)] = jnp.zeros((16,), _f32)

    rows_t = NACC // 16

    for p in range(passes):
        if split32:
            chunk = jnp.int32(0)
            slot = c
        else:
            chunk = c + 2 * p
            slot = chunk
        for k in range(rows_t // CH):
            pltpu.sync_copy(zbuf, acc.at[pl.ds(s * rows_t + k * CH, CH)])
        pltpu.sync_copy(zbuf.at[pl.ds(0, rows_t % CH)],
                        acc.at[pl.ds(s * rows_t + (rows_t // CH) * CH,
                                     rows_t % CH)])
        offv = jnp.full((16,), chunk * NP, _i32)

        @pl.loop(0, nck)
        def _(j):
            for k in range(CH // 16):
                idx_g[j, pl.ds(k * 16, 16)] = (
                    idx_row[j, pl.ds(k * 16, 16)] + offv)

        plsc.subcore_barrier()

        @pl.loop(0, nck, step=2)
        def _(j):
            da = pltpu.async_copy(hs_hbm.at[idx_g.at[j]], bufa, sema)
            db = pltpu.async_copy(hs_hbm.at[idx_g.at[j + 1]], bufb, semb)
            da.wait()
            pltpu.sync_copy(bufa, acc.at[idx_col.at[j]], add=True)
            db.wait()
            pltpu.sync_copy(bufb, acc.at[idx_col.at[j + 1]], add=True)

        plsc.subcore_barrier()
        rows = NP // 16
        pltpu.sync_copy(acc.at[pl.ds(s * rows, rows)],
                        out_hbm.at[pl.ds(slot * NP + s * rows, rows)])
        if p + 1 < passes:
            plsc.subcore_barrier()


def _make_seg(n_slots, passes, split32):
    body = functools.partial(_seg_body, passes, split32)
    nck = NCHUNK // (32 if split32 else 16)
    return pl.kernel(
        body,
        out_type=jax.ShapeDtypeStruct((n_slots * NP, W), _f32),
        mesh=_mesh(),
        compiler_params=_SC_PARAMS,
        scratch_types=[
            pltpu.VMEM((nck, CH), _i32),
            pltpu.VMEM((nck, CH), _i32),
            pltpu.VMEM((nck, CH), _i32),
            pltpu.VMEM((CH, W), _f32),
            pltpu.VMEM((CH, W), _f32),
            pltpu.VMEM((CH, W), _f32),
            pltpu.VMEM_SHARED((NACC, W), _f32),
            pltpu.SemaphoreType.DMA,
            pltpu.SemaphoreType.DMA,
        ],
    )



def _dinv(degp_ref):
    deg = 1.0 + jnp.sum(degp_ref[...], axis=0).reshape(BLK, 1)
    return lax.rsqrt(deg)


def _k1_body(x_ref, w_ref, degp_ref, out_ref):
    dinv = _dinv(degp_ref)
    h = jnp.dot(x_ref[...], w_ref[...], preferred_element_type=_f32)
    for ci in range(8):
        out_ref[ci] = dinv * h[:, ci * W:(ci + 1) * W]


def _mid_body(cin, cout, hs_ref, acc_ref, degp_ref, b_ref, w_ref, out_ref):
    dinv = _dinv(degp_ref)
    accum = jnp.zeros((BLK, cout * W), _f32)
    for ci in range(cin):
        a = jnp.maximum(dinv * (acc_ref[ci] + hs_ref[ci]) + b_ref[ci], 0.0)
        accum = accum + jnp.dot(a, w_ref[ci], preferred_element_type=_f32)
    for co in range(cout):
        out_ref[co] = dinv * accum[:, co * W:(co + 1) * W]


def _k4_body(hs_ref, acc_ref, degp_ref, b_ref, w_ref, bc_ref, out_ref):
    dinv = _dinv(degp_ref)
    acc = acc_ref[0] + acc_ref[1]
    a = jnp.maximum(dinv * (acc + hs_ref[0]) + b_ref[0], 0.0)
    out_ref[...] = (jnp.dot(a, w_ref[...], preferred_element_type=_f32)
                    + bc_ref[0])


def _row_spec(c):
    return pl.BlockSpec((c, BLK, W), lambda i: (0, i, 0))


_DEG_SPEC = pl.BlockSpec((32, BLK), lambda i: (0, i))


def _whole(shape):
    nd = len(shape)
    return pl.BlockSpec(shape, lambda i, _n=nd: (0,) * _n)


def _tc_call(body, in_specs, out_specs, out_shape):
    return pl.pallas_call(
        body, grid=(NBLK,), in_specs=in_specs, out_specs=out_specs,
        out_shape=out_shape)



def kernel(x, edge_index, W1, b1, W2, b2, W3, b3, Wc, bc):
    xp = jnp.zeros((NP, 128), _f32).at[:N].set(x)
    pad = EP - E
    row = jnp.concatenate([edge_index[0], jnp.zeros((pad,), _i32)])
    col = jnp.concatenate([edge_index[1], jnp.full((pad,), TRASH, _i32)])
    row2d = row.reshape(NCHUNK, CH)
    col2d = col.reshape(NCHUNK, CH)

    W2r = W2.reshape(8, W, 256)
    W3r = W3.reshape(4, W, 64)
    Wcp = jnp.zeros((W, 128), _f32).at[:, :3].set(Wc)
    b1r = b1.reshape(8, W)
    b2r = b2.reshape(4, W)
    b3r = b3.reshape(1, W)
    bcp = jnp.zeros((1, 128), _f32).at[0, :3].set(bc)

    degp = _make_deg()(col2d).reshape(32, NP)

    hs1 = _tc_call(
        _k1_body,
        [pl.BlockSpec((BLK, 128), lambda i: (i, 0)), _whole((128, 512)),
         _DEG_SPEC],
        _row_spec(8),
        jax.ShapeDtypeStruct((8, NP, W), _f32))(xp, W1, degp)
    p1 = _make_seg(8, 4, False)(
        hs1.reshape(8 * NP, W), row2d, col2d).reshape(8, NP, W)

    hs2 = _tc_call(
        functools.partial(_mid_body, 8, 4),
        [_row_spec(8), _row_spec(8), _DEG_SPEC, _whole((8, W)),
         _whole((8, W, 256))],
        _row_spec(4),
        jax.ShapeDtypeStruct((4, NP, W), _f32))(hs1, p1, degp, b1r, W2r)
    p2 = _make_seg(4, 2, False)(
        hs2.reshape(4 * NP, W), row2d, col2d).reshape(4, NP, W)

    hs3 = _tc_call(
        functools.partial(_mid_body, 4, 1),
        [_row_spec(4), _row_spec(4), _DEG_SPEC, _whole((4, W)),
         _whole((4, W, 64))],
        _row_spec(1),
        jax.ShapeDtypeStruct((1, NP, W), _f32))(hs2, p2, degp, b2r, W3r)
    p3 = _make_seg(2, 1, True)(
        hs3.reshape(NP, W), row2d, col2d).reshape(2, NP, W)

    out = _tc_call(
        _k4_body,
        [_row_spec(1), _row_spec(2), _DEG_SPEC, _whole((1, W)),
         _whole((W, 128)), _whole((1, 128))],
        pl.BlockSpec((BLK, 128), lambda i: (i, 0)),
        jax.ShapeDtypeStruct((NP, 128), _f32))(hs3, p3, degp, b3r, Wcp, bcp)
    return out[:N, :3]

# --- scband reference (transcript-rebuilt; emitter-appended) ---
"""Pipeline reference for scband-color-gnn-37108517437617 (READ-ONLY COPY).

The authoritative reference and input builder live on the scoring server;
editing this copy changes nothing except your own understanding.
"""

import jax, jax.numpy as jnp
import numpy as np

N = 10000
E = 320000
D_IN = 128


def _glorot(key, shape):
    fan_in, fan_out = shape[0], shape[1]
    limit = np.sqrt(6.0 / (fan_in + fan_out))
    return jax.random.uniform(key, shape, dtype=jnp.float32, minval=-limit, maxval=limit)


def setup_inputs(seed: int = 0) -> dict:
    key = jax.random.key(seed)
    ks = jax.random.split(key, 12)
    x = jax.random.normal(ks[0], (N, D_IN), dtype=jnp.float32)
    edge_index = jax.random.randint(ks[1], (2, E), 0, N, dtype=jnp.int32)
    W1 = _glorot(ks[2], (D_IN, 512))
    b1 = jnp.zeros((512,), dtype=jnp.float32)
    W2 = _glorot(ks[3], (512, 256))
    b2 = jnp.zeros((256,), dtype=jnp.float32)
    W3 = _glorot(ks[4], (256, 64))
    b3 = jnp.zeros((64,), dtype=jnp.float32)
    Wc = _glorot(ks[5], (64, 3))
    bc = jnp.zeros((3,), dtype=jnp.float32)
    return {"x": x, "edge_index": edge_index, "W1": W1, "b1": b1, "W2": W2, "b2": b2, "W3": W3, "b3": b3, "Wc": Wc, "bc": bc}


def gcn_conv(x, edge_index, W, b):
    # Faithful GCNConv: add self-loops, symmetric normalization D^-1/2 (A+I) D^-1/2, then linear.
    n = x.shape[0]
    loop = jnp.arange(n, dtype=edge_index.dtype)
    row = jnp.concatenate([edge_index[0], loop])  # source
    col = jnp.concatenate([edge_index[1], loop])  # target
    deg = jax.ops.segment_sum(jnp.ones(row.shape[0], dtype=x.dtype), col, num_segments=n)
    dinv = jnp.where(deg > 0, jax.lax.rsqrt(deg), 0.0)
    norm = dinv[row] * dinv[col]
    h = x @ W
    msg = h[row] * norm[:, None]
    out = jax.ops.segment_sum(msg, col, num_segments=n)
    return out + b


def reference(x, edge_index, W1, b1, W2, b2, W3, b3, Wc, bc):
    h = jax.nn.relu(gcn_conv(x, edge_index, W1, b1))
    h = jax.nn.relu(gcn_conv(h, edge_index, W2, b2))
    h = jax.nn.relu(gcn_conv(h, edge_index, W3, b3))
    out = h @ Wc + bc
    return out

if __name__ == "__main__":
    import jax
    _d = setup_inputs()
    print(jax.jit(kernel)(*tuple(_d.values())))

</pallas_src>

<mosaic_0001>
#map = affine_map<(d0, d1) -> (0, 0)>
module attributes {stable_mosaic.version = 14 : i64} {
  func.func @_seg_body(%arg0: i32, %arg1: i32, %arg2: memref<10240x64xf32, #tpu.memory_space<hbm>>, %arg3: memref<2560x128xi32, #tpu.memory_space<hbm>>, %arg4: memref<2560x128xi32, #tpu.memory_space<hbm>>, %arg5: memref<20480x64xf32, #tpu.memory_space<hbm>>, %arg6: memref<80x128xi32, #tpu.memory_space<vmem>>, %arg7: memref<80x128xi32, #tpu.memory_space<vmem>>, %arg8: memref<80x128xi32, #tpu.memory_space<vmem>>, %arg9: memref<128x64xf32, #tpu.memory_space<vmem>>, %arg10: memref<128x64xf32, #tpu.memory_space<vmem>>, %arg11: memref<128x64xf32, #tpu.memory_space<vmem>>, %arg12: memref<10496x64xf32, #tpu.memory_space<vmem_shared>>, %arg13: memref<!tpu.dma_semaphore, #tpu.memory_space<semaphore_mem>>, %arg14: memref<!tpu.dma_semaphore, #tpu.memory_space<semaphore_mem>>) attributes {dimension_semantics = [#tpu.dimension_semantics<core_parallel>, #tpu.dimension_semantics<subcore_parallel>], iteration_bounds = array<i64: 2, 16>, scalar_prefetch = 0 : i64, scratch_operands = 9 : i64, tpu.core_type = #tpu.core_type<sc_vector_subcore>, window_params = [{transform_indices = #map}, {transform_indices = #map}, {transform_indices = #map}, {transform_indices = #map}]} {
    %mul3A = arith.constant 1280 : i32
    %mul3A_0 = arith.muli %arg0, %mul3A : i32
    %mul3A_1 = arith.constant 80 : i32
    %mul3A_2 = arith.muli %arg1, %mul3A_1 : i32
    %add3A = arith.addi %mul3A_0, %mul3A_2 : i32
    "tpu.region"() ({
      %run_scoped3A = tpu.sem_alloc : memref<!tpu.dma_semaphore, #tpu.memory_space<semaphore_mem>>
      %dma_start3A = arith.constant 0 : i32
      %dma_start3A_52 = tpu.memref_slice %arg3[%add3A, %dma_start3A] : memref<2560x128xi32, #tpu.memory_space<hbm>> -> memref<80x128xi32, #tpu.memory_space<hbm>>
      %dma_start3A_53 = arith.constant 0 : i32
      %dma_start3A_54 = tpu.memref_slice %arg3[%add3A, %dma_start3A_53] : memref<2560x128xi32, #tpu.memory_space<hbm>> -> memref<80x128xi32, #tpu.memory_space<hbm>>
      tpu.enqueue_dma source(%dma_start3A_54 : memref<80x128xi32, #tpu.memory_space<hbm>>) target(%arg6 : memref<80x128xi32, #tpu.memory_space<vmem>>) target_semaphore(%run_scoped3A : memref<!tpu.dma_semaphore, #tpu.memory_space<semaphore_mem>>)
      %dma_wait3A = arith.constant 0 : i32
      %dma_wait3A_55 = tpu.memref_slice %arg3[%add3A, %dma_wait3A] : memref<2560x128xi32, #tpu.memory_space<hbm>> -> memref<80x128xi32, #tpu.memory_space<hbm>>
      %dma_wait3A_56 = arith.constant 0 : i32
      %dma_wait3A_57 = tpu.memref_slice %arg3[%add3A, %dma_wait3A_56] : memref<2560x128xi32, #tpu.memory_space<hbm>> -> memref<80x128xi32, #tpu.memory_space<hbm>>
      tpu.wait_dma2 semaphore(%run_scoped3A : memref<!tpu.dma_semaphore, #tpu.memory_space<semaphore_mem>>) src(%dma_wait3A_57 : memref<80x128xi32, #tpu.memory_space<hbm>>) dst(%arg6 : memref<80x128xi32, #tpu.memory_space<vmem>>)
      tpu.yield
    }) : () -> ()
    "tpu.region"() ({
      %run_scoped3A = tpu.sem_alloc : memref<!tpu.dma_semaphore, #tpu.memory_space<semaphore_mem>>
      %dma_start3A = arith.constant 0 : i32
      %dma_start3A_52 = tpu.memref_slice %arg4[%add3A, %dma_start3A] : memref<2560x128xi32, #tpu.memory_space<hbm>> -> memref<80x128xi32, #tpu.memory_space<hbm>>
      %dma_start3A_53 = arith.constant 0 : i32
      %dma_start3A_54 = tpu.memref_slice %arg4[%add3A, %dma_start3A_53] : memref<2560x128xi32, #tpu.memory_space<hbm>> -> memref<80x128xi32, #tpu.memory_space<hbm>>
      tpu.enqueue_dma source(%dma_start3A_54 : memref<80x128xi32, #tpu.memory_space<hbm>>) target(%arg7 : memref<80x128xi32, #tpu.memory_space<vmem>>) target_semaphore(%run_scoped3A : memref<!tpu.dma_semaphore, #tpu.memory_space<semaphore_mem>>)
      %dma_wait3A = arith.constant 0 : i32
      %dma_wait3A_55 = tpu.memref_slice %arg4[%add3A, %dma_wait3A] : memref<2560x128xi32, #tpu.memory_space<hbm>> -> memref<80x128xi32, #tpu.memory_space<hbm>>
      %dma_wait3A_56 = arith.constant 0 : i32
      %dma_wait3A_57 = tpu.memref_slice %arg4[%add3A, %dma_wait3A_56] : memref<2560x128xi32, #tpu.memory_space<hbm>> -> memref<80x128xi32, #tpu.memory_space<hbm>>
      tpu.wait_dma2 semaphore(%run_scoped3A : memref<!tpu.dma_semaphore, #tpu.memory_space<semaphore_mem>>) src(%dma_wait3A_57 : memref<80x128xi32, #tpu.memory_space<hbm>>) dst(%arg7 : memref<80x128xi32, #tpu.memory_space<vmem>>)
      tpu.yield
    }) : () -> ()
    %scan3A = arith.constant 0 : i32
    %scan3A_3 = arith.constant 128 : i32
    %scan3A_4 = arith.addi %scan3A, %scan3A_3 : i32
    %scan3A_5 = arith.constant 1 : i32
    scf.for %scan3A_52 = %scan3A to %scan3A_4 step %scan3A_5  : i32 {
      %mul3A_53 = arith.constant 1 : i32
      %mul3A_54 = arith.muli %scan3A_52, %mul3A_53 : i32
      %add3A_55 = arith.constant 0 : i32
      %add3A_56 = arith.addi %add3A_55, %mul3A_54 : i32
      %broadcast_in_dim3A_57 = arith.constant 0.000000e+00 : f32
      %broadcast_in_dim3A_58 = vector.broadcast %broadcast_in_dim3A_57 : f32 to vector<16xf32>
      %swap3A = arith.index_cast %add3A_56 : i32 to index
      %swap3A_59 = arith.constant 0 : index
      %swap3A_60 = tpu.vector_load %arg11[%swap3A, %swap3A_59] {strides = array<i32>} : memref<128x64xf32, #tpu.memory_space<vmem>>, vector<16xf32>,
      tpu.vector_store %arg11[%swap3A, %swap3A_59], %broadcast_in_dim3A_58 {strides = array<i32>} : memref<128x64xf32, #tpu.memory_space<vmem>>, vector<16xf32>,
      %broadcast_in_dim3A_61 = arith.constant 0.000000e+00 : f32
      %broadcast_in_dim3A_62 = vector.broadcast %broadcast_in_dim3A_61 : f32 to vector<16xf32>
      %swap3A_63 = arith.index_cast %add3A_56 : i32 to index
      %swap3A_64 = arith.constant 16 : index
      %swap3A_65 = tpu.vector_load %arg11[%swap3A_63, %swap3A_64] {strides = array<i32>} : memref<128x64xf32, #tpu.memory_space<vmem>>, vector<16xf32>,
      tpu.vector_store %arg11[%swap3A_63, %swap3A_64], %broadcast_in_dim3A_62 {strides = array<i32>} : memref<128x64xf32, #tpu.memory_space<vmem>>, vector<16xf32>,
      %broadcast_in_dim3A_66 = arith.constant 0.000000e+00 : f32
      %broadcast_in_dim3A_67 = vector.broadcast %broadcast_in_dim3A_66 : f32 to vector<16xf32>
      %swap3A_68 = arith.index_cast %add3A_56 : i32 to index
      %swap3A_69 = arith.constant 32 : index
      %swap3A_70 = tpu.vector_load %arg11[%swap3A_68, %swap3A_69] {strides = array<i32>} : memref<128x64xf32, #tpu.memory_space<vmem>>, vector<16xf32>,
      tpu.vector_store %arg11[%swap3A_68, %swap3A_69], %broadcast_in_dim3A_67 {strides = array<i32>} : memref<128x64xf32, #tpu.memory_space<vmem>>, vector<16xf32>,
      %broadcast_in_dim3A_71 = arith.constant 0.000000e+00 : f32
      %broadcast_in_dim3A_72 = vector.broadcast %broadcast_in_dim3A_71 : f32 to vector<16xf32>
      %swap3A_73 = arith.index_cast %add3A_56 : i32 to index
      %swap3A_74 = arith.constant 48 : index
      %swap3A_75 = tpu.vector_load %arg11[%swap3A_73, %swap3A_74] {strides = array<i32>} : memref<128x64xf32, #tpu.memory_space<vmem>>, vector<16xf32>,
      tpu.vector_store %arg11[%swap3A_73, %swap3A_74], %broadcast_in_dim3A_72 {strides = array<i32>} : memref<128x64xf32, #tpu.memory_space<vmem>>, vector<16xf32>,
    }
    %scan3A_6 = arith.constant 128 : i32
    %mul3A_7 = arith.constant 656 : i32
    %mul3A_8 = arith.muli %arg1, %mul3A_7 : i32
    %add3A_9 = arith.constant 0 : i32
    %add3A_10 = arith.addi %mul3A_8, %add3A_9 : i32
    "tpu.region"() ({
      %run_scoped3A = tpu.sem_alloc : memref<!tpu.dma_semaphore, #tpu.memory_space<semaphore_mem>>
      %dma_start3A = arith.constant 0 : i32
      %dma_start3A_52 = tpu.memref_slice %arg12[%add3A_10, %dma_start3A] : memref<10496x64xf32, #tpu.memory_space<vmem_shared>> -> memref<128x64xf32, #tpu.memory_space<vmem_shared>>
      %dma_start3A_53 = arith.constant 0 : i32
      %dma_start3A_54 = tpu.memref_slice %arg12[%add3A_10, %dma_start3A_53] : memref<10496x64xf32, #tpu.memory_space<vmem_shared>> -> memref<128x64xf32, #tpu.memory_space<vmem_shared>>
      tpu.enqueue_dma source(%arg11 : memref<128x64xf32, #tpu.memory_space<vmem>>) target(%dma_start3A_54 : memref<128x64xf32, #tpu.memory_space<vmem_shared>>) target_semaphore(%run_scoped3A : memref<!tpu.dma_semaphore, #tpu.memory_space<semaphore_mem>>)
      %dma_wait3A = arith.constant 0 : i32
      %dma_wait3A_55 = tpu.memref_slice %arg12[%add3A_10, %dma_wait3A] : memref<10496x64xf32, #tpu.memory_space<vmem_shared>> -> memref<128x64xf32, #tpu.memory_space<vmem_shared>>
      %dma_wait3A_56 = arith.constant 0 : i32
      %dma_wait3A_57 = tpu.memref_slice %arg12[%add3A_10, %dma_wait3A_56] : memref<10496x64xf32, #tpu.memory_space<vmem_shared>> -> memref<128x64xf32, #tpu.memory_space<vmem_shared>>
      tpu.wait_dma2 semaphore(%run_scoped3A : memref<!tpu.dma_semaphore, #tpu.memory_space<semaphore_mem>>) src(%arg11 : memref<128x64xf32, #tpu.memory_space<vmem>>) dst(%dma_wait3A_57 : memref<128x64xf32, #tpu.memory_space<vmem_shared>>)
      tpu.yield
    }) : () -> ()
    %mul3A_11 = arith.constant 656 : i32
    %mul3A_12 = arith.muli %arg1, %mul3A_11 : i32
    %add3A_13 = arith.constant 128 : i32
    %add3A_14 = arith.addi %mul3A_12, %add3A_13 : i32
    "tpu.region"() ({
      %run_scoped3A = tpu.sem_alloc : memref<!tpu.dma_semaphore, #tpu.memory_space<semaphore_mem>>
      %dma_start3A = arith.constant 0 : i32
      %dma_start3A_52 = tpu.memref_slice %arg12[%add3A_14, %dma_start3A] : memref<10496x64xf32, #tpu.memory_space<vmem_shared>> -> memref<128x64xf32, #tpu.memory_space<vmem_shared>>
      %dma_start3A_53 = arith.constant 0 : i32
      %dma_start3A_54 = tpu.memref_slice %arg12[%add3A_14, %dma_start3A_53] : memref<10496x64xf32, #tpu.memory_space<vmem_shared>> -> memref<128x64xf32, #tpu.memory_space<vmem_shared>>
      tpu.enqueue_dma source(%arg11 : memref<128x64xf32, #tpu.memory_space<vmem>>) target(%dma_start3A_54 : memref<128x64xf32, #tpu.memory_space<vmem_shared>>) target_semaphore(%run_scoped3A : memref<!tpu.dma_semaphore, #tpu.memory_space<semaphore_mem>>)
      %dma_wait3A = arith.constant 0 : i32
      %dma_wait3A_55 = tpu.memref_slice %arg12[%add3A_14, %dma_wait3A] : memref<10496x64xf32, #tpu.memory_space<vmem_shared>> -> memref<128x64xf32, #tpu.memory_space<vmem_shared>>
      %dma_wait3A_56 = arith.constant 0 : i32
      %dma_wait3A_57 = tpu.memref_slice %arg12[%add3A_14, %dma_wait3A_56] : memref<10496x64xf32, #tpu.memory_space<vmem_shared>> -> memref<128x64xf32, #tpu.memory_space<vmem_shared>>
      tpu.wait_dma2 semaphore(%run_scoped3A : memref<!tpu.dma_semaphore, #tpu.memory_space<semaphore_mem>>) src(%arg11 : memref<128x64xf32, #tpu.memory_space<vmem>>) dst(%dma_wait3A_57 : memref<128x64xf32, #tpu.memory_space<vmem_shared>>)
      tpu.yield
    }) : () -> ()
    %mul3A_15 = arith.constant 656 : i32
    %mul3A_16 = arith.muli %arg1, %mul3A_15 : i32
    %add3A_17 = arith.constant 256 : i32
    %add3A_18 = arith.addi %mul3A_16, %add3A_17 : i32
    "tpu.region"() ({
      %run_scoped3A = tpu.sem_alloc : memref<!tpu.dma_semaphore, #tpu.memory_space<semaphore_mem>>
      %dma_start3A = arith.constant 0 : i32
      %dma_start3A_52 = tpu.memref_slice %arg12[%add3A_18, %dma_start3A] : memref<10496x64xf32, #tpu.memory_space<vmem_shared>> -> memref<128x64xf32, #tpu.memory_space<vmem_shared>>
      %dma_start3A_53 = arith.constant 0 : i32
      %dma_start3A_54 = tpu.memref_slice %arg12[%add3A_18, %dma_start3A_53] : memref<10496x64xf32, #tpu.memory_space<vmem_shared>> -> memref<128x64xf32, #tpu.memory_space<vmem_shared>>
      tpu.enqueue_dma source(%arg11 : memref<128x64xf32, #tpu.memory_space<vmem>>) target(%dma_start3A_54 : memref<128x64xf32, #tpu.memory_space<vmem_shared>>) target_semaphore(%run_scoped3A : memref<!tpu.dma_semaphore, #tpu.memory_space<semaphore_mem>>)
      %dma_wait3A = arith.constant 0 : i32
      %dma_wait3A_55 = tpu.memref_slice %arg12[%add3A_18, %dma_wait3A] : memref<10496x64xf32, #tpu.memory_space<vmem_shared>> -> memref<128x64xf32, #tpu.memory_space<vmem_shared>>
      %dma_wait3A_56 = arith.constant 0 : i32
      %dma_wait3A_57 = tpu.memref_slice %arg12[%add3A_18, %dma_wait3A_56] : memref<10496x64xf32, #tpu.memory_space<vmem_shared>> -> memref<128x64xf32, #tpu.memory_space<vmem_shared>>
      tpu.wait_dma2 semaphore(%run_scoped3A : memref<!tpu.dma_semaphore, #tpu.memory_space<semaphore_mem>>) src(%arg11 : memref<128x64xf32, #tpu.memory_space<vmem>>) dst(%dma_wait3A_57 : memref<128x64xf32, #tpu.memory_space<vmem_shared>>)
      tpu.yield
    }) : () -> ()
    %mul3A_19 = arith.constant 656 : i32
    %mul3A_20 = arith.muli %arg1, %mul3A_19 : i32
    %add3A_21 = arith.constant 384 : i32
    %add3A_22 = arith.addi %mul3A_20, %add3A_21 : i32
    "tpu.region"() ({
      %run_scoped3A = tpu.sem_alloc : memref<!tpu.dma_semaphore, #tpu.memory_space<semaphore_mem>>
      %dma_start3A = arith.constant 0 : i32
      %dma_start3A_52 = tpu.memref_slice %arg12[%add3A_22, %dma_start3A] : memref<10496x64xf32, #tpu.memory_space<vmem_shared>> -> memref<128x64xf32, #tpu.memory_space<vmem_shared>>
      %dma_start3A_53 = arith.constant 0 : i32
      %dma_start3A_54 = tpu.memref_slice %arg12[%add3A_22, %dma_start3A_53] : memref<10496x64xf32, #tpu.memory_space<vmem_shared>> -> memref<128x64xf32, #tpu.memory_space<vmem_shared>>
      tpu.enqueue_dma source(%arg11 : memref<128x64xf32, #tpu.memory_space<vmem>>) target(%dma_start3A_54 : memref<128x64xf32, #tpu.memory_space<vmem_shared>>) target_semaphore(%run_scoped3A : memref<!tpu.dma_semaphore, #tpu.memory_space<semaphore_mem>>)
      %dma_wait3A = arith.constant 0 : i32
      %dma_wait3A_55 = tpu.memref_slice %arg12[%add3A_22, %dma_wait3A] : memref<10496x64xf32, #tpu.memory_space<vmem_shared>> -> memref<128x64xf32, #tpu.memory_space<vmem_shared>>
      %dma_wait3A_56 = arith.constant 0 : i32
      %dma_wait3A_57 = tpu.memref_slice %arg12[%add3A_22, %dma_wait3A_56] : memref<10496x64xf32, #tpu.memory_space<vmem_shared>> -> memref<128x64xf32, #tpu.memory_space<vmem_shared>>
      tpu.wait_dma2 semaphore(%run_scoped3A : memref<!tpu.dma_semaphore, #tpu.memory_space<semaphore_mem>>) src(%arg11 : memref<128x64xf32, #tpu.memory_space<vmem>>) dst(%dma_wait3A_57 : memref<128x64xf32, #tpu.memory_space<vmem_shared>>)
      tpu.yield
    }) : () -> ()
    %mul3A_23 = arith.constant 656 : i32
    %mul3A_24 = arith.muli %arg1, %mul3A_23 : i32
    %add3A_25 = arith.constant 512 : i32
    %add3A_26 = arith.addi %mul3A_24, %add3A_25 : i32
    "tpu.region"() ({
      %run_scoped3A = tpu.sem_alloc : memref<!tpu.dma_semaphore, #tpu.memory_space<semaphore_mem>>
      %dma_start3A = arith.constant 0 : i32
      %dma_start3A_52 = tpu.memref_slice %arg12[%add3A_26, %dma_start3A] : memref<10496x64xf32, #tpu.memory_space<vmem_shared>> -> memref<128x64xf32, #tpu.memory_space<vmem_shared>>
      %dma_start3A_53 = arith.constant 0 : i32
      %dma_start3A_54 = tpu.memref_slice %arg12[%add3A_26, %dma_start3A_53] : memref<10496x64xf32, #tpu.memory_space<vmem_shared>> -> memref<128x64xf32, #tpu.memory_space<vmem_shared>>
      tpu.enqueue_dma source(%arg11 : memref<128x64xf32, #tpu.memory_space<vmem>>) target(%dma_start3A_54 : memref<128x64xf32, #tpu.memory_space<vmem_shared>>) target_semaphore(%run_scoped3A : memref<!tpu.dma_semaphore, #tpu.memory_space<semaphore_mem>>)
      %dma_wait3A = arith.constant 0 : i32
      %dma_wait3A_55 = tpu.memref_slice %arg12[%add3A_26, %dma_wait3A] : memref<10496x64xf32, #tpu.memory_space<vmem_shared>> -> memref<128x64xf32, #tpu.memory_space<vmem_shared>>
      %dma_wait3A_56 = arith.constant 0 : i32
      %dma_wait3A_57 = tpu.memref_slice %arg12[%add3A_26, %dma_wait3A_56] : memref<10496x64xf32, #tpu.memory_space<vmem_shared>> -> memref<128x64xf32, #tpu.memory_space<vmem_shared>>
      tpu.wait_dma2 semaphore(%run_scoped3A : memref<!tpu.dma_semaphore, #tpu.memory_space<semaphore_mem>>) src(%arg11 : memref<128x64xf32, #tpu.memory_space<vmem>>) dst(%dma_wait3A_57 : memref<128x64xf32, #tpu.memory_space<vmem_shared>>)
      tpu.yield
    }) : () -> ()
    %mul3A_27 = arith.constant 656 : i32
    %mul3A_28 = arith.muli %arg1, %mul3A_27 : i32
    %add3A_29 = arith.constant 640 : i32
    %add3A_30 = arith.addi %mul3A_28, %add3A_29 : i32
    "tpu.region"() ({
      %run_scoped3A = tpu.sem_alloc : memref<!tpu.dma_semaphore, #tpu.memory_space<semaphore_mem>>
      %dma_start3A = arith.constant 0 : i32
      %dma_start3A_52 = arith.constant 0 : i32
      %dma_start3A_53 = tpu.memref_slice %arg11[%dma_start3A, %dma_start3A_52] : memref<128x64xf32, #tpu.memory_space<vmem>> -> memref<16x64xf32, #tpu.memory_space<vmem>>
      %dma_start3A_54 = arith.constant 0 : i32
      %dma_start3A_55 = tpu.memref_slice %arg12[%add3A_30, %dma_start3A_54] : memref<10496x64xf32, #tpu.memory_space<vmem_shared>> -> memref<16x64xf32, #tpu.memory_space<vmem_shared>>
      %dma_start3A_56 = arith.constant 0 : i32
      %dma_start3A_57 = tpu.memref_slice %arg12[%add3A_30, %dma_start3A_56] : memref<10496x64xf32, #tpu.memory_space<vmem_shared>> -> memref<16x64xf32, #tpu.memory_space<vmem_shared>>
      %dma_start3A_58 = arith.constant 0 : i32
      %dma_start3A_59 = arith.constant 0 : i32
      %dma_start3A_60 = tpu.memref_slice %arg11[%dma_start3A_58, %dma_start3A_59] : memref<128x64xf32, #tpu.memory_space<vmem>> -> memref<16x64xf32, #tpu.memory_space<vmem>>
      tpu.enqueue_dma source(%dma_start3A_60 : memref<16x64xf32, #tpu.memory_space<vmem>>) target(%dma_start3A_57 : memref<16x64xf32, #tpu.memory_space<vmem_shared>>) target_semaphore(%run_scoped3A : memref<!tpu.dma_semaphore, #tpu.memory_space<semaphore_mem>>)
      %dma_wait3A = arith.constant 0 : i32
      %dma_wait3A_61 = arith.constant 0 : i32
      %dma_wait3A_62 = tpu.memref_slice %arg11[%dma_wait3A, %dma_wait3A_61] : memref<128x64xf32, #tpu.memory_space<vmem>> -> memref<16x64xf32, #tpu.memory_space<vmem>>
      %dma_wait3A_63 = arith.constant 0 : i32
      %dma_wait3A_64 = tpu.memref_slice %arg12[%add3A_30, %dma_wait3A_63] : memref<10496x64xf32, #tpu.memory_space<vmem_shared>> -> memref<16x64xf32, #tpu.memory_space<vmem_shared>>
      %dma_wait3A_65 = arith.constant 0 : i32
      %dma_wait3A_66 = tpu.memref_slice %arg12[%add3A_30, %dma_wait3A_65] : memref<10496x64xf32, #tpu.memory_space<vmem_shared>> -> memref<16x64xf32, #tpu.memory_space<vmem_shared>>
      %dma_wait3A_67 = arith.constant 0 : i32
      %dma_wait3A_68 = arith.constant 0 : i32
      %dma_wait3A_69 = tpu.memref_slice %arg11[%dma_wait3A_67, %dma_wait3A_68] : memref<128x64xf32, #tpu.memory_space<vmem>> -> memref<16x64xf32, #tpu.memory_space<vmem>>
      tpu.wait_dma2 semaphore(%run_scoped3A : memref<!tpu.dma_semaphore, #tpu.memory_space<semaphore_mem>>) src(%dma_wait3A_69 : memref<16x64xf32, #tpu.memory_space<vmem>>) dst(%dma_wait3A_66 : memref<16x64xf32, #tpu.memory_space<vmem_shared>>)
      tpu.yield
    }) : () -> ()
    %mul3A_31 = arith.constant 0 : i32
    %mul3A_32 = arith.constant 10240 : i32
    %mul3A_33 = arith.muli %mul3A_31, %mul3A_32 : i32
    %broadcast_in_dim3A = vector.broadcast %mul3A_33 : i32 to vector<16xi32>
    %scan3A_34 = arith.constant 0 : i32
    %scan3A_35 = arith.constant 80 : i32
    %scan3A_36 = arith.addi %scan3A_34, %scan3A_35 : i32
    %scan3A_37 = arith.constant 1 : i32
    scf.for %scan3A_52 = %scan3A_34 to %scan3A_36 step %scan3A_37  : i32 {
      %mul3A_53 = arith.constant 1 : i32
      %mul3A_54 = arith.muli %scan3A_52, %mul3A_53 : i32
      %add3A_55 = arith.constant 0 : i32
      %add3A_56 = arith.addi %add3A_55, %mul3A_54 : i32
      %get3A = arith.index_cast %add3A_56 : i32 to index
      %get3A_57 = arith.constant 0 : index
      %get3A_58 = tpu.vector_load %arg6[%get3A, %get3A_57] {strides = array<i32>} : memref<80x128xi32, #tpu.memory_space<vmem>>, vector<16xi32>,
      %add3A_59 = arith.addi %get3A_58, %broadcast_in_dim3A : vector<16xi32>
      %swap3A = arith.index_cast %add3A_56 : i32 to index
      %swap3A_60 = arith.constant 0 : index
      %swap3A_61 = tpu.vector_load %arg8[%swap3A, %swap3A_60] {strides = array<i32>} : memref<80x128xi32, #tpu.memory_space<vmem>>, vector<16xi32>,
      tpu.vector_store %arg8[%swap3A, %swap3A_60], %add3A_59 {strides = array<i32>} : memref<80x128xi32, #tpu.memory_space<vmem>>, vector<16xi32>,
      %get3A_62 = arith.index_cast %add3A_56 : i32 to index
      %get3A_63 = arith.constant 16 : index
      %get3A_64 = tpu.vector_load %arg6[%get3A_62, %get3A_63] {strides = array<i32>} : memref<80x128xi32, #tpu.memory_space<vmem>>, vector<16xi32>,
      %add3A_65 = arith.addi %get3A_64, %broadcast_in_dim3A : vector<16xi32>
      %swap3A_66 = arith.index_cast %add3A_56 : i32 to index
      %swap3A_67 = arith.constant 16 : index
      %swap3A_68 = tpu.vector_load %arg8[%swap3A_66, %swap3A_67] {strides = array<i32>} : memref<80x128xi32, #tpu.memory_space<vmem>>, vector<16xi32>,
      tpu.vector_store %arg8[%swap3A_66, %swap3A_67], %add3A_65 {strides = array<i32>} : memref<80x128xi32, #tpu.memory_space<vmem>>, vector<16xi32>,
      %get3A_69 = arith.index_cast %add3A_56 : i32 to index
      %get3A_70 = arith.constant 32 : index
      %get3A_71 = tpu.vector_load %arg6[%get3A_69, %get3A_70] {strides = array<i32>} : memref<80x128xi32, #tpu.memory_space<vmem>>, vector<16xi32>,
      %add3A_72 = arith.addi %get3A_71, %broadcast_in_dim3A : vector<16xi32>
      %swap3A_73 = arith.index_cast %add3A_56 : i32 to index
      %swap3A_74 = arith.constant 32 : index
      %swap3A_75 = tpu.vector_load %arg8[%swap3A_73, %swap3A_74] {strides = array<i32>} : memref<80x128xi32, #tpu.memory_space<vmem>>, vector<16xi32>,
      tpu.vector_store %arg8[%swap3A_73, %swap3A_74], %add3A_72 {strides = array<i32>} : memref<80x128xi32, #tpu.memory_space<vmem>>, vector<16xi32>,
      %get3A_76 = arith.index_cast %add3A_56 : i32 to index
      %get3A_77 = arith.constant 48 : index
      %get3A_78 = tpu.vector_load %arg6[%get3A_76, %get3A_77] {strides = array<i32>} : memref<80x128xi32, #tpu.memory_space<vmem>>, vector<16xi32>,
      %add3A_79 = arith.addi %get3A_78, %broadcast_in_dim3A : vector<16xi32>
      %swap3A_80 = arith.index_cast %add3A_56 : i32 to index
      %swap3A_81 = arith.constant 48 : index
      %swap3A_82 = tpu.vector_load %arg8[%swap3A_80, %swap3A_81] {strides = array<i32>} : memref<80x128xi32, #tpu.memory_space<vmem>>, vector<16xi32>,
      tpu.vector_store %arg8[%swap3A_80, %swap3A_81], %add3A_79 {strides = array<i32>} : memref<80x128xi32, #tpu.memory_space<vmem>>, vector<16xi32>,
      %get3A_83 = arith.index_cast %add3A_56 : i32 to index
      %get3A_84 = arith.constant 64 : index
      %get3A_85 = tpu.vector_load %arg6[%get3A_83, %get3A_84] {strides = array<i32>} : memref<80x128xi32, #tpu.memory_space<vmem>>, vector<16xi32>,
      %add3A_86 = arith.addi %get3A_85, %broadcast_in_dim3A : vector<16xi32>
      %swap3A_87 = arith.index_cast %add3A_56 : i32 to index
      %swap3A_88 = arith.constant 64 : index
      %swap3A_89 = tpu.vector_load %arg8[%swap3A_87, %swap3A_88] {strides = array<i32>} : memref<80x128xi32, #tpu.memory_space<vmem>>, vector<16xi32>,
      tpu.vector_store %arg8[%swap3A_87, %swap3A_88], %add3A_86 {strides = array<i32>} : memref<80x128xi32, #tpu.memory_space<vmem>>, vector<16xi32>,
      %get3A_90 = arith.index_cast %add3A_56 : i32 to index
      %get3A_91 = arith.constant 80 : index
      %get3A_92 = tpu.vector_load %arg6[%get3A_90, %get3A_91] {strides = array<i32>} : memref<80x128xi32, #tpu.memory_space<vmem>>, vector<16xi32>,
      %add3A_93 = arith.addi %get3A_92, %broadcast_in_dim3A : vector<16xi32>
      %swap3A_94 = arith.index_cast %add3A_56 : i32 to index
      %swap3A_95 = arith.constant 80 : index
      %swap3A_96 = tpu.vector_load %arg8[%swap3A_94, %swap3A_95] {strides = array<i32>} : memref<80x128xi32, #tpu.memory_space<vmem>>, vector<16xi32>,
      tpu.vector_store %arg8[%swap3A_94, %swap3A_95], %add3A_93 {strides = array<i32>} : memref<80x128xi32, #tpu.memory_space<vmem>>, vector<16xi32>,
      %get3A_97 = arith.index_cast %add3A_56 : i32 to index
      %get3A_98 = arith.constant 96 : index
      %get3A_99 = tpu.vector_load %arg6[%get3A_97, %get3A_98] {strides = array<i32>} : memref<80x128xi32, #tpu.memory_space<vmem>>, vector<16xi32>,
      %add3A_100 = arith.addi %get3A_99, %broadcast_in_dim3A : vector<16xi32>
      %swap3A_101 = arith.index_cast %add3A_56 : i32 to index
      %swap3A_102 = arith.constant 96 : index
      %swap3A_103 = tpu.vector_load %arg8[%swap3A_101, %swap3A_102] {strides = array<i32>} : memref<80x128xi32, #tpu.memory_space<vmem>>, vector<16xi32>,
      tpu.vector_store %arg8[%swap3A_101, %swap3A_102], %add3A_100 {strides = array<i32>} : memref<80x128xi32, #tpu.memory_space<vmem>>, vector<16xi32>,
      %get3A_104 = arith.index_cast %add3A_56 : i32 to index
      %get3A_105 = arith.constant 112 : index
      %get3A_106 = tpu.vector_load %arg6[%get3A_104, %get3A_105] {strides = array<i32>} : memref<80x128xi32, #tpu.memory_space<vmem>>, vector<16xi32>,
      %add3A_107 = arith.addi %get3A_106, %broadcast_in_dim3A : vector<16xi32>
      %swap3A_108 = arith.index_cast %add3A_56 : i32 to index
      %swap3A_109 = arith.constant 112 : index
      %swap3A_110 = tpu.vector_load %arg8[%swap3A_108, %swap3A_109] {strides = array<i32>} : memref<80x128xi32, #tpu.memory_space<vmem>>, vector<16xi32>,
      tpu.vector_store %arg8[%swap3A_108, %swap3A_109], %add3A_107 {strides = array<i32>} : memref<80x128xi32, #tpu.memory_space<vmem>>, vector<16xi32>,
    }
    %scan3A_38 = arith.constant 80 : i32
    %barrier3A = arith.constant 0 : index
    tpu.barrier barrier_id(%barrier3A)
    %scan3A_39 = arith.constant 0 : i32
    %scan3A_40 = arith.constant 40 : i32
    %scan3A_41 = arith.addi %scan3A_39, %scan3A_40 : i32
    %scan3A_42 = arith.constant 1 : i32
    scf.for %scan3A_52 = %scan3A_39 to %scan3A_41 step %scan3A_42  : i32 {
      %mul3A_53 = arith.constant 2 : i32
      %mul3A_54 = arith.muli %scan3A_52, %mul3A_53 : i32
      %add3A_55 = arith.constant 0 : i32
      %add3A_56 = arith.addi %add3A_55, %mul3A_54 : i32
      %dma_start3A = arith.constant 0 : i32
      %dma_start3A_57 = tpu.memref_slice %arg8[%add3A_56, %dma_start3A] : memref<80x128xi32, #tpu.memory_space<vmem>> -> memref<1x128xi32, #tpu.memory_space<vmem>>
      %dma_start3A_58 = tpu.memref_squeeze %dma_start3A_57 : memref<1x128xi32, #tpu.memory_space<vmem>> -> memref<128xi32, #tpu.memory_space<vmem>>
      %dma_start3A_59 = arith.constant 0 : i32
      %dma_start3A_60 = arith.constant 0 : i32
      %dma_start3A_61 = tpu.memref_slice %arg2[%dma_start3A_59, %dma_start3A_60] : memref<10240x64xf32, #tpu.memory_space<hbm>> -> memref<10240x64xf32, #tpu.memory_space<hbm>>
      tpu.enqueue_indirect_dma source(%dma_start3A_61 : memref<10240x64xf32, #tpu.memory_space<hbm>>) target(%arg9 : memref<128x64xf32, #tpu.memory_space<vmem>>) offsets(%dma_start3A_58 : memref<128xi32, #tpu.memory_space<vmem>>) semaphore(%arg13 : memref<!tpu.dma_semaphore, #tpu.memory_space<semaphore_mem>>)
      %add3A_62 = arith.constant 1 : i32
      %add3A_63 = arith.addi %add3A_56, %add3A_62 : i32
      %dma_start3A_64 = arith.constant 0 : i32
      %dma_start3A_65 = tpu.memref_slice %arg8[%add3A_63, %dma_start3A_64] : memref<80x128xi32, #tpu.memory_space<vmem>> -> memref<1x128xi32, #tpu.memory_space<vmem>>
      %dma_start3A_66 = tpu.memref_squeeze %dma_start3A_65 : memref<1x128xi32, #tpu.memory_space<vmem>> -> memref<128xi32, #tpu.memory_space<vmem>>
      %dma_start3A_67 = arith.constant 0 : i32
      %dma_start3A_68 = arith.constant 0 : i32
      %dma_start3A_69 = tpu.memref_slice %arg2[%dma_start3A_67, %dma_start3A_68] : memref<10240x64xf32, #tpu.memory_space<hbm>> -> memref<10240x64xf32, #tpu.memory_space<hbm>>
      tpu.enqueue_indirect_dma source(%dma_start3A_69 : memref<10240x64xf32, #tpu.memory_space<hbm>>) target(%arg10 : memref<128x64xf32, #tpu.memory_space<vmem>>) offsets(%dma_start3A_66 : memref<128xi32, #tpu.memory_space<vmem>>) semaphore(%arg14 : memref<!tpu.dma_semaphore, #tpu.memory_space<semaphore_mem>>)
      %dma_wait3A = arith.constant 0 : i32
      %dma_wait3A_70 = tpu.memref_slice %arg8[%add3A_56, %dma_wait3A] : memref<80x128xi32, #tpu.memory_space<vmem>> -> memref<1x128xi32, #tpu.memory_space<vmem>>
      %dma_wait3A_71 = tpu.memref_squeeze %dma_wait3A_70 : memref<1x128xi32, #tpu.memory_space<vmem>> -> memref<128xi32, #tpu.memory_space<vmem>>
      %dma_wait3A_72 = arith.constant 0 : i32
      %dma_wait3A_73 = arith.constant 0 : i32
      %dma_wait3A_74 = tpu.memref_slice %arg2[%dma_wait3A_72, %dma_wait3A_73] : memref<10240x64xf32, #tpu.memory_space<hbm>> -> memref<10240x64xf32, #tpu.memory_space<hbm>>
      tpu.wait_indirect_dma semaphore(%arg13 : memref<!tpu.dma_semaphore, #tpu.memory_space<semaphore_mem>>) src(%dma_wait3A_74 : memref<10240x64xf32, #tpu.memory_space<hbm>>) dst(%arg9 : memref<128x64xf32, #tpu.memory_space<vmem>>)
      "tpu.region"() ({
        %run_scoped3A = tpu.sem_alloc : memref<!tpu.dma_semaphore, #tpu.memory_space<semaphore_mem>>
        %dma_start3A_83 = arith.constant 0 : i32
        %dma_start3A_84 = tpu.memref_slice %arg7[%add3A_56, %dma_start3A_83] : memref<80x128xi32, #tpu.memory_space<vmem>> -> memref<1x128xi32, #tpu.memory_space<vmem>>
        %dma_start3A_85 = tpu.memref_squeeze %dma_start3A_84 : memref<1x128xi32, #tpu.memory_space<vmem>> -> memref<128xi32, #tpu.memory_space<vmem>>
        %dma_start3A_86 = arith.constant 0 : i32
        %dma_start3A_87 = arith.constant 0 : i32
        %dma_start3A_88 = tpu.memref_slice %arg12[%dma_start3A_86, %dma_start3A_87] : memref<10496x64xf32, #tpu.memory_space<vmem_shared>> -> memref<10496x64xf32, #tpu.memory_space<vmem_shared>>
        tpu.enqueue_indirect_dma source(%arg9 : memref<128x64xf32, #tpu.memory_space<vmem>>) target(%dma_start3A_88 : memref<10496x64xf32, #tpu.memory_space<vmem_shared>>) offsets(%dma_start3A_85 : memref<128xi32, #tpu.memory_space<vmem>>) semaphore(%run_scoped3A : memref<!tpu.dma_semaphore, #tpu.memory_space<semaphore_mem>>) {add = true}
        %dma_wait3A_89 = arith.constant 0 : i32
        %dma_wait3A_90 = tpu.memref_slice %arg7[%add3A_56, %dma_wait3A_89] : memref<80x128xi32, #tpu.memory_space<vmem>> -> memref<1x128xi32, #tpu.memory_space<vmem>>
        %dma_wait3A_91 = tpu.memref_squeeze %dma_wait3A_90 : memref<1x128xi32, #tpu.memory_space<vmem>> -> memref<128xi32, #tpu.memory_space<vmem>>
        %dma_wait3A_92 = arith.constant 0 : i32
        %dma_wait3A_93 = arith.constant 0 : i32
        %dma_wait3A_94 = tpu.memref_slice %arg12[%dma_wait3A_92, %dma_wait3A_93] : memref<10496x64xf32, #tpu.memory_space<vmem_shared>> -> memref<10496x64xf32, #tpu.memory_space<vmem_shared>>
        tpu.wait_indirect_dma semaphore(%run_scoped3A : memref<!tpu.dma_semaphore, #tpu.memory_space<semaphore_mem>>) src(%arg9 : memref<128x64xf32, #tpu.memory_space<vmem>>) dst(%dma_wait3A_94 : memref<10496x64xf32, #tpu.memory_space<vmem_shared>>)
        tpu.yield
      }) : () -> ()
      %dma_wait3A_75 = arith.constant 0 : i32
      %dma_wait3A_76 = tpu.memref_slice %arg8[%add3A_63, %dma_wait3A_75] : memref<80x128xi32, #tpu.memory_space<vmem>> -> memref<1x128xi32, #tpu.memory_space<vmem>>
      %dma_wait3A_77 = tpu.memref_squeeze %dma_wait3A_76 : memref<1x128xi32, #tpu.memory_space<vmem>> -> memref<128xi32, #tpu.memory_space<vmem>>
      %dma_wait3A_78 = arith.constant 0 : i32
      %dma_wait3A_79 = arith.constant 0 : i32
      %dma_wait3A_80 = tpu.memref_slice %arg2[%dma_wait3A_78, %dma_wait3A_79] : memref<10240x64xf32, #tpu.memory_space<hbm>> -> memref<10240x64xf32, #tpu.memory_space<hbm>>
      tpu.wait_indirect_dma semaphore(%arg14 : memref<!tpu.dma_semaphore, #tpu.memory_space<semaphore_mem>>) src(%dma_wait3A_80 : memref<10240x64xf32, #tpu.memory_space<hbm>>) dst(%arg10 : memref<128x64xf32, #tpu.memory_space<vmem>>)
      %add3A_81 = arith.constant 1 : i32
      %add3A_82 = arith.addi %add3A_56, %add3A_81 : i32
      "tpu.region"() ({
        %run_scoped3A = tpu.sem_alloc : memref<!tpu.dma_semaphore, #tpu.memory_space<semaphore_mem>>
        %dma_start3A_83 = arith.constant 0 : i32
        %dma_start3A_84 = tpu.memref_slice %arg7[%add3A_82, %dma_start3A_83] : memref<80x128xi32, #tpu.memory_space<vmem>> -> memref<1x128xi32, #tpu.memory_space<vmem>>
        %dma_start3A_85 = tpu.memref_squeeze %dma_start3A_84 : memref<1x128xi32, #tpu.memory_space<vmem>> -> memref<128xi32, #tpu.memory_space<vmem>>
        %dma_start3A_86 = arith.constant 0 : i32
        %dma_start3A_87 = arith.constant 0 : i32
        %dma_start3A_88 = tpu.memref_slice %arg12[%dma_start3A_86, %dma_start3A_87] : memref<10496x64xf32, #tpu.memory_space<vmem_shared>> -> memref<10496x64xf32, #tpu.memory_space<vmem_shared>>
        tpu.enqueue_indirect_dma source(%arg10 : memref<128x64xf32, #tpu.memory_space<vmem>>) target(%dma_start3A_88 : memref<10496x64xf32, #tpu.memory_space<vmem_shared>>) offsets(%dma_start3A_85 : memref<128xi32, #tpu.memory_space<vmem>>) semaphore(%run_scoped3A : memref<!tpu.dma_semaphore, #tpu.memory_space<semaphore_mem>>) {add = true}
        %dma_wait3A_89 = arith.constant 0 : i32
        %dma_wait3A_90 = tpu.memref_slice %arg7[%add3A_82, %dma_wait3A_89] : memref<80x128xi32, #tpu.memory_space<vmem>> -> memref<1x128xi32, #tpu.memory_space<vmem>>
        %dma_wait3A_91 = tpu.memref_squeeze %dma_wait3A_90 : memref<1x128xi32, #tpu.memory_space<vmem>> -> memref<128xi32, #tpu.memory_space<vmem>>
        %dma_wait3A_92 = arith.constant 0 : i32
        %dma_wait3A_93 = arith.constant 0 : i32
        %dma_wait3A_94 = tpu.memref_slice %arg12[%dma_wait3A_92, %dma_wait3A_93] : memref<10496x64xf32, #tpu.memory_space<vmem_shared>> -> memref<10496x64xf32, #tpu.memory_space<vmem_shared>>
        tpu.wait_indirect_dma semaphore(%run_scoped3A : memref<!tpu.dma_semaphore, #tpu.memory_space<semaphore_mem>>) src(%arg10 : memref<128x64xf32, #tpu.memory_space<vmem>>) dst(%dma_wait3A_94 : memref<10496x64xf32, #tpu.memory_space<vmem_shared>>)
        tpu.yield
      }) : () -> ()
    }
    %scan3A_43 = arith.constant 40 : i32
    %barrier3A_44 = arith.constant 0 : index
    tpu.barrier barrier_id(%barrier3A_44)
    %mul3A_45 = arith.constant 640 : i32
    %mul3A_46 = arith.muli %arg1, %mul3A_45 : i32
    %mul3A_47 = arith.constant 10240 : i32
    %mul3A_48 = arith.muli %arg0, %mul3A_47 : i32
    %mul3A_49 = arith.constant 640 : i32
    %mul3A_50 = arith.muli %arg1, %mul3A_49 : i32
    %add3A_51 = arith.addi %mul3A_48, %mul3A_50 : i32
    "tpu.region"() ({
      %run_scoped3A = tpu.sem_alloc : memref<!tpu.dma_semaphore, #tpu.memory_space<semaphore_mem>>
      %dma_start3A = arith.constant 0 : i32
      %dma_start3A_52 = tpu.memref_slice %arg5[%add3A_51, %dma_start3A] : memref<20480x64xf32, #tpu.memory_space<hbm>> -> memref<640x64xf32, #tpu.memory_space<hbm>>
      %dma_start3A_53 = arith.constant 0 : i32
      %dma_start3A_54 = tpu.memref_slice %arg12[%mul3A_46, %dma_start3A_53] : memref<10496x64xf32, #tpu.memory_space<vmem_shared>> -> memref<640x64xf32, #tpu.memory_space<vmem_shared>>
      tpu.enqueue_dma source(%dma_start3A_54 : memref<640x64xf32, #tpu.memory_space<vmem_shared>>) target(%dma_start3A_52 : memref<640x64xf32, #tpu.memory_space<hbm>>) target_semaphore(%run_scoped3A : memref<!tpu.dma_semaphore, #tpu.memory_space<semaphore_mem>>)
      %dma_wait3A = arith.constant 0 : i32
      %dma_wait3A_55 = tpu.memref_slice %arg5[%add3A_51, %dma_wait3A] : memref<20480x64xf32, #tpu.memory_space<hbm>> -> memref<640x64xf32, #tpu.memory_space<hbm>>
      %dma_wait3A_56 = arith.constant 0 : i32
      %dma_wait3A_57 = tpu.memref_slice %arg12[%mul3A_46, %dma_wait3A_56] : memref<10496x64xf32, #tpu.memory_space<vmem_shared>> -> memref<640x64xf32, #tpu.memory_space<vmem_shared>>
      tpu.wait_dma2 semaphore(%run_scoped3A : memref<!tpu.dma_semaphore, #tpu.memory_space<semaphore_mem>>) src(%dma_wait3A_57 : memref<640x64xf32, #tpu.memory_space<vmem_shared>>) dst(%dma_wait3A_55 : memref<640x64xf32, #tpu.memory_space<hbm>>)
      tpu.yield
    }) : () -> ()
    return
  }
}

#map = affine_map<(d0, d1) -> (0, 0)>
#map1 = affine_map<(d0, d1) -> (0)>
module attributes {stable_mosaic.version = 14 : i64} {
  func.func @_deg_body(%arg0: i32, %arg1: i32, %arg2: memref<2560x128xi32, #tpu.memory_space<hbm>>, %arg3: memref<327680xf32, #tpu.memory_space<hbm>>, %arg4: memref<80x128xi32, #tpu.memory_space<vmem>>, %arg5: memref<10256xf32, #tpu.memory_space<vmem>>) attributes {dimension_semantics = [#tpu.dimension_semantics<core_parallel>, #tpu.dimension_semantics<subcore_parallel>], iteration_bounds = array<i64: 2, 16>, scalar_prefetch = 0 : i64, scratch_operands = 2 : i64, tpu.core_type = #tpu.core_type<sc_vector_subcore>, window_params = [{transform_indices = #map}, {transform_indices = #map1}]} {
    %mul3A = arith.constant 16 : i32
    %mul3A_0 = arith.muli %arg0, %mul3A : i32
    %add3A = arith.addi %mul3A_0, %arg1 : i32
    %mul3A_1 = arith.constant 80 : i32
    %mul3A_2 = arith.muli %add3A, %mul3A_1 : i32
    "tpu.region"() ({
      %run_scoped3A = tpu.sem_alloc : memref<!tpu.dma_semaphore, #tpu.memory_space<semaphore_mem>>
      %dma_start3A = arith.constant 0 : i32
      %dma_start3A_15 = tpu.memref_slice %arg2[%mul3A_2, %dma_start3A] : memref<2560x128xi32, #tpu.memory_space<hbm>> -> memref<80x128xi32, #tpu.memory_space<hbm>>
      %dma_start3A_16 = arith.constant 0 : i32
      %dma_start3A_17 = tpu.memref_slice %arg2[%mul3A_2, %dma_start3A_16] : memref<2560x128xi32, #tpu.memory_space<hbm>> -> memref<80x128xi32, #tpu.memory_space<hbm>>
      tpu.enqueue_dma source(%dma_start3A_17 : memref<80x128xi32, #tpu.memory_space<hbm>>) target(%arg4 : memref<80x128xi32, #tpu.memory_space<vmem>>) target_semaphore(%run_scoped3A : memref<!tpu.dma_semaphore, #tpu.memory_space<semaphore_mem>>)
      %dma_wait3A = arith.constant 0 : i32
      %dma_wait3A_18 = tpu.memref_slice %arg2[%mul3A_2, %dma_wait3A] : memref<2560x128xi32, #tpu.memory_space<hbm>> -> memref<80x128xi32, #tpu.memory_space<hbm>>
      %dma_wait3A_19 = arith.constant 0 : i32
      %dma_wait3A_20 = tpu.memref_slice %arg2[%mul3A_2, %dma_wait3A_19] : memref<2560x128xi32, #tpu.memory_space<hbm>> -> memref<80x128xi32, #tpu.memory_space<hbm>>
      tpu.wait_dma2 semaphore(%run_scoped3A : memref<!tpu.dma_semaphore, #tpu.memory_space<semaphore_mem>>) src(%dma_wait3A_20 : memref<80x128xi32, #tpu.memory_space<hbm>>) dst(%arg4 : memref<80x128xi32, #tpu.memory_space<vmem>>)
      tpu.yield
    }) : () -> ()
    %scan3A = arith.constant 0 : i32
    %scan3A_3 = arith.constant 641 : i32
    %scan3A_4 = arith.addi %scan3A, %scan3A_3 : i32
    %scan3A_5 = arith.constant 1 : i32
    scf.for %scan3A_15 = %scan3A to %scan3A_4 step %scan3A_5  : i32 {
      %mul3A_16 = arith.constant 1 : i32
      %mul3A_17 = arith.muli %scan3A_15, %mul3A_16 : i32
      %add3A_18 = arith.constant 0 : i32
      %add3A_19 = arith.addi %add3A_18, %mul3A_17 : i32
      %broadcast_in_dim3A_20 = arith.constant 0.000000e+00 : f32
      %broadcast_in_dim3A_21 = vector.broadcast %broadcast_in_dim3A_20 : f32 to vector<16xf32>
      %mul3A_22 = arith.constant 16 : i32
      %mul3A_23 = arith.muli %add3A_19, %mul3A_22 : i32
      %swap3A = arith.index_cast %mul3A_23 : i32 to index
      %swap3A_24 = tpu.vector_load %arg5[%swap3A] {strides = array<i32>} : memref<10256xf32, #tpu.memory_space<vmem>>, vector<16xf32>,
      tpu.vector_store %arg5[%swap3A], %broadcast_in_dim3A_21 {strides = array<i32>} : memref<10256xf32, #tpu.memory_space<vmem>>, vector<16xf32>,
    }
    %scan3A_6 = arith.constant 641 : i32
    %broadcast_in_dim3A = arith.constant 1.000000e+00 : f32
    %broadcast_in_dim3A_7 = vector.broadcast %broadcast_in_dim3A : f32 to vector<16xf32>
    %scan3A_8 = arith.constant 0 : i32
    %scan3A_9 = arith.constant 80 : i32
    %scan3A_10 = arith.addi %scan3A_8, %scan3A_9 : i32
    %scan3A_11 = arith.constant 1 : i32
    scf.for %scan3A_15 = %scan3A_8 to %scan3A_10 step %scan3A_11  : i32 {
      %mul3A_16 = arith.constant 1 : i32
      %mul3A_17 = arith.muli %scan3A_15, %mul3A_16 : i32
      %add3A_18 = arith.constant 0 : i32
      %add3A_19 = arith.addi %add3A_18, %mul3A_17 : i32
      %get3A = arith.index_cast %add3A_19 : i32 to index
      %get3A_20 = arith.constant 0 : index
      %get3A_21 = tpu.vector_load %arg4[%get3A, %get3A_20] {strides = array<i32>} : memref<80x128xi32, #tpu.memory_space<vmem>>, vector<16xi32>,
      tpu.vector_store_idx %arg5[%get3A_21], %broadcast_in_dim3A_7 {add = true} : memref<10256xf32, #tpu.memory_space<vmem>>[vector<16xi32>], vector<16xf32>,
      %get3A_22 = arith.index_cast %add3A_19 : i32 to index
      %get3A_23 = arith.constant 16 : index
      %get3A_24 = tpu.vector_load %arg4[%get3A_22, %get3A_23] {strides = array<i32>} : memref<80x128xi32, #tpu.memory_space<vmem>>, vector<16xi32>,
      tpu.vector_store_idx %arg5[%get3A_24], %broadcast_in_dim3A_7 {add = true} : memref<10256xf32, #tpu.memory_space<vmem>>[vector<16xi32>], vector<16xf32>,
      %get3A_25 = arith.index_cast %add3A_19 : i32 to index
      %get3A_26 = arith.constant 32 : index
      %get3A_27 = tpu.vector_load %arg4[%get3A_25, %get3A_26] {strides = array<i32>} : memref<80x128xi32, #tpu.memory_space<vmem>>, vector<16xi32>,
      tpu.vector_store_idx %arg5[%get3A_27], %broadcast_in_dim3A_7 {add = true} : memref<10256xf32, #tpu.memory_space<vmem>>[vector<16xi32>], vector<16xf32>,
      %get3A_28 = arith.index_cast %add3A_19 : i32 to index
      %get3A_29 = arith.constant 48 : index
      %get3A_30 = tpu.vector_load %arg4[%get3A_28, %get3A_29] {strides = array<i32>} : memref<80x128xi32, #tpu.memory_space<vmem>>, vector<16xi32>,
      tpu.vector_store_idx %arg5[%get3A_30], %broadcast_in_dim3A_7 {add = true} : memref<10256xf32, #tpu.memory_space<vmem>>[vector<16xi32>], vector<16xf32>,
      %get3A_31 = arith.index_cast %add3A_19 : i32 to index
      %get3A_32 = arith.constant 64 : index
      %get3A_33 = tpu.vector_load %arg4[%get3A_31, %get3A_32] {strides = array<i32>} : memref<80x128xi32, #tpu.memory_space<vmem>>, vector<16xi32>,
      tpu.vector_store_idx %arg5[%get3A_33], %broadcast_in_dim3A_7 {add = true} : memref<10256xf32, #tpu.memory_space<vmem>>[vector<16xi32>], vector<16xf32>,
      %get3A_34 = arith.index_cast %add3A_19 : i32 to index
      %get3A_35 = arith.constant 80 : index
      %get3A_36 = tpu.vector_load %arg4[%get3A_34, %get3A_35] {strides = array<i32>} : memref<80x128xi32, #tpu.memory_space<vmem>>, vector<16xi32>,
      tpu.vector_store_idx %arg5[%get3A_36], %broadcast_in_dim3A_7 {add = true} : memref<10256xf32, #tpu.memory_space<vmem>>[vector<16xi32>], vector<16xf32>,
      %get3A_37 = arith.index_cast %add3A_19 : i32 to index
      %get3A_38 = arith.constant 96 : index
      %get3A_39 = tpu.vector_load %arg4[%get3A_37, %get3A_38] {strides = array<i32>} : memref<80x128xi32, #tpu.memory_space<vmem>>, vector<16xi32>,
      tpu.vector_store_idx %arg5[%get3A_39], %broadcast_in_dim3A_7 {add = true} : memref<10256xf32, #tpu.memory_space<vmem>>[vector<16xi32>], vector<16xf32>,
      %get3A_40 = arith.index_cast %add3A_19 : i32 to index
      %get3A_41 = arith.constant 112 : index
      %get3A_42 = tpu.vector_load %arg4[%get3A_40, %get3A_41] {strides = array<i32>} : memref<80x128xi32, #tpu.memory_space<vmem>>, vector<16xi32>,
      tpu.vector_store_idx %arg5[%get3A_42], %broadcast_in_dim3A_7 {add = true} : memref<10256xf32, #tpu.memory_space<vmem>>[vector<16xi32>], vector<16xf32>,
    }
    %scan3A_12 = arith.constant 80 : i32
    %mul3A_13 = arith.constant 10240 : i32
    %mul3A_14 = arith.muli %add3A, %mul3A_13 : i32
    "tpu.region"() ({
      %run_scoped3A = tpu.sem_alloc : memref<!tpu.dma_semaphore, #tpu.memory_space<semaphore_mem>>
      %dma_start3A = arith.constant 0 : i32
      %dma_start3A_15 = tpu.memref_slice %arg5[%dma_start3A] : memref<10256xf32, #tpu.memory_space<vmem>> -> memref<10240xf32, #tpu.memory_space<vmem>>
      %dma_start3A_16 = tpu.memref_slice %arg3[%mul3A_14] : memref<327680xf32, #tpu.memory_space<hbm>> -> memref<10240xf32, #tpu.memory_space<hbm>>
      %dma_start3A_17 = tpu.memref_slice %arg3[%mul3A_14] : memref<327680xf32, #tpu.memory_space<hbm>> -> memref<10240xf32, #tpu.memory_space<hbm>>
      %dma_start3A_18 = arith.constant 0 : i32
      %dma_start3A_19 = tpu.memref_slice %arg5[%dma_start3A_18] : memref<10256xf32, #tpu.memory_space<vmem>> -> memref<10240xf32, #tpu.memory_space<vmem>>
      tpu.enqueue_dma source(%dma_start3A_19 : memref<10240xf32, #tpu.memory_space<vmem>>) target(%dma_start3A_17 : memref<10240xf32, #tpu.memory_space<hbm>>) target_semaphore(%run_scoped3A : memref<!tpu.dma_semaphore, #tpu.memory_space<semaphore_mem>>)
      %dma_wait3A = arith.constant 0 : i32
      %dma_wait3A_20 = tpu.memref_slice %arg5[%dma_wait3A] : memref<10256xf32, #tpu.memory_space<vmem>> -> memref<10240xf32, #tpu.memory_space<vmem>>
      %dma_wait3A_21 = tpu.memref_slice %arg3[%mul3A_14] : memref<327680xf32, #tpu.memory_space<hbm>> -> memref<10240xf32, #tpu.memory_space<hbm>>
      %dma_wait3A_22 = tpu.memref_slice %arg3[%mul3A_14] : memref<327680xf32, #tpu.memory_space<hbm>> -> memref<10240xf32, #tpu.memory_space<hbm>>
      %dma_wait3A_23 = arith.constant 0 : i32
      %dma_wait3A_24 = tpu.memref_slice %arg5[%dma_wait3A_23] : memref<10256xf32, #tpu.memory_space<vmem>> -> memref<10240xf32, #tpu.memory_space<vmem>>
      tpu.wait_dma2 semaphore(%run_scoped3A : memref<!tpu.dma_semaphore, #tpu.memory_space<semaphore_mem>>) src(%dma_wait3A_24 : memref<10240xf32, #tpu.memory_space<vmem>>) dst(%dma_wait3A_22 : memref<10240xf32, #tpu.memory_space<hbm>>)
      tpu.yield
    }) : () -> ()
    return
  }
}

#map = affine_map<(d0, d1) -> (0, 0)>
module attributes {stable_mosaic.version = 14 : i64} {
  func.func @_seg_body(%arg0: i32, %arg1: i32, %arg2: memref<40960x64xf32, #tpu.memory_space<hbm>>, %arg3: memref<2560x128xi32, #tpu.memory_space<hbm>>, %arg4: memref<2560x128xi32, #tpu.memory_space<hbm>>, %arg5: memref<40960x64xf32, #tpu.memory_space<hbm>>, %arg6: memref<160x128xi32, #tpu.memory_space<vmem>>, %arg7: memref<160x128xi32, #tpu.memory_space<vmem>>, %arg8: memref<160x128xi32, #tpu.memory_space<vmem>>, %arg9: memref<128x64xf32, #tpu.memory_space<vmem>>, %arg10: memref<128x64xf32, #tpu.memory_space<vmem>>, %arg11: memref<128x64xf32, #tpu.memory_space<vmem>>, %arg12: memref<10496x64xf32, #tpu.memory_space<vmem_shared>>, %arg13: memref<!tpu.dma_semaphore, #tpu.memory_space<semaphore_mem>>, %arg14: memref<!tpu.dma_semaphore, #tpu.memory_space<semaphore_mem>>) attributes {dimension_semantics = [#tpu.dimension_semantics<core_parallel>, #tpu.dimension_semantics<subcore_parallel>], iteration_bounds = array<i64: 2, 16>, scalar_prefetch = 0 : i64, scratch_operands = 9 : i64, tpu.core_type = #tpu.core_type<sc_vector_subcore>, window_params = [{transform_indices = #map}, {transform_indices = #map}, {transform_indices = #map}, {transform_indices = #map}]} {
    %mul3A = arith.constant 160 : i32
    %mul3A_0 = arith.muli %arg1, %mul3A : i32
    "tpu.region"() ({
      %run_scoped3A = tpu.sem_alloc : memref<!tpu.dma_semaphore, #tpu.memory_space<semaphore_mem>>
      %dma_start3A = arith.constant 0 : i32
      %dma_start3A_99 = tpu.memref_slice %arg3[%mul3A_0, %dma_start3A] : memref<2560x128xi32, #tpu.memory_space<hbm>> -> memref<160x128xi32, #tpu.memory_space<hbm>>
      %dma_start3A_100 = arith.constant 0 : i32
      %dma_start3A_101 = tpu.memref_slice %arg3[%mul3A_0, %dma_start3A_100] : memref<2560x128xi32, #tpu.memory_space<hbm>> -> memref<160x128xi32, #tpu.memory_space<hbm>>
      tpu.enqueue_dma source(%dma_start3A_101 : memref<160x128xi32, #tpu.memory_space<hbm>>) target(%arg6 : memref<160x128xi32, #tpu.memory_space<vmem>>) target_semaphore(%run_scoped3A : memref<!tpu.dma_semaphore, #tpu.memory_space<semaphore_mem>>)
      %dma_wait3A = arith.constant 0 : i32
      %dma_wait3A_102 = tpu.memref_slice %arg3[%mul3A_0, %dma_wait3A] : memref<2560x128xi32, #tpu.memory_space<hbm>> -> memref<160x128xi32, #tpu.memory_space<hbm>>
      %dma_wait3A_103 = arith.constant 0 : i32
      %dma_wait3A_104 = tpu.memref_slice %arg3[%mul3A_0, %dma_wait3A_103] : memref<2560x128xi32, #tpu.memory_space<hbm>> -> memref<160x128xi32, #tpu.memory_space<hbm>>
      tpu.wait_dma2 semaphore(%run_scoped3A : memref<!tpu.dma_semaphore, #tpu.memory_space<semaphore_mem>>) src(%dma_wait3A_104 : memref<160x128xi32, #tpu.memory_space<hbm>>) dst(%arg6 : memref<160x128xi32, #tpu.memory_space<vmem>>)
      tpu.yield
    }) : () -> ()
    "tpu.region"() ({
      %run_scoped3A = tpu.sem_alloc : memref<!tpu.dma_semaphore, #tpu.memory_space<semaphore_mem>>
      %dma_start3A = arith.constant 0 : i32
      %dma_start3A_99 = tpu.memref_slice %arg4[%mul3A_0, %dma_start3A] : memref<2560x128xi32, #tpu.memory_space<hbm>> -> memref<160x128xi32, #tpu.memory_space<hbm>>
      %dma_start3A_100 = arith.constant 0 : i32
      %dma_start3A_101 = tpu.memref_slice %arg4[%mul3A_0, %dma_start3A_100] : memref<2560x128xi32, #tpu.memory_space<hbm>> -> memref<160x128xi32, #tpu.memory_space<hbm>>
      tpu.enqueue_dma source(%dma_start3A_101 : memref<160x128xi32, #tpu.memory_space<hbm>>) target(%arg7 : memref<160x128xi32, #tpu.memory_space<vmem>>) target_semaphore(%run_scoped3A : memref<!tpu.dma_semaphore, #tpu.memory_space<semaphore_mem>>)
      %dma_wait3A = arith.constant 0 : i32
      %dma_wait3A_102 = tpu.memref_slice %arg4[%mul3A_0, %dma_wait3A] : memref<2560x128xi32, #tpu.memory_space<hbm>> -> memref<160x128xi32, #tpu.memory_space<hbm>>
      %dma_wait3A_103 = arith.constant 0 : i32
      %dma_wait3A_104 = tpu.memref_slice %arg4[%mul3A_0, %dma_wait3A_103] : memref<2560x128xi32, #tpu.memory_space<hbm>> -> memref<160x128xi32, #tpu.memory_space<hbm>>
      tpu.wait_dma2 semaphore(%run_scoped3A : memref<!tpu.dma_semaphore, #tpu.memory_space<semaphore_mem>>) src(%dma_wait3A_104 : memref<160x128xi32, #tpu.memory_space<hbm>>) dst(%arg7 : memref<160x128xi32, #tpu.memory_space<vmem>>)
      tpu.yield
    }) : () -> ()
    %scan3A = arith.constant 0 : i32
    %scan3A_1 = arith.constant 128 : i32
    %scan3A_2 = arith.addi %scan3A, %scan3A_1 : i32
    %scan3A_3 = arith.constant 1 : i32
    scf.for %scan3A_99 = %scan3A to %scan3A_2 step %scan3A_3  : i32 {
      %mul3A_100 = arith.constant 1 : i32
      %mul3A_101 = arith.muli %scan3A_99, %mul3A_100 : i32
      %add3A_102 = arith.constant 0 : i32
      %add3A_103 = arith.addi %add3A_102, %mul3A_101 : i32
      %broadcast_in_dim3A_104 = arith.constant 0.000000e+00 : f32
      %broadcast_in_dim3A_105 = vector.broadcast %broadcast_in_dim3A_104 : f32 to vector<16xf32>
      %swap3A = arith.index_cast %add3A_103 : i32 to index
      %swap3A_106 = arith.constant 0 : index
      %swap3A_107 = tpu.vector_load %arg11[%swap3A, %swap3A_106] {strides = array<i32>} : memref<128x64xf32, #tpu.memory_space<vmem>>, vector<16xf32>,
      tpu.vector_store %arg11[%swap3A, %swap3A_106], %broadcast_in_dim3A_105 {strides = array<i32>} : memref<128x64xf32, #tpu.memory_space<vmem>>, vector<16xf32>,
      %broadcast_in_dim3A_108 = arith.constant 0.000000e+00 : f32
      %broadcast_in_dim3A_109 = vector.broadcast %broadcast_in_dim3A_108 : f32 to vector<16xf32>
      %swap3A_110 = arith.index_cast %add3A_103 : i32 to index
      %swap3A_111 = arith.constant 16 : index
      %swap3A_112 = tpu.vector_load %arg11[%swap3A_110, %swap3A_111] {strides = array<i32>} : memref<128x64xf32, #tpu.memory_space<vmem>>, vector<16xf32>,
      tpu.vector_store %arg11[%swap3A_110, %swap3A_111], %broadcast_in_dim3A_109 {strides = array<i32>} : memref<128x64xf32, #tpu.memory_space<vmem>>, vector<16xf32>,
      %broadcast_in_dim3A_113 = arith.constant 0.000000e+00 : f32
      %broadcast_in_dim3A_114 = vector.broadcast %broadcast_in_dim3A_113 : f32 to vector<16xf32>
      %swap3A_115 = arith.index_cast %add3A_103 : i32 to index
      %swap3A_116 = arith.constant 32 : index
      %swap3A_117 = tpu.vector_load %arg11[%swap3A_115, %swap3A_116] {strides = array<i32>} : memref<128x64xf32, #tpu.memory_space<vmem>>, vector<16xf32>,
      tpu.vector_store %arg11[%swap3A_115, %swap3A_116], %broadcast_in_dim3A_114 {strides = array<i32>} : memref<128x64xf32, #tpu.memory_space<vmem>>, vector<16xf32>,
      %broadcast_in_dim3A_118 = arith.constant 0.000000e+00 : f32
      %broadcast_in_dim3A_119 = vector.broadcast %broadcast_in_dim3A_118 : f32 to vector<16xf32>
      %swap3A_120 = arith.index_cast %add3A_103 : i32 to index
      %swap3A_121 = arith.constant 48 : index
      %swap3A_122 = tpu.vector_load %arg11[%swap3A_120, %swap3A_121] {strides = array<i32>} : memref<128x64xf32, #tpu.memory_space<vmem>>, vector<16xf32>,
      tpu.vector_store %arg11[%swap3A_120, %swap3A_121], %broadcast_in_dim3A_119 {strides = array<i32>} : memref<128x64xf32, #tpu.memory_space<vmem>>, vector<16xf32>,
    }
    %scan3A_4 = arith.constant 128 : i32
    %add3A = arith.constant 0 : i32
    %add3A_5 = arith.addi %arg0, %add3A : i32
    %mul3A_6 = arith.constant 656 : i32
    %mul3A_7 = arith.muli %arg1, %mul3A_6 : i32
    %add3A_8 = arith.constant 0 : i32
    %add3A_9 = arith.addi %mul3A_7, %add3A_8 : i32
    "tpu.region"() ({
      %run_scoped3A = tpu.sem_alloc : memref<!tpu.dma_semaphore, #tpu.memory_space<semaphore_mem>>
      %dma_start3A = arith.constant 0 : i32
      %dma_start3A_99 = tpu.memref_slice %arg12[%add3A_9, %dma_start3A] : memref<10496x64xf32, #tpu.memory_space<vmem_shared>> -> memref<128x64xf32, #tpu.memory_space<vmem_shared>>
      %dma_start3A_100 = arith.constant 0 : i32
      %dma_start3A_101 = tpu.memref_slice %arg12[%add3A_9, %dma_start3A_100] : memref<10496x64xf32, #tpu.memory_space<vmem_shared>> -> memref<128x64xf32, #tpu.memory_space<vmem_shared>>
      tpu.enqueue_dma source(%arg11 : memref<128x64xf32, #tpu.memory_space<vmem>>) target(%dma_start3A_101 : memref<128x64xf32, #tpu.memory_space<vmem_shared>>) target_semaphore(%run_scoped3A : memref<!tpu.dma_semaphore, #tpu.memory_space<semaphore_mem>>)
      %dma_wait3A = arith.constant 0 : i32
      %dma_wait3A_102 = tpu.memref_slice %arg12[%add3A_9, %dma_wait3A] : memref<10496x64xf32, #tpu.memory_space<vmem_shared>> -> memref<128x64xf32, #tpu.memory_space<vmem_shared>>
      %dma_wait3A_103 = arith.constant 0 : i32
      %dma_wait3A_104 = tpu.memref_slice %arg12[%add3A_9, %dma_wait3A_103] : memref<10496x64xf32, #tpu.memory_space<vmem_shared>> -> memref<128x64xf32, #tpu.memory_space<vmem_shared>>
      tpu.wait_dma2 semaphore(%run_scoped3A : memref<!tpu.dma_semaphore, #tpu.memory_space<semaphore_mem>>) src(%arg11 : memref<128x64xf32, #tpu.memory_space<vmem>>) dst(%dma_wait3A_104 : memref<128x64xf32, #tpu.memory_space<vmem_shared>>)
      tpu.yield
    }) : () -> ()
    %mul3A_10 = arith.constant 656 : i32
    %mul3A_11 = arith.muli %arg1, %mul3A_10 : i32
    %add3A_12 = arith.constant 128 : i32
    %add3A_13 = arith.addi %mul3A_11, %add3A_12 : i32
    "tpu.region"() ({
      %run_scoped3A = tpu.sem_alloc : memref<!tpu.dma_semaphore, #tpu.memory_space<semaphore_mem>>
      %dma_start3A = arith.constant 0 : i32
      %dma_start3A_99 = tpu.memref_slice %arg12[%add3A_13, %dma_start3A] : memref<10496x64xf32, #tpu.memory_space<vmem_shared>> -> memref<128x64xf32, #tpu.memory_space<vmem_shared>>
      %dma_start3A_100 = arith.constant 0 : i32
      %dma_start3A_101 = tpu.memref_slice %arg12[%add3A_13, %dma_start3A_100] : memref<10496x64xf32, #tpu.memory_space<vmem_shared>> -> memref<128x64xf32, #tpu.memory_space<vmem_shared>>
      tpu.enqueue_dma source(%arg11 : memref<128x64xf32, #tpu.memory_space<vmem>>) target(%dma_start3A_101 : memref<128x64xf32, #tpu.memory_space<vmem_shared>>) target_semaphore(%run_scoped3A : memref<!tpu.dma_semaphore, #tpu.memory_space<semaphore_mem>>)
      %dma_wait3A = arith.constant 0 : i32
      %dma_wait3A_102 = tpu.memref_slice %arg12[%add3A_13, %dma_wait3A] : memref<10496x64xf32, #tpu.memory_space<vmem_shared>> -> memref<128x64xf32, #tpu.memory_space<vmem_shared>>
      %dma_wait3A_103 = arith.constant 0 : i32
      %dma_wait3A_104 = tpu.memref_slice %arg12[%add3A_13, %dma_wait3A_103] : memref<10496x64xf32, #tpu.memory_space<vmem_shared>> -> memref<128x64xf32, #tpu.memory_space<vmem_shared>>
      tpu.wait_dma2 semaphore(%run_scoped3A : memref<!tpu.dma_semaphore, #tpu.memory_space<semaphore_mem>>) src(%arg11 : memref<128x64xf32, #tpu.memory_space<vmem>>) dst(%dma_wait3A_104 : memref<128x64xf32, #tpu.memory_space<vmem_shared>>)
      tpu.yield
    }) : () -> ()
    %mul3A_14 = arith.constant 656 : i32
    %mul3A_15 = arith.muli %arg1, %mul3A_14 : i32
    %add3A_16 = arith.constant 256 : i32
    %add3A_17 = arith.addi %mul3A_15, %add3A_16 : i32
    "tpu.region"() ({
      %run_scoped3A = tpu.sem_alloc : memref<!tpu.dma_semaphore, #tpu.memory_space<semaphore_mem>>
      %dma_start3A = arith.constant 0 : i32
      %dma_start3A_99 = tpu.memref_slice %arg12[%add3A_17, %dma_start3A] : memref<10496x64xf32, #tpu.memory_space<vmem_shared>> -> memref<128x64xf32, #tpu.memory_space<vmem_shared>>
      %dma_start3A_100 = arith.constant 0 : i32
      %dma_start3A_101 = tpu.memref_slice %arg12[%add3A_17, %dma_start3A_100] : memref<10496x64xf32, #tpu.memory_space<vmem_shared>> -> memref<128x64xf32, #tpu.memory_space<vmem_shared>>
      tpu.enqueue_dma source(%arg11 : memref<128x64xf32, #tpu.memory_space<vmem>>) target(%dma_start3A_101 : memref<128x64xf32, #tpu.memory_space<vmem_shared>>) target_semaphore(%run_scoped3A : memref<!tpu.dma_semaphore, #tpu.memory_space<semaphore_mem>>)
      %dma_wait3A = arith.constant 0 : i32
      %dma_wait3A_102 = tpu.memref_slice %arg12[%add3A_17, %dma_wait3A] : memref<10496x64xf32, #tpu.memory_space<vmem_shared>> -> memref<128x64xf32, #tpu.memory_space<vmem_shared>>
      %dma_wait3A_103 = arith.constant 0 : i32
      %dma_wait3A_104 = tpu.memref_slice %arg12[%add3A_17, %dma_wait3A_103] : memref<10496x64xf32, #tpu.memory_space<vmem_shared>> -> memref<128x64xf32, #tpu.memory_space<vmem_shared>>
      tpu.wait_dma2 semaphore(%run_scoped3A : memref<!tpu.dma_semaphore, #tpu.memory_space<semaphore_mem>>) src(%arg11 : memref<128x64xf32, #tpu.memory_space<vmem>>) dst(%dma_wait3A_104 : memref<128x64xf32, #tpu.memory_space<vmem_shared>>)
      tpu.yield
    }) : () -> ()
    %mul3A_18 = arith.constant 656 : i32
    %mul3A_19 = arith.muli %arg1, %mul3A_18 : i32
    %add3A_20 = arith.constant 384 : i32
    %add3A_21 = arith.addi %mul3A_19, %add3A_20 : i32
    "tpu.region"() ({
      %run_scoped3A = tpu.sem_alloc : memref<!tpu.dma_semaphore, #tpu.memory_space<semaphore_mem>>
      %dma_start3A = arith.constant 0 : i32
      %dma_start3A_99 = tpu.memref_slice %arg12[%add3A_21, %dma_start3A] : memref<10496x64xf32, #tpu.memory_space<vmem_shared>> -> memref<128x64xf32, #tpu.memory_space<vmem_shared>>
      %dma_start3A_100 = arith.constant 0 : i32
      %dma_start3A_101 = tpu.memref_slice %arg12[%add3A_21, %dma_start3A_100] : memref<10496x64xf32, #tpu.memory_space<vmem_shared>> -> memref<128x64xf32, #tpu.memory_space<vmem_shared>>
      tpu.enqueue_dma source(%arg11 : memref<128x64xf32, #tpu.memory_space<vmem>>) target(%dma_start3A_101 : memref<128x64xf32, #tpu.memory_space<vmem_shared>>) target_semaphore(%run_scoped3A : memref<!tpu.dma_semaphore, #tpu.memory_space<semaphore_mem>>)
      %dma_wait3A = arith.constant 0 : i32
      %dma_wait3A_102 = tpu.memref_slice %arg12[%add3A_21, %dma_wait3A] : memref<10496x64xf32, #tpu.memory_space<vmem_shared>> -> memref<128x64xf32, #tpu.memory_space<vmem_shared>>
      %dma_wait3A_103 = arith.constant 0 : i32
      %dma_wait3A_104 = tpu.memref_slice %arg12[%add3A_21, %dma_wait3A_103] : memref<10496x64xf32, #tpu.memory_space<vmem_shared>> -> memref<128x64xf32, #tpu.memory_space<vmem_shared>>
      tpu.wait_dma2 semaphore(%run_scoped3A : memref<!tpu.dma_semaphore, #tpu.memory_space<semaphore_mem>>) src(%arg11 : memref<128x64xf32, #tpu.memory_space<vmem>>) dst(%dma_wait3A_104 : memref<128x64xf32, #tpu.memory_space<vmem_shared>>)
      tpu.yield
    }) : () -> ()
    %mul3A_22 = arith.constant 656 : i32
    %mul3A_23 = arith.muli %arg1, %mul3A_22 : i32
    %add3A_24 = arith.constant 512 : i32
    %add3A_25 = arith.addi %mul3A_23, %add3A_24 : i32
    "tpu.region"() ({
      %run_scoped3A = tpu.sem_alloc : memref<!tpu.dma_semaphore, #tpu.memory_space<semaphore_mem>>
      %dma_start3A = arith.constant 0 : i32
      %dma_start3A_99 = tpu.memref_slice %arg12[%add3A_25, %dma_start3A] : memref<10496x64xf32, #tpu.memory_space<vmem_shared>> -> memref<128x64xf32, #tpu.memory_space<vmem_shared>>
      %dma_start3A_100 = arith.constant 0 : i32
      %dma_start3A_101 = tpu.memref_slice %arg12[%add3A_25, %dma_start3A_100] : memref<10496x64xf32, #tpu.memory_space<vmem_shared>> -> memref<128x64xf32, #tpu.memory_space<vmem_shared>>
      tpu.enqueue_dma source(%arg11 : memref<128x64xf32, #tpu.memory_space<vmem>>) target(%dma_start3A_101 : memref<128x64xf32, #tpu.memory_space<vmem_shared>>) target_semaphore(%run_scoped3A : memref<!tpu.dma_semaphore, #tpu.memory_space<semaphore_mem>>)
      %dma_wait3A = arith.constant 0 : i32
      %dma_wait3A_102 = tpu.memref_slice %arg12[%add3A_25, %dma_wait3A] : memref<10496x64xf32, #tpu.memory_space<vmem_shared>> -> memref<128x64xf32, #tpu.memory_space<vmem_shared>>
      %dma_wait3A_103 = arith.constant 0 : i32
      %dma_wait3A_104 = tpu.memref_slice %arg12[%add3A_25, %dma_wait3A_103] : memref<10496x64xf32, #tpu.memory_space<vmem_shared>> -> memref<128x64xf32, #tpu.memory_space<vmem_shared>>
      tpu.wait_dma2 semaphore(%run_scoped3A : memref<!tpu.dma_semaphore, #tpu.memory_space<semaphore_mem>>) src(%arg11 : memref<128x64xf32, #tpu.memory_space<vmem>>) dst(%dma_wait3A_104 : memref<128x64xf32, #tpu.memory_space<vmem_shared>>)
      tpu.yield
    }) : () -> ()
    %mul3A_26 = arith.constant 656 : i32
    %mul3A_27 = arith.muli %arg1, %mul3A_26 : i32
    %add3A_28 = arith.constant 640 : i32
    %add3A_29 = arith.addi %mul3A_27, %add3A_28 : i32
    "tpu.region"() ({
      %run_scoped3A = tpu.sem_alloc : memref<!tpu.dma_semaphore, #tpu.memory_space<semaphore_mem>>
      %dma_start3A = arith.constant 0 : i32
      %dma_start3A_99 = arith.constant 0 : i32
      %dma_start3A_100 = tpu.memref_slice %arg11[%dma_start3A, %dma_start3A_99] : memref<128x64xf32, #tpu.memory_space<vmem>> -> memref<16x64xf32, #tpu.memory_space<vmem>>
      %dma_start3A_101 = arith.constant 0 : i32
      %dma_start3A_102 = tpu.memref_slice %arg12[%add3A_29, %dma_start3A_101] : memref<10496x64xf32, #tpu.memory_space<vmem_shared>> -> memref<16x64xf32, #tpu.memory_space<vmem_shared>>
      %dma_start3A_103 = arith.constant 0 : i32
      %dma_start3A_104 = tpu.memref_slice %arg12[%add3A_29, %dma_start3A_103] : memref<10496x64xf32, #tpu.memory_space<vmem_shared>> -> memref<16x64xf32, #tpu.memory_space<vmem_shared>>
      %dma_start3A_105 = arith.constant 0 : i32
      %dma_start3A_106 = arith.constant 0 : i32
      %dma_start3A_107 = tpu.memref_slice %arg11[%dma_start3A_105, %dma_start3A_106] : memref<128x64xf32, #tpu.memory_space<vmem>> -> memref<16x64xf32, #tpu.memory_space<vmem>>
      tpu.enqueue_dma source(%dma_start3A_107 : memref<16x64xf32, #tpu.memory_space<vmem>>) target(%dma_start3A_104 : memref<16x64xf32, #tpu.memory_space<vmem_shared>>) target_semaphore(%run_scoped3A : memref<!tpu.dma_semaphore, #tpu.memory_space<semaphore_mem>>)
      %dma_wait3A = arith.constant 0 : i32
      %dma_wait3A_108 = arith.constant 0 : i32
      %dma_wait3A_109 = tpu.memref_slice %arg11[%dma_wait3A, %dma_wait3A_108] : memref<128x64xf32, #tpu.memory_space<vmem>> -> memref<16x64xf32, #tpu.memory_space<vmem>>
      %dma_wait3A_110 = arith.constant 0 : i32
      %dma_wait3A_111 = tpu.memref_slice %arg12[%add3A_29, %dma_wait3A_110] : memref<10496x64xf32, #tpu.memory_space<vmem_shared>> -> memref<16x64xf32, #tpu.memory_space<vmem_shared>>
      %dma_wait3A_112 = arith.constant 0 : i32
      %dma_wait3A_113 = tpu.memref_slice %arg12[%add3A_29, %dma_wait3A_112] : memref<10496x64xf32, #tpu.memory_space<vmem_shared>> -> memref<16x64xf32, #tpu.memory_space<vmem_shared>>
      %dma_wait3A_114 = arith.constant 0 : i32
      %dma_wait3A_115 = arith.constant 0 : i32
      %dma_wait3A_116 = tpu.memref_slice %arg11[%dma_wait3A_114, %dma_wait3A_115] : memref<128x64xf32, #tpu.memory_space<vmem>> -> memref<16x64xf32, #tpu.memory_space<vmem>>
      tpu.wait_dma2 semaphore(%run_scoped3A : memref<!tpu.dma_semaphore, #tpu.memory_space<semaphore_mem>>) src(%dma_wait3A_116 : memref<16x64xf32, #tpu.memory_space<vmem>>) dst(%dma_wait3A_113 : memref<16x64xf32, #tpu.memory_space<vmem_shared>>)
      tpu.yield
    }) : () -> ()
    %mul3A_30 = arith.constant 10240 : i32
    %mul3A_31 = arith.muli %add3A_5, %mul3A_30 : i32
    %broadcast_in_dim3A = vector.broadcast %mul3A_31 : i32 to vector<16xi32>
    %scan3A_32 = arith.constant 0 : i32
    %scan3A_33 = arith.constant 160 : i32
    %scan3A_34 = arith.addi %scan3A_32, %scan3A_33 : i32
    %scan3A_35 = arith.constant 1 : i32
    scf.for %scan3A_99 = %scan3A_32 to %scan3A_34 step %scan3A_35  : i32 {
      %mul3A_100 = arith.constant 1 : i32
      %mul3A_101 = arith.muli %scan3A_99, %mul3A_100 : i32
      %add3A_102 = arith.constant 0 : i32
      %add3A_103 = arith.addi %add3A_102, %mul3A_101 : i32
      %get3A = arith.index_cast %add3A_103 : i32 to index
      %get3A_104 = arith.constant 0 : index
      %get3A_105 = tpu.vector_load %arg6[%get3A, %get3A_104] {strides = array<i32>} : memref<160x128xi32, #tpu.memory_space<vmem>>, vector<16xi32>,
      %add3A_106 = arith.addi %get3A_105, %broadcast_in_dim3A : vector<16xi32>
      %swap3A = arith.index_cast %add3A_103 : i32 to index
      %swap3A_107 = arith.constant 0 : index
      %swap3A_108 = tpu.vector_load %arg8[%swap3A, %swap3A_107] {strides = array<i32>} : memref<160x128xi32, #tpu.memory_space<vmem>>, vector<16xi32>,
      tpu.vector_store %arg8[%swap3A, %swap3A_107], %add3A_106 {strides = array<i32>} : memref<160x128xi32, #tpu.memory_space<vmem>>, vector<16xi32>,
      %get3A_109 = arith.index_cast %add3A_103 : i32 to index
      %get3A_110 = arith.constant 16 : index
      %get3A_111 = tpu.vector_load %arg6[%get3A_109, %get3A_110] {strides = array<i32>} : memref<160x128xi32, #tpu.memory_space<vmem>>, vector<16xi32>,
      %add3A_112 = arith.addi %get3A_111, %broadcast_in_dim3A : vector<16xi32>
      %swap3A_113 = arith.index_cast %add3A_103 : i32 to index
      %swap3A_114 = arith.constant 16 : index
      %swap3A_115 = tpu.vector_load %arg8[%swap3A_113, %swap3A_114] {strides = array<i32>} : memref<160x128xi32, #tpu.memory_space<vmem>>, vector<16xi32>,
      tpu.vector_store %arg8[%swap3A_113, %swap3A_114], %add3A_112 {strides = array<i32>} : memref<160x128xi32, #tpu.memory_space<vmem>>, vector<16xi32>,
      %get3A_116 = arith.index_cast %add3A_103 : i32 to index
      %get3A_117 = arith.constant 32 : index
      %get3A_118 = tpu.vector_load %arg6[%get3A_116, %get3A_117] {strides = array<i32>} : memref<160x128xi32, #tpu.memory_space<vmem>>, vector<16xi32>,
      %add3A_119 = arith.addi %get3A_118, %broadcast_in_dim3A : vector<16xi32>
      %swap3A_120 = arith.index_cast %add3A_103 : i32 to index
      %swap3A_121 = arith.constant 32 : index
      %swap3A_122 = tpu.vector_load %arg8[%swap3A_120, %swap3A_121] {strides = array<i32>} : memref<160x128xi32, #tpu.memory_space<vmem>>, vector<16xi32>,
      tpu.vector_store %arg8[%swap3A_120, %swap3A_121], %add3A_119 {strides = array<i32>} : memref<160x128xi32, #tpu.memory_space<vmem>>, vector<16xi32>,
      %get3A_123 = arith.index_cast %add3A_103 : i32 to index
      %get3A_124 = arith.constant 48 : index
      %get3A_125 = tpu.vector_load %arg6[%get3A_123, %get3A_124] {strides = array<i32>} : memref<160x128xi32, #tpu.memory_space<vmem>>, vector<16xi32>,
      %add3A_126 = arith.addi %get3A_125, %broadcast_in_dim3A : vector<16xi32>
      %swap3A_127 = arith.index_cast %add3A_103 : i32 to index
      %swap3A_128 = arith.constant 48 : index
      %swap3A_129 = tpu.vector_load %arg8[%swap3A_127, %swap3A_128] {strides = array<i32>} : memref<160x128xi32, #tpu.memory_space<vmem>>, vector<16xi32>,
      tpu.vector_store %arg8[%swap3A_127, %swap3A_128], %add3A_126 {strides = array<i32>} : memref<160x128xi32, #tpu.memory_space<vmem>>, vector<16xi32>,
      %get3A_130 = arith.index_cast %add3A_103 : i32 to index
      %get3A_131 = arith.constant 64 : index
      %get3A_132 = tpu.vector_load %arg6[%get3A_130, %get3A_131] {strides = array<i32>} : memref<160x128xi32, #tpu.memory_space<vmem>>, vector<16xi32>,
      %add3A_133 = arith.addi %get3A_132, %broadcast_in_dim3A : vector<16xi32>
      %swap3A_134 = arith.index_cast %add3A_103 : i32 to index
      %swap3A_135 = arith.constant 64 : index
      %swap3A_136 = tpu.vector_load %arg8[%swap3A_134, %swap3A_135] {strides = array<i32>} : memref<160x128xi32, #tpu.memory_space<vmem>>, vector<16xi32>,
      tpu.vector_store %arg8[%swap3A_134, %swap3A_135], %add3A_133 {strides = array<i32>} : memref<160x128xi32, #tpu.memory_space<vmem>>, vector<16xi32>,
      %get3A_137 = arith.index_cast %add3A_103 : i32 to index
      %get3A_138 = arith.constant 80 : index
      %get3A_139 = tpu.vector_load %arg6[%get3A_137, %get3A_138] {strides = array<i32>} : memref<160x128xi32, #tpu.memory_space<vmem>>, vector<16xi32>,
      %add3A_140 = arith.addi %get3A_139, %broadcast_in_dim3A : vector<16xi32>
      %swap3A_141 = arith.index_cast %add3A_103 : i32 to index
      %swap3A_142 = arith.constant 80 : index
      %swap3A_143 = tpu.vector_load %arg8[%swap3A_141, %swap3A_142] {strides = array<i32>} : memref<160x128xi32, #tpu.memory_space<vmem>>, vector<16xi32>,
      tpu.vector_store %arg8[%swap3A_141, %swap3A_142], %add3A_140 {strides = array<i32>} : memref<160x128xi32, #tpu.memory_space<vmem>>, vector<16xi32>,
      %get3A_144 = arith.index_cast %add3A_103 : i32 to index
      %get3A_145 = arith.constant 96 : index
      %get3A_146 = tpu.vector_load %arg6[%get3A_144, %get3A_145] {strides = array<i32>} : memref<160x128xi32, #tpu.memory_space<vmem>>, vector<16xi32>,
      %add3A_147 = arith.addi %get3A_146, %broadcast_in_dim3A : vector<16xi32>
      %swap3A_148 = arith.index_cast %add3A_103 : i32 to index
      %swap3A_149 = arith.constant 96 : index
      %swap3A_150 = tpu.vector_load %arg8[%swap3A_148, %swap3A_149] {strides = array<i32>} : memref<160x128xi32, #tpu.memory_space<vmem>>, vector<16xi32>,
      tpu.vector_store %arg8[%swap3A_148, %swap3A_149], %add3A_147 {strides = array<i32>} : memref<160x128xi32, #tpu.memory_space<vmem>>, vector<16xi32>,
      %get3A_151 = arith.index_cast %add3A_103 : i32 to index
      %get3A_152 = arith.constant 112 : index
      %get3A_153 = tpu.vector_load %arg6[%get3A_151, %get3A_152] {strides = array<i32>} : memref<160x128xi32, #tpu.memory_space<vmem>>, vector<16xi32>,
      %add3A_154 = arith.addi %get3A_153, %broadcast_in_dim3A : vector<16xi32>
      %swap3A_155 = arith.index_cast %add3A_103 : i32 to index
      %swap3A_156 = arith.constant 112 : index
      %swap3A_157 = tpu.vector_load %arg8[%swap3A_155, %swap3A_156] {strides = array<i32>} : memref<160x128xi32, #tpu.memory_space<vmem>>, vector<16xi32>,
      tpu.vector_store %arg8[%swap3A_155, %swap3A_156], %add3A_154 {strides = array<i32>} : memref<160x128xi32, #tpu.memory_space<vmem>>, vector<16xi32>,
    }
    %scan3A_36 = arith.constant 160 : i32
    %barrier3A = arith.constant 0 : index
    tpu.barrier barrier_id(%barrier3A)
    %scan3A_37 = arith.constant 0 : i32
    %scan3A_38 = arith.constant 80 : i32
    %scan3A_39 = arith.addi %scan3A_37, %scan3A_38 : i32
    %scan3A_40 = arith.constant 1 : i32
    scf.for %scan3A_99 = %scan3A_37 to %scan3A_39 step %scan3A_40  : i32 {
      %mul3A_100 = arith.constant 2 : i32
      %mul3A_101 = arith.muli %scan3A_99, %mul3A_100 : i32
      %add3A_102 = arith.constant 0 : i32
      %add3A_103 = arith.addi %add3A_102, %mul3A_101 : i32
      %dma_start3A = arith.constant 0 : i32
      %dma_start3A_104 = tpu.memref_slice %arg8[%add3A_103, %dma_start3A] : memref<160x128xi32, #tpu.memory_space<vmem>> -> memref<1x128xi32, #tpu.memory_space<vmem>>
      %dma_start3A_105 = tpu.memref_squeeze %dma_start3A_104 : memref<1x128xi32, #tpu.memory_space<vmem>> -> memref<128xi32, #tpu.memory_space<vmem>>
      %dma_start3A_106 = arith.constant 0 : i32
      %dma_start3A_107 = arith.constant 0 : i32
      %dma_start3A_108 = tpu.memref_slice %arg2[%dma_start3A_106, %dma_start3A_107] : memref<40960x64xf32, #tpu.memory_space<hbm>> -> memref<40960x64xf32, #tpu.memory_space<hbm>>
      tpu.enqueue_indirect_dma source(%dma_start3A_108 : memref<40960x64xf32, #tpu.memory_space<hbm>>) target(%arg9 : memref<128x64xf32, #tpu.memory_space<vmem>>) offsets(%dma_start3A_105 : memref<128xi32, #tpu.memory_space<vmem>>) semaphore(%arg13 : memref<!tpu.dma_semaphore, #tpu.memory_space<semaphore_mem>>)
      %add3A_109 = arith.constant 1 : i32
      %add3A_110 = arith.addi %add3A_103, %add3A_109 : i32
      %dma_start3A_111 = arith.constant 0 : i32
      %dma_start3A_112 = tpu.memref_slice %arg8[%add3A_110, %dma_start3A_111] : memref<160x128xi32, #tpu.memory_space<vmem>> -> memref<1x128xi32, #tpu.memory_space<vmem>>
      %dma_start3A_113 = tpu.memref_squeeze %dma_start3A_112 : memref<1x128xi32, #tpu.memory_space<vmem>> -> memref<128xi32, #tpu.memory_space<vmem>>
      %dma_start3A_114 = arith.constant 0 : i32
      %dma_start3A_115 = arith.constant 0 : i32
      %dma_start3A_116 = tpu.memref_slice %arg2[%dma_start3A_114, %dma_start3A_115] : memref<40960x64xf32, #tpu.memory_space<hbm>> -> memref<40960x64xf32, #tpu.memory_space<hbm>>
      tpu.enqueue_indirect_dma source(%dma_start3A_116 : memref<40960x64xf32, #tpu.memory_space<hbm>>) target(%arg10 : memref<128x64xf32, #tpu.memory_space<vmem>>) offsets(%dma_start3A_113 : memref<128xi32, #tpu.memory_space<vmem>>) semaphore(%arg14 : memref<!tpu.dma_semaphore, #tpu.memory_space<semaphore_mem>>)
      %dma_wait3A = arith.constant 0 : i32
      %dma_wait3A_117 = tpu.memref_slice %arg8[%add3A_103, %dma_wait3A] : memref<160x128xi32, #tpu.memory_space<vmem>> -> memref<1x128xi32, #tpu.memory_space<vmem>>
      %dma_wait3A_118 = tpu.memref_squeeze %dma_wait3A_117 : memref<1x128xi32, #tpu.memory_space<vmem>> -> memref<128xi32, #tpu.memory_space<vmem>>
      %dma_wait3A_119 = arith.constant 0 : i32
      %dma_wait3A_120 = arith.constant 0 : i32
      %dma_wait3A_121 = tpu.memref_slice %arg2[%dma_wait3A_119, %dma_wait3A_120] : memref<40960x64xf32, #tpu.memory_space<hbm>> -> memref<40960x64xf32, #tpu.memory_space<hbm>>
      tpu.wait_indirect_dma semaphore(%arg13 : memref<!tpu.dma_semaphore, #tpu.memory_space<semaphore_mem>>) src(%dma_wait3A_121 : memref<40960x64xf32, #tpu.memory_space<hbm>>) dst(%arg9 : memref<128x64xf32, #tpu.memory_space<vmem>>)
      "tpu.region"() ({
        %run_scoped3A = tpu.sem_alloc : memref<!tpu.dma_semaphore, #tpu.memory_space<semaphore_mem>>
        %dma_start3A_130 = arith.constant 0 : i32
        %dma_start3A_131 = tpu.memref_slice %arg7[%add3A_103, %dma_start3A_130] : memref<160x128xi32, #tpu.memory_space<vmem>> -> memref<1x128xi32, #tpu.memory_space<vmem>>
        %dma_start3A_132 = tpu.memref_squeeze %dma_start3A_131 : memref<1x128xi32, #tpu.memory_space<vmem>> -> memref<128xi32, #tpu.memory_space<vmem>>
        %dma_start3A_133 = arith.constant 0 : i32
        %dma_start3A_134 = arith.constant 0 : i32
        %dma_start3A_135 = tpu.memref_slice %arg12[%dma_start3A_133, %dma_start3A_134] : memref<10496x64xf32, #tpu.memory_space<vmem_shared>> -> memref<10496x64xf32, #tpu.memory_space<vmem_shared>>
        tpu.enqueue_indirect_dma source(%arg9 : memref<128x64xf32, #tpu.memory_space<vmem>>) target(%dma_start3A_135 : memref<10496x64xf32, #tpu.memory_space<vmem_shared>>) offsets(%dma_start3A_132 : memref<128xi32, #tpu.memory_space<vmem>>) semaphore(%run_scoped3A : memref<!tpu.dma_semaphore, #tpu.memory_space<semaphore_mem>>) {add = true}
        %dma_wait3A_136 = arith.constant 0 : i32
        %dma_wait3A_137 = tpu.memref_slice %arg7[%add3A_103, %dma_wait3A_136] : memref<160x128xi32, #tpu.memory_space<vmem>> -> memref<1x128xi32, #tpu.memory_space<vmem>>
        %dma_wait3A_138 = tpu.memref_squeeze %dma_wait3A_137 : memref<1x128xi32, #tpu.memory_space<vmem>> -> memref<128xi32, #tpu.memory_space<vmem>>
        %dma_wait3A_139 = arith.constant 0 : i32
        %dma_wait3A_140 = arith.constant 0 : i32
        %dma_wait3A_141 = tpu.memref_slice %arg12[%dma_wait3A_139, %dma_wait3A_140] : memref<10496x64xf32, #tpu.memory_space<vmem_shared>> -> memref<10496x64xf32, #tpu.memory_space<vmem_shared>>
        tpu.wait_indirect_dma semaphore(%run_scoped3A : memref<!tpu.dma_semaphore, #tpu.memory_space<semaphore_mem>>) src(%arg9 : memref<128x64xf32, #tpu.memory_space<vmem>>) dst(%dma_wait3A_141 : memref<10496x64xf32, #tpu.memory_space<vmem_shared>>)
        tpu.yield
      }) : () -> ()
      %dma_wait3A_122 = arith.constant 0 : i32
      %dma_wait3A_123 = tpu.memref_slice %arg8[%add3A_110, %dma_wait3A_122] : memref<160x128xi32, #tpu.memory_space<vmem>> -> memref<1x128xi32, #tpu.memory_space<vmem>>
      %dma_wait3A_124 = tpu.memref_squeeze %dma_wait3A_123 : memref<1x128xi32, #tpu.memory_space<vmem>> -> memref<128xi32, #tpu.memory_space<vmem>>
      %dma_wait3A_125 = arith.constant 0 : i32
      %dma_wait3A_126 = arith.constant 0 : i32
      %dma_wait3A_127 = tpu.memref_slice %arg2[%dma_wait3A_125, %dma_wait3A_126] : memref<40960x64xf32, #tpu.memory_space<hbm>> -> memref<40960x64xf32, #tpu.memory_space<hbm>>
      tpu.wait_indirect_dma semaphore(%arg14 : memref<!tpu.dma_semaphore, #tpu.memory_space<semaphore_mem>>) src(%dma_wait3A_127 : memref<40960x64xf32, #tpu.memory_space<hbm>>) dst(%arg10 : memref<128x64xf32, #tpu.memory_space<vmem>>)
      %add3A_128 = arith.constant 1 : i32
      %add3A_129 = arith.addi %add3A_103, %add3A_128 : i32
      "tpu.region"() ({
        %run_scoped3A = tpu.sem_alloc : memref<!tpu.dma_semaphore, #tpu.memory_space<semaphore_mem>>
        %dma_start3A_130 = arith.constant 0 : i32
        %dma_start3A_131 = tpu.memref_slice %arg7[%add3A_129, %dma_start3A_130] : memref<160x128xi32, #tpu.memory_space<vmem>> -> memref<1x128xi32, #tpu.memory_space<vmem>>
        %dma_start3A_132 = tpu.memref_squeeze %dma_start3A_131 : memref<1x128xi32, #tpu.memory_space<vmem>> -> memref<128xi32, #tpu.memory_space<vmem>>
        %dma_start3A_133 = arith.constant 0 : i32
        %dma_start3A_134 = arith.constant 0 : i32
        %dma_start3A_135 = tpu.memref_slice %arg12[%dma_start3A_133, %dma_start3A_134] : memref<10496x64xf32, #tpu.memory_space<vmem_shared>> -> memref<10496x64xf32, #tpu.memory_space<vmem_shared>>
        tpu.enqueue_indirect_dma source(%arg10 : memref<128x64xf32, #tpu.memory_space<vmem>>) target(%dma_start3A_135 : memref<10496x64xf32, #tpu.memory_space<vmem_shared>>) offsets(%dma_start3A_132 : memref<128xi32, #tpu.memory_space<vmem>>) semaphore(%run_scoped3A : memref<!tpu.dma_semaphore, #tpu.memory_space<semaphore_mem>>) {add = true}
        %dma_wait3A_136 = arith.constant 0 : i32
        %dma_wait3A_137 = tpu.memref_slice %arg7[%add3A_129, %dma_wait3A_136] : memref<160x128xi32, #tpu.memory_space<vmem>> -> memref<1x128xi32, #tpu.memory_space<vmem>>
        %dma_wait3A_138 = tpu.memref_squeeze %dma_wait3A_137 : memref<1x128xi32, #tpu.memory_space<vmem>> -> memref<128xi32, #tpu.memory_space<vmem>>
        %dma_wait3A_139 = arith.constant 0 : i32
        %dma_wait3A_140 = arith.constant 0 : i32
        %dma_wait3A_141 = tpu.memref_slice %arg12[%dma_wait3A_139, %dma_wait3A_140] : memref<10496x64xf32, #tpu.memory_space<vmem_shared>> -> memref<10496x64xf32, #tpu.memory_space<vmem_shared>>
        tpu.wait_indirect_dma semaphore(%run_scoped3A : memref<!tpu.dma_semaphore, #tpu.memory_space<semaphore_mem>>) src(%arg10 : memref<128x64xf32, #tpu.memory_space<vmem>>) dst(%dma_wait3A_141 : memref<10496x64xf32, #tpu.memory_space<vmem_shared>>)
        tpu.yield
      }) : () -> ()
    }
    %scan3A_41 = arith.constant 80 : i32
    %barrier3A_42 = arith.constant 0 : index
    tpu.barrier barrier_id(%barrier3A_42)
    %mul3A_43 = arith.constant 640 : i32
    %mul3A_44 = arith.muli %arg1, %mul3A_43 : i32
    %mul3A_45 = arith.constant 10240 : i32
    %mul3A_46 = arith.muli %add3A_5, %mul3A_45 : i32
    %mul3A_47 = arith.constant 640 : i32
    %mul3A_48 = arith.muli %arg1, %mul3A_47 : i32
    %add3A_49 = arith.addi %mul3A_46, %mul3A_48 : i32
    "tpu.region"() ({
      %run_scoped3A = tpu.sem_alloc : memref<!tpu.dma_semaphore, #tpu.memory_space<semaphore_mem>>
      %dma_start3A = arith.constant 0 : i32
      %dma_start3A_99 = tpu.memref_slice %arg5[%add3A_49, %dma_start3A] : memref<40960x64xf32, #tpu.memory_space<hbm>> -> memref<640x64xf32, #tpu.memory_space<hbm>>
      %dma_start3A_100 = arith.constant 0 : i32
      %dma_start3A_101 = tpu.memref_slice %arg12[%mul3A_44, %dma_start3A_100] : memref<10496x64xf32, #tpu.memory_space<vmem_shared>> -> memref<640x64xf32, #tpu.memory_space<vmem_shared>>
      tpu.enqueue_dma source(%dma_start3A_101 : memref<640x64xf32, #tpu.memory_space<vmem_shared>>) target(%dma_start3A_99 : memref<640x64xf32, #tpu.memory_space<hbm>>) target_semaphore(%run_scoped3A : memref<!tpu.dma_semaphore, #tpu.memory_space<semaphore_mem>>)
      %dma_wait3A = arith.constant 0 : i32
      %dma_wait3A_102 = tpu.memref_slice %arg5[%add3A_49, %dma_wait3A] : memref<40960x64xf32, #tpu.memory_space<hbm>> -> memref<640x64xf32, #tpu.memory_space<hbm>>
      %dma_wait3A_103 = arith.constant 0 : i32
      %dma_wait3A_104 = tpu.memref_slice %arg12[%mul3A_44, %dma_wait3A_103] : memref<10496x64xf32, #tpu.memory_space<vmem_shared>> -> memref<640x64xf32, #tpu.memory_space<vmem_shared>>
      tpu.wait_dma2 semaphore(%run_scoped3A : memref<!tpu.dma_semaphore, #tpu.memory_space<semaphore_mem>>) src(%dma_wait3A_104 : memref<640x64xf32, #tpu.memory_space<vmem_shared>>) dst(%dma_wait3A_102 : memref<640x64xf32, #tpu.memory_space<hbm>>)
      tpu.yield
    }) : () -> ()
    %barrier3A_50 = arith.constant 0 : index
    tpu.barrier barrier_id(%barrier3A_50)
    %add3A_51 = arith.constant 2 : i32
    %add3A_52 = arith.addi %arg0, %add3A_51 : i32
    %mul3A_53 = arith.constant 656 : i32
    %mul3A_54 = arith.muli %arg1, %mul3A_53 : i32
    %add3A_55 = arith.constant 0 : i32
    %add3A_56 = arith.addi %mul3A_54, %add3A_55 : i32
    "tpu.region"() ({
      %run_scoped3A = tpu.sem_alloc : memref<!tpu.dma_semaphore, #tpu.memory_space<semaphore_mem>>
      %dma_start3A = arith.constant 0 : i32
      %dma_start3A_99 = tpu.memref_slice %arg12[%add3A_56, %dma_start3A] : memref<10496x64xf32, #tpu.memory_space<vmem_shared>> -> memref<128x64xf32, #tpu.memory_space<vmem_shared>>
      %dma_start3A_100 = arith.constant 0 : i32
      %dma_start3A_101 = tpu.memref_slice %arg12[%add3A_56, %dma_start3A_100] : memref<10496x64xf32, #tpu.memory_space<vmem_shared>> -> memref<128x64xf32, #tpu.memory_space<vmem_shared>>
      tpu.enqueue_dma source(%arg11 : memref<128x64xf32, #tpu.memory_space<vmem>>) target(%dma_start3A_101 : memref<128x64xf32, #tpu.memory_space<vmem_shared>>) target_semaphore(%run_scoped3A : memref<!tpu.dma_semaphore, #tpu.memory_space<semaphore_mem>>)
      %dma_wait3A = arith.constant 0 : i32
      %dma_wait3A_102 = tpu.memref_slice %arg12[%add3A_56, %dma_wait3A] : memref<10496x64xf32, #tpu.memory_space<vmem_shared>> -> memref<128x64xf32, #tpu.memory_space<vmem_shared>>
      %dma_wait3A_103 = arith.constant 0 : i32
      %dma_wait3A_104 = tpu.memref_slice %arg12[%add3A_56, %dma_wait3A_103] : memref<10496x64xf32, #tpu.memory_space<vmem_shared>> -> memref<128x64xf32, #tpu.memory_space<vmem_shared>>
      tpu.wait_dma2 semaphore(%run_scoped3A : memref<!tpu.dma_semaphore, #tpu.memory_space<semaphore_mem>>) src(%arg11 : memref<128x64xf32, #tpu.memory_space<vmem>>) dst(%dma_wait3A_104 : memref<128x64xf32, #tpu.memory_space<vmem_shared>>)
      tpu.yield
    }) : () -> ()
    %mul3A_57 = arith.constant 656 : i32
    %mul3A_58 = arith.muli %arg1, %mul3A_57 : i32
    %add3A_59 = arith.constant 128 : i32
    %add3A_60 = arith.addi %mul3A_58, %add3A_59 : i32
    "tpu.region"() ({
      %run_scoped3A = tpu.sem_alloc : memref<!tpu.dma_semaphore, #tpu.memory_space<semaphore_mem>>
      %dma_start3A = arith.constant 0 : i32
      %dma_start3A_99 = tpu.memref_slice %arg12[%add3A_60, %dma_start3A] : memref<10496x64xf32, #tpu.memory_space<vmem_shared>> -> memref<128x64xf32, #tpu.memory_space<vmem_shared>>
      %dma_start3A_100 = arith.constant 0 : i32
      %dma_start3A_101 = tpu.memref_slice %arg12[%add3A_60, %dma_start3A_100] : memref<10496x64xf32, #tpu.memory_space<vmem_shared>> -> memref<128x64xf32, #tpu.memory_space<vmem_shared>>
      tpu.enqueue_dma source(%arg11 : memref<128x64xf32, #tpu.memory_space<vmem>>) target(%dma_start3A_101 : memref<128x64xf32, #tpu.memory_space<vmem_shared>>) target_semaphore(%run_scoped3A : memref<!tpu.dma_semaphore, #tpu.memory_space<semaphore_mem>>)
      %dma_wait3A = arith.constant 0 : i32
      %dma_wait3A_102 = tpu.memref_slice %arg12[%add3A_60, %dma_wait3A] : memref<10496x64xf32, #tpu.memory_space<vmem_shared>> -> memref<128x64xf32, #tpu.memory_space<vmem_shared>>
      %dma_wait3A_103 = arith.constant 0 : i32
      %dma_wait3A_104 = tpu.memref_slice %arg12[%add3A_60, %dma_wait3A_103] : memref<10496x64xf32, #tpu.memory_space<vmem_shared>> -> memref<128x64xf32, #tpu.memory_space<vmem_shared>>
      tpu.wait_dma2 semaphore(%run_scoped3A : memref<!tpu.dma_semaphore, #tpu.memory_space<semaphore_mem>>) src(%arg11 : memref<128x64xf32, #tpu.memory_space<vmem>>) dst(%dma_wait3A_104 : memref<128x64xf32, #tpu.memory_space<vmem_shared>>)
      tpu.yield
    }) : () -> ()
    %mul3A_61 = arith.constant 656 : i32
    %mul3A_62 = arith.muli %arg1, %mul3A_61 : i32
    %add3A_63 = arith.constant 256 : i32
    %add3A_64 = arith.addi %mul3A_62, %add3A_63 : i32
    "tpu.region"() ({
      %run_scoped3A = tpu.sem_alloc : memref<!tpu.dma_semaphore, #tpu.memory_space<semaphore_mem>>
      %dma_start3A = arith.constant 0 : i32
      %dma_start3A_99 = tpu.memref_slice %arg12[%add3A_64, %dma_start3A] : memref<10496x64xf32, #tpu.memory_space<vmem_shared>> -> memref<128x64xf32, #tpu.memory_space<vmem_shared>>
      %dma_start3A_100 = arith.constant 0 : i32
      %dma_start3A_101 = tpu.memref_slice %arg12[%add3A_64, %dma_start3A_100] : memref<10496x64xf32, #tpu.memory_space<vmem_shared>> -> memref<128x64xf32, #tpu.memory_space<vmem_shared>>
      tpu.enqueue_dma source(%arg11 : memref<128x64xf32, #tpu.memory_space<vmem>>) target(%dma_start3A_101 : memref<128x64xf32, #tpu.memory_space<vmem_shared>>) target_semaphore(%run_scoped3A : memref<!tpu.dma_semaphore, #tpu.memory_space<semaphore_mem>>)
      %dma_wait3A = arith.constant 0 : i32
      %dma_wait3A_102 = tpu.memref_slice %arg12[%add3A_64, %dma_wait3A] : memref<10496x64xf32, #tpu.memory_space<vmem_shared>> -> memref<128x64xf32, #tpu.memory_space<vmem_shared>>
      %dma_wait3A_103 = arith.constant 0 : i32
      %dma_wait3A_104 = tpu.memref_slice %arg12[%add3A_64, %dma_wait3A_103] : memref<10496x64xf32, #tpu.memory_space<vmem_shared>> -> memref<128x64xf32, #tpu.memory_space<vmem_shared>>
      tpu.wait_dma2 semaphore(%run_scoped3A : memref<!tpu.dma_semaphore, #tpu.memory_space<semaphore_mem>>) src(%arg11 : memref<128x64xf32, #tpu.memory_space<vmem>>) dst(%dma_wait3A_104 : memref<128x64xf32, #tpu.memory_space<vmem_shared>>)
      tpu.yield
    }) : () -> ()
    %mul3A_65 = arith.constant 656 : i32
    %mul3A_66 = arith.muli %arg1, %mul3A_65 : i32
    %add3A_67 = arith.constant 384 : i32
    %add3A_68 = arith.addi %mul3A_66, %add3A_67 : i32
    "tpu.region"() ({
      %run_scoped3A = tpu.sem_alloc : memref<!tpu.dma_semaphore, #tpu.memory_space<semaphore_mem>>
      %dma_start3A = arith.constant 0 : i32
      %dma_start3A_99 = tpu.memref_slice %arg12[%add3A_68, %dma_start3A] : memref<10496x64xf32, #tpu.memory_space<vmem_shared>> -> memref<128x64xf32, #tpu.memory_space<vmem_shared>>
      %dma_start3A_100 = arith.constant 0 : i32
      %dma_start3A_101 = tpu.memref_slice %arg12[%add3A_68, %dma_start3A_100] : memref<10496x64xf32, #tpu.memory_space<vmem_shared>> -> memref<128x64xf32, #tpu.memory_space<vmem_shared>>
      tpu.enqueue_dma source(%arg11 : memref<128x64xf32, #tpu.memory_space<vmem>>) target(%dma_start3A_101 : memref<128x64xf32, #tpu.memory_space<vmem_shared>>) target_semaphore(%run_scoped3A : memref<!tpu.dma_semaphore, #tpu.memory_space<semaphore_mem>>)
      %dma_wait3A = arith.constant 0 : i32
      %dma_wait3A_102 = tpu.memref_slice %arg12[%add3A_68, %dma_wait3A] : memref<10496x64xf32, #tpu.memory_space<vmem_shared>> -> memref<128x64xf32, #tpu.memory_space<vmem_shared>>
      %dma_wait3A_103 = arith.constant 0 : i32
      %dma_wait3A_104 = tpu.memref_slice %arg12[%add3A_68, %dma_wait3A_103] : memref<10496x64xf32, #tpu.memory_space<vmem_shared>> -> memref<128x64xf32, #tpu.memory_space<vmem_shared>>
      tpu.wait_dma2 semaphore(%run_scoped3A : memref<!tpu.dma_semaphore, #tpu.memory_space<semaphore_mem>>) src(%arg11 : memref<128x64xf32, #tpu.memory_space<vmem>>) dst(%dma_wait3A_104 : memref<128x64xf32, #tpu.memory_space<vmem_shared>>)
      tpu.yield
    }) : () -> ()
    %mul3A_69 = arith.constant 656 : i32
    %mul3A_70 = arith.muli %arg1, %mul3A_69 : i32
    %add3A_71 = arith.constant 512 : i32
    %add3A_72 = arith.addi %mul3A_70, %add3A_71 : i32
    "tpu.region"() ({
      %run_scoped3A = tpu.sem_alloc : memref<!tpu.dma_semaphore, #tpu.memory_space<semaphore_mem>>
      %dma_start3A = arith.constant 0 : i32
      %dma_start3A_99 = tpu.memref_slice %arg12[%add3A_72, %dma_start3A] : memref<10496x64xf32, #tpu.memory_space<vmem_shared>> -> memref<128x64xf32, #tpu.memory_space<vmem_shared>>
      %dma_start3A_100 = arith.constant 0 : i32
      %dma_start3A_101 = tpu.memref_slice %arg12[%add3A_72, %dma_start3A_100] : memref<10496x64xf32, #tpu.memory_space<vmem_shared>> -> memref<128x64xf32, #tpu.memory_space<vmem_shared>>
      tpu.enqueue_dma source(%arg11 : memref<128x64xf32, #tpu.memory_space<vmem>>) target(%dma_start3A_101 : memref<128x64xf32, #tpu.memory_space<vmem_shared>>) target_semaphore(%run_scoped3A : memref<!tpu.dma_semaphore, #tpu.memory_space<semaphore_mem>>)
      %dma_wait3A = arith.constant 0 : i32
      %dma_wait3A_102 = tpu.memref_slice %arg12[%add3A_72, %dma_wait3A] : memref<10496x64xf32, #tpu.memory_space<vmem_shared>> -> memref<128x64xf32, #tpu.memory_space<vmem_shared>>
      %dma_wait3A_103 = arith.constant 0 : i32
      %dma_wait3A_104 = tpu.memref_slice %arg12[%add3A_72, %dma_wait3A_103] : memref<10496x64xf32, #tpu.memory_space<vmem_shared>> -> memref<128x64xf32, #tpu.memory_space<vmem_shared>>
      tpu.wait_dma2 semaphore(%run_scoped3A : memref<!tpu.dma_semaphore, #tpu.memory_space<semaphore_mem>>) src(%arg11 : memref<128x64xf32, #tpu.memory_space<vmem>>) dst(%dma_wait3A_104 : memref<128x64xf32, #tpu.memory_space<vmem_shared>>)
      tpu.yield
    }) : () -> ()
    %mul3A_73 = arith.constant 656 : i32
    %mul3A_74 = arith.muli %arg1, %mul3A_73 : i32
    %add3A_75 = arith.constant 640 : i32
    %add3A_76 = arith.addi %mul3A_74, %add3A_75 : i32
    "tpu.region"() ({
      %run_scoped3A = tpu.sem_alloc : memref<!tpu.dma_semaphore, #tpu.memory_space<semaphore_mem>>
      %dma_start3A = arith.constant 0 : i32
      %dma_start3A_99 = arith.constant 0 : i32
      %dma_start3A_100 = tpu.memref_slice %arg11[%dma_start3A, %dma_start3A_99] : memref<128x64xf32, #tpu.memory_space<vmem>> -> memref<16x64xf32, #tpu.memory_space<vmem>>
      %dma_start3A_101 = arith.constant 0 : i32
      %dma_start3A_102 = tpu.memref_slice %arg12[%add3A_76, %dma_start3A_101] : memref<10496x64xf32, #tpu.memory_space<vmem_shared>> -> memref<16x64xf32, #tpu.memory_space<vmem_shared>>
      %dma_start3A_103 = arith.constant 0 : i32
      %dma_start3A_104 = tpu.memref_slice %arg12[%add3A_76, %dma_start3A_103] : memref<10496x64xf32, #tpu.memory_space<vmem_shared>> -> memref<16x64xf32, #tpu.memory_space<vmem_shared>>
      %dma_start3A_105 = arith.constant 0 : i32
      %dma_start3A_106 = arith.constant 0 : i32
      %dma_start3A_107 = tpu.memref_slice %arg11[%dma_start3A_105, %dma_start3A_106] : memref<128x64xf32, #tpu.memory_space<vmem>> -> memref<16x64xf32, #tpu.memory_space<vmem>>
      tpu.enqueue_dma source(%dma_start3A_107 : memref<16x64xf32, #tpu.memory_space<vmem>>) target(%dma_start3A_104 : memref<16x64xf32, #tpu.memory_space<vmem_shared>>) target_semaphore(%run_scoped3A : memref<!tpu.dma_semaphore, #tpu.memory_space<semaphore_mem>>)
      %dma_wait3A = arith.constant 0 : i32
      %dma_wait3A_108 = arith.constant 0 : i32
      %dma_wait3A_109 = tpu.memref_slice %arg11[%dma_wait3A, %dma_wait3A_108] : memref<128x64xf32, #tpu.memory_space<vmem>> -> memref<16x64xf32, #tpu.memory_space<vmem>>
      %dma_wait3A_110 = arith.constant 0 : i32
      %dma_wait3A_111 = tpu.memref_slice %arg12[%add3A_76, %dma_wait3A_110] : memref<10496x64xf32, #tpu.memory_space<vmem_shared>> -> memref<16x64xf32, #tpu.memory_space<vmem_shared>>
      %dma_wait3A_112 = arith.constant 0 : i32
      %dma_wait3A_113 = tpu.memref_slice %arg12[%add3A_76, %dma_wait3A_112] : memref<10496x64xf32, #tpu.memory_space<vmem_shared>> -> memref<16x64xf32, #tpu.memory_space<vmem_shared>>
      %dma_wait3A_114 = arith.constant 0 : i32
      %dma_wait3A_115 = arith.constant 0 : i32
      %dma_wait3A_116 = tpu.memref_slice %arg11[%dma_wait3A_114, %dma_wait3A_115] : memref<128x64xf32, #tpu.memory_space<vmem>> -> memref<16x64xf32, #tpu.memory_space<vmem>>
      tpu.wait_dma2 semaphore(%run_scoped3A : memref<!tpu.dma_semaphore, #tpu.memory_space<semaphore_mem>>) src(%dma_wait3A_116 : memref<16x64xf32, #tpu.memory_space<vmem>>) dst(%dma_wait3A_113 : memref<16x64xf32, #tpu.memory_space<vmem_shared>>)
      tpu.yield
    }) : () -> ()
    %mul3A_77 = arith.constant 10240 : i32
    %mul3A_78 = arith.muli %add3A_52, %mul3A_77 : i32
    %broadcast_in_dim3A_79 = vector.broadcast %mul3A_78 : i32 to vector<16xi32>
    %scan3A_80 = arith.constant 0 : i32
    %scan3A_81 = arith.constant 160 : i32
    %scan3A_82 = arith.addi %scan3A_80, %scan3A_81 : i32
    %scan3A_83 = arith.constant 1 : i32
    scf.for %scan3A_99 = %scan3A_80 to %scan3A_82 step %scan3A_83  : i32 {
      %mul3A_100 = arith.constant 1 : i32
      %mul3A_101 = arith.muli %scan3A_99, %mul3A_100 : i32
      %add3A_102 = arith.constant 0 : i32
      %add3A_103 = arith.addi %add3A_102, %mul3A_101 : i32
      %get3A = arith.index_cast %add3A_103 : i32 to index
      %get3A_104 = arith.constant 0 : index
      %get3A_105 = tpu.vector_load %arg6[%get3A, %get3A_104] {strides = array<i32>} : memref<160x128xi32, #tpu.memory_space<vmem>>, vector<16xi32>,
      %add3A_106 = arith.addi %get3A_105, %broadcast_in_dim3A_79 : vector<16xi32>
      %swap3A = arith.index_cast %add3A_103 : i32 to index
      %swap3A_107 = arith.constant 0 : index
      %swap3A_108 = tpu.vector_load %arg8[%swap3A, %swap3A_107] {strides = array<i32>} : memref<160x128xi32, #tpu.memory_space<vmem>>, vector<16xi32>,
      tpu.vector_store %arg8[%swap3A, %swap3A_107], %add3A_106 {strides = array<i32>} : memref<160x128xi32, #tpu.memory_space<vmem>>, vector<16xi32>,
      %get3A_109 = arith.index_cast %add3A_103 : i32 to index
      %get3A_110 = arith.constant 16 : index
      %get3A_111 = tpu.vector_load %arg6[%get3A_109, %get3A_110] {strides = array<i32>} : memref<160x128xi32, #tpu.memory_space<vmem>>, vector<16xi32>,
      %add3A_112 = arith.addi %get3A_111, %broadcast_in_dim3A_79 : vector<16xi32>
      %swap3A_113 = arith.index_cast %add3A_103 : i32 to index
      %swap3A_114 = arith.constant 16 : index
      %swap3A_115 = tpu.vector_load %arg8[%swap3A_113, %swap3A_114] {strides = array<i32>} : memref<160x128xi32, #tpu.memory_space<vmem>>, vector<16xi32>,
      tpu.vector_store %arg8[%swap3A_113, %swap3A_114], %add3A_112 {strides = array<i32>} : memref<160x128xi32, #tpu.memory_space<vmem>>, vector<16xi32>,
      %get3A_116 = arith.index_cast %add3A_103 : i32 to index
      %get3A_117 = arith.constant 32 : index
      %get3A_118 = tpu.vector_load %arg6[%get3A_116, %get3A_117] {strides = array<i32>} : memref<160x128xi32, #tpu.memory_space<vmem>>, vector<16xi32>,
      %add3A_119 = arith.addi %get3A_118, %broadcast_in_dim3A_79 : vector<16xi32>
      %swap3A_120 = arith.index_cast %add3A_103 : i32 to index
      %swap3A_121 = arith.constant 32 : index
      %swap3A_122 = tpu.vector_load %arg8[%swap3A_120, %swap3A_121] {strides = array<i32>} : memref<160x128xi32, #tpu.memory_space<vmem>>, vector<16xi32>,
      tpu.vector_store %arg8[%swap3A_120, %swap3A_121], %add3A_119 {strides = array<i32>} : memref<160x128xi32, #tpu.memory_space<vmem>>, vector<16xi32>,
      %get3A_123 = arith.index_cast %add3A_103 : i32 to index
      %get3A_124 = arith.constant 48 : index
      %get3A_125 = tpu.vector_load %arg6[%get3A_123, %get3A_124] {strides = array<i32>} : memref<160x128xi32, #tpu.memory_space<vmem>>, vector<16xi32>,
      %add3A_126 = arith.addi %get3A_125, %broadcast_in_dim3A_79 : vector<16xi32>
      %swap3A_127 = arith.index_cast %add3A_103 : i32 to index
      %swap3A_128 = arith.constant 48 : index
      %swap3A_129 = tpu.vector_load %arg8[%swap3A_127, %swap3A_128] {strides = array<i32>} : memref<160x128xi32, #tpu.memory_space<vmem>>, vector<16xi32>,
      tpu.vector_store %arg8[%swap3A_127, %swap3A_128], %add3A_126 {strides = array<i32>} : memref<160x128xi32, #tpu.memory_space<vmem>>, vector<16xi32>,
      %get3A_130 = arith.index_cast %add3A_103 : i32 to index
      %get3A_131 = arith.constant 64 : index
      %get3A_132 = tpu.vector_load %arg6[%get3A_130, %get3A_131] {strides = array<i32>} : memref<160x128xi32, #tpu.memory_space<vmem>>, vector<16xi32>,
      %add3A_133 = arith.addi %get3A_132, %broadcast_in_dim3A_79 : vector<16xi32>
      %swap3A_134 = arith.index_cast %add3A_103 : i32 to index
      %swap3A_135 = arith.constant 64 : index
      %swap3A_136 = tpu.vector_load %arg8[%swap3A_134, %swap3A_135] {strides = array<i32>} : memref<160x128xi32, #tpu.memory_space<vmem>>, vector<16xi32>,
      tpu.vector_store %arg8[%swap3A_134, %swap3A_135], %add3A_133 {strides = array<i32>} : memref<160x128xi32, #tpu.memory_space<vmem>>, vector<16xi32>,
      %get3A_137 = arith.index_cast %add3A_103 : i32 to index
      %get3A_138 = arith.constant 80 : index
      %get3A_139 = tpu.vector_load %arg6[%get3A_137, %get3A_138] {strides = array<i32>} : memref<160x128xi32, #tpu.memory_space<vmem>>, vector<16xi32>,
      %add3A_140 = arith.addi %get3A_139, %broadcast_in_dim3A_79 : vector<16xi32>
      %swap3A_141 = arith.index_cast %add3A_103 : i32 to index
      %swap3A_142 = arith.constant 80 : index
      %swap3A_143 = tpu.vector_load %arg8[%swap3A_141, %swap3A_142] {strides = array<i32>} : memref<160x128xi32, #tpu.memory_space<vmem>>, vector<16xi32>,
      tpu.vector_store %arg8[%swap3A_141, %swap3A_142], %add3A_140 {strides = array<i32>} : memref<160x128xi32, #tpu.memory_space<vmem>>, vector<16xi32>,
      %get3A_144 = arith.index_cast %add3A_103 : i32 to index
      %get3A_145 = arith.constant 96 : index
      %get3A_146 = tpu.vector_load %arg6[%get3A_144, %get3A_145] {strides = array<i32>} : memref<160x128xi32, #tpu.memory_space<vmem>>, vector<16xi32>,
      %add3A_147 = arith.addi %get3A_146, %broadcast_in_dim3A_79 : vector<16xi32>
      %swap3A_148 = arith.index_cast %add3A_103 : i32 to index
      %swap3A_149 = arith.constant 96 : index
      %swap3A_150 = tpu.vector_load %arg8[%swap3A_148, %swap3A_149] {strides = array<i32>} : memref<160x128xi32, #tpu.memory_space<vmem>>, vector<16xi32>,
      tpu.vector_store %arg8[%swap3A_148, %swap3A_149], %add3A_147 {strides = array<i32>} : memref<160x128xi32, #tpu.memory_space<vmem>>, vector<16xi32>,
      %get3A_151 = arith.index_cast %add3A_103 : i32 to index
      %get3A_152 = arith.constant 112 : index
      %get3A_153 = tpu.vector_load %arg6[%get3A_151, %get3A_152] {strides = array<i32>} : memref<160x128xi32, #tpu.memory_space<vmem>>, vector<16xi32>,
      %add3A_154 = arith.addi %get3A_153, %broadcast_in_dim3A_79 : vector<16xi32>
      %swap3A_155 = arith.index_cast %add3A_103 : i32 to index
      %swap3A_156 = arith.constant 112 : index
      %swap3A_157 = tpu.vector_load %arg8[%swap3A_155, %swap3A_156] {strides = array<i32>} : memref<160x128xi32, #tpu.memory_space<vmem>>, vector<16xi32>,
      tpu.vector_store %arg8[%swap3A_155, %swap3A_156], %add3A_154 {strides = array<i32>} : memref<160x128xi32, #tpu.memory_space<vmem>>, vector<16xi32>,
    }
    %scan3A_84 = arith.constant 160 : i32
    %barrier3A_85 = arith.constant 0 : index
    tpu.barrier barrier_id(%barrier3A_85)
    %scan3A_86 = arith.constant 0 : i32
    %scan3A_87 = arith.constant 80 : i32
    %scan3A_88 = arith.addi %scan3A_86, %scan3A_87 : i32
    %scan3A_89 = arith.constant 1 : i32
    scf.for %scan3A_99 = %scan3A_86 to %scan3A_88 step %scan3A_89  : i32 {
      %mul3A_100 = arith.constant 2 : i32
      %mul3A_101 = arith.muli %scan3A_99, %mul3A_100 : i32
      %add3A_102 = arith.constant 0 : i32
      %add3A_103 = arith.addi %add3A_102, %mul3A_101 : i32
      %dma_start3A = arith.constant 0 : i32
      %dma_start3A_104 = tpu.memref_slice %arg8[%add3A_103, %dma_start3A] : memref<160x128xi32, #tpu.memory_space<vmem>> -> memref<1x128xi32, #tpu.memory_space<vmem>>
      %dma_start3A_105 = tpu.memref_squeeze %dma_start3A_104 : memref<1x128xi32, #tpu.memory_space<vmem>> -> memref<128xi32, #tpu.memory_space<vmem>>
      %dma_start3A_106 = arith.constant 0 : i32
      %dma_start3A_107 = arith.constant 0 : i32
      %dma_start3A_108 = tpu.memref_slice %arg2[%dma_start3A_106, %dma_start3A_107] : memref<40960x64xf32, #tpu.memory_space<hbm>> -> memref<40960x64xf32, #tpu.memory_space<hbm>>
      tpu.enqueue_indirect_dma source(%dma_start3A_108 : memref<40960x64xf32, #tpu.memory_space<hbm>>) target(%arg9 : memref<128x64xf32, #tpu.memory_space<vmem>>) offsets(%dma_start3A_105 : memref<128xi32, #tpu.memory_space<vmem>>) semaphore(%arg13 : memref<!tpu.dma_semaphore, #tpu.memory_space<semaphore_mem>>)
      %add3A_109 = arith.constant 1 : i32
      %add3A_110 = arith.addi %add3A_103, %add3A_109 : i32
      %dma_start3A_111 = arith.constant 0 : i32
      %dma_start3A_112 = tpu.memref_slice %arg8[%add3A_110, %dma_start3A_111] : memref<160x128xi32, #tpu.memory_space<vmem>> -> memref<1x128xi32, #tpu.memory_space<vmem>>
      %dma_start3A_113 = tpu.memref_squeeze %dma_start3A_112 : memref<1x128xi32, #tpu.memory_space<vmem>> -> memref<128xi32, #tpu.memory_space<vmem>>
      %dma_start3A_114 = arith.constant 0 : i32
      %dma_start3A_115 = arith.constant 0 : i32
      %dma_start3A_116 = tpu.memref_slice %arg2[%dma_start3A_114, %dma_start3A_115] : memref<40960x64xf32, #tpu.memory_space<hbm>> -> memref<40960x64xf32, #tpu.memory_space<hbm>>
      tpu.enqueue_indirect_dma source(%dma_start3A_116 : memref<40960x64xf32, #tpu.memory_space<hbm>>) target(%arg10 : memref<128x64xf32, #tpu.memory_space<vmem>>) offsets(%dma_start3A_113 : memref<128xi32, #tpu.memory_space<vmem>>) semaphore(%arg14 : memref<!tpu.dma_semaphore, #tpu.memory_space<semaphore_mem>>)
      %dma_wait3A = arith.constant 0 : i32
      %dma_wait3A_117 = tpu.memref_slice %arg8[%add3A_103, %dma_wait3A] : memref<160x128xi32, #tpu.memory_space<vmem>> -> memref<1x128xi32, #tpu.memory_space<vmem>>
      %dma_wait3A_118 = tpu.memref_squeeze %dma_wait3A_117 : memref<1x128xi32, #tpu.memory_space<vmem>> -> memref<128xi32, #tpu.memory_space<vmem>>
      %dma_wait3A_119 = arith.constant 0 : i32
      %dma_wait3A_120 = arith.constant 0 : i32
      %dma_wait3A_121 = tpu.memref_slice %arg2[%dma_wait3A_119, %dma_wait3A_120] : memref<40960x64xf32, #tpu.memory_space<hbm>> -> memref<40960x64xf32, #tpu.memory_space<hbm>>
      tpu.wait_indirect_dma semaphore(%arg13 : memref<!tpu.dma_semaphore, #tpu.memory_space<semaphore_mem>>) src(%dma_wait3A_121 : memref<40960x64xf32, #tpu.memory_space<hbm>>) dst(%arg9 : memref<128x64xf32, #tpu.memory_space<vmem>>)
      "tpu.region"() ({
        %run_scoped3A = tpu.sem_alloc : memref<!tpu.dma_semaphore, #tpu.memory_space<semaphore_mem>>
        %dma_start3A_130 = arith.constant 0 : i32
        %dma_start3A_131 = tpu.memref_slice %arg7[%add3A_103, %dma_start3A_130] : memref<160x128xi32, #tpu.memory_space<vmem>> -> memref<1x128xi32, #tpu.memory_space<vmem>>
        %dma_start3A_132 = tpu.memref_squeeze %dma_start3A_131 : memref<1x128xi32, #tpu.memory_space<vmem>> -> memref<128xi32, #tpu.memory_space<vmem>>
        %dma_start3A_133 = arith.constant 0 : i32
        %dma_start3A_134 = arith.constant 0 : i32
        %dma_start3A_135 = tpu.memref_slice %arg12[%dma_start3A_133, %dma_start3A_134] : memref<10496x64xf32, #tpu.memory_space<vmem_shared>> -> memref<10496x64xf32, #tpu.memory_space<vmem_shared>>
        tpu.enqueue_indirect_dma source(%arg9 : memref<128x64xf32, #tpu.memory_space<vmem>>) target(%dma_start3A_135 : memref<10496x64xf32, #tpu.memory_space<vmem_shared>>) offsets(%dma_start3A_132 : memref<128xi32, #tpu.memory_space<vmem>>) semaphore(%run_scoped3A : memref<!tpu.dma_semaphore, #tpu.memory_space<semaphore_mem>>) {add = true}
        %dma_wait3A_136 = arith.constant 0 : i32
        %dma_wait3A_137 = tpu.memref_slice %arg7[%add3A_103, %dma_wait3A_136] : memref<160x128xi32, #tpu.memory_space<vmem>> -> memref<1x128xi32, #tpu.memory_space<vmem>>
        %dma_wait3A_138 = tpu.memref_squeeze %dma_wait3A_137 : memref<1x128xi32, #tpu.memory_space<vmem>> -> memref<128xi32, #tpu.memory_space<vmem>>
        %dma_wait3A_139 = arith.constant 0 : i32
        %dma_wait3A_140 = arith.constant 0 : i32
        %dma_wait3A_141 = tpu.memref_slice %arg12[%dma_wait3A_139, %dma_wait3A_140] : memref<10496x64xf32, #tpu.memory_space<vmem_shared>> -> memref<10496x64xf32, #tpu.memory_space<vmem_shared>>
        tpu.wait_indirect_dma semaphore(%run_scoped3A : memref<!tpu.dma_semaphore, #tpu.memory_space<semaphore_mem>>) src(%arg9 : memref<128x64xf32, #tpu.memory_space<vmem>>) dst(%dma_wait3A_141 : memref<10496x64xf32, #tpu.memory_space<vmem_shared>>)
        tpu.yield
      }) : () -> ()
      %dma_wait3A_122 = arith.constant 0 : i32
      %dma_wait3A_123 = tpu.memref_slice %arg8[%add3A_110, %dma_wait3A_122] : memref<160x128xi32, #tpu.memory_space<vmem>> -> memref<1x128xi32, #tpu.memory_space<vmem>>
      %dma_wait3A_124 = tpu.memref_squeeze %dma_wait3A_123 : memref<1x128xi32, #tpu.memory_space<vmem>> -> memref<128xi32, #tpu.memory_space<vmem>>
      %dma_wait3A_125 = arith.constant 0 : i32
      %dma_wait3A_126 = arith.constant 0 : i32
      %dma_wait3A_127 = tpu.memref_slice %arg2[%dma_wait3A_125, %dma_wait3A_126] : memref<40960x64xf32, #tpu.memory_space<hbm>> -> memref<40960x64xf32, #tpu.memory_space<hbm>>
      tpu.wait_indirect_dma semaphore(%arg14 : memref<!tpu.dma_semaphore, #tpu.memory_space<semaphore_mem>>) src(%dma_wait3A_127 : memref<40960x64xf32, #tpu.memory_space<hbm>>) dst(%arg10 : memref<128x64xf32, #tpu.memory_space<vmem>>)
      %add3A_128 = arith.constant 1 : i32
      %add3A_129 = arith.addi %add3A_103, %add3A_128 : i32
      "tpu.region"() ({
        %run_scoped3A = tpu.sem_alloc : memref<!tpu.dma_semaphore, #tpu.memory_space<semaphore_mem>>
        %dma_start3A_130 = arith.constant 0 : i32
        %dma_start3A_131 = tpu.memref_slice %arg7[%add3A_129, %dma_start3A_130] : memref<160x128xi32, #tpu.memory_space<vmem>> -> memref<1x128xi32, #tpu.memory_space<vmem>>
        %dma_start3A_132 = tpu.memref_squeeze %dma_start3A_131 : memref<1x128xi32, #tpu.memory_space<vmem>> -> memref<128xi32, #tpu.memory_space<vmem>>
        %dma_start3A_133 = arith.constant 0 : i32
        %dma_start3A_134 = arith.constant 0 : i32
        %dma_start3A_135 = tpu.memref_slice %arg12[%dma_start3A_133, %dma_start3A_134] : memref<10496x64xf32, #tpu.memory_space<vmem_shared>> -> memref<10496x64xf32, #tpu.memory_space<vmem_shared>>
        tpu.enqueue_indirect_dma source(%arg10 : memref<128x64xf32, #tpu.memory_space<vmem>>) target(%dma_start3A_135 : memref<10496x64xf32, #tpu.memory_space<vmem_shared>>) offsets(%dma_start3A_132 : memref<128xi32, #tpu.memory_space<vmem>>) semaphore(%run_scoped3A : memref<!tpu.dma_semaphore, #tpu.memory_space<semaphore_mem>>) {add = true}
        %dma_wait3A_136 = arith.constant 0 : i32
        %dma_wait3A_137 = tpu.memref_slice %arg7[%add3A_129, %dma_wait3A_136] : memref<160x128xi32, #tpu.memory_space<vmem>> -> memref<1x128xi32, #tpu.memory_space<vmem>>
        %dma_wait3A_138 = tpu.memref_squeeze %dma_wait3A_137 : memref<1x128xi32, #tpu.memory_space<vmem>> -> memref<128xi32, #tpu.memory_space<vmem>>
        %dma_wait3A_139 = arith.constant 0 : i32
        %dma_wait3A_140 = arith.constant 0 : i32
        %dma_wait3A_141 = tpu.memref_slice %arg12[%dma_wait3A_139, %dma_wait3A_140] : memref<10496x64xf32, #tpu.memory_space<vmem_shared>> -> memref<10496x64xf32, #tpu.memory_space<vmem_shared>>
        tpu.wait_indirect_dma semaphore(%run_scoped3A : memref<!tpu.dma_semaphore, #tpu.memory_space<semaphore_mem>>) src(%arg10 : memref<128x64xf32, #tpu.memory_space<vmem>>) dst(%dma_wait3A_141 : memref<10496x64xf32, #tpu.memory_space<vmem_shared>>)
        tpu.yield
      }) : () -> ()
    }
    %scan3A_90 = arith.constant 80 : i32
    %barrier3A_91 = arith.constant 0 : index
    tpu.barrier barrier_id(%barrier3A_91)
    %mul3A_92 = arith.constant 640 : i32
    %mul3A_93 = arith.muli %arg1, %mul3A_92 : i32
    %mul3A_94 = arith.constant 10240 : i32
    %mul3A_95 = arith.muli %add3A_52, %mul3A_94 : i32
    %mul3A_96 = arith.constant 640 : i32
    %mul3A_97 = arith.muli %arg1, %mul3A_96 : i32
    %add3A_98 = arith.addi %mul3A_95, %mul3A_97 : i32
    "tpu.region"() ({
      %run_scoped3A = tpu.sem_alloc : memref<!tpu.dma_semaphore, #tpu.memory_space<semaphore_mem>>
      %dma_start3A = arith.constant 0 : i32
      %dma_start3A_99 = tpu.memref_slice %arg5[%add3A_98, %dma_start3A] : memref<40960x64xf32, #tpu.memory_space<hbm>> -> memref<640x64xf32, #tpu.memory_space<hbm>>
      %dma_start3A_100 = arith.constant 0 : i32
      %dma_start3A_101 = tpu.memref_slice %arg12[%mul3A_93, %dma_start3A_100] : memref<10496x64xf32, #tpu.memory_space<vmem_shared>> -> memref<640x64xf32, #tpu.memory_space<vmem_shared>>
      tpu.enqueue_dma source(%dma_start3A_101 : memref<640x64xf32, #tpu.memory_space<vmem_shared>>) target(%dma_start3A_99 : memref<640x64xf32, #tpu.memory_space<hbm>>) target_semaphore(%run_scoped3A : memref<!tpu.dma_semaphore, #tpu.memory_space<semaphore_mem>>)
      %dma_wait3A = arith.constant 0 : i32
      %dma_wait3A_102 = tpu.memref_slice %arg5[%add3A_98, %dma_wait3A] : memref<40960x64xf32, #tpu.memory_space<hbm>> -> memref<640x64xf32, #tpu.memory_space<hbm>>
      %dma_wait3A_103 = arith.constant 0 : i32
      %dma_wait3A_104 = tpu.memref_slice %arg12[%mul3A_93, %dma_wait3A_103] : memref<10496x64xf32, #tpu.memory_space<vmem_shared>> -> memref<640x64xf32, #tpu.memory_space<vmem_shared>>
      tpu.wait_dma2 semaphore(%run_scoped3A : memref<!tpu.dma_semaphore, #tpu.memory_space<semaphore_mem>>) src(%dma_wait3A_104 : memref<640x64xf32, #tpu.memory_space<vmem_shared>>) dst(%dma_wait3A_102 : memref<640x64xf32, #tpu.memory_space<hbm>>)
      tpu.yield
    }) : () -> ()
    return
  }
}

#map = affine_map<(d0, d1) -> (0, 0)>
module attributes {stable_mosaic.version = 14 : i64} {
  func.func @_seg_body(%arg0: i32, %arg1: i32, %arg2: memref<81920x64xf32, #tpu.memory_space<hbm>>, %arg3: memref<2560x128xi32, #tpu.memory_space<hbm>>, %arg4: memref<2560x128xi32, #tpu.memory_space<hbm>>, %arg5: memref<81920x64xf32, #tpu.memory_space<hbm>>, %arg6: memref<160x128xi32, #tpu.memory_space<vmem>>, %arg7: memref<160x128xi32, #tpu.memory_space<vmem>>, %arg8: memref<160x128xi32, #tpu.memory_space<vmem>>, %arg9: memref<128x64xf32, #tpu.memory_space<vmem>>, %arg10: memref<128x64xf32, #tpu.memory_space<vmem>>, %arg11: memref<128x64xf32, #tpu.memory_space<vmem>>, %arg12: memref<10496x64xf32, #tpu.memory_space<vmem_shared>>, %arg13: memref<!tpu.dma_semaphore, #tpu.memory_space<semaphore_mem>>, %arg14: memref<!tpu.dma_semaphore, #tpu.memory_space<semaphore_mem>>) attributes {dimension_semantics = [#tpu.dimension_semantics<core_parallel>, #tpu.dimension_semantics<subcore_parallel>], iteration_bounds = array<i64: 2, 16>, scalar_prefetch = 0 : i64, scratch_operands = 9 : i64, tpu.core_type = #tpu.core_type<sc_vector_subcore>, window_params = [{transform_indices = #map}, {transform_indices = #map}, {transform_indices = #map}, {transform_indices = #map}]} {
    %mul3A = arith.constant 160 : i32
    %mul3A_0 = arith.muli %arg1, %mul3A : i32
    "tpu.region"() ({
      %run_scoped3A = tpu.sem_alloc : memref<!tpu.dma_semaphore, #tpu.memory_space<semaphore_mem>>
      %dma_start3A = arith.constant 0 : i32
      %dma_start3A_197 = tpu.memref_slice %arg3[%mul3A_0, %dma_start3A] : memref<2560x128xi32, #tpu.memory_space<hbm>> -> memref<160x128xi32, #tpu.memory_space<hbm>>
      %dma_start3A_198 = arith.constant 0 : i32
      %dma_start3A_199 = tpu.memref_slice %arg3[%mul3A_0, %dma_start3A_198] : memref<2560x128xi32, #tpu.memory_space<hbm>> -> memref<160x128xi32, #tpu.memory_space<hbm>>
      tpu.enqueue_dma source(%dma_start3A_199 : memref<160x128xi32, #tpu.memory_space<hbm>>) target(%arg6 : memref<160x128xi32, #tpu.memory_space<vmem>>) target_semaphore(%run_scoped3A : memref<!tpu.dma_semaphore, #tpu.memory_space<semaphore_mem>>)
      %dma_wait3A = arith.constant 0 : i32
      %dma_wait3A_200 = tpu.memref_slice %arg3[%mul3A_0, %dma_wait3A] : memref<2560x128xi32, #tpu.memory_space<hbm>> -> memref<160x128xi32, #tpu.memory_space<hbm>>
      %dma_wait3A_201 = arith.constant 0 : i32
      %dma_wait3A_202 = tpu.memref_slice %arg3[%mul3A_0, %dma_wait3A_201] : memref<2560x128xi32, #tpu.memory_space<hbm>> -> memref<160x128xi32, #tpu.memory_space<hbm>>
      tpu.wait_dma2 semaphore(%run_scoped3A : memref<!tpu.dma_semaphore, #tpu.memory_space<semaphore_mem>>) src(%dma_wait3A_202 : memref<160x128xi32, #tpu.memory_space<hbm>>) dst(%arg6 : memref<160x128xi32, #tpu.memory_space<vmem>>)
      tpu.yield
    }) : () -> ()
    "tpu.region"() ({
      %run_scoped3A = tpu.sem_alloc : memref<!tpu.dma_semaphore, #tpu.memory_space<semaphore_mem>>
      %dma_start3A = arith.constant 0 : i32
      %dma_start3A_197 = tpu.memref_slice %arg4[%mul3A_0, %dma_start3A] : memref<2560x128xi32, #tpu.memory_space<hbm>> -> memref<160x128xi32, #tpu.memory_space<hbm>>
      %dma_start3A_198 = arith.constant 0 : i32
      %dma_start3A_199 = tpu.memref_slice %arg4[%mul3A_0, %dma_start3A_198] : memref<2560x128xi32, #tpu.memory_space<hbm>> -> memref<160x128xi32, #tpu.memory_space<hbm>>
      tpu.enqueue_dma source(%dma_start3A_199 : memref<160x128xi32, #tpu.memory_space<hbm>>) target(%arg7 : memref<160x128xi32, #tpu.memory_space<vmem>>) target_semaphore(%run_scoped3A : memref<!tpu.dma_semaphore, #tpu.memory_space<semaphore_mem>>)
      %dma_wait3A = arith.constant 0 : i32
      %dma_wait3A_200 = tpu.memref_slice %arg4[%mul3A_0, %dma_wait3A] : memref<2560x128xi32, #tpu.memory_space<hbm>> -> memref<160x128xi32, #tpu.memory_space<hbm>>
      %dma_wait3A_201 = arith.constant 0 : i32
      %dma_wait3A_202 = tpu.memref_slice %arg4[%mul3A_0, %dma_wait3A_201] : memref<2560x128xi32, #tpu.memory_space<hbm>> -> memref<160x128xi32, #tpu.memory_space<hbm>>
      tpu.wait_dma2 semaphore(%run_scoped3A : memref<!tpu.dma_semaphore, #tpu.memory_space<semaphore_mem>>) src(%dma_wait3A_202 : memref<160x128xi32, #tpu.memory_space<hbm>>) dst(%arg7 : memref<160x128xi32, #tpu.memory_space<vmem>>)
      tpu.yield
    }) : () -> ()
    %scan3A = arith.constant 0 : i32
    %scan3A_1 = arith.constant 128 : i32
    %scan3A_2 = arith.addi %scan3A, %scan3A_1 : i32
    %scan3A_3 = arith.constant 1 : i32
    scf.for %scan3A_197 = %scan3A to %scan3A_2 step %scan3A_3  : i32 {
      %mul3A_198 = arith.constant 1 : i32
      %mul3A_199 = arith.muli %scan3A_197, %mul3A_198 : i32
      %add3A_200 = arith.constant 0 : i32
      %add3A_201 = arith.addi %add3A_200, %mul3A_199 : i32
      %broadcast_in_dim3A_202 = arith.constant 0.000000e+00 : f32
      %broadcast_in_dim3A_203 = vector.broadcast %broadcast_in_dim3A_202 : f32 to vector<16xf32>
      %swap3A = arith.index_cast %add3A_201 : i32 to index
      %swap3A_204 = arith.constant 0 : index
      %swap3A_205 = tpu.vector_load %arg11[%swap3A, %swap3A_204] {strides = array<i32>} : memref<128x64xf32, #tpu.memory_space<vmem>>, vector<16xf32>,
      tpu.vector_store %arg11[%swap3A, %swap3A_204], %broadcast_in_dim3A_203 {strides = array<i32>} : memref<128x64xf32, #tpu.memory_space<vmem>>, vector<16xf32>,
      %broadcast_in_dim3A_206 = arith.constant 0.000000e+00 : f32
      %broadcast_in_dim3A_207 = vector.broadcast %broadcast_in_dim3A_206 : f32 to vector<16xf32>
      %swap3A_208 = arith.index_cast %add3A_201 : i32 to index
      %swap3A_209 = arith.constant 16 : index
      %swap3A_210 = tpu.vector_load %arg11[%swap3A_208, %swap3A_209] {strides = array<i32>} : memref<128x64xf32, #tpu.memory_space<vmem>>, vector<16xf32>,
      tpu.vector_store %arg11[%swap3A_208, %swap3A_209], %broadcast_in_dim3A_207 {strides = array<i32>} : memref<128x64xf32, #tpu.memory_space<vmem>>, vector<16xf32>,
      %broadcast_in_dim3A_211 = arith.constant 0.000000e+00 : f32
      %broadcast_in_dim3A_212 = vector.broadcast %broadcast_in_dim3A_211 : f32 to vector<16xf32>
      %swap3A_213 = arith.index_cast %add3A_201 : i32 to index
      %swap3A_214 = arith.constant 32 : index
      %swap3A_215 = tpu.vector_load %arg11[%swap3A_213, %swap3A_214] {strides = array<i32>} : memref<128x64xf32, #tpu.memory_space<vmem>>, vector<16xf32>,
      tpu.vector_store %arg11[%swap3A_213, %swap3A_214], %broadcast_in_dim3A_212 {strides = array<i32>} : memref<128x64xf32, #tpu.memory_space<vmem>>, vector<16xf32>,
      %broadcast_in_dim3A_216 = arith.constant 0.000000e+00 : f32
      %broadcast_in_dim3A_217 = vector.broadcast %broadcast_in_dim3A_216 : f32 to vector<16xf32>
      %swap3A_218 = arith.index_cast %add3A_201 : i32 to index
      %swap3A_219 = arith.constant 48 : index
      %swap3A_220 = tpu.vector_load %arg11[%swap3A_218, %swap3A_219] {strides = array<i32>} : memref<128x64xf32, #tpu.memory_space<vmem>>, vector<16xf32>,
      tpu.vector_store %arg11[%swap3A_218, %swap3A_219], %broadcast_in_dim3A_217 {strides = array<i32>} : memref<128x64xf32, #tpu.memory_space<vmem>>, vector<16xf32>,
    }
    %scan3A_4 = arith.constant 128 : i32
    %add3A = arith.constant 0 : i32
    %add3A_5 = arith.addi %arg0, %add3A : i32
    %mul3A_6 = arith.constant 656 : i32
    %mul3A_7 = arith.muli %arg1, %mul3A_6 : i32
    %add3A_8 = arith.constant 0 : i32
    %add3A_9 = arith.addi %mul3A_7, %add3A_8 : i32
    "tpu.region"() ({
      %run_scoped3A = tpu.sem_alloc : memref<!tpu.dma_semaphore, #tpu.memory_space<semaphore_mem>>
      %dma_start3A = arith.constant 0 : i32
      %dma_start3A_197 = tpu.memref_slice %arg12[%add3A_9, %dma_start3A] : memref<10496x64xf32, #tpu.memory_space<vmem_shared>> -> memref<128x64xf32, #tpu.memory_space<vmem_shared>>
      %dma_start3A_198 = arith.constant 0 : i32
      %dma_start3A_199 = tpu.memref_slice %arg12[%add3A_9, %dma_start3A_198] : memref<10496x64xf32, #tpu.memory_space<vmem_shared>> -> memref<128x64xf32, #tpu.memory_space<vmem_shared>>
      tpu.enqueue_dma source(%arg11 : memref<128x64xf32, #tpu.memory_space<vmem>>) target(%dma_start3A_199 : memref<128x64xf32, #tpu.memory_space<vmem_shared>>) target_semaphore(%run_scoped3A : memref<!tpu.dma_semaphore, #tpu.memory_space<semaphore_mem>>)
      %dma_wait3A = arith.constant 0 : i32
      %dma_wait3A_200 = tpu.memref_slice %arg12[%add3A_9, %dma_wait3A] : memref<10496x64xf32, #tpu.memory_space<vmem_shared>> -> memref<128x64xf32, #tpu.memory_space<vmem_shared>>
      %dma_wait3A_201 = arith.constant 0 : i32
      %dma_wait3A_202 = tpu.memref_slice %arg12[%add3A_9, %dma_wait3A_201] : memref<10496x64xf32, #tpu.memory_space<vmem_shared>> -> memref<128x64xf32, #tpu.memory_space<vmem_shared>>
      tpu.wait_dma2 semaphore(%run_scoped3A : memref<!tpu.dma_semaphore, #tpu.memory_space<semaphore_mem>>) src(%arg11 : memref<128x64xf32, #tpu.memory_space<vmem>>) dst(%dma_wait3A_202 : memref<128x64xf32, #tpu.memory_space<vmem_shared>>)
      tpu.yield
    }) : () -> ()
    %mul3A_10 = arith.constant 656 : i32
    %mul3A_11 = arith.muli %arg1, %mul3A_10 : i32
    %add3A_12 = arith.constant 128 : i32
    %add3A_13 = arith.addi %mul3A_11, %add3A_12 : i32
    "tpu.region"() ({
      %run_scoped3A = tpu.sem_alloc : memref<!tpu.dma_semaphore, #tpu.memory_space<semaphore_mem>>
      %dma_start3A = arith.constant 0 : i32
      %dma_start3A_197 = tpu.memref_slice %arg12[%add3A_13, %dma_start3A] : memref<10496x64xf32, #tpu.memory_space<vmem_shared>> -> memref<128x64xf32, #tpu.memory_space<vmem_shared>>
      %dma_start3A_198 = arith.constant 0 : i32
      %dma_start3A_199 = tpu.memref_slice %arg12[%add3A_13, %dma_start3A_198] : memref<10496x64xf32, #tpu.memory_space<vmem_shared>> -> memref<128x64xf32, #tpu.memory_space<vmem_shared>>
      tpu.enqueue_dma source(%arg11 : memref<128x64xf32, #tpu.memory_space<vmem>>) target(%dma_start3A_199 : memref<128x64xf32, #tpu.memory_space<vmem_shared>>) target_semaphore(%run_scoped3A : memref<!tpu.dma_semaphore, #tpu.memory_space<semaphore_mem>>)
      %dma_wait3A = arith.constant 0 : i32
      %dma_wait3A_200 = tpu.memref_slice %arg12[%add3A_13, %dma_wait3A] : memref<10496x64xf32, #tpu.memory_space<vmem_shared>> -> memref<128x64xf32, #tpu.memory_space<vmem_shared>>
      %dma_wait3A_201 = arith.constant 0 : i32
      %dma_wait3A_202 = tpu.memref_slice %arg12[%add3A_13, %dma_wait3A_201] : memref<10496x64xf32, #tpu.memory_space<vmem_shared>> -> memref<128x64xf32, #tpu.memory_space<vmem_shared>>
      tpu.wait_dma2 semaphore(%run_scoped3A : memref<!tpu.dma_semaphore, #tpu.memory_space<semaphore_mem>>) src(%arg11 : memref<128x64xf32, #tpu.memory_space<vmem>>) dst(%dma_wait3A_202 : memref<128x64xf32, #tpu.memory_space<vmem_shared>>)
      tpu.yield
    }) : () -> ()
    %mul3A_14 = arith.constant 656 : i32
    %mul3A_15 = arith.muli %arg1, %mul3A_14 : i32
    %add3A_16 = arith.constant 256 : i32
    %add3A_17 = arith.addi %mul3A_15, %add3A_16 : i32
    "tpu.region"() ({
      %run_scoped3A = tpu.sem_alloc : memref<!tpu.dma_semaphore, #tpu.memory_space<semaphore_mem>>
      %dma_start3A = arith.constant 0 : i32
      %dma_start3A_197 = tpu.memref_slice %arg12[%add3A_17, %dma_start3A] : memref<10496x64xf32, #tpu.memory_space<vmem_shared>> -> memref<128x64xf32, #tpu.memory_space<vmem_shared>>
      %dma_start3A_198 = arith.constant 0 : i32
      %dma_start3A_199 = tpu.memref_slice %arg12[%add3A_17, %dma_start3A_198] : memref<10496x64xf32, #tpu.memory_space<vmem_shared>> -> memref<128x64xf32, #tpu.memory_space<vmem_shared>>
      tpu.enqueue_dma source(%arg11 : memref<128x64xf32, #tpu.memory_space<vmem>>) target(%dma_start3A_199 : memref<128x64xf32, #tpu.memory_space<vmem_shared>>) target_semaphore(%run_scoped3A : memref<!tpu.dma_semaphore, #tpu.memory_space<semaphore_mem>>)
      %dma_wait3A = arith.constant 0 : i32
      %dma_wait3A_200 = tpu.memref_slice %arg12[%add3A_17, %dma_wait3A] : memref<10496x64xf32, #tpu.memory_space<vmem_shared>> -> memref<128x64xf32, #tpu.memory_space<vmem_shared>>
      %dma_wait3A_201 = arith.constant 0 : i32
      %dma_wait3A_202 = tpu.memref_slice %arg12[%add3A_17, %dma_wait3A_201] : memref<10496x64xf32, #tpu.memory_space<vmem_shared>> -> memref<128x64xf32, #tpu.memory_space<vmem_shared>>
      tpu.wait_dma2 semaphore(%run_scoped3A : memref<!tpu.dma_semaphore, #tpu.memory_space<semaphore_mem>>) src(%arg11 : memref<128x64xf32, #tpu.memory_space<vmem>>) dst(%dma_wait3A_202 : memref<128x64xf32, #tpu.memory_space<vmem_shared>>)
      tpu.yield
    }) : () -> ()
    %mul3A_18 = arith.constant 656 : i32
    %mul3A_19 = arith.muli %arg1, %mul3A_18 : i32
    %add3A_20 = arith.constant 384 : i32
    %add3A_21 = arith.addi %mul3A_19, %add3A_20 : i32
    "tpu.region"() ({
      %run_scoped3A = tpu.sem_alloc : memref<!tpu.dma_semaphore, #tpu.memory_space<semaphore_mem>>
      %dma_start3A = arith.constant 0 : i32
      %dma_start3A_197 = tpu.memref_slice %arg12[%add3A_21, %dma_start3A] : memref<10496x64xf32, #tpu.memory_space<vmem_shared>> -> memref<128x64xf32, #tpu.memory_space<vmem_shared>>
      %dma_start3A_198 = arith.constant 0 : i32
      %dma_start3A_199 = tpu.memref_slice %arg12[%add3A_21, %dma_start3A_198] : memref<10496x64xf32, #tpu.memory_space<vmem_shared>> -> memref<128x64xf32, #tpu.memory_space<vmem_shared>>
      tpu.enqueue_dma source(%arg11 : memref<128x64xf32, #tpu.memory_space<vmem>>) target(%dma_start3A_199 : memref<128x64xf32, #tpu.memory_space<vmem_shared>>) target_semaphore(%run_scoped3A : memref<!tpu.dma_semaphore, #tpu.memory_space<semaphore_mem>>)
      %dma_wait3A = arith.constant 0 : i32
      %dma_wait3A_200 = tpu.memref_slice %arg12[%add3A_21, %dma_wait3A] : memref<10496x64xf32, #tpu.memory_space<vmem_shared>> -> memref<128x64xf32, #tpu.memory_space<vmem_shared>>
      %dma_wait3A_201 = arith.constant 0 : i32
      %dma_wait3A_202 = tpu.memref_slice %arg12[%add3A_21, %dma_wait3A_201] : memref<10496x64xf32, #tpu.memory_space<vmem_shared>> -> memref<128x64xf32, #tpu.memory_space<vmem_shared>>
      tpu.wait_dma2 semaphore(%run_scoped3A : memref<!tpu.dma_semaphore, #tpu.memory_space<semaphore_mem>>) src(%arg11 : memref<128x64xf32, #tpu.memory_space<vmem>>) dst(%dma_wait3A_202 : memref<128x64xf32, #tpu.memory_space<vmem_shared>>)
      tpu.yield
    }) : () -> ()
    %mul3A_22 = arith.constant 656 : i32
    %mul3A_23 = arith.muli %arg1, %mul3A_22 : i32
    %add3A_24 = arith.constant 512 : i32
    %add3A_25 = arith.addi %mul3A_23, %add3A_24 : i32
    "tpu.region"() ({
      %run_scoped3A = tpu.sem_alloc : memref<!tpu.dma_semaphore, #tpu.memory_space<semaphore_mem>>
      %dma_start3A = arith.constant 0 : i32
      %dma_start3A_197 = tpu.memref_slice %arg12[%add3A_25, %dma_start3A] : memref<10496x64xf32, #tpu.memory_space<vmem_shared>> -> memref<128x64xf32, #tpu.memory_space<vmem_shared>>
      %dma_start3A_198 = arith.constant 0 : i32
      %dma_start3A_199 = tpu.memref_slice %arg12[%add3A_25, %dma_start3A_198] : memref<10496x64xf32, #tpu.memory_space<vmem_shared>> -> memref<128x64xf32, #tpu.memory_space<vmem_shared>>
      tpu.enqueue_dma source(%arg11 : memref<128x64xf32, #tpu.memory_space<vmem>>) target(%dma_start3A_199 : memref<128x64xf32, #tpu.memory_space<vmem_shared>>) target_semaphore(%run_scoped3A : memref<!tpu.dma_semaphore, #tpu.memory_space<semaphore_mem>>)
      %dma_wait3A = arith.constant 0 : i32
      %dma_wait3A_200 = tpu.memref_slice %arg12[%add3A_25, %dma_wait3A] : memref<10496x64xf32, #tpu.memory_space<vmem_shared>> -> memref<128x64xf32, #tpu.memory_space<vmem_shared>>
      %dma_wait3A_201 = arith.constant 0 : i32
      %dma_wait3A_202 = tpu.memref_slice %arg12[%add3A_25, %dma_wait3A_201] : memref<10496x64xf32, #tpu.memory_space<vmem_shared>> -> memref<128x64xf32, #tpu.memory_space<vmem_shared>>
      tpu.wait_dma2 semaphore(%run_scoped3A : memref<!tpu.dma_semaphore, #tpu.memory_space<semaphore_mem>>) src(%arg11 : memref<128x64xf32, #tpu.memory_space<vmem>>) dst(%dma_wait3A_202 : memref<128x64xf32, #tpu.memory_space<vmem_shared>>)
      tpu.yield
    }) : () -> ()
    %mul3A_26 = arith.constant 656 : i32
    %mul3A_27 = arith.muli %arg1, %mul3A_26 : i32
    %add3A_28 = arith.constant 640 : i32
    %add3A_29 = arith.addi %mul3A_27, %add3A_28 : i32
    "tpu.region"() ({
      %run_scoped3A = tpu.sem_alloc : memref<!tpu.dma_semaphore, #tpu.memory_space<semaphore_mem>>
      %dma_start3A = arith.constant 0 : i32
      %dma_start3A_197 = arith.constant 0 : i32
      %dma_start3A_198 = tpu.memref_slice %arg11[%dma_start3A, %dma_start3A_197] : memref<128x64xf32, #tpu.memory_space<vmem>> -> memref<16x64xf32, #tpu.memory_space<vmem>>
      %dma_start3A_199 = arith.constant 0 : i32
      %dma_start3A_200 = tpu.memref_slice %arg12[%add3A_29, %dma_start3A_199] : memref<10496x64xf32, #tpu.memory_space<vmem_shared>> -> memref<16x64xf32, #tpu.memory_space<vmem_shared>>
      %dma_start3A_201 = arith.constant 0 : i32
      %dma_start3A_202 = tpu.memref_slice %arg12[%add3A_29, %dma_start3A_201] : memref<10496x64xf32, #tpu.memory_space<vmem_shared>> -> memref<16x64xf32, #tpu.memory_space<vmem_shared>>
      %dma_start3A_203 = arith.constant 0 : i32
      %dma_start3A_204 = arith.constant 0 : i32
      %dma_start3A_205 = tpu.memref_slice %arg11[%dma_start3A_203, %dma_start3A_204] : memref<128x64xf32, #tpu.memory_space<vmem>> -> memref<16x64xf32, #tpu.memory_space<vmem>>
      tpu.enqueue_dma source(%dma_start3A_205 : memref<16x64xf32, #tpu.memory_space<vmem>>) target(%dma_start3A_202 : memref<16x64xf32, #tpu.memory_space<vmem_shared>>) target_semaphore(%run_scoped3A : memref<!tpu.dma_semaphore, #tpu.memory_space<semaphore_mem>>)
      %dma_wait3A = arith.constant 0 : i32
      %dma_wait3A_206 = arith.constant 0 : i32
      %dma_wait3A_207 = tpu.memref_slice %arg11[%dma_wait3A, %dma_wait3A_206] : memref<128x64xf32, #tpu.memory_space<vmem>> -> memref<16x64xf32, #tpu.memory_space<vmem>>
      %dma_wait3A_208 = arith.constant 0 : i32
      %dma_wait3A_209 = tpu.memref_slice %arg12[%add3A_29, %dma_wait3A_208] : memref<10496x64xf32, #tpu.memory_space<vmem_shared>> -> memref<16x64xf32, #tpu.memory_space<vmem_shared>>
      %dma_wait3A_210 = arith.constant 0 : i32
      %dma_wait3A_211 = tpu.memref_slice %arg12[%add3A_29, %dma_wait3A_210] : memref<10496x64xf32, #tpu.memory_space<vmem_shared>> -> memref<16x64xf32, #tpu.memory_space<vmem_shared>>
      %dma_wait3A_212 = arith.constant 0 : i32
      %dma_wait3A_213 = arith.constant 0 : i32
      %dma_wait3A_214 = tpu.memref_slice %arg11[%dma_wait3A_212, %dma_wait3A_213] : memref<128x64xf32, #tpu.memory_space<vmem>> -> memref<16x64xf32, #tpu.memory_space<vmem>>
      tpu.wait_dma2 semaphore(%run_scoped3A : memref<!tpu.dma_semaphore, #tpu.memory_space<semaphore_mem>>) src(%dma_wait3A_214 : memref<16x64xf32, #tpu.memory_space<vmem>>) dst(%dma_wait3A_211 : memref<16x64xf32, #tpu.memory_space<vmem_shared>>)
      tpu.yield
    }) : () -> ()
    %mul3A_30 = arith.constant 10240 : i32
    %mul3A_31 = arith.muli %add3A_5, %mul3A_30 : i32
    %broadcast_in_dim3A = vector.broadcast %mul3A_31 : i32 to vector<16xi32>
    %scan3A_32 = arith.constant 0 : i32
    %scan3A_33 = arith.constant 160 : i32
    %scan3A_34 = arith.addi %scan3A_32, %scan3A_33 : i32
    %scan3A_35 = arith.constant 1 : i32
    scf.for %scan3A_197 = %scan3A_32 to %scan3A_34 step %scan3A_35  : i32 {
      %mul3A_198 = arith.constant 1 : i32
      %mul3A_199 = arith.muli %scan3A_197, %mul3A_198 : i32
      %add3A_200 = arith.constant 0 : i32
      %add3A_201 = arith.addi %add3A_200, %mul3A_199 : i32
      %get3A = arith.index_cast %add3A_201 : i32 to index
      %get3A_202 = arith.constant 0 : index
      %get3A_203 = tpu.vector_load %arg6[%get3A, %get3A_202] {strides = array<i32>} : memref<160x128xi32, #tpu.memory_space<vmem>>, vector<16xi32>,
      %add3A_204 = arith.addi %get3A_203, %broadcast_in_dim3A : vector<16xi32>
      %swap3A = arith.index_cast %add3A_201 : i32 to index
      %swap3A_205 = arith.constant 0 : index
      %swap3A_206 = tpu.vector_load %arg8[%swap3A, %swap3A_205] {strides = array<i32>} : memref<160x128xi32, #tpu.memory_space<vmem>>, vector<16xi32>,
      tpu.vector_store %arg8[%swap3A, %swap3A_205], %add3A_204 {strides = array<i32>} : memref<160x128xi32, #tpu.memory_space<vmem>>, vector<16xi32>,
      %get3A_207 = arith.index_cast %add3A_201 : i32 to index
      %get3A_208 = arith.constant 16 : index
      %get3A_209 = tpu.vector_load %arg6[%get3A_207, %get3A_208] {strides = array<i32>} : memref<160x128xi32, #tpu.memory_space<vmem>>, vector<16xi32>,
      %add3A_210 = arith.addi %get3A_209, %broadcast_in_dim3A : vector<16xi32>
      %swap3A_211 = arith.index_cast %add3A_201 : i32 to index
      %swap3A_212 = arith.constant 16 : index
      %swap3A_213 = tpu.vector_load %arg8[%swap3A_211, %swap3A_212] {strides = array<i32>} : memref<160x128xi32, #tpu.memory_space<vmem>>, vector<16xi32>,
      tpu.vector_store %arg8[%swap3A_211, %swap3A_212], %add3A_210 {strides = array<i32>} : memref<160x128xi32, #tpu.memory_space<vmem>>, vector<16xi32>,
      %get3A_214 = arith.index_cast %add3A_201 : i32 to index
      %get3A_215 = arith.constant 32 : index
      %get3A_216 = tpu.vector_load %arg6[%get3A_214, %get3A_215] {strides = array<i32>} : memref<160x128xi32, #tpu.memory_space<vmem>>, vector<16xi32>,
      %add3A_217 = arith.addi %get3A_216, %broadcast_in_dim3A : vector<16xi32>
      %swap3A_218 = arith.index_cast %add3A_201 : i32 to index
      %swap3A_219 = arith.constant 32 : index
      %swap3A_220 = tpu.vector_load %arg8[%swap3A_218, %swap3A_219] {strides = array<i32>} : memref<160x128xi32, #tpu.memory_space<vmem>>, vector<16xi32>,
      tpu.vector_store %arg8[%swap3A_218, %swap3A_219], %add3A_217 {strides = array<i32>} : memref<160x128xi32, #tpu.memory_space<vmem>>, vector<16xi32>,
      %get3A_221 = arith.index_cast %add3A_201 : i32 to index
      %get3A_222 = arith.constant 48 : index
      %get3A_223 = tpu.vector_load %arg6[%get3A_221, %get3A_222] {strides = array<i32>} : memref<160x128xi32, #tpu.memory_space<vmem>>, vector<16xi32>,
      %add3A_224 = arith.addi %get3A_223, %broadcast_in_dim3A : vector<16xi32>
      %swap3A_225 = arith.index_cast %add3A_201 : i32 to index
      %swap3A_226 = arith.constant 48 : index
      %swap3A_227 = tpu.vector_load %arg8[%swap3A_225, %swap3A_226] {strides = array<i32>} : memref<160x128xi32, #tpu.memory_space<vmem>>, vector<16xi32>,
      tpu.vector_store %arg8[%swap3A_225, %swap3A_226], %add3A_224 {strides = array<i32>} : memref<160x128xi32, #tpu.memory_space<vmem>>, vector<16xi32>,
      %get3A_228 = arith.index_cast %add3A_201 : i32 to index
      %get3A_229 = arith.constant 64 : index
      %get3A_230 = tpu.vector_load %arg6[%get3A_228, %get3A_229] {strides = array<i32>} : memref<160x128xi32, #tpu.memory_space<vmem>>, vector<16xi32>,
      %add3A_231 = arith.addi %get3A_230, %broadcast_in_dim3A : vector<16xi32>
      %swap3A_232 = arith.index_cast %add3A_201 : i32 to index
      %swap3A_233 = arith.constant 64 : index
      %swap3A_234 = tpu.vector_load %arg8[%swap3A_232, %swap3A_233] {strides = array<i32>} : memref<160x128xi32, #tpu.memory_space<vmem>>, vector<16xi32>,
      tpu.vector_store %arg8[%swap3A_232, %swap3A_233], %add3A_231 {strides = array<i32>} : memref<160x128xi32, #tpu.memory_space<vmem>>, vector<16xi32>,
      %get3A_235 = arith.index_cast %add3A_201 : i32 to index
      %get3A_236 = arith.constant 80 : index
      %get3A_237 = tpu.vector_load %arg6[%get3A_235, %get3A_236] {strides = array<i32>} : memref<160x128xi32, #tpu.memory_space<vmem>>, vector<16xi32>,
      %add3A_238 = arith.addi %get3A_237, %broadcast_in_dim3A : vector<16xi32>
      %swap3A_239 = arith.index_cast %add3A_201 : i32 to index
      %swap3A_240 = arith.constant 80 : index
      %swap3A_241 = tpu.vector_load %arg8[%swap3A_239, %swap3A_240] {strides = array<i32>} : memref<160x128xi32, #tpu.memory_space<vmem>>, vector<16xi32>,
      tpu.vector_store %arg8[%swap3A_239, %swap3A_240], %add3A_238 {strides = array<i32>} : memref<160x128xi32, #tpu.memory_space<vmem>>, vector<16xi32>,
      %get3A_242 = arith.index_cast %add3A_201 : i32 to index
      %get3A_243 = arith.constant 96 : index
      %get3A_244 = tpu.vector_load %arg6[%get3A_242, %get3A_243] {strides = array<i32>} : memref<160x128xi32, #tpu.memory_space<vmem>>, vector<16xi32>,
      %add3A_245 = arith.addi %get3A_244, %broadcast_in_dim3A : vector<16xi32>
      %swap3A_246 = arith.index_cast %add3A_201 : i32 to index
      %swap3A_247 = arith.constant 96 : index
      %swap3A_248 = tpu.vector_load %arg8[%swap3A_246, %swap3A_247] {strides = array<i32>} : memref<160x128xi32, #tpu.memory_space<vmem>>, vector<16xi32>,
      tpu.vector_store %arg8[%swap3A_246, %swap3A_247], %add3A_245 {strides = array<i32>} : memref<160x128xi32, #tpu.memory_space<vmem>>, vector<16xi32>,
      %get3A_249 = arith.index_cast %add3A_201 : i32 to index
      %get3A_250 = arith.constant 112 : index
      %get3A_251 = tpu.vector_load %arg6[%get3A_249, %get3A_250] {strides = array<i32>} : memref<160x128xi32, #tpu.memory_space<vmem>>, vector<16xi32>,
      %add3A_252 = arith.addi %get3A_251, %broadcast_in_dim3A : vector<16xi32>
      %swap3A_253 = arith.index_cast %add3A_201 : i32 to index
      %swap3A_254 = arith.constant 112 : index
      %swap3A_255 = tpu.vector_load %arg8[%swap3A_253, %swap3A_254] {strides = array<i32>} : memref<160x128xi32, #tpu.memory_space<vmem>>, vector<16xi32>,
      tpu.vector_store %arg8[%swap3A_253, %swap3A_254], %add3A_252 {strides = array<i32>} : memref<160x128xi32, #tpu.memory_space<vmem>>, vector<16xi32>,
    }
    %scan3A_36 = arith.constant 160 : i32
    %barrier3A = arith.constant 0 : index
    tpu.barrier barrier_id(%barrier3A)
    %scan3A_37 = arith.constant 0 : i32
    %scan3A_38 = arith.constant 80 : i32
    %scan3A_39 = arith.addi %scan3A_37, %scan3A_38 : i32
    %scan3A_40 = arith.constant 1 : i32
    scf.for %scan3A_197 = %scan3A_37 to %scan3A_39 step %scan3A_40  : i32 {
      %mul3A_198 = arith.constant 2 : i32
      %mul3A_199 = arith.muli %scan3A_197, %mul3A_198 : i32
      %add3A_200 = arith.constant 0 : i32
      %add3A_201 = arith.addi %add3A_200, %mul3A_199 : i32
      %dma_start3A = arith.constant 0 : i32
      %dma_start3A_202 = tpu.memref_slice %arg8[%add3A_201, %dma_start3A] : memref<160x128xi32, #tpu.memory_space<vmem>> -> memref<1x128xi32, #tpu.memory_space<vmem>>
      %dma_start3A_203 = tpu.memref_squeeze %dma_start3A_202 : memref<1x128xi32, #tpu.memory_space<vmem>> -> memref<128xi32, #tpu.memory_space<vmem>>
      %dma_start3A_204 = arith.constant 0 : i32
      %dma_start3A_205 = arith.constant 0 : i32
      %dma_start3A_206 = tpu.memref_slice %arg2[%dma_start3A_204, %dma_start3A_205] : memref<81920x64xf32, #tpu.memory_space<hbm>> -> memref<81920x64xf32, #tpu.memory_space<hbm>>
      tpu.enqueue_indirect_dma source(%dma_start3A_206 : memref<81920x64xf32, #tpu.memory_space<hbm>>) target(%arg9 : memref<128x64xf32, #tpu.memory_space<vmem>>) offsets(%dma_start3A_203 : memref<128xi32, #tpu.memory_space<vmem>>) semaphore(%arg13 : memref<!tpu.dma_semaphore, #tpu.memory_space<semaphore_mem>>)
      %add3A_207 = arith.constant 1 : i32
      %add3A_208 = arith.addi %add3A_201, %add3A_207 : i32
      %dma_start3A_209 = arith.constant 0 : i32
      %dma_start3A_210 = tpu.memref_slice %arg8[%add3A_208, %dma_start3A_209] : memref<160x128xi32, #tpu.memory_space<vmem>> -> memref<1x128xi32, #tpu.memory_space<vmem>>
      %dma_start3A_211 = tpu.memref_squeeze %dma_start3A_210 : memref<1x128xi32, #tpu.memory_space<vmem>> -> memref<128xi32, #tpu.memory_space<vmem>>
      %dma_start3A_212 = arith.constant 0 : i32
      %dma_start3A_213 = arith.constant 0 : i32
      %dma_start3A_214 = tpu.memref_slice %arg2[%dma_start3A_212, %dma_start3A_213] : memref<81920x64xf32, #tpu.memory_space<hbm>> -> memref<81920x64xf32, #tpu.memory_space<hbm>>
      tpu.enqueue_indirect_dma source(%dma_start3A_214 : memref<81920x64xf32, #tpu.memory_space<hbm>>) target(%arg10 : memref<128x64xf32, #tpu.memory_space<vmem>>) offsets(%dma_start3A_211 : memref<128xi32, #tpu.memory_space<vmem>>) semaphore(%arg14 : memref<!tpu.dma_semaphore, #tpu.memory_space<semaphore_mem>>)
      %dma_wait3A = arith.constant 0 : i32
      %dma_wait3A_215 = tpu.memref_slice %arg8[%add3A_201, %dma_wait3A] : memref<160x128xi32, #tpu.memory_space<vmem>> -> memref<1x128xi32, #tpu.memory_space<vmem>>
      %dma_wait3A_216 = tpu.memref_squeeze %dma_wait3A_215 : memref<1x128xi32, #tpu.memory_space<vmem>> -> memref<128xi32, #tpu.memory_space<vmem>>
      %dma_wait3A_217 = arith.constant 0 : i32
      %dma_wait3A_218 = arith.constant 0 : i32
      %dma_wait3A_219 = tpu.memref_slice %arg2[%dma_wait3A_217, %dma_wait3A_218] : memref<81920x64xf32, #tpu.memory_space<hbm>> -> memref<81920x64xf32, #tpu.memory_space<hbm>>
      tpu.wait_indirect_dma semaphore(%arg13 : memref<!tpu.dma_semaphore, #tpu.memory_space<semaphore_mem>>) src(%dma_wait3A_219 : memref<81920x64xf32, #tpu.memory_space<hbm>>) dst(%arg9 : memref<128x64xf32, #tpu.memory_space<vmem>>)
      "tpu.region"() ({
        %run_scoped3A = tpu.sem_alloc : memref<!tpu.dma_semaphore, #tpu.memory_space<semaphore_mem>>
        %dma_start3A_228 = arith.constant 0 : i32
        %dma_start3A_229 = tpu.memref_slice %arg7[%add3A_201, %dma_start3A_228] : memref<160x128xi32, #tpu.memory_space<vmem>> -> memref<1x128xi32, #tpu.memory_space<vmem>>
        %dma_start3A_230 = tpu.memref_squeeze %dma_start3A_229 : memref<1x128xi32, #tpu.memory_space<vmem>> -> memref<128xi32, #tpu.memory_space<vmem>>
        %dma_start3A_231 = arith.constant 0 : i32
        %dma_start3A_232 = arith.constant 0 : i32
        %dma_start3A_233 = tpu.memref_slice %arg12[%dma_start3A_231, %dma_start3A_232] : memref<10496x64xf32, #tpu.memory_space<vmem_shared>> -> memref<10496x64xf32, #tpu.memory_space<vmem_shared>>
        tpu.enqueue_indirect_dma source(%arg9 : memref<128x64xf32, #tpu.memory_space<vmem>>) target(%dma_start3A_233 : memref<10496x64xf32, #tpu.memory_space<vmem_shared>>) offsets(%dma_start3A_230 : memref<128xi32, #tpu.memory_space<vmem>>) semaphore(%run_scoped3A : memref<!tpu.dma_semaphore, #tpu.memory_space<semaphore_mem>>) {add = true}
        %dma_wait3A_234 = arith.constant 0 : i32
        %dma_wait3A_235 = tpu.memref_slice %arg7[%add3A_201, %dma_wait3A_234] : memref<160x128xi32, #tpu.memory_space<vmem>> -> memref<1x128xi32, #tpu.memory_space<vmem>>
        %dma_wait3A_236 = tpu.memref_squeeze %dma_wait3A_235 : memref<1x128xi32, #tpu.memory_space<vmem>> -> memref<128xi32, #tpu.memory_space<vmem>>
        %dma_wait3A_237 = arith.constant 0 : i32
        %dma_wait3A_238 = arith.constant 0 : i32
        %dma_wait3A_239 = tpu.memref_slice %arg12[%dma_wait3A_237, %dma_wait3A_238] : memref<10496x64xf32, #tpu.memory_space<vmem_shared>> -> memref<10496x64xf32, #tpu.memory_space<vmem_shared>>
        tpu.wait_indirect_dma semaphore(%run_scoped3A : memref<!tpu.dma_semaphore, #tpu.memory_space<semaphore_mem>>) src(%arg9 : memref<128x64xf32, #tpu.memory_space<vmem>>) dst(%dma_wait3A_239 : memref<10496x64xf32, #tpu.memory_space<vmem_shared>>)
        tpu.yield
      }) : () -> ()
      %dma_wait3A_220 = arith.constant 0 : i32
      %dma_wait3A_221 = tpu.memref_slice %arg8[%add3A_208, %dma_wait3A_220] : memref<160x128xi32, #tpu.memory_space<vmem>> -> memref<1x128xi32, #tpu.memory_space<vmem>>
      %dma_wait3A_222 = tpu.memref_squeeze %dma_wait3A_221 : memref<1x128xi32, #tpu.memory_space<vmem>> -> memref<128xi32, #tpu.memory_space<vmem>>
      %dma_wait3A_223 = arith.constant 0 : i32
      %dma_wait3A_224 = arith.constant 0 : i32
      %dma_wait3A_225 = tpu.memref_slice %arg2[%dma_wait3A_223, %dma_wait3A_224] : memref<81920x64xf32, #tpu.memory_space<hbm>> -> memref<81920x64xf32, #tpu.memory_space<hbm>>
      tpu.wait_indirect_dma semaphore(%arg14 : memref<!tpu.dma_semaphore, #tpu.memory_space<semaphore_mem>>) src(%dma_wait3A_225 : memref<81920x64xf32, #tpu.memory_space<hbm>>) dst(%arg10 : memref<128x64xf32, #tpu.memory_space<vmem>>)
      %add3A_226 = arith.constant 1 : i32
      %add3A_227 = arith.addi %add3A_201, %add3A_226 : i32
      "tpu.region"() ({
        %run_scoped3A = tpu.sem_alloc : memref<!tpu.dma_semaphore, #tpu.memory_space<semaphore_mem>>
        %dma_start3A_228 = arith.constant 0 : i32
        %dma_start3A_229 = tpu.memref_slice %arg7[%add3A_227, %dma_start3A_228] : memref<160x128xi32, #tpu.memory_space<vmem>> -> memref<1x128xi32, #tpu.memory_space<vmem>>
        %dma_start3A_230 = tpu.memref_squeeze %dma_start3A_229 : memref<1x128xi32, #tpu.memory_space<vmem>> -> memref<128xi32, #tpu.memory_space<vmem>>
        %dma_start3A_231 = arith.constant 0 : i32
        %dma_start3A_232 = arith.constant 0 : i32
        %dma_start3A_233 = tpu.memref_slice %arg12[%dma_start3A_231, %dma_start3A_232] : memref<10496x64xf32, #tpu.memory_space<vmem_shared>> -> memref<10496x64xf32, #tpu.memory_space<vmem_shared>>
        tpu.enqueue_indirect_dma source(%arg10 : memref<128x64xf32, #tpu.memory_space<vmem>>) target(%dma_start3A_233 : memref<10496x64xf32, #tpu.memory_space<vmem_shared>>) offsets(%dma_start3A_230 : memref<128xi32, #tpu.memory_space<vmem>>) semaphore(%run_scoped3A : memref<!tpu.dma_semaphore, #tpu.memory_space<semaphore_mem>>) {add = true}
        %dma_wait3A_234 = arith.constant 0 : i32
        %dma_wait3A_235 = tpu.memref_slice %arg7[%add3A_227, %dma_wait3A_234] : memref<160x128xi32, #tpu.memory_space<vmem>> -> memref<1x128xi32, #tpu.memory_space<vmem>>
        %dma_wait3A_236 = tpu.memref_squeeze %dma_wait3A_235 : memref<1x128xi32, #tpu.memory_space<vmem>> -> memref<128xi32, #tpu.memory_space<vmem>>
        %dma_wait3A_237 = arith.constant 0 : i32
        %dma_wait3A_238 = arith.constant 0 : i32
        %dma_wait3A_239 = tpu.memref_slice %arg12[%dma_wait3A_237, %dma_wait3A_238] : memref<10496x64xf32, #tpu.memory_space<vmem_shared>> -> memref<10496x64xf32, #tpu.memory_space<vmem_shared>>
        tpu.wait_indirect_dma semaphore(%run_scoped3A : memref<!tpu.dma_semaphore, #tpu.memory_space<semaphore_mem>>) src(%arg10 : memref<128x64xf32, #tpu.memory_space<vmem>>) dst(%dma_wait3A_239 : memref<10496x64xf32, #tpu.memory_space<vmem_shared>>)
        tpu.yield
      }) : () -> ()
    }
    %scan3A_41 = arith.constant 80 : i32
    %barrier3A_42 = arith.constant 0 : index
    tpu.barrier barrier_id(%barrier3A_42)
    %mul3A_43 = arith.constant 640 : i32
    %mul3A_44 = arith.muli %arg1, %mul3A_43 : i32
    %mul3A_45 = arith.constant 10240 : i32
    %mul3A_46 = arith.muli %add3A_5, %mul3A_45 : i32
    %mul3A_47 = arith.constant 640 : i32
    %mul3A_48 = arith.muli %arg1, %mul3A_47 : i32
    %add3A_49 = arith.addi %mul3A_46, %mul3A_48 : i32
    "tpu.region"() ({
      %run_scoped3A = tpu.sem_alloc : memref<!tpu.dma_semaphore, #tpu.memory_space<semaphore_mem>>
      %dma_start3A = arith.constant 0 : i32
      %dma_start3A_197 = tpu.memref_slice %arg5[%add3A_49, %dma_start3A] : memref<81920x64xf32, #tpu.memory_space<hbm>> -> memref<640x64xf32, #tpu.memory_space<hbm>>
      %dma_start3A_198 = arith.constant 0 : i32
      %dma_start3A_199 = tpu.memref_slice %arg12[%mul3A_44, %dma_start3A_198] : memref<10496x64xf32, #tpu.memory_space<vmem_shared>> -> memref<640x64xf32, #tpu.memory_space<vmem_shared>>
      tpu.enqueue_dma source(%dma_start3A_199 : memref<640x64xf32, #tpu.memory_space<vmem_shared>>) target(%dma_start3A_197 : memref<640x64xf32, #tpu.memory_space<hbm>>) target_semaphore(%run_scoped3A : memref<!tpu.dma_semaphore, #tpu.memory_space<semaphore_mem>>)
      %dma_wait3A = arith.constant 0 : i32
      %dma_wait3A_200 = tpu.memref_slice %arg5[%add3A_49, %dma_wait3A] : memref<81920x64xf32, #tpu.memory_space<hbm>> -> memref<640x64xf32, #tpu.memory_space<hbm>>
      %dma_wait3A_201 = arith.constant 0 : i32
      %dma_wait3A_202 = tpu.memref_slice %arg12[%mul3A_44, %dma_wait3A_201] : memref<10496x64xf32, #tpu.memory_space<vmem_shared>> -> memref<640x64xf32, #tpu.memory_space<vmem_shared>>
      tpu.wait_dma2 semaphore(%run_scoped3A : memref<!tpu.dma_semaphore, #tpu.memory_space<semaphore_mem>>) src(%dma_wait3A_202 : memref<640x64xf32, #tpu.memory_space<vmem_shared>>) dst(%dma_wait3A_200 : memref<640x64xf32, #tpu.memory_space<hbm>>)
      tpu.yield
    }) : () -> ()
    %barrier3A_50 = arith.constant 0 : index
    tpu.barrier barrier_id(%barrier3A_50)
    %add3A_51 = arith.constant 2 : i32
    %add3A_52 = arith.addi %arg0, %add3A_51 : i32
    %mul3A_53 = arith.constant 656 : i32
    %mul3A_54 = arith.muli %arg1, %mul3A_53 : i32
    %add3A_55 = arith.constant 0 : i32
    %add3A_56 = arith.addi %mul3A_54, %add3A_55 : i32
    "tpu.region"() ({
      %run_scoped3A = tpu.sem_alloc : memref<!tpu.dma_semaphore, #tpu.memory_space<semaphore_mem>>
      %dma_start3A = arith.constant 0 : i32
      %dma_start3A_197 = tpu.memref_slice %arg12[%add3A_56, %dma_start3A] : memref<10496x64xf32, #tpu.memory_space<vmem_shared>> -> memref<128x64xf32, #tpu.memory_space<vmem_shared>>
      %dma_start3A_198 = arith.constant 0 : i32
      %dma_start3A_199 = tpu.memref_slice %arg12[%add3A_56, %dma_start3A_198] : memref<10496x64xf32, #tpu.memory_space<vmem_shared>> -> memref<128x64xf32, #tpu.memory_space<vmem_shared>>
      tpu.enqueue_dma source(%arg11 : memref<128x64xf32, #tpu.memory_space<vmem>>) target(%dma_start3A_199 : memref<128x64xf32, #tpu.memory_space<vmem_shared>>) target_semaphore(%run_scoped3A : memref<!tpu.dma_semaphore, #tpu.memory_space<semaphore_mem>>)
      %dma_wait3A = arith.constant 0 : i32
      %dma_wait3A_200 = tpu.memref_slice %arg12[%add3A_56, %dma_wait3A] : memref<10496x64xf32, #tpu.memory_space<vmem_shared>> -> memref<128x64xf32, #tpu.memory_space<vmem_shared>>
      %dma_wait3A_201 = arith.constant 0 : i32
      %dma_wait3A_202 = tpu.memref_slice %arg12[%add3A_56, %dma_wait3A_201] : memref<10496x64xf32, #tpu.memory_space<vmem_shared>> -> memref<128x64xf32, #tpu.memory_space<vmem_shared>>
      tpu.wait_dma2 semaphore(%run_scoped3A : memref<!tpu.dma_semaphore, #tpu.memory_space<semaphore_mem>>) src(%arg11 : memref<128x64xf32, #tpu.memory_space<vmem>>) dst(%dma_wait3A_202 : memref<128x64xf32, #tpu.memory_space<vmem_shared>>)
      tpu.yield
    }) : () -> ()
    %mul3A_57 = arith.constant 656 : i32
    %mul3A_58 = arith.muli %arg1, %mul3A_57 : i32
    %add3A_59 = arith.constant 128 : i32
    %add3A_60 = arith.addi %mul3A_58, %add3A_59 : i32
    "tpu.region"() ({
      %run_scoped3A = tpu.sem_alloc : memref<!tpu.dma_semaphore, #tpu.memory_space<semaphore_mem>>
      %dma_start3A = arith.constant 0 : i32
      %dma_start3A_197 = tpu.memref_slice %arg12[%add3A_60, %dma_start3A] : memref<10496x64xf32, #tpu.memory_space<vmem_shared>> -> memref<128x64xf32, #tpu.memory_space<vmem_shared>>
      %dma_start3A_198 = arith.constant 0 : i32
      %dma_start3A_199 = tpu.memref_slice %arg12[%add3A_60, %dma_start3A_198] : memref<10496x64xf32, #tpu.memory_space<vmem_shared>> -> memref<128x64xf32, #tpu.memory_space<vmem_shared>>
      tpu.enqueue_dma source(%arg11 : memref<128x64xf32, #tpu.memory_space<vmem>>) target(%dma_start3A_199 : memref<128x64xf32, #tpu.memory_space<vmem_shared>>) target_semaphore(%run_scoped3A : memref<!tpu.dma_semaphore, #tpu.memory_space<semaphore_mem>>)
      %dma_wait3A = arith.constant 0 : i32
      %dma_wait3A_200 = tpu.memref_slice %arg12[%add3A_60, %dma_wait3A] : memref<10496x64xf32, #tpu.memory_space<vmem_shared>> -> memref<128x64xf32, #tpu.memory_space<vmem_shared>>
      %dma_wait3A_201 = arith.constant 0 : i32
      %dma_wait3A_202 = tpu.memref_slice %arg12[%add3A_60, %dma_wait3A_201] : memref<10496x64xf32, #tpu.memory_space<vmem_shared>> -> memref<128x64xf32, #tpu.memory_space<vmem_shared>>
      tpu.wait_dma2 semaphore(%run_scoped3A : memref<!tpu.dma_semaphore, #tpu.memory_space<semaphore_mem>>) src(%arg11 : memref<128x64xf32, #tpu.memory_space<vmem>>) dst(%dma_wait3A_202 : memref<128x64xf32, #tpu.memory_space<vmem_shared>>)
      tpu.yield
    }) : () -> ()
    %mul3A_61 = arith.constant 656 : i32
    %mul3A_62 = arith.muli %arg1, %mul3A_61 : i32
    %add3A_63 = arith.constant 256 : i32
    %add3A_64 = arith.addi %mul3A_62, %add3A_63 : i32
    "tpu.region"() ({
      %run_scoped3A = tpu.sem_alloc : memref<!tpu.dma_semaphore, #tpu.memory_space<semaphore_mem>>
      %dma_start3A = arith.constant 0 : i32
      %dma_start3A_197 = tpu.memref_slice %arg12[%add3A_64, %dma_start3A] : memref<10496x64xf32, #tpu.memory_space<vmem_shared>> -> memref<128x64xf32, #tpu.memory_space<vmem_shared>>
      %dma_start3A_198 = arith.constant 0 : i32
      %dma_start3A_199 = tpu.memref_slice %arg12[%add3A_64, %dma_start3A_198] : memref<10496x64xf32, #tpu.memory_space<vmem_shared>> -> memref<128x64xf32, #tpu.memory_space<vmem_shared>>
      tpu.enqueue_dma source(%arg11 : memref<128x64xf32, #tpu.memory_space<vmem>>) target(%dma_start3A_199 : memref<128x64xf32, #tpu.memory_space<vmem_shared>>) target_semaphore(%run_scoped3A : memref<!tpu.dma_semaphore, #tpu.memory_space<semaphore_mem>>)
      %dma_wait3A = arith.constant 0 : i32
      %dma_wait3A_200 = tpu.memref_slice %arg12[%add3A_64, %dma_wait3A] : memref<10496x64xf32, #tpu.memory_space<vmem_shared>> -> memref<128x64xf32, #tpu.memory_space<vmem_shared>>
      %dma_wait3A_201 = arith.constant 0 : i32
      %dma_wait3A_202 = tpu.memref_slice %arg12[%add3A_64, %dma_wait3A_201] : memref<10496x64xf32, #tpu.memory_space<vmem_shared>> -> memref<128x64xf32, #tpu.memory_space<vmem_shared>>
      tpu.wait_dma2 semaphore(%run_scoped3A : memref<!tpu.dma_semaphore, #tpu.memory_space<semaphore_mem>>) src(%arg11 : memref<128x64xf32, #tpu.memory_space<vmem>>) dst(%dma_wait3A_202 : memref<128x64xf32, #tpu.memory_space<vmem_shared>>)
      tpu.yield
    }) : () -> ()
    %mul3A_65 = arith.constant 656 : i32
    %mul3A_66 = arith.muli %arg1, %mul3A_65 : i32
    %add3A_67 = arith.constant 384 : i32
    %add3A_68 = arith.addi %mul3A_66, %add3A_67 : i32
    "tpu.region"() ({
      %run_scoped3A = tpu.sem_alloc : memref<!tpu.dma_semaphore, #tpu.memory_space<semaphore_mem>>
      %dma_start3A = arith.constant 0 : i32
      %dma_start3A_197 = tpu.memref_slice %arg12[%add3A_68, %dma_start3A] : memref<10496x64xf32, #tpu.memory_space<vmem_shared>> -> memref<128x64xf32, #tpu.memory_space<vmem_shared>>
      %dma_start3A_198 = arith.constant 0 : i32
      %dma_start3A_199 = tpu.memref_slice %arg12[%add3A_68, %dma_start3A_198] : memref<10496x64xf32, #tpu.memory_space<vmem_shared>> -> memref<128x64xf32, #tpu.memory_space<vmem_shared>>
      tpu.enqueue_dma source(%arg11 : memref<128x64xf32, #tpu.memory_space<vmem>>) target(%dma_start3A_199 : memref<128x64xf32, #tpu.memory_space<vmem_shared>>) target_semaphore(%run_scoped3A : memref<!tpu.dma_semaphore, #tpu.memory_space<semaphore_mem>>)
      %dma_wait3A = arith.constant 0 : i32
      %dma_wait3A_200 = tpu.memref_slice %arg12[%add3A_68, %dma_wait3A] : memref<10496x64xf32, #tpu.memory_space<vmem_shared>> -> memref<128x64xf32, #tpu.memory_space<vmem_shared>>
      %dma_wait3A_201 = arith.constant 0 : i32
      %dma_wait3A_202 = tpu.memref_slice %arg12[%add3A_68, %dma_wait3A_201] : memref<10496x64xf32, #tpu.memory_space<vmem_shared>> -> memref<128x64xf32, #tpu.memory_space<vmem_shared>>
      tpu.wait_dma2 semaphore(%run_scoped3A : memref<!tpu.dma_semaphore, #tpu.memory_space<semaphore_mem>>) src(%arg11 : memref<128x64xf32, #tpu.memory_space<vmem>>) dst(%dma_wait3A_202 : memref<128x64xf32, #tpu.memory_space<vmem_shared>>)
      tpu.yield
    }) : () -> ()
    %mul3A_69 = arith.constant 656 : i32
    %mul3A_70 = arith.muli %arg1, %mul3A_69 : i32
    %add3A_71 = arith.constant 512 : i32
    %add3A_72 = arith.addi %mul3A_70, %add3A_71 : i32
    "tpu.region"() ({
      %run_scoped3A = tpu.sem_alloc : memref<!tpu.dma_semaphore, #tpu.memory_space<semaphore_mem>>
      %dma_start3A = arith.constant 0 : i32
      %dma_start3A_197 = tpu.memref_slice %arg12[%add3A_72, %dma_start3A] : memref<10496x64xf32, #tpu.memory_space<vmem_shared>> -> memref<128x64xf32, #tpu.memory_space<vmem_shared>>
      %dma_start3A_198 = arith.constant 0 : i32
      %dma_start3A_199 = tpu.memref_slice %arg12[%add3A_72, %dma_start3A_198] : memref<10496x64xf32, #tpu.memory_space<vmem_shared>> -> memref<128x64xf32, #tpu.memory_space<vmem_shared>>
      tpu.enqueue_dma source(%arg11 : memref<128x64xf32, #tpu.memory_space<vmem>>) target(%dma_start3A_199 : memref<128x64xf32, #tpu.memory_space<vmem_shared>>) target_semaphore(%run_scoped3A : memref<!tpu.dma_semaphore, #tpu.memory_space<semaphore_mem>>)
      %dma_wait3A = arith.constant 0 : i32
      %dma_wait3A_200 = tpu.memref_slice %arg12[%add3A_72, %dma_wait3A] : memref<10496x64xf32, #tpu.memory_space<vmem_shared>> -> memref<128x64xf32, #tpu.memory_space<vmem_shared>>
      %dma_wait3A_201 = arith.constant 0 : i32
      %dma_wait3A_202 = tpu.memref_slice %arg12[%add3A_72, %dma_wait3A_201] : memref<10496x64xf32, #tpu.memory_space<vmem_shared>> -> memref<128x64xf32, #tpu.memory_space<vmem_shared>>
      tpu.wait_dma2 semaphore(%run_scoped3A : memref<!tpu.dma_semaphore, #tpu.memory_space<semaphore_mem>>) src(%arg11 : memref<128x64xf32, #tpu.memory_space<vmem>>) dst(%dma_wait3A_202 : memref<128x64xf32, #tpu.memory_space<vmem_shared>>)
      tpu.yield
    }) : () -> ()
    %mul3A_73 = arith.constant 656 : i32
    %mul3A_74 = arith.muli %arg1, %mul3A_73 : i32
    %add3A_75 = arith.constant 640 : i32
    %add3A_76 = arith.addi %mul3A_74, %add3A_75 : i32
    "tpu.region"() ({
      %run_scoped3A = tpu.sem_alloc : memref<!tpu.dma_semaphore, #tpu.memory_space<semaphore_mem>>
      %dma_start3A = arith.constant 0 : i32
      %dma_start3A_197 = arith.constant 0 : i32
      %dma_start3A_198 = tpu.memref_slice %arg11[%dma_start3A, %dma_start3A_197] : memref<128x64xf32, #tpu.memory_space<vmem>> -> memref<16x64xf32, #tpu.memory_space<vmem>>
      %dma_start3A_199 = arith.constant 0 : i32
      %dma_start3A_200 = tpu.memref_slice %arg12[%add3A_76, %dma_start3A_199] : memref<10496x64xf32, #tpu.memory_space<vmem_shared>> -> memref<16x64xf32, #tpu.memory_space<vmem_shared>>
      %dma_start3A_201 = arith.constant 0 : i32
      %dma_start3A_202 = tpu.memref_slice %arg12[%add3A_76, %dma_start3A_201] : memref<10496x64xf32, #tpu.memory_space<vmem_shared>> -> memref<16x64xf32, #tpu.memory_space<vmem_shared>>
      %dma_start3A_203 = arith.constant 0 : i32
      %dma_start3A_204 = arith.constant 0 : i32
      %dma_start3A_205 = tpu.memref_slice %arg11[%dma_start3A_203, %dma_start3A_204] : memref<128x64xf32, #tpu.memory_space<vmem>> -> memref<16x64xf32, #tpu.memory_space<vmem>>
      tpu.enqueue_dma source(%dma_start3A_205 : memref<16x64xf32, #tpu.memory_space<vmem>>) target(%dma_start3A_202 : memref<16x64xf32, #tpu.memory_space<vmem_shared>>) target_semaphore(%run_scoped3A : memref<!tpu.dma_semaphore, #tpu.memory_space<semaphore_mem>>)
      %dma_wait3A = arith.constant 0 : i32
      %dma_wait3A_206 = arith.constant 0 : i32
      %dma_wait3A_207 = tpu.memref_slice %arg11[%dma_wait3A, %dma_wait3A_206] : memref<128x64xf32, #tpu.memory_space<vmem>> -> memref<16x64xf32, #tpu.memory_space<vmem>>
      %dma_wait3A_208 = arith.constant 0 : i32
      %dma_wait3A_209 = tpu.memref_slice %arg12[%add3A_76, %dma_wait3A_208] : memref<10496x64xf32, #tpu.memory_space<vmem_shared>> -> memref<16x64xf32, #tpu.memory_space<vmem_shared>>
      %dma_wait3A_210 = arith.constant 0 : i32
      %dma_wait3A_211 = tpu.memref_slice %arg12[%add3A_76, %dma_wait3A_210] : memref<10496x64xf32, #tpu.memory_space<vmem_shared>> -> memref<16x64xf32, #tpu.memory_space<vmem_shared>>
      %dma_wait3A_212 = arith.constant 0 : i32
      %dma_wait3A_213 = arith.constant 0 : i32
      %dma_wait3A_214 = tpu.memref_slice %arg11[%dma_wait3A_212, %dma_wait3A_213] : memref<128x64xf32, #tpu.memory_space<vmem>> -> memref<16x64xf32, #tpu.memory_space<vmem>>
      tpu.wait_dma2 semaphore(%run_scoped3A : memref<!tpu.dma_semaphore, #tpu.memory_space<semaphore_mem>>) src(%dma_wait3A_214 : memref<16x64xf32, #tpu.memory_space<vmem>>) dst(%dma_wait3A_211 : memref<16x64xf32, #tpu.memory_space<vmem_shared>>)
      tpu.yield
    }) : () -> ()
    %mul3A_77 = arith.constant 10240 : i32
    %mul3A_78 = arith.muli %add3A_52, %mul3A_77 : i32
    %broadcast_in_dim3A_79 = vector.broadcast %mul3A_78 : i32 to vector<16xi32>
    %scan3A_80 = arith.constant 0 : i32
    %scan3A_81 = arith.constant 160 : i32
    %scan3A_82 = arith.addi %scan3A_80, %scan3A_81 : i32
    %scan3A_83 = arith.constant 1 : i32
    scf.for %scan3A_197 = %scan3A_80 to %scan3A_82 step %scan3A_83  : i32 {
      %mul3A_198 = arith.constant 1 : i32
      %mul3A_199 = arith.muli %scan3A_197, %mul3A_198 : i32
      %add3A_200 = arith.constant 0 : i32
      %add3A_201 = arith.addi %add3A_200, %mul3A_199 : i32
      %get3A = arith.index_cast %add3A_201 : i32 to index
      %get3A_202 = arith.constant 0 : index
      %get3A_203 = tpu.vector_load %arg6[%get3A, %get3A_202] {strides = array<i32>} : memref<160x128xi32, #tpu.memory_space<vmem>>, vector<16xi32>,
      %add3A_204 = arith.addi %get3A_203, %broadcast_in_dim3A_79 : vector<16xi32>
      %swap3A = arith.index_cast %add3A_201 : i32 to index
      %swap3A_205 = arith.constant 0 : index
      %swap3A_206 = tpu.vector_load %arg8[%swap3A, %swap3A_205] {strides = array<i32>} : memref<160x128xi32, #tpu.memory_space<vmem>>, vector<16xi32>,
      tpu.vector_store %arg8[%swap3A, %swap3A_205], %add3A_204 {strides = array<i32>} : memref<160x128xi32, #tpu.memory_space<vmem>>, vector<16xi32>,
      %get3A_207 = arith.index_cast %add3A_201 : i32 to index
      %get3A_208 = arith.constant 16 : index
      %get3A_209 = tpu.vector_load %arg6[%get3A_207, %get3A_208] {strides = array<i32>} : memref<160x128xi32, #tpu.memory_space<vmem>>, vector<16xi32>,
      %add3A_210 = arith.addi %get3A_209, %broadcast_in_dim3A_79 : vector<16xi32>
      %swap3A_211 = arith.index_cast %add3A_201 : i32 to index
      %swap3A_212 = arith.constant 16 : index
      %swap3A_213 = tpu.vector_load %arg8[%swap3A_211, %swap3A_212] {strides = array<i32>} : memref<160x128xi32, #tpu.memory_space<vmem>>, vector<16xi32>,
      tpu.vector_store %arg8[%swap3A_211, %swap3A_212], %add3A_210 {strides = array<i32>} : memref<160x128xi32, #tpu.memory_space<vmem>>, vector<16xi32>,
      %get3A_214 = arith.index_cast %add3A_201 : i32 to index
      %get3A_215 = arith.constant 32 : index
      %get3A_216 = tpu.vector_load %arg6[%get3A_214, %get3A_215] {strides = array<i32>} : memref<160x128xi32, #tpu.memory_space<vmem>>, vector<16xi32>,
      %add3A_217 = arith.addi %get3A_216, %broadcast_in_dim3A_79 : vector<16xi32>
      %swap3A_218 = arith.index_cast %add3A_201 : i32 to index
      %swap3A_219 = arith.constant 32 : index
      %swap3A_220 = tpu.vector_load %arg8[%swap3A_218, %swap3A_219] {strides = array<i32>} : memref<160x128xi32, #tpu.memory_space<vmem>>, vector<16xi32>,
      tpu.vector_store %arg8[%swap3A_218, %swap3A_219], %add3A_217 {strides = array<i32>} : memref<160x128xi32, #tpu.memory_space<vmem>>, vector<16xi32>,
      %get3A_221 = arith.index_cast %add3A_201 : i32 to index
      %get3A_222 = arith.constant 48 : index
      %get3A_223 = tpu.vector_load %arg6[%get3A_221, %get3A_222] {strides = array<i32>} : memref<160x128xi32, #tpu.memory_space<vmem>>, vector<16xi32>,
      %add3A_224 = arith.addi %get3A_223, %broadcast_in_dim3A_79 : vector<16xi32>
      %swap3A_225 = arith.index_cast %add3A_201 : i32 to index
      %swap3A_226 = arith.constant 48 : index
      %swap3A_227 = tpu.vector_load %arg8[%swap3A_225, %swap3A_226] {strides = array<i32>} : memref<160x128xi32, #tpu.memory_space<vmem>>, vector<16xi32>,
      tpu.vector_store %arg8[%swap3A_225, %swap3A_226], %add3A_224 {strides = array<i32>} : memref<160x128xi32, #tpu.memory_space<vmem>>, vector<16xi32>,
      %get3A_228 = arith.index_cast %add3A_201 : i32 to index
      %get3A_229 = arith.constant 64 : index
      %get3A_230 = tpu.vector_load %arg6[%get3A_228, %get3A_229] {strides = array<i32>} : memref<160x128xi32, #tpu.memory_space<vmem>>, vector<16xi32>,
      %add3A_231 = arith.addi %get3A_230, %broadcast_in_dim3A_79 : vector<16xi32>
      %swap3A_232 = arith.index_cast %add3A_201 : i32 to index
      %swap3A_233 = arith.constant 64 : index
      %swap3A_234 = tpu.vector_load %arg8[%swap3A_232, %swap3A_233] {strides = array<i32>} : memref<160x128xi32, #tpu.memory_space<vmem>>, vector<16xi32>,
      tpu.vector_store %arg8[%swap3A_232, %swap3A_233], %add3A_231 {strides = array<i32>} : memref<160x128xi32, #tpu.memory_space<vmem>>, vector<16xi32>,
      %get3A_235 = arith.index_cast %add3A_201 : i32 to index
      %get3A_236 = arith.constant 80 : index
      %get3A_237 = tpu.vector_load %arg6[%get3A_235, %get3A_236] {strides = array<i32>} : memref<160x128xi32, #tpu.memory_space<vmem>>, vector<16xi32>,
      %add3A_238 = arith.addi %get3A_237, %broadcast_in_dim3A_79 : vector<16xi32>
      %swap3A_239 = arith.index_cast %add3A_201 : i32 to index
      %swap3A_240 = arith.constant 80 : index
      %swap3A_241 = tpu.vector_load %arg8[%swap3A_239, %swap3A_240] {strides = array<i32>} : memref<160x128xi32, #tpu.memory_space<vmem>>, vector<16xi32>,
      tpu.vector_store %arg8[%swap3A_239, %swap3A_240], %add3A_238 {strides = array<i32>} : memref<160x128xi32, #tpu.memory_space<vmem>>, vector<16xi32>,
      %get3A_242 = arith.index_cast %add3A_201 : i32 to index
      %get3A_243 = arith.constant 96 : index
      %get3A_244 = tpu.vector_load %arg6[%get3A_242, %get3A_243] {strides = array<i32>} : memref<160x128xi32, #tpu.memory_space<vmem>>, vector<16xi32>,
      %add3A_245 = arith.addi %get3A_244, %broadcast_in_dim3A_79 : vector<16xi32>
      %swap3A_246 = arith.index_cast %add3A_201 : i32 to index
      %swap3A_247 = arith.constant 96 : index
      %swap3A_248 = tpu.vector_load %arg8[%swap3A_246, %swap3A_247] {strides = array<i32>} : memref<160x128xi32, #tpu.memory_space<vmem>>, vector<16xi32>,
      tpu.vector_store %arg8[%swap3A_246, %swap3A_247], %add3A_245 {strides = array<i32>} : memref<160x128xi32, #tpu.memory_space<vmem>>, vector<16xi32>,
      %get3A_249 = arith.index_cast %add3A_201 : i32 to index
      %get3A_250 = arith.constant 112 : index
      %get3A_251 = tpu.vector_load %arg6[%get3A_249, %get3A_250] {strides = array<i32>} : memref<160x128xi32, #tpu.memory_space<vmem>>, vector<16xi32>,
      %add3A_252 = arith.addi %get3A_251, %broadcast_in_dim3A_79 : vector<16xi32>
      %swap3A_253 = arith.index_cast %add3A_201 : i32 to index
      %swap3A_254 = arith.constant 112 : index
      %swap3A_255 = tpu.vector_load %arg8[%swap3A_253, %swap3A_254] {strides = array<i32>} : memref<160x128xi32, #tpu.memory_space<vmem>>, vector<16xi32>,
      tpu.vector_store %arg8[%swap3A_253, %swap3A_254], %add3A_252 {strides = array<i32>} : memref<160x128xi32, #tpu.memory_space<vmem>>, vector<16xi32>,
    }
    %scan3A_84 = arith.constant 160 : i32
    %barrier3A_85 = arith.constant 0 : index
    tpu.barrier barrier_id(%barrier3A_85)
    %scan3A_86 = arith.constant 0 : i32
    %scan3A_87 = arith.constant 80 : i32
    %scan3A_88 = arith.addi %scan3A_86, %scan3A_87 : i32
    %scan3A_89 = arith.constant 1 : i32
    scf.for %scan3A_197 = %scan3A_86 to %scan3A_88 step %scan3A_89  : i32 {
      %mul3A_198 = arith.constant 2 : i32
      %mul3A_199 = arith.muli %scan3A_197, %mul3A_198 : i32
      %add3A_200 = arith.constant 0 : i32
      %add3A_201 = arith.addi %add3A_200, %mul3A_199 : i32
      %dma_start3A = arith.constant 0 : i32
      %dma_start3A_202 = tpu.memref_slice %arg8[%add3A_201, %dma_start3A] : memref<160x128xi32, #tpu.memory_space<vmem>> -> memref<1x128xi32, #tpu.memory_space<vmem>>
      %dma_start3A_203 = tpu.memref_squeeze %dma_start3A_202 : memref<1x128xi32, #tpu.memory_space<vmem>> -> memref<128xi32, #tpu.memory_space<vmem>>
      %dma_start3A_204 = arith.constant 0 : i32
      %dma_start3A_205 = arith.constant 0 : i32
      %dma_start3A_206 = tpu.memref_slice %arg2[%dma_start3A_204, %dma_start3A_205] : memref<81920x64xf32, #tpu.memory_space<hbm>> -> memref<81920x64xf32, #tpu.memory_space<hbm>>
      tpu.enqueue_indirect_dma source(%dma_start3A_206 : memref<81920x64xf32, #tpu.memory_space<hbm>>) target(%arg9 : memref<128x64xf32, #tpu.memory_space<vmem>>) offsets(%dma_start3A_203 : memref<128xi32, #tpu.memory_space<vmem>>) semaphore(%arg13 : memref<!tpu.dma_semaphore, #tpu.memory_space<semaphore_mem>>)
      %add3A_207 = arith.constant 1 : i32
      %add3A_208 = arith.addi %add3A_201, %add3A_207 : i32
      %dma_start3A_209 = arith.constant 0 : i32
      %dma_start3A_210 = tpu.memref_slice %arg8[%add3A_208, %dma_start3A_209] : memref<160x128xi32, #tpu.memory_space<vmem>> -> memref<1x128xi32, #tpu.memory_space<vmem>>
      %dma_start3A_211 = tpu.memref_squeeze %dma_start3A_210 : memref<1x128xi32, #tpu.memory_space<vmem>> -> memref<128xi32, #tpu.memory_space<vmem>>
      %dma_start3A_212 = arith.constant 0 : i32
      %dma_start3A_213 = arith.constant 0 : i32
      %dma_start3A_214 = tpu.memref_slice %arg2[%dma_start3A_212, %dma_start3A_213] : memref<81920x64xf32, #tpu.memory_space<hbm>> -> memref<81920x64xf32, #tpu.memory_space<hbm>>
      tpu.enqueue_indirect_dma source(%dma_start3A_214 : memref<81920x64xf32, #tpu.memory_space<hbm>>) target(%arg10 : memref<128x64xf32, #tpu.memory_space<vmem>>) offsets(%dma_start3A_211 : memref<128xi32, #tpu.memory_space<vmem>>) semaphore(%arg14 : memref<!tpu.dma_semaphore, #tpu.memory_space<semaphore_mem>>)
      %dma_wait3A = arith.constant 0 : i32
      %dma_wait3A_215 = tpu.memref_slice %arg8[%add3A_201, %dma_wait3A] : memref<160x128xi32, #tpu.memory_space<vmem>> -> memref<1x128xi32, #tpu.memory_space<vmem>>
      %dma_wait3A_216 = tpu.memref_squeeze %dma_wait3A_215 : memref<1x128xi32, #tpu.memory_space<vmem>> -> memref<128xi32, #tpu.memory_space<vmem>>
      %dma_wait3A_217 = arith.constant 0 : i32
      %dma_wait3A_218 = arith.constant 0 : i32
      %dma_wait3A_219 = tpu.memref_slice %arg2[%dma_wait3A_217, %dma_wait3A_218] : memref<81920x64xf32, #tpu.memory_space<hbm>> -> memref<81920x64xf32, #tpu.memory_space<hbm>>
      tpu.wait_indirect_dma semaphore(%arg13 : memref<!tpu.dma_semaphore, #tpu.memory_space<semaphore_mem>>) src(%dma_wait3A_219 : memref<81920x64xf32, #tpu.memory_space<hbm>>) dst(%arg9 : memref<128x64xf32, #tpu.memory_space<vmem>>)
      "tpu.region"() ({
        %run_scoped3A = tpu.sem_alloc : memref<!tpu.dma_semaphore, #tpu.memory_space<semaphore_mem>>
        %dma_start3A_228 = arith.constant 0 : i32
        %dma_start3A_229 = tpu.memref_slice %arg7[%add3A_201, %dma_start3A_228] : memref<160x128xi32, #tpu.memory_space<vmem>> -> memref<1x128xi32, #tpu.memory_space<vmem>>
        %dma_start3A_230 = tpu.memref_squeeze %dma_start3A_229 : memref<1x128xi32, #tpu.memory_space<vmem>> -> memref<128xi32, #tpu.memory_space<vmem>>
        %dma_start3A_231 = arith.constant 0 : i32
        %dma_start3A_232 = arith.constant 0 : i32
        %dma_start3A_233 = tpu.memref_slice %arg12[%dma_start3A_231, %dma_start3A_232] : memref<10496x64xf32, #tpu.memory_space<vmem_shared>> -> memref<10496x64xf32, #tpu.memory_space<vmem_shared>>
        tpu.enqueue_indirect_dma source(%arg9 : memref<128x64xf32, #tpu.memory_space<vmem>>) target(%dma_start3A_233 : memref<10496x64xf32, #tpu.memory_space<vmem_shared>>) offsets(%dma_start3A_230 : memref<128xi32, #tpu.memory_space<vmem>>) semaphore(%run_scoped3A : memref<!tpu.dma_semaphore, #tpu.memory_space<semaphore_mem>>) {add = true}
        %dma_wait3A_234 = arith.constant 0 : i32
        %dma_wait3A_235 = tpu.memref_slice %arg7[%add3A_201, %dma_wait3A_234] : memref<160x128xi32, #tpu.memory_space<vmem>> -> memref<1x128xi32, #tpu.memory_space<vmem>>
        %dma_wait3A_236 = tpu.memref_squeeze %dma_wait3A_235 : memref<1x128xi32, #tpu.memory_space<vmem>> -> memref<128xi32, #tpu.memory_space<vmem>>
        %dma_wait3A_237 = arith.constant 0 : i32
        %dma_wait3A_238 = arith.constant 0 : i32
        %dma_wait3A_239 = tpu.memref_slice %arg12[%dma_wait3A_237, %dma_wait3A_238] : memref<10496x64xf32, #tpu.memory_space<vmem_shared>> -> memref<10496x64xf32, #tpu.memory_space<vmem_shared>>
        tpu.wait_indirect_dma semaphore(%run_scoped3A : memref<!tpu.dma_semaphore, #tpu.memory_space<semaphore_mem>>) src(%arg9 : memref<128x64xf32, #tpu.memory_space<vmem>>) dst(%dma_wait3A_239 : memref<10496x64xf32, #tpu.memory_space<vmem_shared>>)
        tpu.yield
      }) : () -> ()
      %dma_wait3A_220 = arith.constant 0 : i32
      %dma_wait3A_221 = tpu.memref_slice %arg8[%add3A_208, %dma_wait3A_220] : memref<160x128xi32, #tpu.memory_space<vmem>> -> memref<1x128xi32, #tpu.memory_space<vmem>>
      %dma_wait3A_222 = tpu.memref_squeeze %dma_wait3A_221 : memref<1x128xi32, #tpu.memory_space<vmem>> -> memref<128xi32, #tpu.memory_space<vmem>>
      %dma_wait3A_223 = arith.constant 0 : i32
      %dma_wait3A_224 = arith.constant 0 : i32
      %dma_wait3A_225 = tpu.memref_slice %arg2[%dma_wait3A_223, %dma_wait3A_224] : memref<81920x64xf32, #tpu.memory_space<hbm>> -> memref<81920x64xf32, #tpu.memory_space<hbm>>
      tpu.wait_indirect_dma semaphore(%arg14 : memref<!tpu.dma_semaphore, #tpu.memory_space<semaphore_mem>>) src(%dma_wait3A_225 : memref<81920x64xf32, #tpu.memory_space<hbm>>) dst(%arg10 : memref<128x64xf32, #tpu.memory_space<vmem>>)
      %add3A_226 = arith.constant 1 : i32
      %add3A_227 = arith.addi %add3A_201, %add3A_226 : i32
      "tpu.region"() ({
        %run_scoped3A = tpu.sem_alloc : memref<!tpu.dma_semaphore, #tpu.memory_space<semaphore_mem>>
        %dma_start3A_228 = arith.constant 0 : i32
        %dma_start3A_229 = tpu.memref_slice %arg7[%add3A_227, %dma_start3A_228] : memref<160x128xi32, #tpu.memory_space<vmem>> -> memref<1x128xi32, #tpu.memory_space<vmem>>
        %dma_start3A_230 = tpu.memref_squeeze %dma_start3A_229 : memref<1x128xi32, #tpu.memory_space<vmem>> -> memref<128xi32, #tpu.memory_space<vmem>>
        %dma_start3A_231 = arith.constant 0 : i32
        %dma_start3A_232 = arith.constant 0 : i32
        %dma_start3A_233 = tpu.memref_slice %arg12[%dma_start3A_231, %dma_start3A_232] : memref<10496x64xf32, #tpu.memory_space<vmem_shared>> -> memref<10496x64xf32, #tpu.memory_space<vmem_shared>>
        tpu.enqueue_indirect_dma source(%arg10 : memref<128x64xf32, #tpu.memory_space<vmem>>) target(%dma_start3A_233 : memref<10496x64xf32, #tpu.memory_space<vmem_shared>>) offsets(%dma_start3A_230 : memref<128xi32, #tpu.memory_space<vmem>>) semaphore(%run_scoped3A : memref<!tpu.dma_semaphore, #tpu.memory_space<semaphore_mem>>) {add = true}
        %dma_wait3A_234 = arith.constant 0 : i32
        %dma_wait3A_235 = tpu.memref_slice %arg7[%add3A_227, %dma_wait3A_234] : memref<160x128xi32, #tpu.memory_space<vmem>> -> memref<1x128xi32, #tpu.memory_space<vmem>>
        %dma_wait3A_236 = tpu.memref_squeeze %dma_wait3A_235 : memref<1x128xi32, #tpu.memory_space<vmem>> -> memref<128xi32, #tpu.memory_space<vmem>>
        %dma_wait3A_237 = arith.constant 0 : i32
        %dma_wait3A_238 = arith.constant 0 : i32
        %dma_wait3A_239 = tpu.memref_slice %arg12[%dma_wait3A_237, %dma_wait3A_238] : memref<10496x64xf32, #tpu.memory_space<vmem_shared>> -> memref<10496x64xf32, #tpu.memory_space<vmem_shared>>
        tpu.wait_indirect_dma semaphore(%run_scoped3A : memref<!tpu.dma_semaphore, #tpu.memory_space<semaphore_mem>>) src(%arg10 : memref<128x64xf32, #tpu.memory_space<vmem>>) dst(%dma_wait3A_239 : memref<10496x64xf32, #tpu.memory_space<vmem_shared>>)
        tpu.yield
      }) : () -> ()
    }
    %scan3A_90 = arith.constant 80 : i32
    %barrier3A_91 = arith.constant 0 : index
    tpu.barrier barrier_id(%barrier3A_91)
    %mul3A_92 = arith.constant 640 : i32
    %mul3A_93 = arith.muli %arg1, %mul3A_92 : i32
    %mul3A_94 = arith.constant 10240 : i32
    %mul3A_95 = arith.muli %add3A_52, %mul3A_94 : i32
    %mul3A_96 = arith.constant 640 : i32
    %mul3A_97 = arith.muli %arg1, %mul3A_96 : i32
    %add3A_98 = arith.addi %mul3A_95, %mul3A_97 : i32
    "tpu.region"() ({
      %run_scoped3A = tpu.sem_alloc : memref<!tpu.dma_semaphore, #tpu.memory_space<semaphore_mem>>
      %dma_start3A = arith.constant 0 : i32
      %dma_start3A_197 = tpu.memref_slice %arg5[%add3A_98, %dma_start3A] : memref<81920x64xf32, #tpu.memory_space<hbm>> -> memref<640x64xf32, #tpu.memory_space<hbm>>
      %dma_start3A_198 = arith.constant 0 : i32
      %dma_start3A_199 = tpu.memref_slice %arg12[%mul3A_93, %dma_start3A_198] : memref<10496x64xf32, #tpu.memory_space<vmem_shared>> -> memref<640x64xf32, #tpu.memory_space<vmem_shared>>
      tpu.enqueue_dma source(%dma_start3A_199 : memref<640x64xf32, #tpu.memory_space<vmem_shared>>) target(%dma_start3A_197 : memref<640x64xf32, #tpu.memory_space<hbm>>) target_semaphore(%run_scoped3A : memref<!tpu.dma_semaphore, #tpu.memory_space<semaphore_mem>>)
      %dma_wait3A = arith.constant 0 : i32
      %dma_wait3A_200 = tpu.memref_slice %arg5[%add3A_98, %dma_wait3A] : memref<81920x64xf32, #tpu.memory_space<hbm>> -> memref<640x64xf32, #tpu.memory_space<hbm>>
      %dma_wait3A_201 = arith.constant 0 : i32
      %dma_wait3A_202 = tpu.memref_slice %arg12[%mul3A_93, %dma_wait3A_201] : memref<10496x64xf32, #tpu.memory_space<vmem_shared>> -> memref<640x64xf32, #tpu.memory_space<vmem_shared>>
      tpu.wait_dma2 semaphore(%run_scoped3A : memref<!tpu.dma_semaphore, #tpu.memory_space<semaphore_mem>>) src(%dma_wait3A_202 : memref<640x64xf32, #tpu.memory_space<vmem_shared>>) dst(%dma_wait3A_200 : memref<640x64xf32, #tpu.memory_space<hbm>>)
      tpu.yield
    }) : () -> ()
    %barrier3A_99 = arith.constant 0 : index
    tpu.barrier barrier_id(%barrier3A_99)
    %add3A_100 = arith.constant 4 : i32
    %add3A_101 = arith.addi %arg0, %add3A_100 : i32
    %mul3A_102 = arith.constant 656 : i32
    %mul3A_103 = arith.muli %arg1, %mul3A_102 : i32
    %add3A_104 = arith.constant 0 : i32
    %add3A_105 = arith.addi %mul3A_103, %add3A_104 : i32
    "tpu.region"() ({
      %run_scoped3A = tpu.sem_alloc : memref<!tpu.dma_semaphore, #tpu.memory_space<semaphore_mem>>
      %dma_start3A = arith.constant 0 : i32
      %dma_start3A_197 = tpu.memref_slice %arg12[%add3A_105, %dma_start3A] : memref<10496x64xf32, #tpu.memory_space<vmem_shared>> -> memref<128x64xf32, #tpu.memory_space<vmem_shared>>
      %dma_start3A_198 = arith.constant 0 : i32
      %dma_start3A_199 = tpu.memref_slice %arg12[%add3A_105, %dma_start3A_198] : memref<10496x64xf32, #tpu.memory_space<vmem_shared>> -> memref<128x64xf32, #tpu.memory_space<vmem_shared>>
      tpu.enqueue_dma source(%arg11 : memref<128x64xf32, #tpu.memory_space<vmem>>) target(%dma_start3A_199 : memref<128x64xf32, #tpu.memory_space<vmem_shared>>) target_semaphore(%run_scoped3A : memref<!tpu.dma_semaphore, #tpu.memory_space<semaphore_mem>>)
      %dma_wait3A = arith.constant 0 : i32
      %dma_wait3A_200 = tpu.memref_slice %arg12[%add3A_105, %dma_wait3A] : memref<10496x64xf32, #tpu.memory_space<vmem_shared>> -> memref<128x64xf32, #tpu.memory_space<vmem_shared>>
      %dma_wait3A_201 = arith.constant 0 : i32
      %dma_wait3A_202 = tpu.memref_slice %arg12[%add3A_105, %dma_wait3A_201] : memref<10496x64xf32, #tpu.memory_space<vmem_shared>> -> memref<128x64xf32, #tpu.memory_space<vmem_shared>>
      tpu.wait_dma2 semaphore(%run_scoped3A : memref<!tpu.dma_semaphore, #tpu.memory_space<semaphore_mem>>) src(%arg11 : memref<128x64xf32, #tpu.memory_space<vmem>>) dst(%dma_wait3A_202 : memref<128x64xf32, #tpu.memory_space<vmem_shared>>)
      tpu.yield
    }) : () -> ()
    %mul3A_106 = arith.constant 656 : i32
    %mul3A_107 = arith.muli %arg1, %mul3A_106 : i32
    %add3A_108 = arith.constant 128 : i32
    %add3A_109 = arith.addi %mul3A_107, %add3A_108 : i32
    "tpu.region"() ({
      %run_scoped3A = tpu.sem_alloc : memref<!tpu.dma_semaphore, #tpu.memory_space<semaphore_mem>>
      %dma_start3A = arith.constant 0 : i32
      %dma_start3A_197 = tpu.memref_slice %arg12[%add3A_109, %dma_start3A] : memref<10496x64xf32, #tpu.memory_space<vmem_shared>> -> memref<128x64xf32, #tpu.memory_space<vmem_shared>>
      %dma_start3A_198 = arith.constant 0 : i32
      %dma_start3A_199 = tpu.memref_slice %arg12[%add3A_109, %dma_start3A_198] : memref<10496x64xf32, #tpu.memory_space<vmem_shared>> -> memref<128x64xf32, #tpu.memory_space<vmem_shared>>
      tpu.enqueue_dma source(%arg11 : memref<128x64xf32, #tpu.memory_space<vmem>>) target(%dma_start3A_199 : memref<128x64xf32, #tpu.memory_space<vmem_shared>>) target_semaphore(%run_scoped3A : memref<!tpu.dma_semaphore, #tpu.memory_space<semaphore_mem>>)
      %dma_wait3A = arith.constant 0 : i32
      %dma_wait3A_200 = tpu.memref_slice %arg12[%add3A_109, %dma_wait3A] : memref<10496x64xf32, #tpu.memory_space<vmem_shared>> -> memref<128x64xf32, #tpu.memory_space<vmem_shared>>
      %dma_wait3A_201 = arith.constant 0 : i32
      %dma_wait3A_202 = tpu.memref_slice %arg12[%add3A_109, %dma_wait3A_201] : memref<10496x64xf32, #tpu.memory_space<vmem_shared>> -> memref<128x64xf32, #tpu.memory_space<vmem_shared>>
      tpu.wait_dma2 semaphore(%run_scoped3A : memref<!tpu.dma_semaphore, #tpu.memory_space<semaphore_mem>>) src(%arg11 : memref<128x64xf32, #tpu.memory_space<vmem>>) dst(%dma_wait3A_202 : memref<128x64xf32, #tpu.memory_space<vmem_shared>>)
      tpu.yield
    }) : () -> ()
    %mul3A_110 = arith.constant 656 : i32
    %mul3A_111 = arith.muli %arg1, %mul3A_110 : i32
    %add3A_112 = arith.constant 256 : i32
    %add3A_113 = arith.addi %mul3A_111, %add3A_112 : i32
    "tpu.region"() ({
      %run_scoped3A = tpu.sem_alloc : memref<!tpu.dma_semaphore, #tpu.memory_space<semaphore_mem>>
      %dma_start3A = arith.constant 0 : i32
      %dma_start3A_197 = tpu.memref_slice %arg12[%add3A_113, %dma_start3A] : memref<10496x64xf32, #tpu.memory_space<vmem_shared>> -> memref<128x64xf32, #tpu.memory_space<vmem_shared>>
      %dma_start3A_198 = arith.constant 0 : i32
      %dma_start3A_199 = tpu.memref_slice %arg12[%add3A_113, %dma_start3A_198] : memref<10496x64xf32, #tpu.memory_space<vmem_shared>> -> memref<128x64xf32, #tpu.memory_space<vmem_shared>>
      tpu.enqueue_dma source(%arg11 : memref<128x64xf32, #tpu.memory_space<vmem>>) target(%dma_start3A_199 : memref<128x64xf32, #tpu.memory_space<vmem_shared>>) target_semaphore(%run_scoped3A : memref<!tpu.dma_semaphore, #tpu.memory_space<semaphore_mem>>)
      %dma_wait3A = arith.constant 0 : i32
      %dma_wait3A_200 = tpu.memref_slice %arg12[%add3A_113, %dma_wait3A] : memref<10496x64xf32, #tpu.memory_space<vmem_shared>> -> memref<128x64xf32, #tpu.memory_space<vmem_shared>>
      %dma_wait3A_201 = arith.constant 0 : i32
      %dma_wait3A_202 = tpu.memref_slice %arg12[%add3A_113, %dma_wait3A_201] : memref<10496x64xf32, #tpu.memory_space<vmem_shared>> -> memref<128x64xf32, #tpu.memory_space<vmem_shared>>
      tpu.wait_dma2 semaphore(%run_scoped3A : memref<!tpu.dma_semaphore, #tpu.memory_space<semaphore_mem>>) src(%arg11 : memref<128x64xf32, #tpu.memory_space<vmem>>) dst(%dma_wait3A_202 : memref<128x64xf32, #tpu.memory_space<vmem_shared>>)
      tpu.yield
    }) : () -> ()
    %mul3A_114 = arith.constant 656 : i32
    %mul3A_115 = arith.muli %arg1, %mul3A_114 : i32
    %add3A_116 = arith.constant 384 : i32
    %add3A_117 = arith.addi %mul3A_115, %add3A_116 : i32
    "tpu.region"() ({
      %run_scoped3A = tpu.sem_alloc : memref<!tpu.dma_semaphore, #tpu.memory_space<semaphore_mem>>
      %dma_start3A = arith.constant 0 : i32
      %dma_start3A_197 = tpu.memref_slice %arg12[%add3A_117, %dma_start3A] : memref<10496x64xf32, #tpu.memory_space<vmem_shared>> -> memref<128x64xf32, #tpu.memory_space<vmem_shared>>
      %dma_start3A_198 = arith.constant 0 : i32
      %dma_start3A_199 = tpu.memref_slice %arg12[%add3A_117, %dma_start3A_198] : memref<10496x64xf32, #tpu.memory_space<vmem_shared>> -> memref<128x64xf32, #tpu.memory_space<vmem_shared>>
      tpu.enqueue_dma source(%arg11 : memref<128x64xf32, #tpu.memory_space<vmem>>) target(%dma_start3A_199 : memref<128x64xf32, #tpu.memory_space<vmem_shared>>) target_semaphore(%run_scoped3A : memref<!tpu.dma_semaphore, #tpu.memory_space<semaphore_mem>>)
      %dma_wait3A = arith.constant 0 : i32
      %dma_wait3A_200 = tpu.memref_slice %arg12[%add3A_117, %dma_wait3A] : memref<10496x64xf32, #tpu.memory_space<vmem_shared>> -> memref<128x64xf32, #tpu.memory_space<vmem_shared>>
      %dma_wait3A_201 = arith.constant 0 : i32
      %dma_wait3A_202 = tpu.memref_slice %arg12[%add3A_117, %dma_wait3A_201] : memref<10496x64xf32, #tpu.memory_space<vmem_shared>> -> memref<128x64xf32, #tpu.memory_space<vmem_shared>>
      tpu.wait_dma2 semaphore(%run_scoped3A : memref<!tpu.dma_semaphore, #tpu.memory_space<semaphore_mem>>) src(%arg11 : memref<128x64xf32, #tpu.memory_space<vmem>>) dst(%dma_wait3A_202 : memref<128x64xf32, #tpu.memory_space<vmem_shared>>)
      tpu.yield
    }) : () -> ()
    %mul3A_118 = arith.constant 656 : i32
    %mul3A_119 = arith.muli %arg1, %mul3A_118 : i32
    %add3A_120 = arith.constant 512 : i32
    %add3A_121 = arith.addi %mul3A_119, %add3A_120 : i32
    "tpu.region"() ({
      %run_scoped3A = tpu.sem_alloc : memref<!tpu.dma_semaphore, #tpu.memory_space<semaphore_mem>>
      %dma_start3A = arith.constant 0 : i32
      %dma_start3A_197 = tpu.memref_slice %arg12[%add3A_121, %dma_start3A] : memref<10496x64xf32, #tpu.memory_space<vmem_shared>> -> memref<128x64xf32, #tpu.memory_space<vmem_shared>>
      %dma_start3A_198 = arith.constant 0 : i32
      %dma_start3A_199 = tpu.memref_slice %arg12[%add3A_121, %dma_start3A_198] : memref<10496x64xf32, #tpu.memory_space<vmem_shared>> -> memref<128x64xf32, #tpu.memory_space<vmem_shared>>
      tpu.enqueue_dma source(%arg11 : memref<128x64xf32, #tpu.memory_space<vmem>>) target(%dma_start3A_199 : memref<128x64xf32, #tpu.memory_space<vmem_shared>>) target_semaphore(%run_scoped3A : memref<!tpu.dma_semaphore, #tpu.memory_space<semaphore_mem>>)
      %dma_wait3A = arith.constant 0 : i32
      %dma_wait3A_200 = tpu.memref_slice %arg12[%add3A_121, %dma_wait3A] : memref<10496x64xf32, #tpu.memory_space<vmem_shared>> -> memref<128x64xf32, #tpu.memory_space<vmem_shared>>
      %dma_wait3A_201 = arith.constant 0 : i32
      %dma_wait3A_202 = tpu.memref_slice %arg12[%add3A_121, %dma_wait3A_201] : memref<10496x64xf32, #tpu.memory_space<vmem_shared>> -> memref<128x64xf32, #tpu.memory_space<vmem_shared>>
      tpu.wait_dma2 semaphore(%run_scoped3A : memref<!tpu.dma_semaphore, #tpu.memory_space<semaphore_mem>>) src(%arg11 : memref<128x64xf32, #tpu.memory_space<vmem>>) dst(%dma_wait3A_202 : memref<128x64xf32, #tpu.memory_space<vmem_shared>>)
      tpu.yield
    }) : () -> ()
    %mul3A_122 = arith.constant 656 : i32
    %mul3A_123 = arith.muli %arg1, %mul3A_122 : i32
    %add3A_124 = arith.constant 640 : i32
    %add3A_125 = arith.addi %mul3A_123, %add3A_124 : i32
    "tpu.region"() ({
      %run_scoped3A = tpu.sem_alloc : memref<!tpu.dma_semaphore, #tpu.memory_space<semaphore_mem>>
      %dma_start3A = arith.constant 0 : i32
      %dma_start3A_197 = arith.constant 0 : i32
      %dma_start3A_198 = tpu.memref_slice %arg11[%dma_start3A, %dma_start3A_197] : memref<128x64xf32, #tpu.memory_space<vmem>> -> memref<16x64xf32, #tpu.memory_space<vmem>>
      %dma_start3A_199 = arith.constant 0 : i32
      %dma_start3A_200 = tpu.memref_slice %arg12[%add3A_125, %dma_start3A_199] : memref<10496x64xf32, #tpu.memory_space<vmem_shared>> -> memref<16x64xf32, #tpu.memory_space<vmem_shared>>
      %dma_start3A_201 = arith.constant 0 : i32
      %dma_start3A_202 = tpu.memref_slice %arg12[%add3A_125, %dma_start3A_201] : memref<10496x64xf32, #tpu.memory_space<vmem_shared>> -> memref<16x64xf32, #tpu.memory_space<vmem_shared>>
      %dma_start3A_203 = arith.constant 0 : i32
      %dma_start3A_204 = arith.constant 0 : i32
      %dma_start3A_205 = tpu.memref_slice %arg11[%dma_start3A_203, %dma_start3A_204] : memref<128x64xf32, #tpu.memory_space<vmem>> -> memref<16x64xf32, #tpu.memory_space<vmem>>
      tpu.enqueue_dma source(%dma_start3A_205 : memref<16x64xf32, #tpu.memory_space<vmem>>) target(%dma_start3A_202 : memref<16x64xf32, #tpu.memory_space<vmem_shared>>) target_semaphore(%run_scoped3A : memref<!tpu.dma_semaphore, #tpu.memory_space<semaphore_mem>>)
      %dma_wait3A = arith.constant 0 : i32
      %dma_wait3A_206 = arith.constant 0 : i32
      %dma_wait3A_207 = tpu.memref_slice %arg11[%dma_wait3A, %dma_wait3A_206] : memref<128x64xf32, #tpu.memory_space<vmem>> -> memref<16x64xf32, #tpu.memory_space<vmem>>
      %dma_wait3A_208 = arith.constant 0 : i32
      %dma_wait3A_209 = tpu.memref_slice %arg12[%add3A_125, %dma_wait3A_208] : memref<10496x64xf32, #tpu.memory_space<vmem_shared>> -> memref<16x64xf32, #tpu.memory_space<vmem_shared>>
      %dma_wait3A_210 = arith.constant 0 : i32
      %dma_wait3A_211 = tpu.memref_slice %arg12[%add3A_125, %dma_wait3A_210] : memref<10496x64xf32, #tpu.memory_space<vmem_shared>> -> memref<16x64xf32, #tpu.memory_space<vmem_shared>>
      %dma_wait3A_212 = arith.constant 0 : i32
      %dma_wait3A_213 = arith.constant 0 : i32
      %dma_wait3A_214 = tpu.memref_slice %arg11[%dma_wait3A_212, %dma_wait3A_213] : memref<128x64xf32, #tpu.memory_space<vmem>> -> memref<16x64xf32, #tpu.memory_space<vmem>>
      tpu.wait_dma2 semaphore(%run_scoped3A : memref<!tpu.dma_semaphore, #tpu.memory_space<semaphore_mem>>) src(%dma_wait3A_214 : memref<16x64xf32, #tpu.memory_space<vmem>>) dst(%dma_wait3A_211 : memref<16x64xf32, #tpu.memory_space<vmem_shared>>)
      tpu.yield
    }) : () -> ()
    %mul3A_126 = arith.constant 10240 : i32
    %mul3A_127 = arith.muli %add3A_101, %mul3A_126 : i32
    %broadcast_in_dim3A_128 = vector.broadcast %mul3A_127 : i32 to vector<16xi32>
    %scan3A_129 = arith.constant 0 : i32
    %scan3A_130 = arith.constant 160 : i32
    %scan3A_131 = arith.addi %scan3A_129, %scan3A_130 : i32
    %scan3A_132 = arith.constant 1 : i32
    scf.for %scan3A_197 = %scan3A_129 to %scan3A_131 step %scan3A_132  : i32 {
      %mul3A_198 = arith.constant 1 : i32
      %mul3A_199 = arith.muli %scan3A_197, %mul3A_198 : i32
      %add3A_200 = arith.constant 0 : i32
      %add3A_201 = arith.addi %add3A_200, %mul3A_199 : i32
      %get3A = arith.index_cast %add3A_201 : i32 to index
      %get3A_202 = arith.constant 0 : index
      %get3A_203 = tpu.vector_load %arg6[%get3A, %get3A_202] {strides = array<i32>} : memref<160x128xi32, #tpu.memory_space<vmem>>, vector<16xi32>,
      %add3A_204 = arith.addi %get3A_203, %broadcast_in_dim3A_128 : vector<16xi32>
      %swap3A = arith.index_cast %add3A_201 : i32 to index
      %swap3A_205 = arith.constant 0 : index
      %swap3A_206 = tpu.vector_load %arg8[%swap3A, %swap3A_205] {strides = array<i32>} : memref<160x128xi32, #tpu.memory_space<vmem>>, vector<16xi32>,
      tpu.vector_store %arg8[%swap3A, %swap3A_205], %add3A_204 {strides = array<i32>} : memref<160x128xi32, #tpu.memory_space<vmem>>, vector<16xi32>,
      %get3A_207 = arith.index_cast %add3A_201 : i32 to index
      %get3A_208 = arith.constant 16 : index
      %get3A_209 = tpu.vector_load %arg6[%get3A_207, %get3A_208] {strides = array<i32>} : memref<160x128xi32, #tpu.memory_space<vmem>>, vector<16xi32>,
      %add3A_210 = arith.addi %get3A_209, %broadcast_in_dim3A_128 : vector<16xi32>
      %swap3A_211 = arith.index_cast %add3A_201 : i32 to index
      %swap3A_212 = arith.constant 16 : index
      %swap3A_213 = tpu.vector_load %arg8[%swap3A_211, %swap3A_212] {strides = array<i32>} : memref<160x128xi32, #tpu.memory_space<vmem>>, vector<16xi32>,
      tpu.vector_store %arg8[%swap3A_211, %swap3A_212], %add3A_210 {strides = array<i32>} : memref<160x128xi32, #tpu.memory_space<vmem>>, vector<16xi32>,
      %get3A_214 = arith.index_cast %add3A_201 : i32 to index
      %get3A_215 = arith.constant 32 : index
      %get3A_216 = tpu.vector_load %arg6[%get3A_214, %get3A_215] {strides = array<i32>} : memref<160x128xi32, #tpu.memory_space<vmem>>, vector<16xi32>,
      %add3A_217 = arith.addi %get3A_216, %broadcast_in_dim3A_128 : vector<16xi32>
      %swap3A_218 = arith.index_cast %add3A_201 : i32 to index
      %swap3A_219 = arith.constant 32 : index
      %swap3A_220 = tpu.vector_load %arg8[%swap3A_218, %swap3A_219] {strides = array<i32>} : memref<160x128xi32, #tpu.memory_space<vmem>>, vector<16xi32>,
      tpu.vector_store %arg8[%swap3A_218, %swap3A_219], %add3A_217 {strides = array<i32>} : memref<160x128xi32, #tpu.memory_space<vmem>>, vector<16xi32>,
      %get3A_221 = arith.index_cast %add3A_201 : i32 to index
      %get3A_222 = arith.constant 48 : index
      %get3A_223 = tpu.vector_load %arg6[%get3A_221, %get3A_222] {strides = array<i32>} : memref<160x128xi32, #tpu.memory_space<vmem>>, vector<16xi32>,
      %add3A_224 = arith.addi %get3A_223, %broadcast_in_dim3A_128 : vector<16xi32>
      %swap3A_225 = arith.index_cast %add3A_201 : i32 to index
      %swap3A_226 = arith.constant 48 : index
      %swap3A_227 = tpu.vector_load %arg8[%swap3A_225, %swap3A_226] {strides = array<i32>} : memref<160x128xi32, #tpu.memory_space<vmem>>, vector<16xi32>,
      tpu.vector_store %arg8[%swap3A_225, %swap3A_226], %add3A_224 {strides = array<i32>} : memref<160x128xi32, #tpu.memory_space<vmem>>, vector<16xi32>,
      %get3A_228 = arith.index_cast %add3A_201 : i32 to index
      %get3A_229 = arith.constant 64 : index
      %get3A_230 = tpu.vector_load %arg6[%get3A_228, %get3A_229] {strides = array<i32>} : memref<160x128xi32, #tpu.memory_space<vmem>>, vector<16xi32>,
      %add3A_231 = arith.addi %get3A_230, %broadcast_in_dim3A_128 : vector<16xi32>
      %swap3A_232 = arith.index_cast %add3A_201 : i32 to index
      %swap3A_233 = arith.constant 64 : index
      %swap3A_234 = tpu.vector_load %arg8[%swap3A_232, %swap3A_233] {strides = array<i32>} : memref<160x128xi32, #tpu.memory_space<vmem>>, vector<16xi32>,
      tpu.vector_store %arg8[%swap3A_232, %swap3A_233], %add3A_231 {strides = array<i32>} : memref<160x128xi32, #tpu.memory_space<vmem>>, vector<16xi32>,
      %get3A_235 = arith.index_cast %add3A_201 : i32 to index
      %get3A_236 = arith.constant 80 : index
      %get3A_237 = tpu.vector_load %arg6[%get3A_235, %get3A_236] {strides = array<i32>} : memref<160x128xi32, #tpu.memory_space<vmem>>, vector<16xi32>,
      %add3A_238 = arith.addi %get3A_237, %broadcast_in_dim3A_128 : vector<16xi32>
      %swap3A_239 = arith.index_cast %add3A_201 : i32 to index
      %swap3A_240 = arith.constant 80 : index
      %swap3A_241 = tpu.vector_load %arg8[%swap3A_239, %swap3A_240] {strides = array<i32>} : memref<160x128xi32, #tpu.memory_space<vmem>>, vector<16xi32>,
      tpu.vector_store %arg8[%swap3A_239, %swap3A_240], %add3A_238 {strides = array<i32>} : memref<160x128xi32, #tpu.memory_space<vmem>>, vector<16xi32>,
      %get3A_242 = arith.index_cast %add3A_201 : i32 to index
      %get3A_243 = arith.constant 96 : index
      %get3A_244 = tpu.vector_load %arg6[%get3A_242, %get3A_243] {strides = array<i32>} : memref<160x128xi32, #tpu.memory_space<vmem>>, vector<16xi32>,
      %add3A_245 = arith.addi %get3A_244, %broadcast_in_dim3A_128 : vector<16xi32>
      %swap3A_246 = arith.index_cast %add3A_201 : i32 to index
      %swap3A_247 = arith.constant 96 : index
      %swap3A_248 = tpu.vector_load %arg8[%swap3A_246, %swap3A_247] {strides = array<i32>} : memref<160x128xi32, #tpu.memory_space<vmem>>, vector<16xi32>,
      tpu.vector_store %arg8[%swap3A_246, %swap3A_247], %add3A_245 {strides = array<i32>} : memref<160x128xi32, #tpu.memory_space<vmem>>, vector<16xi32>,
      %get3A_249 = arith.index_cast %add3A_201 : i32 to index
      %get3A_250 = arith.constant 112 : index
      %get3A_251 = tpu.vector_load %arg6[%get3A_249, %get3A_250] {strides = array<i32>} : memref<160x128xi32, #tpu.memory_space<vmem>>, vector<16xi32>,
      %add3A_252 = arith.addi %get3A_251, %broadcast_in_dim3A_128 : vector<16xi32>
      %swap3A_253 = arith.index_cast %add3A_201 : i32 to index
      %swap3A_254 = arith.constant 112 : index
      %swap3A_255 = tpu.vector_load %arg8[%swap3A_253, %swap3A_254] {strides = array<i32>} : memref<160x128xi32, #tpu.memory_space<vmem>>, vector<16xi32>,
      tpu.vector_store %arg8[%swap3A_253, %swap3A_254], %add3A_252 {strides = array<i32>} : memref<160x128xi32, #tpu.memory_space<vmem>>, vector<16xi32>,
    }
    %scan3A_133 = arith.constant 160 : i32
    %barrier3A_134 = arith.constant 0 : index
    tpu.barrier barrier_id(%barrier3A_134)
    %scan3A_135 = arith.constant 0 : i32
    %scan3A_136 = arith.constant 80 : i32
    %scan3A_137 = arith.addi %scan3A_135, %scan3A_136 : i32
    %scan3A_138 = arith.constant 1 : i32
    scf.for %scan3A_197 = %scan3A_135 to %scan3A_137 step %scan3A_138  : i32 {
      %mul3A_198 = arith.constant 2 : i32
      %mul3A_199 = arith.muli %scan3A_197, %mul3A_198 : i32
      %add3A_200 = arith.constant 0 : i32
      %add3A_201 = arith.addi %add3A_200, %mul3A_199 : i32
      %dma_start3A = arith.constant 0 : i32
      %dma_start3A_202 = tpu.memref_slice %arg8[%add3A_201, %dma_start3A] : memref<160x128xi32, #tpu.memory_space<vmem>> -> memref<1x128xi32, #tpu.memory_space<vmem>>
      %dma_start3A_203 = tpu.memref_squeeze %dma_start3A_202 : memref<1x128xi32, #tpu.memory_space<vmem>> -> memref<128xi32, #tpu.memory_space<vmem>>
      %dma_start3A_204 = arith.constant 0 : i32
      %dma_start3A_205 = arith.constant 0 : i32
      %dma_start3A_206 = tpu.memref_slice %arg2[%dma_start3A_204, %dma_start3A_205] : memref<81920x64xf32, #tpu.memory_space<hbm>> -> memref<81920x64xf32, #tpu.memory_space<hbm>>
      tpu.enqueue_indirect_dma source(%dma_start3A_206 : memref<81920x64xf32, #tpu.memory_space<hbm>>) target(%arg9 : memref<128x64xf32, #tpu.memory_space<vmem>>) offsets(%dma_start3A_203 : memref<128xi32, #tpu.memory_space<vmem>>) semaphore(%arg13 : memref<!tpu.dma_semaphore, #tpu.memory_space<semaphore_mem>>)
      %add3A_207 = arith.constant 1 : i32
      %add3A_208 = arith.addi %add3A_201, %add3A_207 : i32
      %dma_start3A_209 = arith.constant 0 : i32
      %dma_start3A_210 = tpu.memref_slice %arg8[%add3A_208, %dma_start3A_209] : memref<160x128xi32, #tpu.memory_space<vmem>> -> memref<1x128xi32, #tpu.memory_space<vmem>>
      %dma_start3A_211 = tpu.memref_squeeze %dma_start3A_210 : memref<1x128xi32, #tpu.memory_space<vmem>> -> memref<128xi32, #tpu.memory_space<vmem>>
      %dma_start3A_212 = arith.constant 0 : i32
      %dma_start3A_213 = arith.constant 0 : i32
      %dma_start3A_214 = tpu.memref_slice %arg2[%dma_start3A_212, %dma_start3A_213] : memref<81920x64xf32, #tpu.memory_space<hbm>> -> memref<81920x64xf32, #tpu.memory_space<hbm>>
      tpu.enqueue_indirect_dma source(%dma_start3A_214 : memref<81920x64xf32, #tpu.memory_space<hbm>>) target(%arg10 : memref<128x64xf32, #tpu.memory_space<vmem>>) offsets(%dma_start3A_211 : memref<128xi32, #tpu.memory_space<vmem>>) semaphore(%arg14 : memref<!tpu.dma_semaphore, #tpu.memory_space<semaphore_mem>>)
      %dma_wait3A = arith.constant 0 : i32
      %dma_wait3A_215 = tpu.memref_slice %arg8[%add3A_201, %dma_wait3A] : memref<160x128xi32, #tpu.memory_space<vmem>> -> memref<1x128xi32, #tpu.memory_space<vmem>>
      %dma_wait3A_216 = tpu.memref_squeeze %dma_wait3A_215 : memref<1x128xi32, #tpu.memory_space<vmem>> -> memref<128xi32, #tpu.memory_space<vmem>>
      %dma_wait3A_217 = arith.constant 0 : i32
      %dma_wait3A_218 = arith.constant 0 : i32
      %dma_wait3A_219 = tpu.memref_slice %arg2[%dma_wait3A_217, %dma_wait3A_218] : memref<81920x64xf32, #tpu.memory_space<hbm>> -> memref<81920x64xf32, #tpu.memory_space<hbm>>
      tpu.wait_indirect_dma semaphore(%arg13 : memref<!tpu.dma_semaphore, #tpu.memory_space<semaphore_mem>>) src(%dma_wait3A_219 : memref<81920x64xf32, #tpu.memory_space<hbm>>) dst(%arg9 : memref<128x64xf32, #tpu.memory_space<vmem>>)
      "tpu.region"() ({
        %run_scoped3A = tpu.sem_alloc : memref<!tpu.dma_semaphore, #tpu.memory_space<semaphore_mem>>
        %dma_start3A_228 = arith.constant 0 : i32
        %dma_start3A_229 = tpu.memref_slice %arg7[%add3A_201, %dma_start3A_228] : memref<160x128xi32, #tpu.memory_space<vmem>> -> memref<1x128xi32, #tpu.memory_space<vmem>>
        %dma_start3A_230 = tpu.memref_squeeze %dma_start3A_229 : memref<1x128xi32, #tpu.memory_space<vmem>> -> memref<128xi32, #tpu.memory_space<vmem>>
        %dma_start3A_231 = arith.constant 0 : i32
        %dma_start3A_232 = arith.constant 0 : i32
        %dma_start3A_233 = tpu.memref_slice %arg12[%dma_start3A_231, %dma_start3A_232] : memref<10496x64xf32, #tpu.memory_space<vmem_shared>> -> memref<10496x64xf32, #tpu.memory_space<vmem_shared>>
        tpu.enqueue_indirect_dma source(%arg9 : memref<128x64xf32, #tpu.memory_space<vmem>>) target(%dma_start3A_233 : memref<10496x64xf32, #tpu.memory_space<vmem_shared>>) offsets(%dma_start3A_230 : memref<128xi32, #tpu.memory_space<vmem>>) semaphore(%run_scoped3A : memref<!tpu.dma_semaphore, #tpu.memory_space<semaphore_mem>>) {add = true}
        %dma_wait3A_234 = arith.constant 0 : i32
        %dma_wait3A_235 = tpu.memref_slice %arg7[%add3A_201, %dma_wait3A_234] : memref<160x128xi32, #tpu.memory_space<vmem>> -> memref<1x128xi32, #tpu.memory_space<vmem>>
        %dma_wait3A_236 = tpu.memref_squeeze %dma_wait3A_235 : memref<1x128xi32, #tpu.memory_space<vmem>> -> memref<128xi32, #tpu.memory_space<vmem>>
        %dma_wait3A_237 = arith.constant 0 : i32
        %dma_wait3A_238 = arith.constant 0 : i32
        %dma_wait3A_239 = tpu.memref_slice %arg12[%dma_wait3A_237, %dma_wait3A_238] : memref<10496x64xf32, #tpu.memory_space<vmem_shared>> -> memref<10496x64xf32, #tpu.memory_space<vmem_shared>>
        tpu.wait_indirect_dma semaphore(%run_scoped3A : memref<!tpu.dma_semaphore, #tpu.memory_space<semaphore_mem>>) src(%arg9 : memref<128x64xf32, #tpu.memory_space<vmem>>) dst(%dma_wait3A_239 : memref<10496x64xf32, #tpu.memory_space<vmem_shared>>)
        tpu.yield
      }) : () -> ()
      %dma_wait3A_220 = arith.constant 0 : i32
      %dma_wait3A_221 = tpu.memref_slice %arg8[%add3A_208, %dma_wait3A_220] : memref<160x128xi32, #tpu.memory_space<vmem>> -> memref<1x128xi32, #tpu.memory_space<vmem>>
      %dma_wait3A_222 = tpu.memref_squeeze %dma_wait3A_221 : memref<1x128xi32, #tpu.memory_space<vmem>> -> memref<128xi32, #tpu.memory_space<vmem>>
      %dma_wait3A_223 = arith.constant 0 : i32
      %dma_wait3A_224 = arith.constant 0 : i32
      %dma_wait3A_225 = tpu.memref_slice %arg2[%dma_wait3A_223, %dma_wait3A_224] : memref<81920x64xf32, #tpu.memory_space<hbm>> -> memref<81920x64xf32, #tpu.memory_space<hbm>>
      tpu.wait_indirect_dma semaphore(%arg14 : memref<!tpu.dma_semaphore, #tpu.memory_space<semaphore_mem>>) src(%dma_wait3A_225 : memref<81920x64xf32, #tpu.memory_space<hbm>>) dst(%arg10 : memref<128x64xf32, #tpu.memory_space<vmem>>)
      %add3A_226 = arith.constant 1 : i32
      %add3A_227 = arith.addi %add3A_201, %add3A_226 : i32
      "tpu.region"() ({
        %run_scoped3A = tpu.sem_alloc : memref<!tpu.dma_semaphore, #tpu.memory_space<semaphore_mem>>
        %dma_start3A_228 = arith.constant 0 : i32
        %dma_start3A_229 = tpu.memref_slice %arg7[%add3A_227, %dma_start3A_228] : memref<160x128xi32, #tpu.memory_space<vmem>> -> memref<1x128xi32, #tpu.memory_space<vmem>>
        %dma_start3A_230 = tpu.memref_squeeze %dma_start3A_229 : memref<1x128xi32, #tpu.memory_space<vmem>> -> memref<128xi32, #tpu.memory_space<vmem>>
        %dma_start3A_231 = arith.constant 0 : i32
        %dma_start3A_232 = arith.constant 0 : i32
        %dma_start3A_233 = tpu.memref_slice %arg12[%dma_start3A_231, %dma_start3A_232] : memref<10496x64xf32, #tpu.memory_space<vmem_shared>> -> memref<10496x64xf32, #tpu.memory_space<vmem_shared>>
        tpu.enqueue_indirect_dma source(%arg10 : memref<128x64xf32, #tpu.memory_space<vmem>>) target(%dma_start3A_233 : memref<10496x64xf32, #tpu.memory_space<vmem_shared>>) offsets(%dma_start3A_230 : memref<128xi32, #tpu.memory_space<vmem>>) semaphore(%run_scoped3A : memref<!tpu.dma_semaphore, #tpu.memory_space<semaphore_mem>>) {add = true}
        %dma_wait3A_234 = arith.constant 0 : i32
        %dma_wait3A_235 = tpu.memref_slice %arg7[%add3A_227, %dma_wait3A_234] : memref<160x128xi32, #tpu.memory_space<vmem>> -> memref<1x128xi32, #tpu.memory_space<vmem>>
        %dma_wait3A_236 = tpu.memref_squeeze %dma_wait3A_235 : memref<1x128xi32, #tpu.memory_space<vmem>> -> memref<128xi32, #tpu.memory_space<vmem>>
        %dma_wait3A_237 = arith.constant 0 : i32
        %dma_wait3A_238 = arith.constant 0 : i32
        %dma_wait3A_239 = tpu.memref_slice %arg12[%dma_wait3A_237, %dma_wait3A_238] : memref<10496x64xf32, #tpu.memory_space<vmem_shared>> -> memref<10496x64xf32, #tpu.memory_space<vmem_shared>>
        tpu.wait_indirect_dma semaphore(%run_scoped3A : memref<!tpu.dma_semaphore, #tpu.memory_space<semaphore_mem>>) src(%arg10 : memref<128x64xf32, #tpu.memory_space<vmem>>) dst(%dma_wait3A_239 : memref<10496x64xf32, #tpu.memory_space<vmem_shared>>)
        tpu.yield
      }) : () -> ()
    }
    %scan3A_139 = arith.constant 80 : i32
    %barrier3A_140 = arith.constant 0 : index
    tpu.barrier barrier_id(%barrier3A_140)
    %mul3A_141 = arith.constant 640 : i32
    %mul3A_142 = arith.muli %arg1, %mul3A_141 : i32
    %mul3A_143 = arith.constant 10240 : i32
    %mul3A_144 = arith.muli %add3A_101, %mul3A_143 : i32
    %mul3A_145 = arith.constant 640 : i32
    %mul3A_146 = arith.muli %arg1, %mul3A_145 : i32
    %add3A_147 = arith.addi %mul3A_144, %mul3A_146 : i32
    "tpu.region"() ({
      %run_scoped3A = tpu.sem_alloc : memref<!tpu.dma_semaphore, #tpu.memory_space<semaphore_mem>>
      %dma_start3A = arith.constant 0 : i32
      %dma_start3A_197 = tpu.memref_slice %arg5[%add3A_147, %dma_start3A] : memref<81920x64xf32, #tpu.memory_space<hbm>> -> memref<640x64xf32, #tpu.memory_space<hbm>>
      %dma_start3A_198 = arith.constant 0 : i32
      %dma_start3A_199 = tpu.memref_slice %arg12[%mul3A_142, %dma_start3A_198] : memref<10496x64xf32, #tpu.memory_space<vmem_shared>> -> memref<640x64xf32, #tpu.memory_space<vmem_shared>>
      tpu.enqueue_dma source(%dma_start3A_199 : memref<640x64xf32, #tpu.memory_space<vmem_shared>>) target(%dma_start3A_197 : memref<640x64xf32, #tpu.memory_space<hbm>>) target_semaphore(%run_scoped3A : memref<!tpu.dma_semaphore, #tpu.memory_space<semaphore_mem>>)
      %dma_wait3A = arith.constant 0 : i32
      %dma_wait3A_200 = tpu.memref_slice %arg5[%add3A_147, %dma_wait3A] : memref<81920x64xf32, #tpu.memory_space<hbm>> -> memref<640x64xf32, #tpu.memory_space<hbm>>
      %dma_wait3A_201 = arith.constant 0 : i32
      %dma_wait3A_202 = tpu.memref_slice %arg12[%mul3A_142, %dma_wait3A_201] : memref<10496x64xf32, #tpu.memory_space<vmem_shared>> -> memref<640x64xf32, #tpu.memory_space<vmem_shared>>
      tpu.wait_dma2 semaphore(%run_scoped3A : memref<!tpu.dma_semaphore, #tpu.memory_space<semaphore_mem>>) src(%dma_wait3A_202 : memref<640x64xf32, #tpu.memory_space<vmem_shared>>) dst(%dma_wait3A_200 : memref<640x64xf32, #tpu.memory_space<hbm>>)
      tpu.yield
    }) : () -> ()
    %barrier3A_148 = arith.constant 0 : index
    tpu.barrier barrier_id(%barrier3A_148)
    %add3A_149 = arith.constant 6 : i32
    %add3A_150 = arith.addi %arg0, %add3A_149 : i32
    %mul3A_151 = arith.constant 656 : i32
    %mul3A_152 = arith.muli %arg1, %mul3A_151 : i32
    %add3A_153 = arith.constant 0 : i32
    %add3A_154 = arith.addi %mul3A_152, %add3A_153 : i32
    "tpu.region"() ({
      %run_scoped3A = tpu.sem_alloc : memref<!tpu.dma_semaphore, #tpu.memory_space<semaphore_mem>>
      %dma_start3A = arith.constant 0 : i32
      %dma_start3A_197 = tpu.memref_slice %arg12[%add3A_154, %dma_start3A] : memref<10496x64xf32, #tpu.memory_space<vmem_shared>> -> memref<128x64xf32, #tpu.memory_space<vmem_shared>>
      %dma_start3A_198 = arith.constant 0 : i32
      %dma_start3A_199 = tpu.memref_slice %arg12[%add3A_154, %dma_start3A_198] : memref<10496x64xf32, #tpu.memory_space<vmem_shared>> -> memref<128x64xf32, #tpu.memory_space<vmem_shared>>
      tpu.enqueue_dma source(%arg11 : memref<128x64xf32, #tpu.memory_space<vmem>>) target(%dma_start3A_199 : memref<128x64xf32, #tpu.memory_space<vmem_shared>>) target_semaphore(%run_scoped3A : memref<!tpu.dma_semaphore, #tpu.memory_space<semaphore_mem>>)
      %dma_wait3A = arith.constant 0 : i32
      %dma_wait3A_200 = tpu.memref_slice %arg12[%add3A_154, %dma_wait3A] : memref<10496x64xf32, #tpu.memory_space<vmem_shared>> -> memref<128x64xf32, #tpu.memory_space<vmem_shared>>
      %dma_wait3A_201 = arith.constant 0 : i32
      %dma_wait3A_202 = tpu.memref_slice %arg12[%add3A_154, %dma_wait3A_201] : memref<10496x64xf32, #tpu.memory_space<vmem_shared>> -> memref<128x64xf32, #tpu.memory_space<vmem_shared>>
      tpu.wait_dma2 semaphore(%run_scoped3A : memref<!tpu.dma_semaphore, #tpu.memory_space<semaphore_mem>>) src(%arg11 : memref<128x64xf32, #tpu.memory_space<vmem>>) dst(%dma_wait3A_202 : memref<128x64xf32, #tpu.memory_space<vmem_shared>>)
      tpu.yield
    }) : () -> ()
    %mul3A_155 = arith.constant 656 : i32
    %mul3A_156 = arith.muli %arg1, %mul3A_155 : i32
    %add3A_157 = arith.constant 128 : i32
    %add3A_158 = arith.addi %mul3A_156, %add3A_157 : i32
    "tpu.region"() ({
      %run_scoped3A = tpu.sem_alloc : memref<!tpu.dma_semaphore, #tpu.memory_space<semaphore_mem>>
      %dma_start3A = arith.constant 0 : i32
      %dma_start3A_197 = tpu.memref_slice %arg12[%add3A_158, %dma_start3A] : memref<10496x64xf32, #tpu.memory_space<vmem_shared>> -> memref<128x64xf32, #tpu.memory_space<vmem_shared>>
      %dma_start3A_198 = arith.constant 0 : i32
      %dma_start3A_199 = tpu.memref_slice %arg12[%add3A_158, %dma_start3A_198] : memref<10496x64xf32, #tpu.memory_space<vmem_shared>> -> memref<128x64xf32, #tpu.memory_space<vmem_shared>>
      tpu.enqueue_dma source(%arg11 : memref<128x64xf32, #tpu.memory_space<vmem>>) target(%dma_start3A_199 : memref<128x64xf32, #tpu.memory_space<vmem_shared>>) target_semaphore(%run_scoped3A : memref<!tpu.dma_semaphore, #tpu.memory_space<semaphore_mem>>)
      %dma_wait3A = arith.constant 0 : i32
      %dma_wait3A_200 = tpu.memref_slice %arg12[%add3A_158, %dma_wait3A] : memref<10496x64xf32, #tpu.memory_space<vmem_shared>> -> memref<128x64xf32, #tpu.memory_space<vmem_shared>>
      %dma_wait3A_201 = arith.constant 0 : i32
      %dma_wait3A_202 = tpu.memref_slice %arg12[%add3A_158, %dma_wait3A_201] : memref<10496x64xf32, #tpu.memory_space<vmem_shared>> -> memref<128x64xf32, #tpu.memory_space<vmem_shared>>
      tpu.wait_dma2 semaphore(%run_scoped3A : memref<!tpu.dma_semaphore, #tpu.memory_space<semaphore_mem>>) src(%arg11 : memref<128x64xf32, #tpu.memory_space<vmem>>) dst(%dma_wait3A_202 : memref<128x64xf32, #tpu.memory_space<vmem_shared>>)
      tpu.yield
    }) : () -> ()
    %mul3A_159 = arith.constant 656 : i32
    %mul3A_160 = arith.muli %arg1, %mul3A_159 : i32
    %add3A_161 = arith.constant 256 : i32
    %add3A_162 = arith.addi %mul3A_160, %add3A_161 : i32
    "tpu.region"() ({
      %run_scoped3A = tpu.sem_alloc : memref<!tpu.dma_semaphore, #tpu.memory_space<semaphore_mem>>
      %dma_start3A = arith.constant 0 : i32
      %dma_start3A_197 = tpu.memref_slice %arg12[%add3A_162, %dma_start3A] : memref<10496x64xf32, #tpu.memory_space<vmem_shared>> -> memref<128x64xf32, #tpu.memory_space<vmem_shared>>
      %dma_start3A_198 = arith.constant 0 : i32
      %dma_start3A_199 = tpu.memref_slice %arg12[%add3A_162, %dma_start3A_198] : memref<10496x64xf32, #tpu.memory_space<vmem_shared>> -> memref<128x64xf32, #tpu.memory_space<vmem_shared>>
      tpu.enqueue_dma source(%arg11 : memref<128x64xf32, #tpu.memory_space<vmem>>) target(%dma_start3A_199 : memref<128x64xf32, #tpu.memory_space<vmem_shared>>) target_semaphore(%run_scoped3A : memref<!tpu.dma_semaphore, #tpu.memory_space<semaphore_mem>>)
      %dma_wait3A = arith.constant 0 : i32
      %dma_wait3A_200 = tpu.memref_slice %arg12[%add3A_162, %dma_wait3A] : memref<10496x64xf32, #tpu.memory_space<vmem_shared>> -> memref<128x64xf32, #tpu.memory_space<vmem_shared>>
      %dma_wait3A_201 = arith.constant 0 : i32
      %dma_wait3A_202 = tpu.memref_slice %arg12[%add3A_162, %dma_wait3A_201] : memref<10496x64xf32, #tpu.memory_space<vmem_shared>> -> memref<128x64xf32, #tpu.memory_space<vmem_shared>>
      tpu.wait_dma2 semaphore(%run_scoped3A : memref<!tpu.dma_semaphore, #tpu.memory_space<semaphore_mem>>) src(%arg11 : memref<128x64xf32, #tpu.memory_space<vmem>>) dst(%dma_wait3A_202 : memref<128x64xf32, #tpu.memory_space<vmem_shared>>)
      tpu.yield
    }) : () -> ()
    %mul3A_163 = arith.constant 656 : i32
    %mul3A_164 = arith.muli %arg1, %mul3A_163 : i32
    %add3A_165 = arith.constant 384 : i32
    %add3A_166 = arith.addi %mul3A_164, %add3A_165 : i32
    "tpu.region"() ({
      %run_scoped3A = tpu.sem_alloc : memref<!tpu.dma_semaphore, #tpu.memory_space<semaphore_mem>>
      %dma_start3A = arith.constant 0 : i32
      %dma_start3A_197 = tpu.memref_slice %arg12[%add3A_166, %dma_start3A] : memref<10496x64xf32, #tpu.memory_space<vmem_shared>> -> memref<128x64xf32, #tpu.memory_space<vmem_shared>>
      %dma_start3A_198 = arith.constant 0 : i32
      %dma_start3A_199 = tpu.memref_slice %arg12[%add3A_166, %dma_start3A_198] : memref<10496x64xf32, #tpu.memory_space<vmem_shared>> -> memref<128x64xf32, #tpu.memory_space<vmem_shared>>
      tpu.enqueue_dma source(%arg11 : memref<128x64xf32, #tpu.memory_space<vmem>>) target(%dma_start3A_199 : memref<128x64xf32, #tpu.memory_space<vmem_shared>>) target_semaphore(%run_scoped3A : memref<!tpu.dma_semaphore, #tpu.memory_space<semaphore_mem>>)
      %dma_wait3A = arith.constant 0 : i32
      %dma_wait3A_200 = tpu.memref_slice %arg12[%add3A_166, %dma_wait3A] : memref<10496x64xf32, #tpu.memory_space<vmem_shared>> -> memref<128x64xf32, #tpu.memory_space<vmem_shared>>
      %dma_wait3A_201 = arith.constant 0 : i32
      %dma_wait3A_202 = tpu.memref_slice %arg12[%add3A_166, %dma_wait3A_201] : memref<10496x64xf32, #tpu.memory_space<vmem_shared>> -> memref<128x64xf32, #tpu.memory_space<vmem_shared>>
      tpu.wait_dma2 semaphore(%run_scoped3A : memref<!tpu.dma_semaphore, #tpu.memory_space<semaphore_mem>>) src(%arg11 : memref<128x64xf32, #tpu.memory_space<vmem>>) dst(%dma_wait3A_202 : memref<128x64xf32, #tpu.memory_space<vmem_shared>>)
      tpu.yield
    }) : () -> ()
    %mul3A_167 = arith.constant 656 : i32
    %mul3A_168 = arith.muli %arg1, %mul3A_167 : i32
    %add3A_169 = arith.constant 512 : i32
    %add3A_170 = arith.addi %mul3A_168, %add3A_169 : i32
    "tpu.region"() ({
      %run_scoped3A = tpu.sem_alloc : memref<!tpu.dma_semaphore, #tpu.memory_space<semaphore_mem>>
      %dma_start3A = arith.constant 0 : i32
      %dma_start3A_197 = tpu.memref_slice %arg12[%add3A_170, %dma_start3A] : memref<10496x64xf32, #tpu.memory_space<vmem_shared>> -> memref<128x64xf32, #tpu.memory_space<vmem_shared>>
      %dma_start3A_198 = arith.constant 0 : i32
      %dma_start3A_199 = tpu.memref_slice %arg12[%add3A_170, %dma_start3A_198] : memref<10496x64xf32, #tpu.memory_space<vmem_shared>> -> memref<128x64xf32, #tpu.memory_space<vmem_shared>>
      tpu.enqueue_dma source(%arg11 : memref<128x64xf32, #tpu.memory_space<vmem>>) target(%dma_start3A_199 : memref<128x64xf32, #tpu.memory_space<vmem_shared>>) target_semaphore(%run_scoped3A : memref<!tpu.dma_semaphore, #tpu.memory_space<semaphore_mem>>)
      %dma_wait3A = arith.constant 0 : i32
      %dma_wait3A_200 = tpu.memref_slice %arg12[%add3A_170, %dma_wait3A] : memref<10496x64xf32, #tpu.memory_space<vmem_shared>> -> memref<128x64xf32, #tpu.memory_space<vmem_shared>>
      %dma_wait3A_201 = arith.constant 0 : i32
      %dma_wait3A_202 = tpu.memref_slice %arg12[%add3A_170, %dma_wait3A_201] : memref<10496x64xf32, #tpu.memory_space<vmem_shared>> -> memref<128x64xf32, #tpu.memory_space<vmem_shared>>
      tpu.wait_dma2 semaphore(%run_scoped3A : memref<!tpu.dma_semaphore, #tpu.memory_space<semaphore_mem>>) src(%arg11 : memref<128x64xf32, #tpu.memory_space<vmem>>) dst(%dma_wait3A_202 : memref<128x64xf32, #tpu.memory_space<vmem_shared>>)
      tpu.yield
    }) : () -> ()
    %mul3A_171 = arith.constant 656 : i32
    %mul3A_172 = arith.muli %arg1, %mul3A_171 : i32
    %add3A_173 = arith.constant 640 : i32
    %add3A_174 = arith.addi %mul3A_172, %add3A_173 : i32
    "tpu.region"() ({
      %run_scoped3A = tpu.sem_alloc : memref<!tpu.dma_semaphore, #tpu.memory_space<semaphore_mem>>
      %dma_start3A = arith.constant 0 : i32
      %dma_start3A_197 = arith.constant 0 : i32
      %dma_start3A_198 = tpu.memref_slice %arg11[%dma_start3A, %dma_start3A_197] : memref<128x64xf32, #tpu.memory_space<vmem>> -> memref<16x64xf32, #tpu.memory_space<vmem>>
      %dma_start3A_199 = arith.constant 0 : i32
      %dma_start3A_200 = tpu.memref_slice %arg12[%add3A_174, %dma_start3A_199] : memref<10496x64xf32, #tpu.memory_space<vmem_shared>> -> memref<16x64xf32, #tpu.memory_space<vmem_shared>>
      %dma_start3A_201 = arith.constant 0 : i32
      %dma_start3A_202 = tpu.memref_slice %arg12[%add3A_174, %dma_start3A_201] : memref<10496x64xf32, #tpu.memory_space<vmem_shared>> -> memref<16x64xf32, #tpu.memory_space<vmem_shared>>
      %dma_start3A_203 = arith.constant 0 : i32
      %dma_start3A_204 = arith.constant 0 : i32
      %dma_start3A_205 = tpu.memref_slice %arg11[%dma_start3A_203, %dma_start3A_204] : memref<128x64xf32, #tpu.memory_space<vmem>> -> memref<16x64xf32, #tpu.memory_space<vmem>>
      tpu.enqueue_dma source(%dma_start3A_205 : memref<16x64xf32, #tpu.memory_space<vmem>>) target(%dma_start3A_202 : memref<16x64xf32, #tpu.memory_space<vmem_shared>>) target_semaphore(%run_scoped3A : memref<!tpu.dma_semaphore, #tpu.memory_space<semaphore_mem>>)
      %dma_wait3A = arith.constant 0 : i32
      %dma_wait3A_206 = arith.constant 0 : i32
      %dma_wait3A_207 = tpu.memref_slice %arg11[%dma_wait3A, %dma_wait3A_206] : memref<128x64xf32, #tpu.memory_space<vmem>> -> memref<16x64xf32, #tpu.memory_space<vmem>>
      %dma_wait3A_208 = arith.constant 0 : i32
      %dma_wait3A_209 = tpu.memref_slice %arg12[%add3A_174, %dma_wait3A_208] : memref<10496x64xf32, #tpu.memory_space<vmem_shared>> -> memref<16x64xf32, #tpu.memory_space<vmem_shared>>
      %dma_wait3A_210 = arith.constant 0 : i32
      %dma_wait3A_211 = tpu.memref_slice %arg12[%add3A_174, %dma_wait3A_210] : memref<10496x64xf32, #tpu.memory_space<vmem_shared>> -> memref<16x64xf32, #tpu.memory_space<vmem_shared>>
      %dma_wait3A_212 = arith.constant 0 : i32
      %dma_wait3A_213 = arith.constant 0 : i32
      %dma_wait3A_214 = tpu.memref_slice %arg11[%dma_wait3A_212, %dma_wait3A_213] : memref<128x64xf32, #tpu.memory_space<vmem>> -> memref<16x64xf32, #tpu.memory_space<vmem>>
      tpu.wait_dma2 semaphore(%run_scoped3A : memref<!tpu.dma_semaphore, #tpu.memory_space<semaphore_mem>>) src(%dma_wait3A_214 : memref<16x64xf32, #tpu.memory_space<vmem>>) dst(%dma_wait3A_211 : memref<16x64xf32, #tpu.memory_space<vmem_shared>>)
      tpu.yield
    }) : () -> ()
    %mul3A_175 = arith.constant 10240 : i32
    %mul3A_176 = arith.muli %add3A_150, %mul3A_175 : i32
    %broadcast_in_dim3A_177 = vector.broadcast %mul3A_176 : i32 to vector<16xi32>
    %scan3A_178 = arith.constant 0 : i32
    %scan3A_179 = arith.constant 160 : i32
    %scan3A_180 = arith.addi %scan3A_178, %scan3A_179 : i32
    %scan3A_181 = arith.constant 1 : i32
    scf.for %scan3A_197 = %scan3A_178 to %scan3A_180 step %scan3A_181  : i32 {
      %mul3A_198 = arith.constant 1 : i32
      %mul3A_199 = arith.muli %scan3A_197, %mul3A_198 : i32
      %add3A_200 = arith.constant 0 : i32
      %add3A_201 = arith.addi %add3A_200, %mul3A_199 : i32
      %get3A = arith.index_cast %add3A_201 : i32 to index
      %get3A_202 = arith.constant 0 : index
      %get3A_203 = tpu.vector_load %arg6[%get3A, %get3A_202] {strides = array<i32>} : memref<160x128xi32, #tpu.memory_space<vmem>>, vector<16xi32>,
      %add3A_204 = arith.addi %get3A_203, %broadcast_in_dim3A_177 : vector<16xi32>
      %swap3A = arith.index_cast %add3A_201 : i32 to index
      %swap3A_205 = arith.constant 0 : index
      %swap3A_206 = tpu.vector_load %arg8[%swap3A, %swap3A_205] {strides = array<i32>} : memref<160x128xi32, #tpu.memory_space<vmem>>, vector<16xi32>,
      tpu.vector_store %arg8[%swap3A, %swap3A_205], %add3A_204 {strides = array<i32>} : memref<160x128xi32, #tpu.memory_space<vmem>>, vector<16xi32>,
      %get3A_207 = arith.index_cast %add3A_201 : i32 to index
      %get3A_208 = arith.constant 16 : index
      %get3A_209 = tpu.vector_load %arg6[%get3A_207, %get3A_208] {strides = array<i32>} : memref<160x128xi32, #tpu.memory_space<vmem>>, vector<16xi32>,
      %add3A_210 = arith.addi %get3A_209, %broadcast_in_dim3A_177 : vector<16xi32>
      %swap3A_211 = arith.index_cast %add3A_201 : i32 to index
      %swap3A_212 = arith.constant 16 : index
      %swap3A_213 = tpu.vector_load %arg8[%swap3A_211, %swap3A_212] {strides = array<i32>} : memref<160x128xi32, #tpu.memory_space<vmem>>, vector<16xi32>,
      tpu.vector_store %arg8[%swap3A_211, %swap3A_212], %add3A_210 {strides = array<i32>} : memref<160x128xi32, #tpu.memory_space<vmem>>, vector<16xi32>,
      %get3A_214 = arith.index_cast %add3A_201 : i32 to index
      %get3A_215 = arith.constant 32 : index
      %get3A_216 = tpu.vector_load %arg6[%get3A_214, %get3A_215] {strides = array<i32>} : memref<160x128xi32, #tpu.memory_space<vmem>>, vector<16xi32>,
      %add3A_217 = arith.addi %get3A_216, %broadcast_in_dim3A_177 : vector<16xi32>
      %swap3A_218 = arith.index_cast %add3A_201 : i32 to index
      %swap3A_219 = arith.constant 32 : index
      %swap3A_220 = tpu.vector_load %arg8[%swap3A_218, %swap3A_219] {strides = array<i32>} : memref<160x128xi32, #tpu.memory_space<vmem>>, vector<16xi32>,
      tpu.vector_store %arg8[%swap3A_218, %swap3A_219], %add3A_217 {strides = array<i32>} : memref<160x128xi32, #tpu.memory_space<vmem>>, vector<16xi32>,
      %get3A_221 = arith.index_cast %add3A_201 : i32 to index
      %get3A_222 = arith.constant 48 : index
      %get3A_223 = tpu.vector_load %arg6[%get3A_221, %get3A_222] {strides = array<i32>} : memref<160x128xi32, #tpu.memory_space<vmem>>, vector<16xi32>,
      %add3A_224 = arith.addi %get3A_223, %broadcast_in_dim3A_177 : vector<16xi32>
      %swap3A_225 = arith.index_cast %add3A_201 : i32 to index
      %swap3A_226 = arith.constant 48 : index
      %swap3A_227 = tpu.vector_load %arg8[%swap3A_225, %swap3A_226] {strides = array<i32>} : memref<160x128xi32, #tpu.memory_space<vmem>>, vector<16xi32>,
      tpu.vector_store %arg8[%swap3A_225, %swap3A_226], %add3A_224 {strides = array<i32>} : memref<160x128xi32, #tpu.memory_space<vmem>>, vector<16xi32>,
      %get3A_228 = arith.index_cast %add3A_201 : i32 to index
      %get3A_229 = arith.constant 64 : index
      %get3A_230 = tpu.vector_load %arg6[%get3A_228, %get3A_229] {strides = array<i32>} : memref<160x128xi32, #tpu.memory_space<vmem>>, vector<16xi32>,
      %add3A_231 = arith.addi %get3A_230, %broadcast_in_dim3A_177 : vector<16xi32>
      %swap3A_232 = arith.index_cast %add3A_201 : i32 to index
      %swap3A_233 = arith.constant 64 : index
      %swap3A_234 = tpu.vector_load %arg8[%swap3A_232, %swap3A_233] {strides = array<i32>} : memref<160x128xi32, #tpu.memory_space<vmem>>, vector<16xi32>,
      tpu.vector_store %arg8[%swap3A_232, %swap3A_233], %add3A_231 {strides = array<i32>} : memref<160x128xi32, #tpu.memory_space<vmem>>, vector<16xi32>,
      %get3A_235 = arith.index_cast %add3A_201 : i32 to index
      %get3A_236 = arith.constant 80 : index
      %get3A_237 = tpu.vector_load %arg6[%get3A_235, %get3A_236] {strides = array<i32>} : memref<160x128xi32, #tpu.memory_space<vmem>>, vector<16xi32>,
      %add3A_238 = arith.addi %get3A_237, %broadcast_in_dim3A_177 : vector<16xi32>
      %swap3A_239 = arith.index_cast %add3A_201 : i32 to index
      %swap3A_240 = arith.constant 80 : index
      %swap3A_241 = tpu.vector_load %arg8[%swap3A_239, %swap3A_240] {strides = array<i32>} : memref<160x128xi32, #tpu.memory_space<vmem>>, vector<16xi32>,
      tpu.vector_store %arg8[%swap3A_239, %swap3A_240], %add3A_238 {strides = array<i32>} : memref<160x128xi32, #tpu.memory_space<vmem>>, vector<16xi32>,
      %get3A_242 = arith.index_cast %add3A_201 : i32 to index
      %get3A_243 = arith.constant 96 : index
      %get3A_244 = tpu.vector_load %arg6[%get3A_242, %get3A_243] {strides = array<i32>} : memref<160x128xi32, #tpu.memory_space<vmem>>, vector<16xi32>,
      %add3A_245 = arith.addi %get3A_244, %broadcast_in_dim3A_177 : vector<16xi32>
      %swap3A_246 = arith.index_cast %add3A_201 : i32 to index
      %swap3A_247 = arith.constant 96 : index
      %swap3A_248 = tpu.vector_load %arg8[%swap3A_246, %swap3A_247] {strides = array<i32>} : memref<160x128xi32, #tpu.memory_space<vmem>>, vector<16xi32>,
      tpu.vector_store %arg8[%swap3A_246, %swap3A_247], %add3A_245 {strides = array<i32>} : memref<160x128xi32, #tpu.memory_space<vmem>>, vector<16xi32>,
      %get3A_249 = arith.index_cast %add3A_201 : i32 to index
      %get3A_250 = arith.constant 112 : index
      %get3A_251 = tpu.vector_load %arg6[%get3A_249, %get3A_250] {strides = array<i32>} : memref<160x128xi32, #tpu.memory_space<vmem>>, vector<16xi32>,
      %add3A_252 = arith.addi %get3A_251, %broadcast_in_dim3A_177 : vector<16xi32>
      %swap3A_253 = arith.index_cast %add3A_201 : i32 to index
      %swap3A_254 = arith.constant 112 : index
      %swap3A_255 = tpu.vector_load %arg8[%swap3A_253, %swap3A_254] {strides = array<i32>} : memref<160x128xi32, #tpu.memory_space<vmem>>, vector<16xi32>,
      tpu.vector_store %arg8[%swap3A_253, %swap3A_254], %add3A_252 {strides = array<i32>} : memref<160x128xi32, #tpu.memory_space<vmem>>, vector<16xi32>,
    }
    %scan3A_182 = arith.constant 160 : i32
    %barrier3A_183 = arith.constant 0 : index
    tpu.barrier barrier_id(%barrier3A_183)
    %scan3A_184 = arith.constant 0 : i32
    %scan3A_185 = arith.constant 80 : i32
    %scan3A_186 = arith.addi %scan3A_184, %scan3A_185 : i32
    %scan3A_187 = arith.constant 1 : i32
    scf.for %scan3A_197 = %scan3A_184 to %scan3A_186 step %scan3A_187  : i32 {
      %mul3A_198 = arith.constant 2 : i32
      %mul3A_199 = arith.muli %scan3A_197, %mul3A_198 : i32
      %add3A_200 = arith.constant 0 : i32
      %add3A_201 = arith.addi %add3A_200, %mul3A_199 : i32
      %dma_start3A = arith.constant 0 : i32
      %dma_start3A_202 = tpu.memref_slice %arg8[%add3A_201, %dma_start3A] : memref<160x128xi32, #tpu.memory_space<vmem>> -> memref<1x128xi32, #tpu.memory_space<vmem>>
      %dma_start3A_203 = tpu.memref_squeeze %dma_start3A_202 : memref<1x128xi32, #tpu.memory_space<vmem>> -> memref<128xi32, #tpu.memory_space<vmem>>
      %dma_start3A_204 = arith.constant 0 : i32
      %dma_start3A_205 = arith.constant 0 : i32
      %dma_start3A_206 = tpu.memref_slice %arg2[%dma_start3A_204, %dma_start3A_205] : memref<81920x64xf32, #tpu.memory_space<hbm>> -> memref<81920x64xf32, #tpu.memory_space<hbm>>
      tpu.enqueue_indirect_dma source(%dma_start3A_206 : memref<81920x64xf32, #tpu.memory_space<hbm>>) target(%arg9 : memref<128x64xf32, #tpu.memory_space<vmem>>) offsets(%dma_start3A_203 : memref<128xi32, #tpu.memory_space<vmem>>) semaphore(%arg13 : memref<!tpu.dma_semaphore, #tpu.memory_space<semaphore_mem>>)
      %add3A_207 = arith.constant 1 : i32
      %add3A_208 = arith.addi %add3A_201, %add3A_207 : i32
      %dma_start3A_209 = arith.constant 0 : i32
      %dma_start3A_210 = tpu.memref_slice %arg8[%add3A_208, %dma_start3A_209] : memref<160x128xi32, #tpu.memory_space<vmem>> -> memref<1x128xi32, #tpu.memory_space<vmem>>
      %dma_start3A_211 = tpu.memref_squeeze %dma_start3A_210 : memref<1x128xi32, #tpu.memory_space<vmem>> -> memref<128xi32, #tpu.memory_space<vmem>>
      %dma_start3A_212 = arith.constant 0 : i32
      %dma_start3A_213 = arith.constant 0 : i32
      %dma_start3A_214 = tpu.memref_slice %arg2[%dma_start3A_212, %dma_start3A_213] : memref<81920x64xf32, #tpu.memory_space<hbm>> -> memref<81920x64xf32, #tpu.memory_space<hbm>>
      tpu.enqueue_indirect_dma source(%dma_start3A_214 : memref<81920x64xf32, #tpu.memory_space<hbm>>) target(%arg10 : memref<128x64xf32, #tpu.memory_space<vmem>>) offsets(%dma_start3A_211 : memref<128xi32, #tpu.memory_space<vmem>>) semaphore(%arg14 : memref<!tpu.dma_semaphore, #tpu.memory_space<semaphore_mem>>)
      %dma_wait3A = arith.constant 0 : i32
      %dma_wait3A_215 = tpu.memref_slice %arg8[%add3A_201, %dma_wait3A] : memref<160x128xi32, #tpu.memory_space<vmem>> -> memref<1x128xi32, #tpu.memory_space<vmem>>
      %dma_wait3A_216 = tpu.memref_squeeze %dma_wait3A_215 : memref<1x128xi32, #tpu.memory_space<vmem>> -> memref<128xi32, #tpu.memory_space<vmem>>
      %dma_wait3A_217 = arith.constant 0 : i32
      %dma_wait3A_218 = arith.constant 0 : i32
      %dma_wait3A_219 = tpu.memref_slice %arg2[%dma_wait3A_217, %dma_wait3A_218] : memref<81920x64xf32, #tpu.memory_space<hbm>> -> memref<81920x64xf32, #tpu.memory_space<hbm>>
      tpu.wait_indirect_dma semaphore(%arg13 : memref<!tpu.dma_semaphore, #tpu.memory_space<semaphore_mem>>) src(%dma_wait3A_219 : memref<81920x64xf32, #tpu.memory_space<hbm>>) dst(%arg9 : memref<128x64xf32, #tpu.memory_space<vmem>>)
      "tpu.region"() ({
        %run_scoped3A = tpu.sem_alloc : memref<!tpu.dma_semaphore, #tpu.memory_space<semaphore_mem>>
        %dma_start3A_228 = arith.constant 0 : i32
        %dma_start3A_229 = tpu.memref_slice %arg7[%add3A_201, %dma_start3A_228] : memref<160x128xi32, #tpu.memory_space<vmem>> -> memref<1x128xi32, #tpu.memory_space<vmem>>
        %dma_start3A_230 = tpu.memref_squeeze %dma_start3A_229 : memref<1x128xi32, #tpu.memory_space<vmem>> -> memref<128xi32, #tpu.memory_space<vmem>>
        %dma_start3A_231 = arith.constant 0 : i32
        %dma_start3A_232 = arith.constant 0 : i32
        %dma_start3A_233 = tpu.memref_slice %arg12[%dma_start3A_231, %dma_start3A_232] : memref<10496x64xf32, #tpu.memory_space<vmem_shared>> -> memref<10496x64xf32, #tpu.memory_space<vmem_shared>>
        tpu.enqueue_indirect_dma source(%arg9 : memref<128x64xf32, #tpu.memory_space<vmem>>) target(%dma_start3A_233 : memref<10496x64xf32, #tpu.memory_space<vmem_shared>>) offsets(%dma_start3A_230 : memref<128xi32, #tpu.memory_space<vmem>>) semaphore(%run_scoped3A : memref<!tpu.dma_semaphore, #tpu.memory_space<semaphore_mem>>) {add = true}
        %dma_wait3A_234 = arith.constant 0 : i32
        %dma_wait3A_235 = tpu.memref_slice %arg7[%add3A_201, %dma_wait3A_234] : memref<160x128xi32, #tpu.memory_space<vmem>> -> memref<1x128xi32, #tpu.memory_space<vmem>>
        %dma_wait3A_236 = tpu.memref_squeeze %dma_wait3A_235 : memref<1x128xi32, #tpu.memory_space<vmem>> -> memref<128xi32, #tpu.memory_space<vmem>>
        %dma_wait3A_237 = arith.constant 0 : i32
        %dma_wait3A_238 = arith.constant 0 : i32
        %dma_wait3A_239 = tpu.memref_slice %arg12[%dma_wait3A_237, %dma_wait3A_238] : memref<10496x64xf32, #tpu.memory_space<vmem_shared>> -> memref<10496x64xf32, #tpu.memory_space<vmem_shared>>
        tpu.wait_indirect_dma semaphore(%run_scoped3A : memref<!tpu.dma_semaphore, #tpu.memory_space<semaphore_mem>>) src(%arg9 : memref<128x64xf32, #tpu.memory_space<vmem>>) dst(%dma_wait3A_239 : memref<10496x64xf32, #tpu.memory_space<vmem_shared>>)
        tpu.yield
      }) : () -> ()
      %dma_wait3A_220 = arith.constant 0 : i32
      %dma_wait3A_221 = tpu.memref_slice %arg8[%add3A_208, %dma_wait3A_220] : memref<160x128xi32, #tpu.memory_space<vmem>> -> memref<1x128xi32, #tpu.memory_space<vmem>>
      %dma_wait3A_222 = tpu.memref_squeeze %dma_wait3A_221 : memref<1x128xi32, #tpu.memory_space<vmem>> -> memref<128xi32, #tpu.memory_space<vmem>>
      %dma_wait3A_223 = arith.constant 0 : i32
      %dma_wait3A_224 = arith.constant 0 : i32
      %dma_wait3A_225 = tpu.memref_slice %arg2[%dma_wait3A_223, %dma_wait3A_224] : memref<81920x64xf32, #tpu.memory_space<hbm>> -> memref<81920x64xf32, #tpu.memory_space<hbm>>
      tpu.wait_indirect_dma semaphore(%arg14 : memref<!tpu.dma_semaphore, #tpu.memory_space<semaphore_mem>>) src(%dma_wait3A_225 : memref<81920x64xf32, #tpu.memory_space<hbm>>) dst(%arg10 : memref<128x64xf32, #tpu.memory_space<vmem>>)
      %add3A_226 = arith.constant 1 : i32
      %add3A_227 = arith.addi %add3A_201, %add3A_226 : i32
      "tpu.region"() ({
        %run_scoped3A = tpu.sem_alloc : memref<!tpu.dma_semaphore, #tpu.memory_space<semaphore_mem>>
        %dma_start3A_228 = arith.constant 0 : i32
        %dma_start3A_229 = tpu.memref_slice %arg7[%add3A_227, %dma_start3A_228] : memref<160x128xi32, #tpu.memory_space<vmem>> -> memref<1x128xi32, #tpu.memory_space<vmem>>
        %dma_start3A_230 = tpu.memref_squeeze %dma_start3A_229 : memref<1x128xi32, #tpu.memory_space<vmem>> -> memref<128xi32, #tpu.memory_space<vmem>>
        %dma_start3A_231 = arith.constant 0 : i32
        %dma_start3A_232 = arith.constant 0 : i32
        %dma_start3A_233 = tpu.memref_slice %arg12[%dma_start3A_231, %dma_start3A_232] : memref<10496x64xf32, #tpu.memory_space<vmem_shared>> -> memref<10496x64xf32, #tpu.memory_space<vmem_shared>>
        tpu.enqueue_indirect_dma source(%arg10 : memref<128x64xf32, #tpu.memory_space<vmem>>) target(%dma_start3A_233 : memref<10496x64xf32, #tpu.memory_space<vmem_shared>>) offsets(%dma_start3A_230 : memref<128xi32, #tpu.memory_space<vmem>>) semaphore(%run_scoped3A : memref<!tpu.dma_semaphore, #tpu.memory_space<semaphore_mem>>) {add = true}
        %dma_wait3A_234 = arith.constant 0 : i32
        %dma_wait3A_235 = tpu.memref_slice %arg7[%add3A_227, %dma_wait3A_234] : memref<160x128xi32, #tpu.memory_space<vmem>> -> memref<1x128xi32, #tpu.memory_space<vmem>>
        %dma_wait3A_236 = tpu.memref_squeeze %dma_wait3A_235 : memref<1x128xi32, #tpu.memory_space<vmem>> -> memref<128xi32, #tpu.memory_space<vmem>>
        %dma_wait3A_237 = arith.constant 0 : i32
        %dma_wait3A_238 = arith.constant 0 : i32
        %dma_wait3A_239 = tpu.memref_slice %arg12[%dma_wait3A_237, %dma_wait3A_238] : memref<10496x64xf32, #tpu.memory_space<vmem_shared>> -> memref<10496x64xf32, #tpu.memory_space<vmem_shared>>
        tpu.wait_indirect_dma semaphore(%run_scoped3A : memref<!tpu.dma_semaphore, #tpu.memory_space<semaphore_mem>>) src(%arg10 : memref<128x64xf32, #tpu.memory_space<vmem>>) dst(%dma_wait3A_239 : memref<10496x64xf32, #tpu.memory_space<vmem_shared>>)
        tpu.yield
      }) : () -> ()
    }
    %scan3A_188 = arith.constant 80 : i32
    %barrier3A_189 = arith.constant 0 : index
    tpu.barrier barrier_id(%barrier3A_189)
    %mul3A_190 = arith.constant 640 : i32
    %mul3A_191 = arith.muli %arg1, %mul3A_190 : i32
    %mul3A_192 = arith.constant 10240 : i32
    %mul3A_193 = arith.muli %add3A_150, %mul3A_192 : i32
    %mul3A_194 = arith.constant 640 : i32
    %mul3A_195 = arith.muli %arg1, %mul3A_194 : i32
    %add3A_196 = arith.addi %mul3A_193, %mul3A_195 : i32
    "tpu.region"() ({
      %run_scoped3A = tpu.sem_alloc : memref<!tpu.dma_semaphore, #tpu.memory_space<semaphore_mem>>
      %dma_start3A = arith.constant 0 : i32
      %dma_start3A_197 = tpu.memref_slice %arg5[%add3A_196, %dma_start3A] : memref<81920x64xf32, #tpu.memory_space<hbm>> -> memref<640x64xf32, #tpu.memory_space<hbm>>
      %dma_start3A_198 = arith.constant 0 : i32
      %dma_start3A_199 = tpu.memref_slice %arg12[%mul3A_191, %dma_start3A_198] : memref<10496x64xf32, #tpu.memory_space<vmem_shared>> -> memref<640x64xf32, #tpu.memory_space<vmem_shared>>
      tpu.enqueue_dma source(%dma_start3A_199 : memref<640x64xf32, #tpu.memory_space<vmem_shared>>) target(%dma_start3A_197 : memref<640x64xf32, #tpu.memory_space<hbm>>) target_semaphore(%run_scoped3A : memref<!tpu.dma_semaphore, #tpu.memory_space<semaphore_mem>>)
      %dma_wait3A = arith.constant 0 : i32
      %dma_wait3A_200 = tpu.memref_slice %arg5[%add3A_196, %dma_wait3A] : memref<81920x64xf32, #tpu.memory_space<hbm>> -> memref<640x64xf32, #tpu.memory_space<hbm>>
      %dma_wait3A_201 = arith.constant 0 : i32
      %dma_wait3A_202 = tpu.memref_slice %arg12[%mul3A_191, %dma_wait3A_201] : memref<10496x64xf32, #tpu.memory_space<vmem_shared>> -> memref<640x64xf32, #tpu.memory_space<vmem_shared>>
      tpu.wait_dma2 semaphore(%run_scoped3A : memref<!tpu.dma_semaphore, #tpu.memory_space<semaphore_mem>>) src(%dma_wait3A_202 : memref<640x64xf32, #tpu.memory_space<vmem_shared>>) dst(%dma_wait3A_200 : memref<640x64xf32, #tpu.memory_space<hbm>>)
      tpu.yield
    }) : () -> ()
    return
  }
}

module attributes {stable_mosaic.version = 14 : i64} {
  func.func @_k1_body(%arg0: i32, %arg1: memref<256x128xf32, #tpu.memory_space<vmem>>, %arg2: memref<128x512xf32, #tpu.memory_space<vmem>>, %arg3: memref<32x256xf32, #tpu.memory_space<vmem>>, %arg4: memref<8x256x64xf32, #tpu.memory_space<vmem>>) attributes {dimension_semantics = [#tpu.dimension_semantics<arbitrary>], iteration_bounds = array<i64: 40>, scalar_prefetch = 0 : i64, scratch_operands = 0 : i64, tpu.core_type = #tpu.core_type<tc>, window_params = [{transform_indices = @transform_0, window_bounds = array<i64: 256, 128>}, {pipeline_mode = #tpu.pipeline_mode<synchronous>, transform_indices = @transform_1, window_bounds = array<i64: 128, 512>}, {transform_indices = @transform_2, window_bounds = array<i64: 32, 256>}, {transform_indices = @transform_3, window_bounds = array<i64: 8, 256, 64>}]} {
    %get3A = arith.constant 0 : index
    %get3A_0 = arith.constant 0 : index
    %get3A_1 = vector.load %arg3[%get3A, %get3A_0] : memref<32x256xf32, #tpu.memory_space<vmem>>, vector<32x256xf32>
    %reduce_sum3A = arith.constant dense<0.000000e+00> : vector<256xf32>
    %reduce_sum3A_2 = vector.multi_reduction <add>, %get3A_1, %reduce_sum3A [0] : vector<32x256xf32> to vector<256xf32>
    %reshape3A = vector.shape_cast %reduce_sum3A_2 : vector<256xf32> to vector<256x1xf32>
    %add3A = arith.constant 1.000000e+00 : f32
    %add3A_3 = vector.broadcast %add3A : f32 to vector<256x1xf32>
    %add3A_4 = arith.addf %add3A_3, %reshape3A : vector<256x1xf32>
    %rsqrt3A = math.rsqrt %add3A_4 : vector<256x1xf32>
    %get3A_5 = arith.constant 0 : index
    %get3A_6 = arith.constant 0 : index
    %get3A_7 = vector.load %arg1[%get3A_5, %get3A_6] : memref<256x128xf32, #tpu.memory_space<vmem>>, vector<256x128xf32>
    %get3A_8 = arith.constant 0 : index
    %get3A_9 = arith.constant 0 : index
    %get3A_10 = vector.load %arg2[%get3A_8, %get3A_9] : memref<128x512xf32, #tpu.memory_space<vmem>>, vector<128x512xf32>
    %dot_general3A = arith.constant dense<0.000000e+00> : vector<256x512xf32>
    %dot_general3A_11 = tpu.matmul %get3A_7, %get3A_10, %dot_general3A {dimension_numbers = #tpu.dot_dimension_numbers<[1], [0], [0], [1], [0, 0, 1, 1], [], []>, transpose_lhs_hint = false} : vector<256x128xf32>, vector<128x512xf32>, vector<256x512xf32> -> vector<256x512xf32>
    %slice3A = vector.extract_strided_slice %dot_general3A_11 {offsets = [0, 0], sizes = [256, 64], strides = [1, 1]} : vector<256x512xf32> to vector<256x64xf32>
    %mul3A = vector.broadcast %rsqrt3A : vector<256x1xf32> to vector<256x64xf32>
    %mul3A_12 = arith.mulf %mul3A, %slice3A : vector<256x64xf32>
    %swap3A = arith.constant 0 : index
    %swap3A_13 = arith.constant 0 : index
    %swap3A_14 = arith.constant 0 : index
    %swap3A_15 = vector.load %arg4[%swap3A, %swap3A_13, %swap3A_14] : memref<8x256x64xf32, #tpu.memory_space<vmem>>, vector<1x256x64xf32>
    %swap3A_16 = vector.shape_cast %swap3A_15 : vector<1x256x64xf32> to vector<256x64xf32>
    %swap3A_17 = vector.shape_cast %mul3A_12 : vector<256x64xf32> to vector<1x256x64xf32>
    tpu.vector_store %arg4[%swap3A, %swap3A_13, %swap3A_14], %swap3A_17 {strides = array<i32>} : memref<8x256x64xf32, #tpu.memory_space<vmem>>, vector<1x256x64xf32>,
    %slice3A_18 = vector.extract_strided_slice %dot_general3A_11 {offsets = [0, 64], sizes = [256, 64], strides = [1, 1]} : vector<256x512xf32> to vector<256x64xf32>
    %mul3A_19 = vector.broadcast %rsqrt3A : vector<256x1xf32> to vector<256x64xf32>
    %mul3A_20 = arith.mulf %mul3A_19, %slice3A_18 : vector<256x64xf32>
    %swap3A_21 = arith.constant 1 : index
    %swap3A_22 = arith.constant 0 : index
    %swap3A_23 = arith.constant 0 : index
    %swap3A_24 = vector.load %arg4[%swap3A_21, %swap3A_22, %swap3A_23] : memref<8x256x64xf32, #tpu.memory_space<vmem>>, vector<1x256x64xf32>
    %swap3A_25 = vector.shape_cast %swap3A_24 : vector<1x256x64xf32> to vector<256x64xf32>
    %swap3A_26 = vector.shape_cast %mul3A_20 : vector<256x64xf32> to vector<1x256x64xf32>
    tpu.vector_store %arg4[%swap3A_21, %swap3A_22, %swap3A_23], %swap3A_26 {strides = array<i32>} : memref<8x256x64xf32, #tpu.memory_space<vmem>>, vector<1x256x64xf32>,
    %slice3A_27 = vector.extract_strided_slice %dot_general3A_11 {offsets = [0, 128], sizes = [256, 64], strides = [1, 1]} : vector<256x512xf32> to vector<256x64xf32>
    %mul3A_28 = vector.broadcast %rsqrt3A : vector<256x1xf32> to vector<256x64xf32>
    %mul3A_29 = arith.mulf %mul3A_28, %slice3A_27 : vector<256x64xf32>
    %swap3A_30 = arith.constant 2 : index
    %swap3A_31 = arith.constant 0 : index
    %swap3A_32 = arith.constant 0 : index
    %swap3A_33 = vector.load %arg4[%swap3A_30, %swap3A_31, %swap3A_32] : memref<8x256x64xf32, #tpu.memory_space<vmem>>, vector<1x256x64xf32>
    %swap3A_34 = vector.shape_cast %swap3A_33 : vector<1x256x64xf32> to vector<256x64xf32>
    %swap3A_35 = vector.shape_cast %mul3A_29 : vector<256x64xf32> to vector<1x256x64xf32>
    tpu.vector_store %arg4[%swap3A_30, %swap3A_31, %swap3A_32], %swap3A_35 {strides = array<i32>} : memref<8x256x64xf32, #tpu.memory_space<vmem>>, vector<1x256x64xf32>,
    %slice3A_36 = vector.extract_strided_slice %dot_general3A_11 {offsets = [0, 192], sizes = [256, 64], strides = [1, 1]} : vector<256x512xf32> to vector<256x64xf32>
    %mul3A_37 = vector.broadcast %rsqrt3A : vector<256x1xf32> to vector<256x64xf32>
    %mul3A_38 = arith.mulf %mul3A_37, %slice3A_36 : vector<256x64xf32>
    %swap3A_39 = arith.constant 3 : index
    %swap3A_40 = arith.constant 0 : index
    %swap3A_41 = arith.constant 0 : index
    %swap3A_42 = vector.load %arg4[%swap3A_39, %swap3A_40, %swap3A_41] : memref<8x256x64xf32, #tpu.memory_space<vmem>>, vector<1x256x64xf32>
    %swap3A_43 = vector.shape_cast %swap3A_42 : vector<1x256x64xf32> to vector<256x64xf32>
    %swap3A_44 = vector.shape_cast %mul3A_38 : vector<256x64xf32> to vector<1x256x64xf32>
    tpu.vector_store %arg4[%swap3A_39, %swap3A_40, %swap3A_41], %swap3A_44 {strides = array<i32>} : memref<8x256x64xf32, #tpu.memory_space<vmem>>, vector<1x256x64xf32>,
    %slice3A_45 = vector.extract_strided_slice %dot_general3A_11 {offsets = [0, 256], sizes = [256, 64], strides = [1, 1]} : vector<256x512xf32> to vector<256x64xf32>
    %mul3A_46 = vector.broadcast %rsqrt3A : vector<256x1xf32> to vector<256x64xf32>
    %mul3A_47 = arith.mulf %mul3A_46, %slice3A_45 : vector<256x64xf32>
    %swap3A_48 = arith.constant 4 : index
    %swap3A_49 = arith.constant 0 : index
    %swap3A_50 = arith.constant 0 : index
    %swap3A_51 = vector.load %arg4[%swap3A_48, %swap3A_49, %swap3A_50] : memref<8x256x64xf32, #tpu.memory_space<vmem>>, vector<1x256x64xf32>
    %swap3A_52 = vector.shape_cast %swap3A_51 : vector<1x256x64xf32> to vector<256x64xf32>
    %swap3A_53 = vector.shape_cast %mul3A_47 : vector<256x64xf32> to vector<1x256x64xf32>
    tpu.vector_store %arg4[%swap3A_48, %swap3A_49, %swap3A_50], %swap3A_53 {strides = array<i32>} : memref<8x256x64xf32, #tpu.memory_space<vmem>>, vector<1x256x64xf32>,
    %slice3A_54 = vector.extract_strided_slice %dot_general3A_11 {offsets = [0, 320], sizes = [256, 64], strides = [1, 1]} : vector<256x512xf32> to vector<256x64xf32>
    %mul3A_55 = vector.broadcast %rsqrt3A : vector<256x1xf32> to vector<256x64xf32>
    %mul3A_56 = arith.mulf %mul3A_55, %slice3A_54 : vector<256x64xf32>
    %swap3A_57 = arith.constant 5 : index
    %swap3A_58 = arith.constant 0 : index
    %swap3A_59 = arith.constant 0 : index
    %swap3A_60 = vector.load %arg4[%swap3A_57, %swap3A_58, %swap3A_59] : memref<8x256x64xf32, #tpu.memory_space<vmem>>, vector<1x256x64xf32>
    %swap3A_61 = vector.shape_cast %swap3A_60 : vector<1x256x64xf32> to vector<256x64xf32>
    %swap3A_62 = vector.shape_cast %mul3A_56 : vector<256x64xf32> to vector<1x256x64xf32>
    tpu.vector_store %arg4[%swap3A_57, %swap3A_58, %swap3A_59], %swap3A_62 {strides = array<i32>} : memref<8x256x64xf32, #tpu.memory_space<vmem>>, vector<1x256x64xf32>,
    %slice3A_63 = vector.extract_strided_slice %dot_general3A_11 {offsets = [0, 384], sizes = [256, 64], strides = [1, 1]} : vector<256x512xf32> to vector<256x64xf32>
    %mul3A_64 = vector.broadcast %rsqrt3A : vector<256x1xf32> to vector<256x64xf32>
    %mul3A_65 = arith.mulf %mul3A_64, %slice3A_63 : vector<256x64xf32>
    %swap3A_66 = arith.constant 6 : index
    %swap3A_67 = arith.constant 0 : index
    %swap3A_68 = arith.constant 0 : index
    %swap3A_69 = vector.load %arg4[%swap3A_66, %swap3A_67, %swap3A_68] : memref<8x256x64xf32, #tpu.memory_space<vmem>>, vector<1x256x64xf32>
    %swap3A_70 = vector.shape_cast %swap3A_69 : vector<1x256x64xf32> to vector<256x64xf32>
    %swap3A_71 = vector.shape_cast %mul3A_65 : vector<256x64xf32> to vector<1x256x64xf32>
    tpu.vector_store %arg4[%swap3A_66, %swap3A_67, %swap3A_68], %swap3A_71 {strides = array<i32>} : memref<8x256x64xf32, #tpu.memory_space<vmem>>, vector<1x256x64xf32>,
    %slice3A_72 = vector.extract_strided_slice %dot_general3A_11 {offsets = [0, 448], sizes = [256, 64], strides = [1, 1]} : vector<256x512xf32> to vector<256x64xf32>
    %mul3A_73 = vector.broadcast %rsqrt3A : vector<256x1xf32> to vector<256x64xf32>
    %mul3A_74 = arith.mulf %mul3A_73, %slice3A_72 : vector<256x64xf32>
    %swap3A_75 = arith.constant 7 : index
    %swap3A_76 = arith.constant 0 : index
    %swap3A_77 = arith.constant 0 : index
    %swap3A_78 = vector.load %arg4[%swap3A_75, %swap3A_76, %swap3A_77] : memref<8x256x64xf32, #tpu.memory_space<vmem>>, vector<1x256x64xf32>
    %swap3A_79 = vector.shape_cast %swap3A_78 : vector<1x256x64xf32> to vector<256x64xf32>
    %swap3A_80 = vector.shape_cast %mul3A_74 : vector<256x64xf32> to vector<1x256x64xf32>
    tpu.vector_store %arg4[%swap3A_75, %swap3A_76, %swap3A_77], %swap3A_80 {strides = array<i32>} : memref<8x256x64xf32, #tpu.memory_space<vmem>>, vector<1x256x64xf32>,
    return
  }
  func.func @transform_0(%arg0: i32) -> (i32, i32) {
    %c0_i32 = arith.constant 0 : i32
    %c0_i32_0 = arith.constant 0 : i32
    return %arg0, %c0_i32 : i32, i32
  }
  func.func @transform_1(%arg0: i32) -> (i32, i32) {
    %c0_i32 = arith.constant 0 : i32
    %c0_i32_0 = arith.constant 0 : i32
    %c0_i32_1 = arith.constant 0 : i32
    return %c0_i32, %c0_i32_0 : i32, i32
  }
  func.func @transform_2(%arg0: i32) -> (i32, i32) {
    %c0_i32 = arith.constant 0 : i32
    %c0_i32_0 = arith.constant 0 : i32
    return %c0_i32, %arg0 : i32, i32
  }
  func.func @transform_3(%arg0: i32) -> (i32, i32, i32) {
    %c0_i32 = arith.constant 0 : i32
    %c0_i32_0 = arith.constant 0 : i32
    %c0_i32_1 = arith.constant 0 : i32
    return %c0_i32, %arg0, %c0_i32_0 : i32, i32, i32
  }
}

module attributes {stable_mosaic.version = 14 : i64} {
  func.func @_mid_body(%arg0: i32, %arg1: memref<8x256x64xf32, #tpu.memory_space<vmem>>, %arg2: memref<8x256x64xf32, #tpu.memory_space<vmem>>, %arg3: memref<32x256xf32, #tpu.memory_space<vmem>>, %arg4: memref<8x64xf32, #tpu.memory_space<vmem>>, %arg5: memref<8x64x256xf32, #tpu.memory_space<vmem>>, %arg6: memref<4x256x64xf32, #tpu.memory_space<vmem>>) attributes {dimension_semantics = [#tpu.dimension_semantics<arbitrary>], iteration_bounds = array<i64: 40>, scalar_prefetch = 0 : i64, scratch_operands = 0 : i64, tpu.core_type = #tpu.core_type<tc>, window_params = [{transform_indices = @transform_0, window_bounds = array<i64: 8, 256, 64>}, {transform_indices = @transform_1, window_bounds = array<i64: 8, 256, 64>}, {transform_indices = @transform_2, window_bounds = array<i64: 32, 256>}, {pipeline_mode = #tpu.pipeline_mode<synchronous>, transform_indices = @transform_3, window_bounds = array<i64: 8, 64>}, {pipeline_mode = #tpu.pipeline_mode<synchronous>, transform_indices = @transform_4, window_bounds = array<i64: 8, 64, 256>}, {transform_indices = @transform_5, window_bounds = array<i64: 4, 256, 64>}]} {
    %get3A = arith.constant 0 : index
    %get3A_0 = arith.constant 0 : index
    %get3A_1 = vector.load %arg3[%get3A, %get3A_0] : memref<32x256xf32, #tpu.memory_space<vmem>>, vector<32x256xf32>
    %reduce_sum3A = arith.constant dense<0.000000e+00> : vector<256xf32>
    %reduce_sum3A_2 = vector.multi_reduction <add>, %get3A_1, %reduce_sum3A [0] : vector<32x256xf32> to vector<256xf32>
    %reshape3A = vector.shape_cast %reduce_sum3A_2 : vector<256xf32> to vector<256x1xf32>
    %add3A = arith.constant 1.000000e+00 : f32
    %add3A_3 = vector.broadcast %add3A : f32 to vector<256x1xf32>
    %add3A_4 = arith.addf %add3A_3, %reshape3A : vector<256x1xf32>
    %rsqrt3A = math.rsqrt %add3A_4 : vector<256x1xf32>
    %broadcast_in_dim3A = arith.constant 0.000000e+00 : f32
    %broadcast_in_dim3A_5 = vector.broadcast %broadcast_in_dim3A : f32 to vector<256x256xf32>
    %get3A_6 = arith.constant 0 : index
    %get3A_7 = arith.constant 0 : index
    %get3A_8 = arith.constant 0 : index
    %get3A_9 = vector.load %arg2[%get3A_6, %get3A_7, %get3A_8] : memref<8x256x64xf32, #tpu.memory_space<vmem>>, vector<1x256x64xf32>
    %get3A_10 = vector.shape_cast %get3A_9 : vector<1x256x64xf32> to vector<256x64xf32>
    %get3A_11 = arith.constant 0 : index
    %get3A_12 = arith.constant 0 : index
    %get3A_13 = arith.constant 0 : index
    %get3A_14 = vector.load %arg1[%get3A_11, %get3A_12, %get3A_13] : memref<8x256x64xf32, #tpu.memory_space<vmem>>, vector<1x256x64xf32>
    %get3A_15 = vector.shape_cast %get3A_14 : vector<1x256x64xf32> to vector<256x64xf32>
    %add3A_16 = arith.addf %get3A_10, %get3A_15 : vector<256x64xf32>
    %mul3A = vector.broadcast %rsqrt3A : vector<256x1xf32> to vector<256x64xf32>
    %mul3A_17 = arith.mulf %mul3A, %add3A_16 : vector<256x64xf32>
    %get3A_18 = arith.constant 0 : index
    %get3A_19 = arith.constant 0 : index
    %get3A_20 = vector.load %arg4[%get3A_18, %get3A_19] : memref<8x64xf32, #tpu.memory_space<vmem>>, vector<1x64xf32>
    %get3A_21 = vector.shape_cast %get3A_20 : vector<1x64xf32> to vector<64xf32>
    %broadcast_in_dim3A_22 = vector.shape_cast %get3A_21 : vector<64xf32> to vector<1x64xf32>
    %add3A_23 = vector.broadcast %broadcast_in_dim3A_22 : vector<1x64xf32> to vector<256x64xf32>
    %add3A_24 = arith.addf %mul3A_17, %add3A_23 : vector<256x64xf32>
    %max3A = arith.constant 0.000000e+00 : f32
    %max3A_25 = vector.broadcast %max3A : f32 to vector<256x64xf32>
    %max3A_26 = arith.maximumf %add3A_24, %max3A_25 : vector<256x64xf32>
    %get3A_27 = arith.constant 0 : index
    %get3A_28 = arith.constant 0 : index
    %get3A_29 = arith.constant 0 : index
    %get3A_30 = vector.load %arg5[%get3A_27, %get3A_28, %get3A_29] : memref<8x64x256xf32, #tpu.memory_space<vmem>>, vector<1x64x256xf32>
    %get3A_31 = vector.shape_cast %get3A_30 : vector<1x64x256xf32> to vector<64x256xf32>
    %dot_general3A = arith.constant dense<0.000000e+00> : vector<256x256xf32>
    %dot_general3A_32 = tpu.matmul %max3A_26, %get3A_31, %dot_general3A {dimension_numbers = #tpu.dot_dimension_numbers<[1], [0], [0], [1], [0, 0, 1, 1], [], []>, transpose_lhs_hint = false} : vector<256x64xf32>, vector<64x256xf32>, vector<256x256xf32> -> vector<256x256xf32>
    %add3A_33 = arith.addf %broadcast_in_dim3A_5, %dot_general3A_32 : vector<256x256xf32>
    %get3A_34 = arith.constant 1 : index
    %get3A_35 = arith.constant 0 : index
    %get3A_36 = arith.constant 0 : index
    %get3A_37 = vector.load %arg2[%get3A_34, %get3A_35, %get3A_36] : memref<8x256x64xf32, #tpu.memory_space<vmem>>, vector<1x256x64xf32>
    %get3A_38 = vector.shape_cast %get3A_37 : vector<1x256x64xf32> to vector<256x64xf32>
    %get3A_39 = arith.constant 1 : index
    %get3A_40 = arith.constant 0 : index
    %get3A_41 = arith.constant 0 : index
    %get3A_42 = vector.load %arg1[%get3A_39, %get3A_40, %get3A_41] : memref<8x256x64xf32, #tpu.memory_space<vmem>>, vector<1x256x64xf32>
    %get3A_43 = vector.shape_cast %get3A_42 : vector<1x256x64xf32> to vector<256x64xf32>
    %add3A_44 = arith.addf %get3A_38, %get3A_43 : vector<256x64xf32>
    %mul3A_45 = vector.broadcast %rsqrt3A : vector<256x1xf32> to vector<256x64xf32>
    %mul3A_46 = arith.mulf %mul3A_45, %add3A_44 : vector<256x64xf32>
    %get3A_47 = arith.constant 1 : index
    %get3A_48 = arith.constant 0 : index
    %get3A_49 = vector.load %arg4[%get3A_47, %get3A_48] : memref<8x64xf32, #tpu.memory_space<vmem>>, vector<1x64xf32>
    %get3A_50 = vector.shape_cast %get3A_49 : vector<1x64xf32> to vector<64xf32>
    %broadcast_in_dim3A_51 = vector.shape_cast %get3A_50 : vector<64xf32> to vector<1x64xf32>
    %add3A_52 = vector.broadcast %broadcast_in_dim3A_51 : vector<1x64xf32> to vector<256x64xf32>
    %add3A_53 = arith.addf %mul3A_46, %add3A_52 : vector<256x64xf32>
    %max3A_54 = arith.constant 0.000000e+00 : f32
    %max3A_55 = vector.broadcast %max3A_54 : f32 to vector<256x64xf32>
    %max3A_56 = arith.maximumf %add3A_53, %max3A_55 : vector<256x64xf32>
    %get3A_57 = arith.constant 1 : index
    %get3A_58 = arith.constant 0 : index
    %get3A_59 = arith.constant 0 : index
    %get3A_60 = vector.load %arg5[%get3A_57, %get3A_58, %get3A_59] : memref<8x64x256xf32, #tpu.memory_space<vmem>>, vector<1x64x256xf32>
    %get3A_61 = vector.shape_cast %get3A_60 : vector<1x64x256xf32> to vector<64x256xf32>
    %dot_general3A_62 = arith.constant dense<0.000000e+00> : vector<256x256xf32>
    %dot_general3A_63 = tpu.matmul %max3A_56, %get3A_61, %dot_general3A_62 {dimension_numbers = #tpu.dot_dimension_numbers<[1], [0], [0], [1], [0, 0, 1, 1], [], []>, transpose_lhs_hint = false} : vector<256x64xf32>, vector<64x256xf32>, vector<256x256xf32> -> vector<256x256xf32>
    %add3A_64 = arith.addf %add3A_33, %dot_general3A_63 : vector<256x256xf32>
    %get3A_65 = arith.constant 2 : index
    %get3A_66 = arith.constant 0 : index
    %get3A_67 = arith.constant 0 : index
    %get3A_68 = vector.load %arg2[%get3A_65, %get3A_66, %get3A_67] : memref<8x256x64xf32, #tpu.memory_space<vmem>>, vector<1x256x64xf32>
    %get3A_69 = vector.shape_cast %get3A_68 : vector<1x256x64xf32> to vector<256x64xf32>
    %get3A_70 = arith.constant 2 : index
    %get3A_71 = arith.constant 0 : index
    %get3A_72 = arith.constant 0 : index
    %get3A_73 = vector.load %arg1[%get3A_70, %get3A_71, %get3A_72] : memref<8x256x64xf32, #tpu.memory_space<vmem>>, vector<1x256x64xf32>
    %get3A_74 = vector.shape_cast %get3A_73 : vector<1x256x64xf32> to vector<256x64xf32>
    %add3A_75 = arith.addf %get3A_69, %get3A_74 : vector<256x64xf32>
    %mul3A_76 = vector.broadcast %rsqrt3A : vector<256x1xf32> to vector<256x64xf32>
    %mul3A_77 = arith.mulf %mul3A_76, %add3A_75 : vector<256x64xf32>
    %get3A_78 = arith.constant 2 : index
    %get3A_79 = arith.constant 0 : index
    %get3A_80 = vector.load %arg4[%get3A_78, %get3A_79] : memref<8x64xf32, #tpu.memory_space<vmem>>, vector<1x64xf32>
    %get3A_81 = vector.shape_cast %get3A_80 : vector<1x64xf32> to vector<64xf32>
    %broadcast_in_dim3A_82 = vector.shape_cast %get3A_81 : vector<64xf32> to vector<1x64xf32>
    %add3A_83 = vector.broadcast %broadcast_in_dim3A_82 : vector<1x64xf32> to vector<256x64xf32>
    %add3A_84 = arith.addf %mul3A_77, %add3A_83 : vector<256x64xf32>
    %max3A_85 = arith.constant 0.000000e+00 : f32
    %max3A_86 = vector.broadcast %max3A_85 : f32 to vector<256x64xf32>
    %max3A_87 = arith.maximumf %add3A_84, %max3A_86 : vector<256x64xf32>
    %get3A_88 = arith.constant 2 : index
    %get3A_89 = arith.constant 0 : index
    %get3A_90 = arith.constant 0 : index
    %get3A_91 = vector.load %arg5[%get3A_88, %get3A_89, %get3A_90] : memref<8x64x256xf32, #tpu.memory_space<vmem>>, vector<1x64x256xf32>
    %get3A_92 = vector.shape_cast %get3A_91 : vector<1x64x256xf32> to vector<64x256xf32>
    %dot_general3A_93 = arith.constant dense<0.000000e+00> : vector<256x256xf32>
    %dot_general3A_94 = tpu.matmul %max3A_87, %get3A_92, %dot_general3A_93 {dimension_numbers = #tpu.dot_dimension_numbers<[1], [0], [0], [1], [0, 0, 1, 1], [], []>, transpose_lhs_hint = false} : vector<256x64xf32>, vector<64x256xf32>, vector<256x256xf32> -> vector<256x256xf32>
    %add3A_95 = arith.addf %add3A_64, %dot_general3A_94 : vector<256x256xf32>
    %get3A_96 = arith.constant 3 : index
    %get3A_97 = arith.constant 0 : index
    %get3A_98 = arith.constant 0 : index
    %get3A_99 = vector.load %arg2[%get3A_96, %get3A_97, %get3A_98] : memref<8x256x64xf32, #tpu.memory_space<vmem>>, vector<1x256x64xf32>
    %get3A_100 = vector.shape_cast %get3A_99 : vector<1x256x64xf32> to vector<256x64xf32>
    %get3A_101 = arith.constant 3 : index
    %get3A_102 = arith.constant 0 : index
    %get3A_103 = arith.constant 0 : index
    %get3A_104 = vector.load %arg1[%get3A_101, %get3A_102, %get3A_103] : memref<8x256x64xf32, #tpu.memory_space<vmem>>, vector<1x256x64xf32>
    %get3A_105 = vector.shape_cast %get3A_104 : vector<1x256x64xf32> to vector<256x64xf32>
    %add3A_106 = arith.addf %get3A_100, %get3A_105 : vector<256x64xf32>
    %mul3A_107 = vector.broadcast %rsqrt3A : vector<256x1xf32> to vector<256x64xf32>
    %mul3A_108 = arith.mulf %mul3A_107, %add3A_106 : vector<256x64xf32>
    %get3A_109 = arith.constant 3 : index
    %get3A_110 = arith.constant 0 : index
    %get3A_111 = vector.load %arg4[%get3A_109, %get3A_110] : memref<8x64xf32, #tpu.memory_space<vmem>>, vector<1x64xf32>
    %get3A_112 = vector.shape_cast %get3A_111 : vector<1x64xf32> to vector<64xf32>
    %broadcast_in_dim3A_113 = vector.shape_cast %get3A_112 : vector<64xf32> to vector<1x64xf32>
    %add3A_114 = vector.broadcast %broadcast_in_dim3A_113 : vector<1x64xf32> to vector<256x64xf32>
    %add3A_115 = arith.addf %mul3A_108, %add3A_114 : vector<256x64xf32>
    %max3A_116 = arith.constant 0.000000e+00 : f32
    %max3A_117 = vector.broadcast %max3A_116 : f32 to vector<256x64xf32>
    %max3A_118 = arith.maximumf %add3A_115, %max3A_117 : vector<256x64xf32>
    %get3A_119 = arith.constant 3 : index
    %get3A_120 = arith.constant 0 : index
    %get3A_121 = arith.constant 0 : index
    %get3A_122 = vector.load %arg5[%get3A_119, %get3A_120, %get3A_121] : memref<8x64x256xf32, #tpu.memory_space<vmem>>, vector<1x64x256xf32>
    %get3A_123 = vector.shape_cast %get3A_122 : vector<1x64x256xf32> to vector<64x256xf32>
    %dot_general3A_124 = arith.constant dense<0.000000e+00> : vector<256x256xf32>
    %dot_general3A_125 = tpu.matmul %max3A_118, %get3A_123, %dot_general3A_124 {dimension_numbers = #tpu.dot_dimension_numbers<[1], [0], [0], [1], [0, 0, 1, 1], [], []>, transpose_lhs_hint = false} : vector<256x64xf32>, vector<64x256xf32>, vector<256x256xf32> -> vector<256x256xf32>
    %add3A_126 = arith.addf %add3A_95, %dot_general3A_125 : vector<256x256xf32>
    %get3A_127 = arith.constant 4 : index
    %get3A_128 = arith.constant 0 : index
    %get3A_129 = arith.constant 0 : index
    %get3A_130 = vector.load %arg2[%get3A_127, %get3A_128, %get3A_129] : memref<8x256x64xf32, #tpu.memory_space<vmem>>, vector<1x256x64xf32>
    %get3A_131 = vector.shape_cast %get3A_130 : vector<1x256x64xf32> to vector<256x64xf32>
    %get3A_132 = arith.constant 4 : index
    %get3A_133 = arith.constant 0 : index
    %get3A_134 = arith.constant 0 : index
    %get3A_135 = vector.load %arg1[%get3A_132, %get3A_133, %get3A_134] : memref<8x256x64xf32, #tpu.memory_space<vmem>>, vector<1x256x64xf32>
    %get3A_136 = vector.shape_cast %get3A_135 : vector<1x256x64xf32> to vector<256x64xf32>
    %add3A_137 = arith.addf %get3A_131, %get3A_136 : vector<256x64xf32>
    %mul3A_138 = vector.broadcast %rsqrt3A : vector<256x1xf32> to vector<256x64xf32>
    %mul3A_139 = arith.mulf %mul3A_138, %add3A_137 : vector<256x64xf32>
    %get3A_140 = arith.constant 4 : index
    %get3A_141 = arith.constant 0 : index
    %get3A_142 = vector.load %arg4[%get3A_140, %get3A_141] : memref<8x64xf32, #tpu.memory_space<vmem>>, vector<1x64xf32>
    %get3A_143 = vector.shape_cast %get3A_142 : vector<1x64xf32> to vector<64xf32>
    %broadcast_in_dim3A_144 = vector.shape_cast %get3A_143 : vector<64xf32> to vector<1x64xf32>
    %add3A_145 = vector.broadcast %broadcast_in_dim3A_144 : vector<1x64xf32> to vector<256x64xf32>
    %add3A_146 = arith.addf %mul3A_139, %add3A_145 : vector<256x64xf32>
    %max3A_147 = arith.constant 0.000000e+00 : f32
    %max3A_148 = vector.broadcast %max3A_147 : f32 to vector<256x64xf32>
    %max3A_149 = arith.maximumf %add3A_146, %max3A_148 : vector<256x64xf32>
    %get3A_150 = arith.constant 4 : index
    %get3A_151 = arith.constant 0 : index
    %get3A_152 = arith.constant 0 : index
    %get3A_153 = vector.load %arg5[%get3A_150, %get3A_151, %get3A_152] : memref<8x64x256xf32, #tpu.memory_space<vmem>>, vector<1x64x256xf32>
    %get3A_154 = vector.shape_cast %get3A_153 : vector<1x64x256xf32> to vector<64x256xf32>
    %dot_general3A_155 = arith.constant dense<0.000000e+00> : vector<256x256xf32>
    %dot_general3A_156 = tpu.matmul %max3A_149, %get3A_154, %dot_general3A_155 {dimension_numbers = #tpu.dot_dimension_numbers<[1], [0], [0], [1], [0, 0, 1, 1], [], []>, transpose_lhs_hint = false} : vector<256x64xf32>, vector<64x256xf32>, vector<256x256xf32> -> vector<256x256xf32>
    %add3A_157 = arith.addf %add3A_126, %dot_general3A_156 : vector<256x256xf32>
    %get3A_158 = arith.constant 5 : index
    %get3A_159 = arith.constant 0 : index
    %get3A_160 = arith.constant 0 : index
    %get3A_161 = vector.load %arg2[%get3A_158, %get3A_159, %get3A_160] : memref<8x256x64xf32, #tpu.memory_space<vmem>>, vector<1x256x64xf32>
    %get3A_162 = vector.shape_cast %get3A_161 : vector<1x256x64xf32> to vector<256x64xf32>
    %get3A_163 = arith.constant 5 : index
    %get3A_164 = arith.constant 0 : index
    %get3A_165 = arith.constant 0 : index
    %get3A_166 = vector.load %arg1[%get3A_163, %get3A_164, %get3A_165] : memref<8x256x64xf32, #tpu.memory_space<vmem>>, vector<1x256x64xf32>
    %get3A_167 = vector.shape_cast %get3A_166 : vector<1x256x64xf32> to vector<256x64xf32>
    %add3A_168 = arith.addf %get3A_162, %get3A_167 : vector<256x64xf32>
    %mul3A_169 = vector.broadcast %rsqrt3A : vector<256x1xf32> to vector<256x64xf32>
    %mul3A_170 = arith.mulf %mul3A_169, %add3A_168 : vector<256x64xf32>
    %get3A_171 = arith.constant 5 : index
    %get3A_172 = arith.constant 0 : index
    %get3A_173 = vector.load %arg4[%get3A_171, %get3A_172] : memref<8x64xf32, #tpu.memory_space<vmem>>, vector<1x64xf32>
    %get3A_174 = vector.shape_cast %get3A_173 : vector<1x64xf32> to vector<64xf32>
    %broadcast_in_dim3A_175 = vector.shape_cast %get3A_174 : vector<64xf32> to vector<1x64xf32>
    %add3A_176 = vector.broadcast %broadcast_in_dim3A_175 : vector<1x64xf32> to vector<256x64xf32>
    %add3A_177 = arith.addf %mul3A_170, %add3A_176 : vector<256x64xf32>
    %max3A_178 = arith.constant 0.000000e+00 : f32
    %max3A_179 = vector.broadcast %max3A_178 : f32 to vector<256x64xf32>
    %max3A_180 = arith.maximumf %add3A_177, %max3A_179 : vector<256x64xf32>
    %get3A_181 = arith.constant 5 : index
    %get3A_182 = arith.constant 0 : index
    %get3A_183 = arith.constant 0 : index
    %get3A_184 = vector.load %arg5[%get3A_181, %get3A_182, %get3A_183] : memref<8x64x256xf32, #tpu.memory_space<vmem>>, vector<1x64x256xf32>
    %get3A_185 = vector.shape_cast %get3A_184 : vector<1x64x256xf32> to vector<64x256xf32>
    %dot_general3A_186 = arith.constant dense<0.000000e+00> : vector<256x256xf32>
    %dot_general3A_187 = tpu.matmul %max3A_180, %get3A_185, %dot_general3A_186 {dimension_numbers = #tpu.dot_dimension_numbers<[1], [0], [0], [1], [0, 0, 1, 1], [], []>, transpose_lhs_hint = false} : vector<256x64xf32>, vector<64x256xf32>, vector<256x256xf32> -> vector<256x256xf32>
    %add3A_188 = arith.addf %add3A_157, %dot_general3A_187 : vector<256x256xf32>
    %get3A_189 = arith.constant 6 : index
    %get3A_190 = arith.constant 0 : index
    %get3A_191 = arith.constant 0 : index
    %get3A_192 = vector.load %arg2[%get3A_189, %get3A_190, %get3A_191] : memref<8x256x64xf32, #tpu.memory_space<vmem>>, vector<1x256x64xf32>
    %get3A_193 = vector.shape_cast %get3A_192 : vector<1x256x64xf32> to vector<256x64xf32>
    %get3A_194 = arith.constant 6 : index
    %get3A_195 = arith.constant 0 : index
    %get3A_196 = arith.constant 0 : index
    %get3A_197 = vector.load %arg1[%get3A_194, %get3A_195, %get3A_196] : memref<8x256x64xf32, #tpu.memory_space<vmem>>, vector<1x256x64xf32>
    %get3A_198 = vector.shape_cast %get3A_197 : vector<1x256x64xf32> to vector<256x64xf32>
    %add3A_199 = arith.addf %get3A_193, %get3A_198 : vector<256x64xf32>
    %mul3A_200 = vector.broadcast %rsqrt3A : vector<256x1xf32> to vector<256x64xf32>
    %mul3A_201 = arith.mulf %mul3A_200, %add3A_199 : vector<256x64xf32>
    %get3A_202 = arith.constant 6 : index
    %get3A_203 = arith.constant 0 : index
    %get3A_204 = vector.load %arg4[%get3A_202, %get3A_203] : memref<8x64xf32, #tpu.memory_space<vmem>>, vector<1x64xf32>
    %get3A_205 = vector.shape_cast %get3A_204 : vector<1x64xf32> to vector<64xf32>
    %broadcast_in_dim3A_206 = vector.shape_cast %get3A_205 : vector<64xf32> to vector<1x64xf32>
    %add3A_207 = vector.broadcast %broadcast_in_dim3A_206 : vector<1x64xf32> to vector<256x64xf32>
    %add3A_208 = arith.addf %mul3A_201, %add3A_207 : vector<256x64xf32>
    %max3A_209 = arith.constant 0.000000e+00 : f32
    %max3A_210 = vector.broadcast %max3A_209 : f32 to vector<256x64xf32>
    %max3A_211 = arith.maximumf %add3A_208, %max3A_210 : vector<256x64xf32>
    %get3A_212 = arith.constant 6 : index
    %get3A_213 = arith.constant 0 : index
    %get3A_214 = arith.constant 0 : index
    %get3A_215 = vector.load %arg5[%get3A_212, %get3A_213, %get3A_214] : memref<8x64x256xf32, #tpu.memory_space<vmem>>, vector<1x64x256xf32>
    %get3A_216 = vector.shape_cast %get3A_215 : vector<1x64x256xf32> to vector<64x256xf32>
    %dot_general3A_217 = arith.constant dense<0.000000e+00> : vector<256x256xf32>
    %dot_general3A_218 = tpu.matmul %max3A_211, %get3A_216, %dot_general3A_217 {dimension_numbers = #tpu.dot_dimension_numbers<[1], [0], [0], [1], [0, 0, 1, 1], [], []>, transpose_lhs_hint = false} : vector<256x64xf32>, vector<64x256xf32>, vector<256x256xf32> -> vector<256x256xf32>
    %add3A_219 = arith.addf %add3A_188, %dot_general3A_218 : vector<256x256xf32>
    %get3A_220 = arith.constant 7 : index
    %get3A_221 = arith.constant 0 : index
    %get3A_222 = arith.constant 0 : index
    %get3A_223 = vector.load %arg2[%get3A_220, %get3A_221, %get3A_222] : memref<8x256x64xf32, #tpu.memory_space<vmem>>, vector<1x256x64xf32>
    %get3A_224 = vector.shape_cast %get3A_223 : vector<1x256x64xf32> to vector<256x64xf32>
    %get3A_225 = arith.constant 7 : index
    %get3A_226 = arith.constant 0 : index
    %get3A_227 = arith.constant 0 : index
    %get3A_228 = vector.load %arg1[%get3A_225, %get3A_226, %get3A_227] : memref<8x256x64xf32, #tpu.memory_space<vmem>>, vector<1x256x64xf32>
    %get3A_229 = vector.shape_cast %get3A_228 : vector<1x256x64xf32> to vector<256x64xf32>
    %add3A_230 = arith.addf %get3A_224, %get3A_229 : vector<256x64xf32>
    %mul3A_231 = vector.broadcast %rsqrt3A : vector<256x1xf32> to vector<256x64xf32>
    %mul3A_232 = arith.mulf %mul3A_231, %add3A_230 : vector<256x64xf32>
    %get3A_233 = arith.constant 7 : index
    %get3A_234 = arith.constant 0 : index
    %get3A_235 = vector.load %arg4[%get3A_233, %get3A_234] : memref<8x64xf32, #tpu.memory_space<vmem>>, vector<1x64xf32>
    %get3A_236 = vector.shape_cast %get3A_235 : vector<1x64xf32> to vector<64xf32>
    %broadcast_in_dim3A_237 = vector.shape_cast %get3A_236 : vector<64xf32> to vector<1x64xf32>
    %add3A_238 = vector.broadcast %broadcast_in_dim3A_237 : vector<1x64xf32> to vector<256x64xf32>
    %add3A_239 = arith.addf %mul3A_232, %add3A_238 : vector<256x64xf32>
    %max3A_240 = arith.constant 0.000000e+00 : f32
    %max3A_241 = vector.broadcast %max3A_240 : f32 to vector<256x64xf32>
    %max3A_242 = arith.maximumf %add3A_239, %max3A_241 : vector<256x64xf32>
    %get3A_243 = arith.constant 7 : index
    %get3A_244 = arith.constant 0 : index
    %get3A_245 = arith.constant 0 : index
    %get3A_246 = vector.load %arg5[%get3A_243, %get3A_244, %get3A_245] : memref<8x64x256xf32, #tpu.memory_space<vmem>>, vector<1x64x256xf32>
    %get3A_247 = vector.shape_cast %get3A_246 : vector<1x64x256xf32> to vector<64x256xf32>
    %dot_general3A_248 = arith.constant dense<0.000000e+00> : vector<256x256xf32>
    %dot_general3A_249 = tpu.matmul %max3A_242, %get3A_247, %dot_general3A_248 {dimension_numbers = #tpu.dot_dimension_numbers<[1], [0], [0], [1], [0, 0, 1, 1], [], []>, transpose_lhs_hint = false} : vector<256x64xf32>, vector<64x256xf32>, vector<256x256xf32> -> vector<256x256xf32>
    %add3A_250 = arith.addf %add3A_219, %dot_general3A_249 : vector<256x256xf32>
    %slice3A = vector.extract_strided_slice %add3A_250 {offsets = [0, 0], sizes = [256, 64], strides = [1, 1]} : vector<256x256xf32> to vector<256x64xf32>
    %mul3A_251 = vector.broadcast %rsqrt3A : vector<256x1xf32> to vector<256x64xf32>
    %mul3A_252 = arith.mulf %mul3A_251, %slice3A : vector<256x64xf32>
    %swap3A = arith.constant 0 : index
    %swap3A_253 = arith.constant 0 : index
    %swap3A_254 = arith.constant 0 : index
    %swap3A_255 = vector.load %arg6[%swap3A, %swap3A_253, %swap3A_254] : memref<4x256x64xf32, #tpu.memory_space<vmem>>, vector<1x256x64xf32>
    %swap3A_256 = vector.shape_cast %swap3A_255 : vector<1x256x64xf32> to vector<256x64xf32>
    %swap3A_257 = vector.shape_cast %mul3A_252 : vector<256x64xf32> to vector<1x256x64xf32>
    tpu.vector_store %arg6[%swap3A, %swap3A_253, %swap3A_254], %swap3A_257 {strides = array<i32>} : memref<4x256x64xf32, #tpu.memory_space<vmem>>, vector<1x256x64xf32>,
    %slice3A_258 = vector.extract_strided_slice %add3A_250 {offsets = [0, 64], sizes = [256, 64], strides = [1, 1]} : vector<256x256xf32> to vector<256x64xf32>
    %mul3A_259 = vector.broadcast %rsqrt3A : vector<256x1xf32> to vector<256x64xf32>
    %mul3A_260 = arith.mulf %mul3A_259, %slice3A_258 : vector<256x64xf32>
    %swap3A_261 = arith.constant 1 : index
    %swap3A_262 = arith.constant 0 : index
    %swap3A_263 = arith.constant 0 : index
    %swap3A_264 = vector.load %arg6[%swap3A_261, %swap3A_262, %swap3A_263] : memref<4x256x64xf32, #tpu.memory_space<vmem>>, vector<1x256x64xf32>
    %swap3A_265 = vector.shape_cast %swap3A_264 : vector<1x256x64xf32> to vector<256x64xf32>
    %swap3A_266 = vector.shape_cast %mul3A_260 : vector<256x64xf32> to vector<1x256x64xf32>
    tpu.vector_store %arg6[%swap3A_261, %swap3A_262, %swap3A_263], %swap3A_266 {strides = array<i32>} : memref<4x256x64xf32, #tpu.memory_space<vmem>>, vector<1x256x64xf32>,
    %slice3A_267 = vector.extract_strided_slice %add3A_250 {offsets = [0, 128], sizes = [256, 64], strides = [1, 1]} : vector<256x256xf32> to vector<256x64xf32>
    %mul3A_268 = vector.broadcast %rsqrt3A : vector<256x1xf32> to vector<256x64xf32>
    %mul3A_269 = arith.mulf %mul3A_268, %slice3A_267 : vector<256x64xf32>
    %swap3A_270 = arith.constant 2 : index
    %swap3A_271 = arith.constant 0 : index
    %swap3A_272 = arith.constant 0 : index
    %swap3A_273 = vector.load %arg6[%swap3A_270, %swap3A_271, %swap3A_272] : memref<4x256x64xf32, #tpu.memory_space<vmem>>, vector<1x256x64xf32>
    %swap3A_274 = vector.shape_cast %swap3A_273 : vector<1x256x64xf32> to vector<256x64xf32>
    %swap3A_275 = vector.shape_cast %mul3A_269 : vector<256x64xf32> to vector<1x256x64xf32>
    tpu.vector_store %arg6[%swap3A_270, %swap3A_271, %swap3A_272], %swap3A_275 {strides = array<i32>} : memref<4x256x64xf32, #tpu.memory_space<vmem>>, vector<1x256x64xf32>,
    %slice3A_276 = vector.extract_strided_slice %add3A_250 {offsets = [0, 192], sizes = [256, 64], strides = [1, 1]} : vector<256x256xf32> to vector<256x64xf32>
    %mul3A_277 = vector.broadcast %rsqrt3A : vector<256x1xf32> to vector<256x64xf32>
    %mul3A_278 = arith.mulf %mul3A_277, %slice3A_276 : vector<256x64xf32>
    %swap3A_279 = arith.constant 3 : index
    %swap3A_280 = arith.constant 0 : index
    %swap3A_281 = arith.constant 0 : index
    %swap3A_282 = vector.load %arg6[%swap3A_279, %swap3A_280, %swap3A_281] : memref<4x256x64xf32, #tpu.memory_space<vmem>>, vector<1x256x64xf32>
    %swap3A_283 = vector.shape_cast %swap3A_282 : vector<1x256x64xf32> to vector<256x64xf32>
    %swap3A_284 = vector.shape_cast %mul3A_278 : vector<256x64xf32> to vector<1x256x64xf32>
    tpu.vector_store %arg6[%swap3A_279, %swap3A_280, %swap3A_281], %swap3A_284 {strides = array<i32>} : memref<4x256x64xf32, #tpu.memory_space<vmem>>, vector<1x256x64xf32>,
    return
  }
  func.func @transform_0(%arg0: i32) -> (i32, i32, i32) {
    %c0_i32 = arith.constant 0 : i32
    %c0_i32_0 = arith.constant 0 : i32
    %c0_i32_1 = arith.constant 0 : i32
    return %c0_i32, %arg0, %c0_i32_0 : i32, i32, i32
  }
  func.func @transform_1(%arg0: i32) -> (i32, i32, i32) {
    %c0_i32 = arith.constant 0 : i32
    %c0_i32_0 = arith.constant 0 : i32
    %c0_i32_1 = arith.constant 0 : i32
    return %c0_i32, %arg0, %c0_i32_0 : i32, i32, i32
  }
  func.func @transform_2(%arg0: i32) -> (i32, i32) {
    %c0_i32 = arith.constant 0 : i32
    %c0_i32_0 = arith.constant 0 : i32
    return %c0_i32, %arg0 : i32, i32
  }
  func.func @transform_3(%arg0: i32) -> (i32, i32) {
    %c0_i32 = arith.constant 0 : i32
    %c0_i32_0 = arith.constant 0 : i32
    %c0_i32_1 = arith.constant 0 : i32
    return %c0_i32, %c0_i32_0 : i32, i32
  }
  func.func @transform_4(%arg0: i32) -> (i32, i32, i32) {
    %c0_i32 = arith.constant 0 : i32
    %c0_i32_0 = arith.constant 0 : i32
    %c0_i32_1 = arith.constant 0 : i32
    %c0_i32_2 = arith.constant 0 : i32
    return %c0_i32, %c0_i32_0, %c0_i32_1 : i32, i32, i32
  }
  func.func @transform_5(%arg0: i32) -> (i32, i32, i32) {
    %c0_i32 = arith.constant 0 : i32
    %c0_i32_0 = arith.constant 0 : i32
    %c0_i32_1 = arith.constant 0 : i32
    return %c0_i32, %arg0, %c0_i32_0 : i32, i32, i32
  }
}

module attributes {stable_mosaic.version = 14 : i64} {
  func.func @_mid_body(%arg0: i32, %arg1: memref<4x256x64xf32, #tpu.memory_space<vmem>>, %arg2: memref<4x256x64xf32, #tpu.memory_space<vmem>>, %arg3: memref<32x256xf32, #tpu.memory_space<vmem>>, %arg4: memref<4x64xf32, #tpu.memory_space<vmem>>, %arg5: memref<4x64x64xf32, #tpu.memory_space<vmem>>, %arg6: memref<1x256x64xf32, #tpu.memory_space<vmem>>) attributes {dimension_semantics = [#tpu.dimension_semantics<arbitrary>], iteration_bounds = array<i64: 40>, scalar_prefetch = 0 : i64, scratch_operands = 0 : i64, tpu.core_type = #tpu.core_type<tc>, window_params = [{transform_indices = @transform_0, window_bounds = array<i64: 4, 256, 64>}, {transform_indices = @transform_1, window_bounds = array<i64: 4, 256, 64>}, {transform_indices = @transform_2, window_bounds = array<i64: 32, 256>}, {pipeline_mode = #tpu.pipeline_mode<synchronous>, transform_indices = @transform_3, window_bounds = array<i64: 4, 64>}, {pipeline_mode = #tpu.pipeline_mode<synchronous>, transform_indices = @transform_4, window_bounds = array<i64: 4, 64, 64>}, {transform_indices = @transform_5, window_bounds = array<i64: 1, 256, 64>}]} {
    %get3A = arith.constant 0 : index
    %get3A_0 = arith.constant 0 : index
    %get3A_1 = vector.load %arg3[%get3A, %get3A_0] : memref<32x256xf32, #tpu.memory_space<vmem>>, vector<32x256xf32>
    %reduce_sum3A = arith.constant dense<0.000000e+00> : vector<256xf32>
    %reduce_sum3A_2 = vector.multi_reduction <add>, %get3A_1, %reduce_sum3A [0] : vector<32x256xf32> to vector<256xf32>
    %reshape3A = vector.shape_cast %reduce_sum3A_2 : vector<256xf32> to vector<256x1xf32>
    %add3A = arith.constant 1.000000e+00 : f32
    %add3A_3 = vector.broadcast %add3A : f32 to vector<256x1xf32>
    %add3A_4 = arith.addf %add3A_3, %reshape3A : vector<256x1xf32>
    %rsqrt3A = math.rsqrt %add3A_4 : vector<256x1xf32>
    %broadcast_in_dim3A = arith.constant 0.000000e+00 : f32
    %broadcast_in_dim3A_5 = vector.broadcast %broadcast_in_dim3A : f32 to vector<256x64xf32>
    %get3A_6 = arith.constant 0 : index
    %get3A_7 = arith.constant 0 : index
    %get3A_8 = arith.constant 0 : index
    %get3A_9 = vector.load %arg2[%get3A_6, %get3A_7, %get3A_8] : memref<4x256x64xf32, #tpu.memory_space<vmem>>, vector<1x256x64xf32>
    %get3A_10 = vector.shape_cast %get3A_9 : vector<1x256x64xf32> to vector<256x64xf32>
    %get3A_11 = arith.constant 0 : index
    %get3A_12 = arith.constant 0 : index
    %get3A_13 = arith.constant 0 : index
    %get3A_14 = vector.load %arg1[%get3A_11, %get3A_12, %get3A_13] : memref<4x256x64xf32, #tpu.memory_space<vmem>>, vector<1x256x64xf32>
    %get3A_15 = vector.shape_cast %get3A_14 : vector<1x256x64xf32> to vector<256x64xf32>
    %add3A_16 = arith.addf %get3A_10, %get3A_15 : vector<256x64xf32>
    %mul3A = vector.broadcast %rsqrt3A : vector<256x1xf32> to vector<256x64xf32>
    %mul3A_17 = arith.mulf %mul3A, %add3A_16 : vector<256x64xf32>
    %get3A_18 = arith.constant 0 : index
    %get3A_19 = arith.constant 0 : index
    %get3A_20 = vector.load %arg4[%get3A_18, %get3A_19] : memref<4x64xf32, #tpu.memory_space<vmem>>, vector<1x64xf32>
    %get3A_21 = vector.shape_cast %get3A_20 : vector<1x64xf32> to vector<64xf32>
    %broadcast_in_dim3A_22 = vector.shape_cast %get3A_21 : vector<64xf32> to vector<1x64xf32>
    %add3A_23 = vector.broadcast %broadcast_in_dim3A_22 : vector<1x64xf32> to vector<256x64xf32>
    %add3A_24 = arith.addf %mul3A_17, %add3A_23 : vector<256x64xf32>
    %max3A = arith.constant 0.000000e+00 : f32
    %max3A_25 = vector.broadcast %max3A : f32 to vector<256x64xf32>
    %max3A_26 = arith.maximumf %add3A_24, %max3A_25 : vector<256x64xf32>
    %get3A_27 = arith.constant 0 : index
    %get3A_28 = arith.constant 0 : index
    %get3A_29 = arith.constant 0 : index
    %get3A_30 = vector.load %arg5[%get3A_27, %get3A_28, %get3A_29] : memref<4x64x64xf32, #tpu.memory_space<vmem>>, vector<1x64x64xf32>
    %get3A_31 = vector.shape_cast %get3A_30 : vector<1x64x64xf32> to vector<64x64xf32>
    %dot_general3A = arith.constant dense<0.000000e+00> : vector<256x64xf32>
    %dot_general3A_32 = tpu.matmul %max3A_26, %get3A_31, %dot_general3A {dimension_numbers = #tpu.dot_dimension_numbers<[1], [0], [0], [1], [0, 0, 1, 1], [], []>, transpose_lhs_hint = false} : vector<256x64xf32>, vector<64x64xf32>, vector<256x64xf32> -> vector<256x64xf32>
    %add3A_33 = arith.addf %broadcast_in_dim3A_5, %dot_general3A_32 : vector<256x64xf32>
    %get3A_34 = arith.constant 1 : index
    %get3A_35 = arith.constant 0 : index
    %get3A_36 = arith.constant 0 : index
    %get3A_37 = vector.load %arg2[%get3A_34, %get3A_35, %get3A_36] : memref<4x256x64xf32, #tpu.memory_space<vmem>>, vector<1x256x64xf32>
    %get3A_38 = vector.shape_cast %get3A_37 : vector<1x256x64xf32> to vector<256x64xf32>
    %get3A_39 = arith.constant 1 : index
    %get3A_40 = arith.constant 0 : index
    %get3A_41 = arith.constant 0 : index
    %get3A_42 = vector.load %arg1[%get3A_39, %get3A_40, %get3A_41] : memref<4x256x64xf32, #tpu.memory_space<vmem>>, vector<1x256x64xf32>
    %get3A_43 = vector.shape_cast %get3A_42 : vector<1x256x64xf32> to vector<256x64xf32>
    %add3A_44 = arith.addf %get3A_38, %get3A_43 : vector<256x64xf32>
    %mul3A_45 = vector.broadcast %rsqrt3A : vector<256x1xf32> to vector<256x64xf32>
    %mul3A_46 = arith.mulf %mul3A_45, %add3A_44 : vector<256x64xf32>
    %get3A_47 = arith.constant 1 : index
    %get3A_48 = arith.constant 0 : index
    %get3A_49 = vector.load %arg4[%get3A_47, %get3A_48] : memref<4x64xf32, #tpu.memory_space<vmem>>, vector<1x64xf32>
    %get3A_50 = vector.shape_cast %get3A_49 : vector<1x64xf32> to vector<64xf32>
    %broadcast_in_dim3A_51 = vector.shape_cast %get3A_50 : vector<64xf32> to vector<1x64xf32>
    %add3A_52 = vector.broadcast %broadcast_in_dim3A_51 : vector<1x64xf32> to vector<256x64xf32>
    %add3A_53 = arith.addf %mul3A_46, %add3A_52 : vector<256x64xf32>
    %max3A_54 = arith.constant 0.000000e+00 : f32
    %max3A_55 = vector.broadcast %max3A_54 : f32 to vector<256x64xf32>
    %max3A_56 = arith.maximumf %add3A_53, %max3A_55 : vector<256x64xf32>
    %get3A_57 = arith.constant 1 : index
    %get3A_58 = arith.constant 0 : index
    %get3A_59 = arith.constant 0 : index
    %get3A_60 = vector.load %arg5[%get3A_57, %get3A_58, %get3A_59] : memref<4x64x64xf32, #tpu.memory_space<vmem>>, vector<1x64x64xf32>
    %get3A_61 = vector.shape_cast %get3A_60 : vector<1x64x64xf32> to vector<64x64xf32>
    %dot_general3A_62 = arith.constant dense<0.000000e+00> : vector<256x64xf32>
    %dot_general3A_63 = tpu.matmul %max3A_56, %get3A_61, %dot_general3A_62 {dimension_numbers = #tpu.dot_dimension_numbers<[1], [0], [0], [1], [0, 0, 1, 1], [], []>, transpose_lhs_hint = false} : vector<256x64xf32>, vector<64x64xf32>, vector<256x64xf32> -> vector<256x64xf32>
    %add3A_64 = arith.addf %add3A_33, %dot_general3A_63 : vector<256x64xf32>
    %get3A_65 = arith.constant 2 : index
    %get3A_66 = arith.constant 0 : index
    %get3A_67 = arith.constant 0 : index
    %get3A_68 = vector.load %arg2[%get3A_65, %get3A_66, %get3A_67] : memref<4x256x64xf32, #tpu.memory_space<vmem>>, vector<1x256x64xf32>
    %get3A_69 = vector.shape_cast %get3A_68 : vector<1x256x64xf32> to vector<256x64xf32>
    %get3A_70 = arith.constant 2 : index
    %get3A_71 = arith.constant 0 : index
    %get3A_72 = arith.constant 0 : index
    %get3A_73 = vector.load %arg1[%get3A_70, %get3A_71, %get3A_72] : memref<4x256x64xf32, #tpu.memory_space<vmem>>, vector<1x256x64xf32>
    %get3A_74 = vector.shape_cast %get3A_73 : vector<1x256x64xf32> to vector<256x64xf32>
    %add3A_75 = arith.addf %get3A_69, %get3A_74 : vector<256x64xf32>
    %mul3A_76 = vector.broadcast %rsqrt3A : vector<256x1xf32> to vector<256x64xf32>
    %mul3A_77 = arith.mulf %mul3A_76, %add3A_75 : vector<256x64xf32>
    %get3A_78 = arith.constant 2 : index
    %get3A_79 = arith.constant 0 : index
    %get3A_80 = vector.load %arg4[%get3A_78, %get3A_79] : memref<4x64xf32, #tpu.memory_space<vmem>>, vector<1x64xf32>
    %get3A_81 = vector.shape_cast %get3A_80 : vector<1x64xf32> to vector<64xf32>
    %broadcast_in_dim3A_82 = vector.shape_cast %get3A_81 : vector<64xf32> to vector<1x64xf32>
    %add3A_83 = vector.broadcast %broadcast_in_dim3A_82 : vector<1x64xf32> to vector<256x64xf32>
    %add3A_84 = arith.addf %mul3A_77, %add3A_83 : vector<256x64xf32>
    %max3A_85 = arith.constant 0.000000e+00 : f32
    %max3A_86 = vector.broadcast %max3A_85 : f32 to vector<256x64xf32>
    %max3A_87 = arith.maximumf %add3A_84, %max3A_86 : vector<256x64xf32>
    %get3A_88 = arith.constant 2 : index
    %get3A_89 = arith.constant 0 : index
    %get3A_90 = arith.constant 0 : index
    %get3A_91 = vector.load %arg5[%get3A_88, %get3A_89, %get3A_90] : memref<4x64x64xf32, #tpu.memory_space<vmem>>, vector<1x64x64xf32>
    %get3A_92 = vector.shape_cast %get3A_91 : vector<1x64x64xf32> to vector<64x64xf32>
    %dot_general3A_93 = arith.constant dense<0.000000e+00> : vector<256x64xf32>
    %dot_general3A_94 = tpu.matmul %max3A_87, %get3A_92, %dot_general3A_93 {dimension_numbers = #tpu.dot_dimension_numbers<[1], [0], [0], [1], [0, 0, 1, 1], [], []>, transpose_lhs_hint = false} : vector<256x64xf32>, vector<64x64xf32>, vector<256x64xf32> -> vector<256x64xf32>
    %add3A_95 = arith.addf %add3A_64, %dot_general3A_94 : vector<256x64xf32>
    %get3A_96 = arith.constant 3 : index
    %get3A_97 = arith.constant 0 : index
    %get3A_98 = arith.constant 0 : index
    %get3A_99 = vector.load %arg2[%get3A_96, %get3A_97, %get3A_98] : memref<4x256x64xf32, #tpu.memory_space<vmem>>, vector<1x256x64xf32>
    %get3A_100 = vector.shape_cast %get3A_99 : vector<1x256x64xf32> to vector<256x64xf32>
    %get3A_101 = arith.constant 3 : index
    %get3A_102 = arith.constant 0 : index
    %get3A_103 = arith.constant 0 : index
    %get3A_104 = vector.load %arg1[%get3A_101, %get3A_102, %get3A_103] : memref<4x256x64xf32, #tpu.memory_space<vmem>>, vector<1x256x64xf32>
    %get3A_105 = vector.shape_cast %get3A_104 : vector<1x256x64xf32> to vector<256x64xf32>
    %add3A_106 = arith.addf %get3A_100, %get3A_105 : vector<256x64xf32>
    %mul3A_107 = vector.broadcast %rsqrt3A : vector<256x1xf32> to vector<256x64xf32>
    %mul3A_108 = arith.mulf %mul3A_107, %add3A_106 : vector<256x64xf32>
    %get3A_109 = arith.constant 3 : index
    %get3A_110 = arith.constant 0 : index
    %get3A_111 = vector.load %arg4[%get3A_109, %get3A_110] : memref<4x64xf32, #tpu.memory_space<vmem>>, vector<1x64xf32>
    %get3A_112 = vector.shape_cast %get3A_111 : vector<1x64xf32> to vector<64xf32>
    %broadcast_in_dim3A_113 = vector.shape_cast %get3A_112 : vector<64xf32> to vector<1x64xf32>
    %add3A_114 = vector.broadcast %broadcast_in_dim3A_113 : vector<1x64xf32> to vector<256x64xf32>
    %add3A_115 = arith.addf %mul3A_108, %add3A_114 : vector<256x64xf32>
    %max3A_116 = arith.constant 0.000000e+00 : f32
    %max3A_117 = vector.broadcast %max3A_116 : f32 to vector<256x64xf32>
    %max3A_118 = arith.maximumf %add3A_115, %max3A_117 : vector<256x64xf32>
    %get3A_119 = arith.constant 3 : index
    %get3A_120 = arith.constant 0 : index
    %get3A_121 = arith.constant 0 : index
    %get3A_122 = vector.load %arg5[%get3A_119, %get3A_120, %get3A_121] : memref<4x64x64xf32, #tpu.memory_space<vmem>>, vector<1x64x64xf32>
    %get3A_123 = vector.shape_cast %get3A_122 : vector<1x64x64xf32> to vector<64x64xf32>
    %dot_general3A_124 = arith.constant dense<0.000000e+00> : vector<256x64xf32>
    %dot_general3A_125 = tpu.matmul %max3A_118, %get3A_123, %dot_general3A_124 {dimension_numbers = #tpu.dot_dimension_numbers<[1], [0], [0], [1], [0, 0, 1, 1], [], []>, transpose_lhs_hint = false} : vector<256x64xf32>, vector<64x64xf32>, vector<256x64xf32> -> vector<256x64xf32>
    %add3A_126 = arith.addf %add3A_95, %dot_general3A_125 : vector<256x64xf32>
    %mul3A_127 = vector.broadcast %rsqrt3A : vector<256x1xf32> to vector<256x64xf32>
    %mul3A_128 = arith.mulf %mul3A_127, %add3A_126 : vector<256x64xf32>
    %swap3A = arith.constant 0 : index
    %swap3A_129 = arith.constant 0 : index
    %swap3A_130 = arith.constant 0 : index
    %swap3A_131 = vector.load %arg6[%swap3A, %swap3A_129, %swap3A_130] : memref<1x256x64xf32, #tpu.memory_space<vmem>>, vector<1x256x64xf32>
    %swap3A_132 = vector.shape_cast %swap3A_131 : vector<1x256x64xf32> to vector<256x64xf32>
    %swap3A_133 = vector.shape_cast %mul3A_128 : vector<256x64xf32> to vector<1x256x64xf32>
    tpu.vector_store %arg6[%swap3A, %swap3A_129, %swap3A_130], %swap3A_133 {strides = array<i32>} : memref<1x256x64xf32, #tpu.memory_space<vmem>>, vector<1x256x64xf32>,
    return
  }
  func.func @transform_0(%arg0: i32) -> (i32, i32, i32) {
    %c0_i32 = arith.constant 0 : i32
    %c0_i32_0 = arith.constant 0 : i32
    %c0_i32_1 = arith.constant 0 : i32
    return %c0_i32, %arg0, %c0_i32_0 : i32, i32, i32
  }
  func.func @transform_1(%arg0: i32) -> (i32, i32, i32) {
    %c0_i32 = arith.constant 0 : i32
    %c0_i32_0 = arith.constant 0 : i32
    %c0_i32_1 = arith.constant 0 : i32
    return %c0_i32, %arg0, %c0_i32_0 : i32, i32, i32
  }
  func.func @transform_2(%arg0: i32) -> (i32, i32) {
    %c0_i32 = arith.constant 0 : i32
    %c0_i32_0 = arith.constant 0 : i32
    return %c0_i32, %arg0 : i32, i32
  }
  func.func @transform_3(%arg0: i32) -> (i32, i32) {
    %c0_i32 = arith.constant 0 : i32
    %c0_i32_0 = arith.constant 0 : i32
    %c0_i32_1 = arith.constant 0 : i32
    return %c0_i32, %c0_i32_0 : i32, i32
  }
  func.func @transform_4(%arg0: i32) -> (i32, i32, i32) {
    %c0_i32 = arith.constant 0 : i32
    %c0_i32_0 = arith.constant 0 : i32
    %c0_i32_1 = arith.constant 0 : i32
    %c0_i32_2 = arith.constant 0 : i32
    return %c0_i32, %c0_i32_0, %c0_i32_1 : i32, i32, i32
  }
  func.func @transform_5(%arg0: i32) -> (i32, i32, i32) {
    %c0_i32 = arith.constant 0 : i32
    %c0_i32_0 = arith.constant 0 : i32
    %c0_i32_1 = arith.constant 0 : i32
    return %c0_i32, %arg0, %c0_i32_0 : i32, i32, i32
  }
}

module attributes {stable_mosaic.version = 14 : i64} {
  func.func @_k4_body(%arg0: i32, %arg1: memref<1x256x64xf32, #tpu.memory_space<vmem>>, %arg2: memref<2x256x64xf32, #tpu.memory_space<vmem>>, %arg3: memref<32x256xf32, #tpu.memory_space<vmem>>, %arg4: memref<1x64xf32, #tpu.memory_space<vmem>>, %arg5: memref<64x128xf32, #tpu.memory_space<vmem>>, %arg6: memref<1x128xf32, #tpu.memory_space<vmem>>, %arg7: memref<256x128xf32, #tpu.memory_space<vmem>>) attributes {dimension_semantics = [#tpu.dimension_semantics<arbitrary>], iteration_bounds = array<i64: 40>, scalar_prefetch = 0 : i64, scratch_operands = 0 : i64, tpu.core_type = #tpu.core_type<tc>, window_params = [{transform_indices = @transform_0, window_bounds = array<i64: 1, 256, 64>}, {transform_indices = @transform_1, window_bounds = array<i64: 2, 256, 64>}, {transform_indices = @transform_2, window_bounds = array<i64: 32, 256>}, {pipeline_mode = #tpu.pipeline_mode<synchronous>, transform_indices = @transform_3, window_bounds = array<i64: 1, 64>}, {pipeline_mode = #tpu.pipeline_mode<synchronous>, transform_indices = @transform_4, window_bounds = array<i64: 64, 128>}, {pipeline_mode = #tpu.pipeline_mode<synchronous>, transform_indices = @transform_5, window_bounds = array<i64: 1, 128>}, {transform_indices = @transform_6, window_bounds = array<i64: 256, 128>}]} {
    %get3A = arith.constant 0 : index
    %get3A_0 = arith.constant 0 : index
    %get3A_1 = vector.load %arg3[%get3A, %get3A_0] : memref<32x256xf32, #tpu.memory_space<vmem>>, vector<32x256xf32>
    %reduce_sum3A = arith.constant dense<0.000000e+00> : vector<256xf32>
    %reduce_sum3A_2 = vector.multi_reduction <add>, %get3A_1, %reduce_sum3A [0] : vector<32x256xf32> to vector<256xf32>
    %reshape3A = vector.shape_cast %reduce_sum3A_2 : vector<256xf32> to vector<256x1xf32>
    %add3A = arith.constant 1.000000e+00 : f32
    %add3A_3 = vector.broadcast %add3A : f32 to vector<256x1xf32>
    %add3A_4 = arith.addf %add3A_3, %reshape3A : vector<256x1xf32>
    %rsqrt3A = math.rsqrt %add3A_4 : vector<256x1xf32>
    %get3A_5 = arith.constant 0 : index
    %get3A_6 = arith.constant 0 : index
    %get3A_7 = arith.constant 0 : index
    %get3A_8 = vector.load %arg2[%get3A_5, %get3A_6, %get3A_7] : memref<2x256x64xf32, #tpu.memory_space<vmem>>, vector<1x256x64xf32>
    %get3A_9 = vector.shape_cast %get3A_8 : vector<1x256x64xf32> to vector<256x64xf32>
    %get3A_10 = arith.constant 1 : index
    %get3A_11 = arith.constant 0 : index
    %get3A_12 = arith.constant 0 : index
    %get3A_13 = vector.load %arg2[%get3A_10, %get3A_11, %get3A_12] : memref<2x256x64xf32, #tpu.memory_space<vmem>>, vector<1x256x64xf32>
    %get3A_14 = vector.shape_cast %get3A_13 : vector<1x256x64xf32> to vector<256x64xf32>
    %add3A_15 = arith.addf %get3A_9, %get3A_14 : vector<256x64xf32>
    %get3A_16 = arith.constant 0 : index
    %get3A_17 = arith.constant 0 : index
    %get3A_18 = arith.constant 0 : index
    %get3A_19 = vector.load %arg1[%get3A_16, %get3A_17, %get3A_18] : memref<1x256x64xf32, #tpu.memory_space<vmem>>, vector<1x256x64xf32>
    %get3A_20 = vector.shape_cast %get3A_19 : vector<1x256x64xf32> to vector<256x64xf32>
    %add3A_21 = arith.addf %add3A_15, %get3A_20 : vector<256x64xf32>
    %mul3A = vector.broadcast %rsqrt3A : vector<256x1xf32> to vector<256x64xf32>
    %mul3A_22 = arith.mulf %mul3A, %add3A_21 : vector<256x64xf32>
    %get3A_23 = arith.constant 0 : index
    %get3A_24 = arith.constant 0 : index
    %get3A_25 = vector.load %arg4[%get3A_23, %get3A_24] : memref<1x64xf32, #tpu.memory_space<vmem>>, vector<1x64xf32>
    %get3A_26 = vector.shape_cast %get3A_25 : vector<1x64xf32> to vector<64xf32>
    %broadcast_in_dim3A = vector.shape_cast %get3A_26 : vector<64xf32> to vector<1x64xf32>
    %add3A_27 = vector.broadcast %broadcast_in_dim3A : vector<1x64xf32> to vector<256x64xf32>
    %add3A_28 = arith.addf %mul3A_22, %add3A_27 : vector<256x64xf32>
    %max3A = arith.constant 0.000000e+00 : f32
    %max3A_29 = vector.broadcast %max3A : f32 to vector<256x64xf32>
    %max3A_30 = arith.maximumf %add3A_28, %max3A_29 : vector<256x64xf32>
    %get3A_31 = arith.constant 0 : index
    %get3A_32 = arith.constant 0 : index
    %get3A_33 = vector.load %arg5[%get3A_31, %get3A_32] : memref<64x128xf32, #tpu.memory_space<vmem>>, vector<64x128xf32>
    %dot_general3A = arith.constant dense<0.000000e+00> : vector<256x128xf32>
    %dot_general3A_34 = tpu.matmul %max3A_30, %get3A_33, %dot_general3A {dimension_numbers = #tpu.dot_dimension_numbers<[1], [0], [0], [1], [0, 0, 1, 1], [], []>, transpose_lhs_hint = false} : vector<256x64xf32>, vector<64x128xf32>, vector<256x128xf32> -> vector<256x128xf32>
    %get3A_35 = arith.constant 0 : index
    %get3A_36 = arith.constant 0 : index
    %get3A_37 = vector.load %arg6[%get3A_35, %get3A_36] : memref<1x128xf32, #tpu.memory_space<vmem>>, vector<1x128xf32>
    %get3A_38 = vector.shape_cast %get3A_37 : vector<1x128xf32> to vector<128xf32>
    %broadcast_in_dim3A_39 = vector.shape_cast %get3A_38 : vector<128xf32> to vector<1x128xf32>
    %add3A_40 = vector.broadcast %broadcast_in_dim3A_39 : vector<1x128xf32> to vector<256x128xf32>
    %add3A_41 = arith.addf %dot_general3A_34, %add3A_40 : vector<256x128xf32>
    %swap3A = arith.constant 0 : index
    %swap3A_42 = arith.constant 0 : index
    %swap3A_43 = vector.load %arg7[%swap3A, %swap3A_42] : memref<256x128xf32, #tpu.memory_space<vmem>>, vector<256x128xf32>
    tpu.vector_store %arg7[%swap3A, %swap3A_42], %add3A_41 {strides = array<i32>} : memref<256x128xf32, #tpu.memory_space<vmem>>, vector<256x128xf32>,
    return
  }
  func.func @transform_0(%arg0: i32) -> (i32, i32, i32) {
    %c0_i32 = arith.constant 0 : i32
    %c0_i32_0 = arith.constant 0 : i32
    %c0_i32_1 = arith.constant 0 : i32
    return %c0_i32, %arg0, %c0_i32_0 : i32, i32, i32
  }
  func.func @transform_1(%arg0: i32) -> (i32, i32, i32) {
    %c0_i32 = arith.constant 0 : i32
    %c0_i32_0 = arith.constant 0 : i32
    %c0_i32_1 = arith.constant 0 : i32
    return %c0_i32, %arg0, %c0_i32_0 : i32, i32, i32
  }
  func.func @transform_2(%arg0: i32) -> (i32, i32) {
    %c0_i32 = arith.constant 0 : i32
    %c0_i32_0 = arith.constant 0 : i32
    return %c0_i32, %arg0 : i32, i32
  }
  func.func @transform_3(%arg0: i32) -> (i32, i32) {
    %c0_i32 = arith.constant 0 : i32
    %c0_i32_0 = arith.constant 0 : i32
    %c0_i32_1 = arith.constant 0 : i32
    return %c0_i32, %c0_i32_0 : i32, i32
  }
  func.func @transform_4(%arg0: i32) -> (i32, i32) {
    %c0_i32 = arith.constant 0 : i32
    %c0_i32_0 = arith.constant 0 : i32
    %c0_i32_1 = arith.constant 0 : i32
    return %c0_i32, %c0_i32_0 : i32, i32
  }
  func.func @transform_5(%arg0: i32) -> (i32, i32) {
    %c0_i32 = arith.constant 0 : i32
    %c0_i32_0 = arith.constant 0 : i32
    %c0_i32_1 = arith.constant 0 : i32
    return %c0_i32, %c0_i32_0 : i32, i32
  }
  func.func @transform_6(%arg0: i32) -> (i32, i32) {
    %c0_i32 = arith.constant 0 : i32
    %c0_i32_0 = arith.constant 0 : i32
    return %arg0, %c0_i32 : i32, i32
  }
}

</mosaic_0001>

<sc_bundles>
// kernel: kernel.10.cloned.1.call-start
scs
__scs_entry_jumppad:
0x0: {  	(pc) =	sbr.rel $0x88, $3  }
0x1: {  	(tag) =	ssettag $0x0;
	lr =	simm.s32 $0x1  }
0x2: {  	[smem:$0x3F97] =	sst lr;
	_ =	strace $0xD0000000  }
0x3: {  	_ = 	snop  }
0x4: {  	_ = 	snop  }
0x5: {  	_ = 	snop  }
0x6: {  	_ = 	snop  }
0x7: {  	_ = 	snop  }
__scs_overlays_trampoline_lowered:
0x8: {  	[smem:$0x3FA6] =	sst s0  }
0x9: {  	[smem:$0x3FA7] =	sst s1  }
0xa: {  	[smem:$0x3FA8] =	sst s2  }
0xb: {  	[smem:$0x3FA9] =	sst s3  }
0xc: {  	[smem:$0x3FAA] =	sst s4  }
0xd: {  	[smem:$0x3FAB] =	sst s5  }
0xe: {  	[smem:$0x3FAC] =	sst s6  }
0xf: {  	[smem:$0x3FAD] =	sst s7  }
0x10: {  	[smem:$0x3FAE] =	sst s8  }
0x11: {  	[smem:$0x3FAF] =	sst s9;
	s0 =	simm.s32 @!p0 $0x0  }
0x12: {  	s1 =	sld [smem:$0x3F95];
	s0 =	simm.s32 @p0 $0x1  }
0x13: {  	[smem:$0x3FB0] =	sst s0;
	s0 =	simm.s32 @!p1 $0x0  }
0x14: {  	s2 =	sld [smem:$0x3F94];
	s0 =	simm.s32 @p1 $0x1  }
0x15: {  	[smem:$0x3FB1] =	sst s0;
	s0 =	simm.s32 @!p2 $0x0  }
0x16: {  	s3 =	sld [smem:$0x3FDB];
	s0 =	simm.s32 @p2 $0x1  }
0x17: {  	s4 =	simm.s32 $0x1BF5;
	[smem:$0x3FB3] =	sst s0  }
0x18: {  	s0 =	sld [smem:$0x3F96];
	_ =	swait.ge [sflag:s4], $0x0  }
0x19: {  	s7 =	sld [smem:$0x3F97]  }
0x1a: {  	s8 =	sadd.s32 $0xFFFFE003, lr  }
0x1b: {  	s9 =	sadd.s32 $0xFFFFFEF7, lr;
	s5 =	simm.s32 $0xFFFFFFFF;
	p2 =	slt.u32 s8, $0xFFFFF086  }
0x1c: {  	p1 =	slt.u32 s9, $0xF7A;
	s5 =	simm.s32 @!p2 $0x0  }
0x1d: {  	s5 =	simm.s32 @p1 $0x1;
	p0 =	seq.s32 s7, s2  }
0x1e: {  	s7 =	smul.u32 @!p0 $0xF7A, s2;
	p2 =	seq.s32 @!p0 s5, $0x0  }
0x1f: {  	s9 =	smul.u32 $0xF7A, s1;
	s8 =	simm.s32 @!p0 $0x1BF5;
	p2 =	por !p2, p0  }
0x20: {  	[sflag:s8] =	ssyncset.s32 @!p0 $0xFFFFF086;
	s6 =	sadd.s32 @!p0 s3, s7;
	s7 =	simm.s32 @!p0 $0x108  }
0x21: {  	s3 =	sadd.s32 s3, s9;
	s6 =	sadd.s32 @!p0 $0x88, s6;
	s7 =	simm.s32 @p2 $0x1082  }
0x22: {  	[simem:s7], [sflag:s8] =	dma.local @!p0 [hbm:s6], $0xF7A  }
0x23: {  	s9 =	sor.u32 $0xD0000000, s2;
	s6 =	simm.s32 $0x108;
	_ =	swait.ge @!p0 [sflag:s8], $0x0  }
0x24: {  	s3 =	sadd.s32 $0x88, s3;
	s6 =	simm.s32 @!p1 $0x1082;
	[sflag:s4] =	ssyncset.s32 $0xFFFFF086  }
0x25: {  	[simem:s6], [sflag:s4] =	dma.local [hbm:s3], $0xF7A  }
0x26: {  	[smem:$0x3F97] =	sst s1;
	(tag) =	ssettag s2;
	_ =	strace s9  }
0x27: {  	s1 =	sld [smem:$0x3FA7]  }
0x28: {  	s2 =	sld [smem:$0x3FA8]  }
0x29: {  	s4 =	sld [smem:$0x3FAA]  }
0x2a: {  	p0 =	seq.s32 s5, $0x0;
	s5 =	sld [smem:$0x3FAB]  }
0x2b: {  	s6 =	sld [smem:$0x3FAC]  }
0x2c: {  	s7 =	sld [smem:$0x3FAD]  }
0x2d: {  	s3 =	simm.s32 $0x108;
	s8 =	sld [smem:$0x3FAE]  }
0x2e: {  	s3 =	simm.s32 @!p0 $0x1082;
	s9 =	sld [smem:$0x3FAF]  }
0x2f: {  	lr =	sadd.s32 s0, s3;
	s0 =	sld [smem:$0x3FA6]  }
0x30: {  	s3 =	sld [smem:$0x3FA9]  }
0x31: {  	[smem:$0x3FB2] =	sst s10  }
0x32: {  	s10 =	sld [smem:$0x3FB0];
	_ =	sdelay $0x3  }
0x33: {  	p0 =	seq.s32 s10, $0x1;
	s10 =	sld [smem:$0x3FB2];
	_ =	sdelay $0x3  }
0x34: {  	[smem:$0x3FB2] =	sst s10  }
0x35: {  	s10 =	sld [smem:$0x3FB1];
	_ =	sdelay $0x3  }
0x36: {  	p1 =	seq.s32 s10, $0x1;
	s10 =	sld [smem:$0x3FB2];
	_ =	sdelay $0x3  }
0x37: {  	[smem:$0x3FB2] =	sst s10  }
0x38: {  	s10 =	sld [smem:$0x3FB3]  }
0x39: {  	_ = 	snop;
	(pc) =	sbr.ind lr, $3  }
0x3a: {  	_ = 	snop  }
0x3b: {  	_ = 	snop  }
0x3c: {  	p2 =	seq.s32 s10, $0x1;
	s10 =	sld [smem:$0x3FB2]  }
0x3d: {  	_ =	shalt  }
0x3e: {  	_ =	shalt  }
0x3f: {  	_ =	shalt  }
0x40: {  	_ =	shalt  }
0x41: {  	_ =	shalt  }
0x42: {  	_ =	shalt  }
0x43: {  	_ =	shalt  }
0x44: {  	_ =	shalt  }
0x45: {  	_ =	shalt  }
0x46: {  	_ =	shalt  }
0x47: {  	_ =	shalt  }
0x48: {  	_ =	shalt  }
0x49: {  	_ =	shalt  }
0x4a: {  	_ =	shalt  }
0x4b: {  	_ =	shalt  }
0x4c: {  	_ =	shalt  }
0x4d: {  	_ =	shalt  }
0x4e: {  	_ =	shalt  }
0x4f: {  	_ =	shalt  }
0x50: {  	_ =	shalt  }
0x51: {  	_ =	shalt  }
0x52: {  	_ =	shalt  }
0x53: {  	_ =	shalt  }
0x54: {  	_ =	shalt  }
0x55: {  	_ =	shalt  }
0x56: {  	_ =	shalt  }
0x57: {  	_ =	shalt  }
0x58: {  	_ =	shalt  }
0x59: {  	_ =	shalt  }
0x5a: {  	_ =	shalt  }
0x5b: {  	_ =	shalt  }
0x5c: {  	_ =	shalt  }
0x5d: {  	_ =	shalt  }
0x5e: {  	_ =	shalt  }
0x5f: {  	_ =	shalt  }
0x60: {  	_ =	shalt  }
0x61: {  	_ =	shalt  }
0x62: {  	_ =	shalt  }
0x63: {  	_ =	shalt  }
0x64: {  	_ =	shalt  }
0x65: {  	_ =	shalt  }
0x66: {  	_ =	shalt  }
0x67: {  	_ =	shalt  }
0x68: {  	_ =	shalt  }
0x69: {  	_ =	shalt  }
0x6a: {  	_ =	shalt  }
0x6b: {  	_ =	shalt  }
0x6c: {  	_ =	shalt  }
0x6d: {  	_ =	shalt  }
0x6e: {  	_ =	shalt  }
0x6f: {  	_ =	shalt  }
0x70: {  	_ =	shalt  }
0x71: {  	_ =	shalt  }
0x72: {  	_ =	shalt  }
0x73: {  	_ =	shalt  }
0x74: {  	_ =	shalt  }
0x75: {  	_ =	shalt  }
0x76: {  	_ =	shalt  }
0x77: {  	_ =	shalt  }
0x78: {  	_ =	shalt  }
0x79: {  	_ =	shalt  }
0x7a: {  	_ =	shalt  }
0x7b: {  	_ =	shalt  }
0x7c: {  	_ =	shalt  }
0x7d: {  	_ =	shalt  }
0x7e: {  	_ =	shalt  }
0x7f: {  	_ =	shalt  }
0x80: {  	_ =	shalt  }
0x81: {  	_ =	shalt  }
0x82: {  	_ =	shalt  }
0x83: {  	_ =	shalt  }
0x84: {  	_ =	shalt  }
0x85: {  	_ =	shalt  }
0x86: {  	_ =	shalt  }
0x87: {  	_ =	shalt  }
.Lfunc_end0:
.L_simem_size_0:
called_computation_lowered:
.L_overlay_start_0:
0x88: {  	s2 =	sld [smem:$0x3FD9]  }
0x89: {  	s3 =	sld [smem:$0x3FFE];
	_ =	sdelay $0x1  }
0x8a: {  	s1 =	srdreg.scid  }
0x8b: {  	s0 =	sand.u32 $0x1, s1  }
0x8c: {  	s16 =	sshll.u32 s0, $0xA;
	s2 =	sadd.s32 s3, s2  }
0x8d: {  	s2 =	sadd.s32 s2, s16  }
0x8e: {  	[smem:$0x3FBE] =	sst s2  }
0x8f: {  	_ = 	snop  }
0x90: {  	(tm) =	ssettm $0x1  }
0x91: {  	s17 =	sld [smem:$0x3FFB];
	_ =	sdelay $0x3  }
0x92: {  	_ =	strace s17  }
0x93: {  	s2 =	sld [smem:$0x3FFC];
	_ =	sdelay $0x3  }
0x94: {  	_ =	strace s2  }
0x95: {  	s2 =	sld [smem:$0x3FFD];
	_ =	sdelay $0x3  }
0x96: {  	_ =	strace s2  }
0x97: {  	_ =	strace $0x8FFFFFFF  }
0x98: {  	s18 =	sld [smem:$0x3FDB];
	_ =	sdelay $0x1  }
0x99: {  	s19 =	simm.s32 $_scs_section_size  }
0x9a: {  	s4 =	simm.s32 $_size__tile_overlayer_lowered;
	s5 =	simm.s32 $_tile_overlayer_lowered  }
0x9b: {  	s22 =	simm.s32 $0x1BFF;
	s21 =	sshll.u32 s5, $0x1;
	s2 =	sadd.s32 s19, s18  }
0x9c: {  	s6 =	simm.s32 $0x0;
	s20 =	sshll.u32 s4, $0x1;
	s4 =	sadd.s32 s21, s2  }
0x9d: {  	[timem:s6], [sflag:s22] =	dma.local [hbm:s4], s20  }
0x9e: {  	_ =	swait.ge [sflag:s22], s20  }
0x9f: {  	s3 =	ssub.s32 $0x0, s20;
	[sflag:s22] =	ssyncset.done $0x0  }
0xa0: {  	[sflag:s22] =	ssyncadd.s32 s3;
	_ =	sdelay $0x1  }
0xa1: {  	s23 =	simm.s32 $0x1B8B  }
0xa2: {  	_ =	swait.ge [sflag:s23], $0x1  }
0xa3: {  	[sflag:s23] =	ssyncset.done $0x0  }
0xa4: {  	s25 =	simm.s32 $0x1B8E;
	s24 =	sld [smem:$0x3FFE];
	[sflag:s23] =	ssyncadd.s32 $0xFFFFFFFF  }
0xa5: {  	s26 =	simm.s32 $execute0_lowered;
	[smem:$0x3FD2] =	sst s25  }
0xa6: {  	s4 =	sshll.u32 s26, $0x1;
	_ =	strace $0x80000046;
	[dreg:$0x1] =	wrdreg $0xFFFFFFFF  }
0xa7: {  	s28 =	simm.s32 $_size_execute0_lowered;
	s2 =	sadd.s32 s2, s4;
	[dreg:$0x0] =	wrdreg $0x0  }
0xa8: {  	s4 =	sshll.u32 s28, $0x1;
	[dreg:$0x2] =	wrdreg s2  }
0xa9: {  	[dreg:$0x3] =	wrdreg s4  }
0xaa: {  	[dreg:$0x4] =	wrdreg $0xC0  }
0xab: {  	_ =	task [dreg:s6], $0x5FFFF  }
0xac: {  	[dreg:$0x1] =	wrdreg $0xFFFFFFFF  }
0xad: {  	[dreg:$0x0] =	wrdreg $0x60  }
0xae: {  	[dreg:$0x2] =	wrdreg s24  }
0xaf: {  	[dreg:$0x3] =	wrdreg $0x9  }
0xb0: {  	_ =	task.clear_ibuf [dreg:s6], $0x4FFFF;
	_ =	strace $0x90000046  }
0xb1: {  	s29 =	simm.s32 $0x9;
	_ =	strace $0x80000048  }
0xb2: {  	_ =	swait.ge [sflag:s29], $0x1  }
0xb3: {  	[sflag:s29] =	ssyncadd.s32 $0xFFFFFFFF  }
0xb4: {  	_ =	strace $0x90000048  }
0xb5: {  	_ =	sfence  }
0xb6: {  	s30 =	sld [smem:$0x0];
	_ =	sdelay $0x2  }
0xb7: {  	s31 =	sshll.u32 s1, $0xD;
	s1 =	sshrl.u32 s1, $0x2  }
0xb8: {  	s3 =	sand.u32 $0x4000, s31;
	s1 =	sadd.s32 s1, s30  }
0xb9: {  	s0 =	sor.u32 s3, s0;
	s1 =	sshll.u32 s1, $0x11  }
0xba: {  	s0 =	sor.u32 s1, s0  }
0xbb: {  	s0 =	sadd.s32 $0x8F2B, s0  }
0xbc: {  	[sflag:s0] =	ssyncadd.remote.s32 $0x1  }
0xbd: {  	_ =	sfence.sel $0xFFFF  }
0xbe: {  	[dreg:$0x0] =	wrdreg $0xFFFFFFFF;
	(pc) =	sbr.abs _section_cstart, $3  }
0xbf: {  	[dreg:$0x1] =	wrdreg $0xFFFFFFFF  }
0xc0: {  	_ =	task.clear_ibuf [dreg:s6], $0x2FFFF;
	_ =	strace $0x9FFFFFFF  }
0xc1: {  	(tm) =	ssettm $0x7FFFFFFF  }
tec
execute0_lowered:
.L_overlay_start_1:
0x0: {  	(tag) =	ssettag $0x1  }
0x1: {  	s0 =	srdreg.scid  }
0x2: {  	s4 =	rddreg [dreg:$0x0];
	s3 =	sand.u32 $0x1, s0  }
0x3: {  	s1 =	stileid.u32;
	s7 =	simm.s32 $0x2800;
	s2 =	sshll.u32 s3, $0x4  }
0x4: {  	s0 =	rddreg [dreg:$0x1];
	s3 =	ssub.s32 $0x2, s3;
	s5 =	sor.u32 s1, s2  }
0x5: {  	s2 =	simm.s32 $0x0;
	s6 =	sshrl.u32 s3, $0x1;
	s5 =	smul.u32 $0x500, s5  }
0x6: {  	s8 =	simm.s32 $0x0;
	[smem:$0x7FF] =	sst s2;
	s31 =	ssub.s32 s3, s6  }
0x7: {  	s6 =	simm.s32 $0x1;
	_ =	strace $0x80000047;
	s4 =	sadd.s32 s5, s4  }
0x8: {  	v0 =	vimm.f32 $0.0e+00;
	v1 =	vimm.f32 $1.000000000e+00;
	s5 =	smax.u32 s31, $0x1;
	s3 =	sadd.s32 $0x1C00, s4;
	s4 =	sadd.s32 $0xBC00, s4  }
.LBB2_1:
0x9: {  	[tilespmem:s2], [sflag:$0x1] =	stream.linear.gather [hbm4b:s3+s2], $0x2800, $0x38;
	[tilespmem:$0x5010] =	vst v63  }
0xa: {  	_ =	swait.ge [sflag:s6], $0x2800  }
0xb: {  	[sflag:s6] =	ssyncset.done $0x0  }
0xc: {  	s9 =	simm.s32 $0x0;
	[sflag:s6] =	ssyncadd.s32 $0xFFFFD800  }
.LBB2_2:
0xd: {  	p0 =	sne.s32 s9, $0xA000  }
.Ltmp0:
0xe: {  	_ = 	snop;
	(pc) =	sbr.rel @p0 .LBB2_2-.Ltmp0, $3  }
0xf: {  	_ =	sdelay $0x1  }
0x10: {  	s10 =	sshra.s32 s9, $0x2  }
0x11: {  	s9 =	sadd.s32 $0x40, s9;
	[tilespmem:s10+$0x2800] =	vst v0  }
0x12: {  	s9 =	simm.s32 $0x0  }
.LBB2_4:
0x13: {  	s10 =	sshra.s32 s9, $0x2  }
0x14: {  	v2 =	vld [tilespmem:s10+$0x0];
	_ =	sdelay $0x7  }
0x15: {  	[tilespmem:v2+s7+$0x0] =	vst.idx.add.f32.msk $0xffff, v1  }
0x16: {  	v2 =	vld [tilespmem:s10+$0x10];
	_ =	sdelay $0x7  }
0x17: {  	[tilespmem:v2+s7+$0x0] =	vst.idx.add.f32.msk $0xffff, v1  }
0x18: {  	v2 =	vld [tilespmem:s10+$0x20];
	_ =	sdelay $0x7  }
0x19: {  	[tilespmem:v2+s7+$0x0] =	vst.idx.add.f32.msk $0xffff, v1  }
0x1a: {  	v2 =	vld [tilespmem:s10+$0x30];
	_ =	sdelay $0x7  }
0x1b: {  	[tilespmem:v2+s7+$0x0] =	vst.idx.add.f32.msk $0xffff, v1  }
0x1c: {  	v2 =	vld [tilespmem:s10+$0x40];
	_ =	sdelay $0x7  }
0x1d: {  	[tilespmem:v2+s7+$0x0] =	vst.idx.add.f32.msk $0xffff, v1  }
0x1e: {  	v2 =	vld [tilespmem:s10+$0x50];
	_ =	sdelay $0x7  }
0x1f: {  	[tilespmem:v2+s7+$0x0] =	vst.idx.add.f32.msk $0xffff, v1  }
0x20: {  	v2 =	vld [tilespmem:s10+$0x60];
	_ =	sdelay $0x7  }
0x21: {  	[tilespmem:v2+s7+$0x0] =	vst.idx.add.f32.msk $0xffff, v1  }
0x22: {  	v2 =	vld [tilespmem:s10+$0x70];
	_ =	sdelay $0x2  }
0x23: {  	p0 =	sne.s32 s9, $0x9E00  }
.Ltmp1:
0x24: {  	_ = 	snop;
	(pc) =	sbr.rel @p0 .LBB2_4-.Ltmp1, $2  }
0x25: {  	_ =	sdelay $0x2  }
0x26: {  	s9 =	sadd.s32 $0x200, s9;
	[tilespmem:v2+s7+$0x0] =	vst.idx.add.f32.msk $0xffff, v1  }
0x27: {  	s8 =	sadd.s32 $0x1, s8  }
0x28: {  	p0 =	sne.s32 s8, s5  }
.Ltmp2:
0x29: {  	_ = 	snop;
	(pc) =	sbr.rel @p0 .LBB2_1-.Ltmp2, $4  }
0x2a: {  	[hbm4b:s4+s2] =	stream.linear.scatter [tilespmem:s7], [sflag:$0x1], $0x2800, $0x38;
	[tilespmem:$0x5010] =	vst v63  }
0x2b: {  	_ =	swait.ge [sflag:s6], $0x2800  }
0x2c: {  	[sflag:s6] =	ssyncset.done $0x0  }
0x2d: {  	[sflag:s6] =	ssyncadd.s32 $0xFFFFD800  }
0x2e: {  	_ =	sfence.sel $0x180000  }
0x2f: {  	[bflag:$0x0] =	sbarrier.arrive $0xFFFF  }
0x30: {  	p0 =	sne.s32 s1, $0x0;
	_ =	strace $0x90000047  }
0x31: {  	s0 =	sadd.s32 @!p0 $0x100000, s0;
	[bflag:$0x2] =	sbarrier.arrive $0xFFFF  }
0x32: {  	[sflag:s0] =	ssyncadd.tile.s32 @!p0 $0x1;
	_ =	shalt  }
.Lfunc_end2:
_tile_overlayer_lowered:
.L_overlay_start_2:
0x33: {  	(tag) =	ssettag $0x2  }
0x34: {  	s0 =	rddreg [dreg:$0x0];
	s2 =	stileid.u32  }
0x35: {  	s1 =	rddreg [dreg:$0x1];
	p0 =	sne.s32 s2, $0x0  }
0x36: {  	s3 =	rddreg [dreg:$0x2];
	[bflag:$0x3] =	sbarrier.arrive $0xFFFF;
	s2 =	simm.s32 @!p0 $0x1C01  }
0x37: {  	[timem:s3], [sflag:s2] =	dma.local @!p0 [hbm:s0], s1  }
0x38: {  	s0 =	simm.s32 @!p0 $0x1  }
0x39: {  	_ =	swait.ge @!p0 [sflag:s0], s1  }
0x3a: {  	s1 =	ssub.s32 @!p0 $0x0, s1;
	[sflag:s0] =	ssyncset.done @!p0 $0x0  }
0x3b: {  	[sflag:s0] =	ssyncadd.s32 @!p0 s1  }
0x3c: {  	[bflag:$0x3] =	sbarrier.arrive $0xFFFF  }
0x3d: {  	_ =	shalt  }

// kernel: kernel.13.cloned.1.call-start
scs
__scs_entry_jumppad:
0x0: {  	(pc) =	sbr.rel $0x88, $3  }
0x1: {  	(tag) =	ssettag $0x0;
	lr =	simm.s32 $0x1  }
0x2: {  	[smem:$0x3F97] =	sst lr;
	_ =	strace $0xD0000000  }
0x3: {  	_ = 	snop  }
0x4: {  	_ = 	snop  }
0x5: {  	_ = 	snop  }
0x6: {  	_ = 	snop  }
0x7: {  	_ = 	snop  }
__scs_overlays_trampoline_lowered:
0x8: {  	[smem:$0x3FA6] =	sst s0  }
0x9: {  	[smem:$0x3FA7] =	sst s1  }
0xa: {  	[smem:$0x3FA8] =	sst s2  }
0xb: {  	[smem:$0x3FA9] =	sst s3  }
0xc: {  	[smem:$0x3FAA] =	sst s4  }
0xd: {  	[smem:$0x3FAB] =	sst s5  }
0xe: {  	[smem:$0x3FAC] =	sst s6  }
0xf: {  	[smem:$0x3FAD] =	sst s7  }
0x10: {  	[smem:$0x3FAE] =	sst s8  }
0x11: {  	[smem:$0x3FAF] =	sst s9;
	s0 =	simm.s32 @!p0 $0x0  }
0x12: {  	s1 =	sld [smem:$0x3F95];
	s0 =	simm.s32 @p0 $0x1  }
0x13: {  	[smem:$0x3FB0] =	sst s0;
	s0 =	simm.s32 @!p1 $0x0  }
0x14: {  	s2 =	sld [smem:$0x3F94];
	s0 =	simm.s32 @p1 $0x1  }
0x15: {  	[smem:$0x3FB1] =	sst s0;
	s0 =	simm.s32 @!p2 $0x0  }
0x16: {  	s3 =	sld [smem:$0x3FDB];
	s0 =	simm.s32 @p2 $0x1  }
0x17: {  	s4 =	simm.s32 $0x1BF5;
	[smem:$0x3FB3] =	sst s0  }
0x18: {  	s0 =	sld [smem:$0x3F96];
	_ =	swait.ge [sflag:s4], $0x0  }
0x19: {  	s7 =	sld [smem:$0x3F97]  }
0x1a: {  	s8 =	sadd.s32 $0xFFFFE003, lr  }
0x1b: {  	s9 =	sadd.s32 $0xFFFFFEF7, lr;
	s5 =	simm.s32 $0xFFFFFFFF;
	p2 =	slt.u32 s8, $0xFFFFF086  }
0x1c: {  	p1 =	slt.u32 s9, $0xF7A;
	s5 =	simm.s32 @!p2 $0x0  }
0x1d: {  	s5 =	simm.s32 @p1 $0x1;
	p0 =	seq.s32 s7, s2  }
0x1e: {  	s7 =	smul.u32 @!p0 $0xF7A, s2;
	p2 =	seq.s32 @!p0 s5, $0x0  }
0x1f: {  	s9 =	smul.u32 $0xF7A, s1;
	s8 =	simm.s32 @!p0 $0x1BF5;
	p2 =	por !p2, p0  }
0x20: {  	[sflag:s8] =	ssyncset.s32 @!p0 $0xFFFFF086;
	s6 =	sadd.s32 @!p0 s3, s7;
	s7 =	simm.s32 @!p0 $0x108  }
0x21: {  	s3 =	sadd.s32 s3, s9;
	s6 =	sadd.s32 @!p0 $0x88, s6;
	s7 =	simm.s32 @p2 $0x1082  }
0x22: {  	[simem:s7], [sflag:s8] =	dma.local @!p0 [hbm:s6], $0xF7A  }
0x23: {  	s9 =	sor.u32 $0xD0000000, s2;
	s6 =	simm.s32 $0x108;
	_ =	swait.ge @!p0 [sflag:s8], $0x0  }
0x24: {  	s3 =	sadd.s32 $0x88, s3;
	s6 =	simm.s32 @!p1 $0x1082;
	[sflag:s4] =	ssyncset.s32 $0xFFFFF086  }
0x25: {  	[simem:s6], [sflag:s4] =	dma.local [hbm:s3], $0xF7A  }
0x26: {  	[smem:$0x3F97] =	sst s1;
	(tag) =	ssettag s2;
	_ =	strace s9  }
0x27: {  	s1 =	sld [smem:$0x3FA7]  }
0x28: {  	s2 =	sld [smem:$0x3FA8]  }
0x29: {  	s4 =	sld [smem:$0x3FAA]  }
0x2a: {  	p0 =	seq.s32 s5, $0x0;
	s5 =	sld [smem:$0x3FAB]  }
0x2b: {  	s6 =	sld [smem:$0x3FAC]  }
0x2c: {  	s7 =	sld [smem:$0x3FAD]  }
0x2d: {  	s3 =	simm.s32 $0x108;
	s8 =	sld [smem:$0x3FAE]  }
0x2e: {  	s3 =	simm.s32 @!p0 $0x1082;
	s9 =	sld [smem:$0x3FAF]  }
0x2f: {  	lr =	sadd.s32 s0, s3;
	s0 =	sld [smem:$0x3FA6]  }
0x30: {  	s3 =	sld [smem:$0x3FA9]  }
0x31: {  	[smem:$0x3FB2] =	sst s10  }
0x32: {  	s10 =	sld [smem:$0x3FB0];
	_ =	sdelay $0x3  }
0x33: {  	p0 =	seq.s32 s10, $0x1;
	s10 =	sld [smem:$0x3FB2];
	_ =	sdelay $0x3  }
0x34: {  	[smem:$0x3FB2] =	sst s10  }
0x35: {  	s10 =	sld [smem:$0x3FB1];
	_ =	sdelay $0x3  }
0x36: {  	p1 =	seq.s32 s10, $0x1;
	s10 =	sld [smem:$0x3FB2];
	_ =	sdelay $0x3  }
0x37: {  	[smem:$0x3FB2] =	sst s10  }
0x38: {  	s10 =	sld [smem:$0x3FB3]  }
0x39: {  	_ = 	snop;
	(pc) =	sbr.ind lr, $3  }
0x3a: {  	_ = 	snop  }
0x3b: {  	_ = 	snop  }
0x3c: {  	p2 =	seq.s32 s10, $0x1;
	s10 =	sld [smem:$0x3FB2]  }
0x3d: {  	_ =	shalt  }
0x3e: {  	_ =	shalt  }
0x3f: {  	_ =	shalt  }
0x40: {  	_ =	shalt  }
0x41: {  	_ =	shalt  }
0x42: {  	_ =	shalt  }
0x43: {  	_ =	shalt  }
0x44: {  	_ =	shalt  }
0x45: {  	_ =	shalt  }
0x46: {  	_ =	shalt  }
0x47: {  	_ =	shalt  }
0x48: {  	_ =	shalt  }
0x49: {  	_ =	shalt  }
0x4a: {  	_ =	shalt  }
0x4b: {  	_ =	shalt  }
0x4c: {  	_ =	shalt  }
0x4d: {  	_ =	shalt  }
0x4e: {  	_ =	shalt  }
0x4f: {  	_ =	shalt  }
0x50: {  	_ =	shalt  }
0x51: {  	_ =	shalt  }
0x52: {  	_ =	shalt  }
0x53: {  	_ =	shalt  }
0x54: {  	_ =	shalt  }
0x55: {  	_ =	shalt  }
0x56: {  	_ =	shalt  }
0x57: {  	_ =	shalt  }
0x58: {  	_ =	shalt  }
0x59: {  	_ =	shalt  }
0x5a: {  	_ =	shalt  }
0x5b: {  	_ =	shalt  }
0x5c: {  	_ =	shalt  }
0x5d: {  	_ =	shalt  }
0x5e: {  	_ =	shalt  }
0x5f: {  	_ =	shalt  }
0x60: {  	_ =	shalt  }
0x61: {  	_ =	shalt  }
0x62: {  	_ =	shalt  }
0x63: {  	_ =	shalt  }
0x64: {  	_ =	shalt  }
0x65: {  	_ =	shalt  }
0x66: {  	_ =	shalt  }
0x67: {  	_ =	shalt  }
0x68: {  	_ =	shalt  }
0x69: {  	_ =	shalt  }
0x6a: {  	_ =	shalt  }
0x6b: {  	_ =	shalt  }
0x6c: {  	_ =	shalt  }
0x6d: {  	_ =	shalt  }
0x6e: {  	_ =	shalt  }
0x6f: {  	_ =	shalt  }
0x70: {  	_ =	shalt  }
0x71: {  	_ =	shalt  }
0x72: {  	_ =	shalt  }
0x73: {  	_ =	shalt  }
0x74: {  	_ =	shalt  }
0x75: {  	_ =	shalt  }
0x76: {  	_ =	shalt  }
0x77: {  	_ =	shalt  }
0x78: {  	_ =	shalt  }
0x79: {  	_ =	shalt  }
0x7a: {  	_ =	shalt  }
0x7b: {  	_ =	shalt  }
0x7c: {  	_ =	shalt  }
0x7d: {  	_ =	shalt  }
0x7e: {  	_ =	shalt  }
0x7f: {  	_ =	shalt  }
0x80: {  	_ =	shalt  }
0x81: {  	_ =	shalt  }
0x82: {  	_ =	shalt  }
0x83: {  	_ =	shalt  }
0x84: {  	_ =	shalt  }
0x85: {  	_ =	shalt  }
0x86: {  	_ =	shalt  }
0x87: {  	_ =	shalt  }
.Lfunc_end0:
.L_simem_size_0:
called_computation.1_lowered:
.L_overlay_start_0:
0x88: {  	s2 =	sld [smem:$0x3FD9]  }
0x89: {  	s3 =	sld [smem:$0x3FFE];
	_ =	sdelay $0x1  }
0x8a: {  	s1 =	srdreg.scid  }
0x8b: {  	s0 =	sand.u32 $0x1, s1  }
0x8c: {  	s16 =	sshll.u32 s0, $0xA;
	s2 =	sadd.s32 s3, s2  }
0x8d: {  	s2 =	sadd.s32 s2, s16  }
0x8e: {  	[smem:$0x3FBE] =	sst s2  }
0x8f: {  	_ = 	snop  }
0x90: {  	(tm) =	ssettm $0x1  }
0x91: {  	s17 =	sld [smem:$0x3FFB];
	_ =	sdelay $0x3  }
0x92: {  	_ =	strace s17  }
0x93: {  	s2 =	sld [smem:$0x3FFC];
	_ =	sdelay $0x3  }
0x94: {  	_ =	strace s2  }
0x95: {  	s2 =	sld [smem:$0x3FFD];
	_ =	sdelay $0x3  }
0x96: {  	_ =	strace s2  }
0x97: {  	_ =	strace $0x8FFFFFFF  }
0x98: {  	s18 =	sld [smem:$0x3FDB];
	_ =	sdelay $0x1  }
0x99: {  	s19 =	simm.s32 $_scs_section_size  }
0x9a: {  	s4 =	simm.s32 $_size__tile_overlayer_lowered;
	s5 =	simm.s32 $_tile_overlayer_lowered  }
0x9b: {  	s22 =	simm.s32 $0x1BFF;
	s21 =	sshll.u32 s5, $0x1;
	s2 =	sadd.s32 s19, s18  }
0x9c: {  	s6 =	simm.s32 $0x0;
	s20 =	sshll.u32 s4, $0x1;
	s4 =	sadd.s32 s21, s2  }
0x9d: {  	[timem:s6], [sflag:s22] =	dma.local [hbm:s4], s20  }
0x9e: {  	_ =	swait.ge [sflag:s22], s20  }
0x9f: {  	s3 =	ssub.s32 $0x0, s20;
	[sflag:s22] =	ssyncset.done $0x0  }
0xa0: {  	[sflag:s22] =	ssyncadd.s32 s3;
	_ =	sdelay $0x1  }
0xa1: {  	s23 =	simm.s32 $0x1B8B  }
0xa2: {  	_ =	swait.ge [sflag:s23], $0x1  }
0xa3: {  	[sflag:s23] =	ssyncset.done $0x0  }
0xa4: {  	s25 =	simm.s32 $0x1B8E;
	s24 =	sld [smem:$0x3FFE];
	[sflag:s23] =	ssyncadd.s32 $0xFFFFFFFF  }
0xa5: {  	s26 =	simm.s32 $execute0_lowered;
	[smem:$0x3FD2] =	sst s25  }
0xa6: {  	s4 =	sshll.u32 s26, $0x1;
	_ =	strace $0x80000049;
	[dreg:$0x1] =	wrdreg $0xFFFFFFFF  }
0xa7: {  	s28 =	simm.s32 $_size_execute0_lowered;
	s2 =	sadd.s32 s2, s4;
	[dreg:$0x0] =	wrdreg $0x0  }
0xa8: {  	s4 =	sshll.u32 s28, $0x1;
	[dreg:$0x2] =	wrdreg s2  }
0xa9: {  	[dreg:$0x3] =	wrdreg s4  }
0xaa: {  	[dreg:$0x4] =	wrdreg $0xC0  }
0xab: {  	_ =	task [dreg:s6], $0x5FFFF  }
0xac: {  	[dreg:$0x1] =	wrdreg $0xFFFFFFFF  }
0xad: {  	[dreg:$0x0] =	wrdreg $0x60  }
0xae: {  	[dreg:$0x2] =	wrdreg s24  }
0xaf: {  	[dreg:$0x3] =	wrdreg $0x150000  }
0xb0: {  	[dreg:$0x4] =	wrdreg $0x9  }
0xb1: {  	_ =	task.clear_ibuf [dreg:s6], $0x5FFFF;
	_ =	strace $0x90000049  }
0xb2: {  	s29 =	simm.s32 $0x9;
	_ =	strace $0x8000004B  }
0xb3: {  	_ =	swait.ge [sflag:s29], $0x1  }
0xb4: {  	[sflag:s29] =	ssyncadd.s32 $0xFFFFFFFF  }
0xb5: {  	_ =	strace $0x9000004B  }
0xb6: {  	_ =	sfence  }
0xb7: {  	s30 =	sld [smem:$0x0];
	_ =	sdelay $0x2  }
0xb8: {  	s31 =	sshll.u32 s1, $0xD;
	s1 =	sshrl.u32 s1, $0x2  }
0xb9: {  	s3 =	sand.u32 $0x4000, s31;
	s1 =	sadd.s32 s1, s30  }
0xba: {  	s0 =	sor.u32 s3, s0;
	s1 =	sshll.u32 s1, $0x11  }
0xbb: {  	s0 =	sor.u32 s1, s0  }
0xbc: {  	s0 =	sadd.s32 $0x8F2B, s0  }
0xbd: {  	[sflag:s0] =	ssyncadd.remote.s32 $0x1  }
0xbe: {  	_ =	sfence.sel $0xFFFF  }
0xbf: {  	[dreg:$0x0] =	wrdreg $0xFFFFFFFF;
	(pc) =	sbr.abs _section_cstart, $3  }
0xc0: {  	[dreg:$0x1] =	wrdreg $0xFFFFFFFF  }
0xc1: {  	_ =	task.clear_ibuf [dreg:s6], $0x2FFFF;
	_ =	strace $0x9FFFFFFF  }
0xc2: {  	(tm) =	ssettm $0x7FFFFFFF  }
0xc3: {  	_ =	shalt  }
tec
execute0_lowered:
.L_overlay_start_1:
0x0: {  	(tag) =	ssettag $0x1  }
0x1: {  	s0 =	rddreg [dreg:$0x0]  }
0x2: {  	s1 =	rddreg [dreg:$0x1];
	s2 =	simm.s32 $0x0  }
0x3: {  	s4 =	srdreg.scid;
	s25 =	stileid.u32;
	s21 =	simm.s32 $0x13000  }
0x4: {  	s23 =	simm.s32 $0xF000;
	s24 =	simm.s32 $0x11000;
	s5 =	smul.u32 $0xA00, s25  }
0x5: {  	s28 =	simm.s32 $0x0;
	[smem:$0x7FF] =	sst s2;
	s9 =	smul.u32 $0x29000, s25  }
0x6: {  	s6 =	sand.u32 $0x1, s4;
	s4 =	sadd.s32 $0x15FC00, s0;
	s15 =	smul.u32 $0x280, s25  }
0x7: {  	s13 =	smul.u32 $0x28000, s25;
	_ =	strace $0x8000004A;
	s7 =	ssub.s32 $0x2, s6  }
0x8: {  	s20 =	smul.u32 $0x2800, s6;
	s8 =	sshrl.u32 s7, $0x1;
	s10 =	sadd.s32 s5, s0  }
0x9: {  	s0 =	sadd.s32 $0x1FFC00, s0;
	s26 =	sshrl.u32 s9, $0x2;
	s16 =	sshrl.u32 s13, $0x2  }
0xa: {  	s18 =	ssub.s32 s7, s8;
	s5 =	sadd.s32 $0x15C00, s10;
	s6 =	sadd.s32 $0x1C00, s10  }
0xb: {  	s7 =	sadd.s32 s26, s1;
	s14 =	sadd.s32 s15, s20;
	s22 =	sadd.s32 $0x5000, s20  }
0xc: {  	s25 =	sadd.s32 $0xA000, s20;
	s26 =	sadd.s32 $0xF000, s20;
	s8 =	sadd.s32 $0x2000, s7  }
0xd: {  	s9 =	sadd.s32 $0x4000, s7;
	s10 =	sadd.s32 $0x6000, s7;
	s11 =	sadd.s32 $0x8000, s7  }
0xe: {  	s12 =	sadd.s32 $0xA000, s7;
	s14 =	sshll.u32 s14, $0x3;
	s29 =	sadd.s32 s15, s22  }
0xf: {  	s17 =	sadd.s32 s15, s25;
	s19 =	sadd.s32 s15, s26;
	s18 =	smax.u32 s18, $0x1  }
0x10: {  	v1 =	vmov s22;
	s22 =	simm.s32 $0x80;
	v2 =	vmov s25;
	v3 =	vmov s26;
	s25 =	simm.s32 $0x1;
	s26 =	simm.s32 $0x2  }
0x11: {  	s13 =	sadd.s32 s0, s14;
	s14 =	sadd.s32 s16, s1;
	s16 =	sshll.u32 s29, $0x3  }
0x12: {  	s30 =	sshll.u32 s17, $0x3;
	s31 =	sshll.u32 s19, $0x3;
	s19 =	simm.s32 $0x3  }
0x13: {  	v4 =	vimm.f32 $0.0e+00;
	v0 =	vmov s20;
	s15 =	sadd.s32 s0, s16;
	s16 =	sadd.s32 s0, s30;
	s17 =	sadd.s32 s0, s31  }
.LBB2_1:
0x14: {  	s0 =	simm.s32 $0x0  }
0x15: {  	[tilespmem:s0], [sflag:$0x3] =	stream.linear.gather [hbm4b:s5+s0], $0x5000, $0x38;
	[tilespmem:$0x1F400] =	vst v63  }
0x16: {  	_ =	swait.ge [sflag:s19], $0x5000  }
0x17: {  	[sflag:s19] =	ssyncset.done $0x0  }
0x18: {  	s2 =	simm.s32 $0x5000;
	[sflag:s19] =	ssyncadd.s32 $0xFFFFB000  }
0x19: {  	[tilespmem:s2], [sflag:$0x3] =	stream.linear.gather [hbm4b:s6+s0], $0x5000, $0x38;
	[tilespmem:$0x1F400] =	vst v63  }
0x1a: {  	_ =	swait.ge [sflag:s19], $0x5000  }
0x1b: {  	[sflag:s19] =	ssyncset.done $0x0  }
0x1c: {  	s20 =	simm.s32 $0x100;
	s0 =	simm.s32 $0x0;
	[sflag:s19] =	ssyncadd.s32 $0xFFFFB000  }
.LBB2_2:
0x1d: {  	p0 =	sne.s32 s20, $0x7F00;
	[tilespmem:s0+$0x13030] =	vst v4;
	s29 =	smov.u32 s20;
	s20 =	sadd.s32 $0x100, s20  }
.Ltmp0:
0x1e: {  	[tilespmem:s0+$0x13020] =	vst v4;
	(pc) =	sbr.rel @p0 .LBB2_2-.Ltmp0, $3  }
0x1f: {  	[tilespmem:s0+$0x13000] =	vst v4  }
0x20: {  	[tilespmem:s0+$0x13010] =	vst v4;
	_ =	sdelay $0x1  }
0x21: {  	s0 =	sshra.s32 s29, $0x2  }
0x22: {  	[tilespmem:s0+$0x13030] =	vst v4  }
0x23: {  	[tilespmem:s0+$0x13020] =	vst v4  }
0x24: {  	[tilespmem:s0+$0x13000] =	vst v4  }
0x25: {  	[tilespmem:s0+$0x13010] =	vst v4  }
0x26: {  	[spmem:s7] =	stream.linear.scatter [tilespmem:s21], [sflag:$0x3], $0x2000, $0x38;
	[tilespmem:$0x1F400] =	vst v63  }
0x27: {  	_ =	swait.ge [sflag:s19], $0x2000  }
0x28: {  	[sflag:s19] =	ssyncset.done $0x0  }
0x29: {  	[sflag:s19] =	ssyncadd.s32 $0xFFFFE000  }
0x2a: {  	[spmem:s8] =	stream.linear.scatter [tilespmem:s21], [sflag:$0x3], $0x2000, $0x38;
	[tilespmem:$0x1F400] =	vst v63  }
0x2b: {  	_ =	swait.ge [sflag:s19], $0x2000  }
0x2c: {  	[sflag:s19] =	ssyncset.done $0x0  }
0x2d: {  	[sflag:s19] =	ssyncadd.s32 $0xFFFFE000  }
0x2e: {  	[spmem:s9] =	stream.linear.scatter [tilespmem:s21], [sflag:$0x3], $0x2000, $0x38;
	[tilespmem:$0x1F400] =	vst v63  }
0x2f: {  	_ =	swait.ge [sflag:s19], $0x2000  }
0x30: {  	[sflag:s19] =	ssyncset.done $0x0  }
0x31: {  	[sflag:s19] =	ssyncadd.s32 $0xFFFFE000  }
0x32: {  	[spmem:s10] =	stream.linear.scatter [tilespmem:s21], [sflag:$0x3], $0x2000, $0x38;
	[tilespmem:$0x1F400] =	vst v63  }
0x33: {  	_ =	swait.ge [sflag:s19], $0x2000  }
0x34: {  	[sflag:s19] =	ssyncset.done $0x0  }
0x35: {  	[sflag:s19] =	ssyncadd.s32 $0xFFFFE000  }
0x36: {  	[spmem:s11] =	stream.linear.scatter [tilespmem:s21], [sflag:$0x3], $0x2000, $0x38;
	[tilespmem:$0x1F400] =	vst v63  }
0x37: {  	_ =	swait.ge [sflag:s19], $0x2000  }
0x38: {  	[sflag:s19] =	ssyncset.done $0x0  }
0x39: {  	[sflag:s19] =	ssyncadd.s32 $0xFFFFE000  }
0x3a: {  	[spmem:s12] =	stream.linear.scatter [tilespmem:s21], [sflag:$0x3], $0x400, $0x38;
	[tilespmem:$0x1F400] =	vst v63  }
0x3b: {  	_ =	swait.ge [sflag:s19], $0x400  }
0x3c: {  	[sflag:s19] =	ssyncset.done $0x0  }
0x3d: {  	s30 =	simm.s32 $0x0;
	[sflag:s19] =	ssyncadd.s32 $0xFFFFFC00  }
0x3e: {  	v6 =	vld [tilespmem:s30+$0x70]  }
0x3f: {  	v9 =	vld [tilespmem:s30+$0x0]  }
0x40: {  	v10 =	vld [tilespmem:s30+$0x10]  }
0x41: {  	v8 =	vld [tilespmem:s30+$0x20]  }
0x42: {  	v7 =	vld [tilespmem:s30+$0x30]  }
0x43: {  	v5 =	vld [tilespmem:s30+$0x40];
	v11 =	vadd.s32 v0, v6  }
0x44: {  	v6 =	vld [tilespmem:s30+$0x50];
	v9 =	vadd.s32 v0, v9;
	[tilespmem:s30+$0xA070] =	vst v11  }
0x45: {  	s29 =	simm.s32 $0x80;
	s0 =	simm.s32 $0x400;
	v10 =	vadd.s32 v0, v10;
	[tilespmem:s30+$0xA000] =	vst v9;
	v9 =	vld [tilespmem:s30+$0x60]  }
.LBB2_4:
0x46: {  	p0 =	sne.s32 s0, $0x13E00;
	v11 =	vld [tilespmem:s29+$0x70];
	[tilespmem:s30+$0xA010] =	vst v10;
	v8 =	vadd.s32 v0, v8  }
0x47: {  	v10 =	vld [tilespmem:s29+$0x0];
	[tilespmem:s30+$0xA020] =	vst v8;
	v7 =	vadd.s32 v0, v7  }
0x48: {  	v12 =	vld [tilespmem:s29+$0x10];
	[tilespmem:s30+$0xA030] =	vst v7;
	v5 =	vadd.s32 v0, v5  }
.Ltmp1:
0x49: {  	v8 =	vld [tilespmem:s29+$0x20];
	[tilespmem:s30+$0xA040] =	vst v5;
	v5 =	vadd.s32 v0, v6;
	(pc) =	sbr.rel @p0 .LBB2_4-.Ltmp1, $4  }
0x4a: {  	v7 =	vld [tilespmem:s29+$0x30];
	[tilespmem:s30+$0xA050] =	vst v5;
	v6 =	vadd.s32 v0, v9  }
0x4b: {  	v5 =	vld [tilespmem:s29+$0x40];
	v9 =	vadd.s32 v0, v11;
	[tilespmem:s30+$0xA060] =	vst v6;
	s30 =	smov.u32 s29  }
0x4c: {  	v10 =	vadd.s32 v0, v10;
	v6 =	vld [tilespmem:s30+$0x50];
	[tilespmem:s30+$0xA070] =	vst v9  }
0x4d: {  	s29 =	sshra.s32 s0, $0x2;
	s0 =	sadd.s32 $0x200, s0;
	[tilespmem:s30+$0xA000] =	vst v10;
	v10 =	vadd.s32 v0, v12;
	v9 =	vld [tilespmem:s30+$0x60]  }
0x4e: {  	v11 =	vld [tilespmem:s29+$0x70];
	[tilespmem:s30+$0xA010] =	vst v10;
	v8 =	vadd.s32 v0, v8  }
0x4f: {  	v10 =	vld [tilespmem:s29+$0x0];
	[tilespmem:s30+$0xA020] =	vst v8;
	v7 =	vadd.s32 v0, v7  }
0x50: {  	v8 =	vld [tilespmem:s29+$0x10];
	[tilespmem:s30+$0xA030] =	vst v7;
	v5 =	vadd.s32 v0, v5  }
0x51: {  	v7 =	vld [tilespmem:s29+$0x20];
	[tilespmem:s30+$0xA040] =	vst v5;
	v5 =	vadd.s32 v0, v6  }
0x52: {  	v6 =	vld [tilespmem:s29+$0x30];
	[tilespmem:s30+$0xA050] =	vst v5;
	v5 =	vadd.s32 v0, v9  }
0x53: {  	v61 =	vld [tilespmem:s29+$0x40];
	[tilespmem:s30+$0xA060] =	vst v5;
	v5 =	vadd.s32 v0, v11  }
0x54: {  	v62 =	vld [tilespmem:s29+$0x50];
	v10 =	vadd.s32 v0, v10;
	[tilespmem:s29+$0xA070] =	vst v5  }
0x55: {  	v63 =	vld [tilespmem:s29+$0x60];
	[tilespmem:s29+$0xA000] =	vst v10;
	v5 =	vadd.s32 v0, v8  }
0x56: {  	[tilespmem:s29+$0xA010] =	vst v5;
	v5 =	vadd.s32 v0, v7  }
0x57: {  	[tilespmem:s29+$0xA020] =	vst v5;
	v5 =	vadd.s32 v0, v6  }
0x58: {  	[tilespmem:s29+$0xA030] =	vst v5;
	v5 =	vadd.s32 v0, v61  }
0x59: {  	[tilespmem:s29+$0xA040] =	vst v5;
	v5 =	vadd.s32 v0, v62  }
0x5a: {  	[tilespmem:s29+$0xA050] =	vst v5;
	v5 =	vadd.s32 v0, v63  }
0x5b: {  	[tilespmem:s29+$0xA060] =	vst v5  }
0x5c: {  	s0 =	simm.s32 $0xA000;
	[bflag:$0x0] =	sbarrier.arrive $0xFFFF  }
0x5d: {  	[tilespmem:s23], [sflag:$0x1] =	stream.indirect.gather [hbm4b:s4+s22], $0x40, s0, s22, $0xb8;
	[tilespmem:$0x1F400] =	vst v63  }
0x5e: {  	s29 =	simm.s32 $0xA080  }
0x5f: {  	[tilespmem:s24], [sflag:$0x2] =	stream.indirect.gather [hbm4b:s4+s22], $0x40, s29, s22, $0xb8;
	[tilespmem:$0x1F400] =	vst v63  }
0x60: {  	_ =	swait.ge [sflag:s25], $0x2000  }
0x61: {  	[sflag:s25] =	ssyncset.done $0x0  }
0x62: {  	s30 =	simm.s32 $0x5000;
	[sflag:s25] =	ssyncadd.s32 $0xFFFFE000  }
0x63: {  	[spmem:s1] =	stream.indirect.scatter.add.f32 [tilespmem:s23], [sflag:$0x3], $0x40, s30, s22, $0xb8;
	[tilespmem:$0x1F400] =	vst v63  }
0x64: {  	_ =	swait.ge [sflag:s19], $0x2000  }
0x65: {  	[sflag:s19] =	ssyncset.done $0x0  }
0x66: {  	[sflag:s19] =	ssyncadd.s32 $0xFFFFE000  }
0x67: {  	_ =	swait.ge [sflag:s26], $0x2000  }
0x68: {  	[sflag:s26] =	ssyncset.done $0x0  }
0x69: {  	s31 =	simm.s32 $0x5080;
	[sflag:s26] =	ssyncadd.s32 $0xFFFFE000  }
0x6a: {  	[spmem:s1] =	stream.indirect.scatter.add.f32 [tilespmem:s24], [sflag:$0x3], $0x40, s31, s22, $0xb8;
	[tilespmem:$0x1F400] =	vst v63  }
0x6b: {  	_ =	swait.ge [sflag:s19], $0x2000  }
0x6c: {  	s20 =	simm.s32 $0x800;
	s0 =	simm.s32 $0x100;
	[sflag:s19] =	ssyncset.done $0x0  }
.LBB2_6:
0x6d: {  	s29 =	sadd.s32 $0xA000, s0  }
0x6e: {  	[sflag:s19] =	ssyncadd.s32 $0xFFFFE000;
	s30 =	smov.u32 s20;
	s31 =	sadd.s32 $0x400, s20  }
0x6f: {  	[tilespmem:s23], [sflag:$0x1] =	stream.indirect.gather [hbm4b:s4+s22], $0x40, s29, s22, $0xb8;
	[tilespmem:$0x1F400] =	vst v63  }
0x70: {  	p0 =	sne.s32 s20, $0x13C00;
	s20 =	sadd.s32 $0xA080, s0  }
0x71: {  	[tilespmem:s24], [sflag:$0x2] =	stream.indirect.gather [hbm4b:s4+s22], $0x40, s20, s22, $0xb8;
	[tilespmem:$0x1F400] =	vst v63  }
0x72: {  	_ =	swait.ge [sflag:s25], $0x2000  }
0x73: {  	[sflag:s25] =	ssyncset.done $0x0  }
0x74: {  	s20 =	sadd.s32 $0x5000, s0;
	[sflag:s25] =	ssyncadd.s32 $0xFFFFE000  }
0x75: {  	[spmem:s1] =	stream.indirect.scatter.add.f32 [tilespmem:s23], [sflag:$0x3], $0x40, s20, s22, $0xb8;
	[tilespmem:$0x1F400] =	vst v63  }
0x76: {  	_ =	swait.ge [sflag:s19], $0x2000  }
0x77: {  	[sflag:s19] =	ssyncset.done $0x0  }
0x78: {  	[sflag:s19] =	ssyncadd.s32 $0xFFFFE000  }
0x79: {  	_ =	swait.ge [sflag:s26], $0x2000  }
.Ltmp2:
0x7a: {  	[sflag:s26] =	ssyncset.done $0x0;
	(pc) =	sbr.rel @p0 .LBB2_6-.Ltmp2, $4  }
0x7b: {  	s0 =	sadd.s32 $0x5080, s0;
	[sflag:s26] =	ssyncadd.s32 $0xFFFFE000  }
0x7c: {  	[spmem:s1] =	stream.indirect.scatter.add.f32 [tilespmem:s24], [sflag:$0x3], $0x40, s0, s22, $0xb8;
	[tilespmem:$0x1F400] =	vst v63  }
0x7d: {  	_ =	swait.ge [sflag:s19], $0x2000  }
0x7e: {  	s20 =	smov.u32 s31;
	s0 =	sshra.s32 s30, $0x2;
	[sflag:s19] =	ssyncset.done $0x0  }
0x7f: {  	s20 =	sadd.s32 $0xA000, s0;
	[sflag:s19] =	ssyncadd.s32 $0xFFFFE000  }
0x80: {  	[tilespmem:s23], [sflag:$0x1] =	stream.indirect.gather [hbm4b:s4+s22], $0x40, s20, s22, $0xb8;
	[tilespmem:$0x1F400] =	vst v63  }
0x81: {  	s3 =	sadd.s32 $0xA080, s0  }
0x82: {  	[tilespmem:s24], [sflag:$0x2] =	stream.indirect.gather [hbm4b:s4+s22], $0x40, s3, s22, $0xb8;
	[tilespmem:$0x1F400] =	vst v63  }
0x83: {  	_ =	swait.ge [sflag:s25], $0x2000  }
0x84: {  	[sflag:s25] =	ssyncset.done $0x0  }
0x85: {  	s2 =	sadd.s32 $0x5000, s0;
	[sflag:s25] =	ssyncadd.s32 $0xFFFFE000  }
0x86: {  	[spmem:s1] =	stream.indirect.scatter.add.f32 [tilespmem:s23], [sflag:$0x3], $0x40, s2, s22, $0xb8;
	[tilespmem:$0x1F400] =	vst v63  }
0x87: {  	_ =	swait.ge [sflag:s19], $0x2000  }
0x88: {  	[sflag:s19] =	ssyncset.done $0x0  }
0x89: {  	[sflag:s19] =	ssyncadd.s32 $0xFFFFE000  }
0x8a: {  	_ =	swait.ge [sflag:s26], $0x2000  }
0x8b: {  	[sflag:s26] =	ssyncset.done $0x0  }
0x8c: {  	s3 =	sadd.s32 $0x5080, s0;
	[sflag:s26] =	ssyncadd.s32 $0xFFFFE000  }
0x8d: {  	[spmem:s1] =	stream.indirect.scatter.add.f32 [tilespmem:s24], [sflag:$0x3], $0x40, s3, s22, $0xb8;
	[tilespmem:$0x1F400] =	vst v63  }
0x8e: {  	_ =	swait.ge [sflag:s19], $0x2000  }
0x8f: {  	s20 =	stileid.u32;
	[sflag:s19] =	ssyncset.done $0x0  }
0x90: {  	s0 =	sshll.u32 s20, $0x6;
	[sflag:s19] =	ssyncadd.s32 $0xFFFFE000  }
0x91: {  	s30 =	sshrl.u32 s14, $0x3;
	s29 =	sor.u32 $0x1C03, s0;
	[bflag:$0x0] =	sbarrier.arrive $0xFFFF  }
0x92: {  	[hbm:s13], [sflag:s29] =	dma.local [spmem:s30], $0x1400  }
0x93: {  	_ =	swait.ge [sflag:s19], $0x1400  }
0x94: {  	[sflag:s19] =	ssyncset.done $0x0  }
0x95: {  	[sflag:s19] =	ssyncadd.s32 $0xFFFFEC00  }
0x96: {  	[bflag:$0x0] =	sbarrier.arrive $0xFFFF  }
0x97: {  	[spmem:s7] =	stream.linear.scatter [tilespmem:s21], [sflag:$0x3], $0x2000, $0x38;
	[tilespmem:$0x1F400] =	vst v63  }
0x98: {  	_ =	swait.ge [sflag:s19], $0x2000  }
0x99: {  	[sflag:s19] =	ssyncset.done $0x0  }
0x9a: {  	[sflag:s19] =	ssyncadd.s32 $0xFFFFE000  }
0x9b: {  	[spmem:s8] =	stream.linear.scatter [tilespmem:s21], [sflag:$0x3], $0x2000, $0x38;
	[tilespmem:$0x1F400] =	vst v63  }
0x9c: {  	_ =	swait.ge [sflag:s19], $0x2000  }
0x9d: {  	[sflag:s19] =	ssyncset.done $0x0  }
0x9e: {  	[sflag:s19] =	ssyncadd.s32 $0xFFFFE000  }
0x9f: {  	[spmem:s9] =	stream.linear.scatter [tilespmem:s21], [sflag:$0x3], $0x2000, $0x38;
	[tilespmem:$0x1F400] =	vst v63  }
0xa0: {  	_ =	swait.ge [sflag:s19], $0x2000  }
0xa1: {  	[sflag:s19] =	ssyncset.done $0x0  }
0xa2: {  	[sflag:s19] =	ssyncadd.s32 $0xFFFFE000  }
0xa3: {  	[spmem:s10] =	stream.linear.scatter [tilespmem:s21], [sflag:$0x3], $0x2000, $0x38;
	[tilespmem:$0x1F400] =	vst v63  }
0xa4: {  	_ =	swait.ge [sflag:s19], $0x2000  }
0xa5: {  	[sflag:s19] =	ssyncset.done $0x0  }
0xa6: {  	[sflag:s19] =	ssyncadd.s32 $0xFFFFE000  }
0xa7: {  	[spmem:s11] =	stream.linear.scatter [tilespmem:s21], [sflag:$0x3], $0x2000, $0x38;
	[tilespmem:$0x1F400] =	vst v63  }
0xa8: {  	_ =	swait.ge [sflag:s19], $0x2000  }
0xa9: {  	[sflag:s19] =	ssyncset.done $0x0  }
0xaa: {  	[sflag:s19] =	ssyncadd.s32 $0xFFFFE000  }
0xab: {  	[spmem:s12] =	stream.linear.scatter [tilespmem:s21], [sflag:$0x3], $0x400, $0x38;
	[tilespmem:$0x1F400] =	vst v63  }
0xac: {  	_ =	swait.ge [sflag:s19], $0x400  }
0xad: {  	[sflag:s19] =	ssyncset.done $0x0  }
0xae: {  	s0 =	simm.s32 $0x0;
	[sflag:s19] =	ssyncadd.s32 $0xFFFFFC00  }
0xaf: {  	v6 =	vld [tilespmem:s0+$0x70]  }
0xb0: {  	v9 =	vld [tilespmem:s0+$0x0]  }
0xb1: {  	v10 =	vld [tilespmem:s0+$0x10]  }
0xb2: {  	v8 =	vld [tilespmem:s0+$0x20]  }
0xb3: {  	v7 =	vld [tilespmem:s0+$0x30]  }
0xb4: {  	v5 =	vld [tilespmem:s0+$0x40];
	v11 =	vadd.s32 v1, v6  }
0xb5: {  	v6 =	vld [tilespmem:s0+$0x50];
	v9 =	vadd.s32 v1, v9;
	[tilespmem:s0+$0xA070] =	vst v11  }
0xb6: {  	s31 =	simm.s32 $0x80;
	s20 =	simm.s32 $0x400;
	v10 =	vadd.s32 v1, v10;
	[tilespmem:s0+$0xA000] =	vst v9;
	v9 =	vld [tilespmem:s0+$0x60]  }
.LBB2_8:
0xb7: {  	p0 =	sne.s32 s20, $0x13E00;
	v11 =	vld [tilespmem:s31+$0x70];
	[tilespmem:s0+$0xA010] =	vst v10;
	v8 =	vadd.s32 v1, v8  }
0xb8: {  	v10 =	vld [tilespmem:s31+$0x0];
	[tilespmem:s0+$0xA020] =	vst v8;
	v7 =	vadd.s32 v1, v7  }
0xb9: {  	v12 =	vld [tilespmem:s31+$0x10];
	[tilespmem:s0+$0xA030] =	vst v7;
	v5 =	vadd.s32 v1, v5  }
.Ltmp3:
0xba: {  	v8 =	vld [tilespmem:s31+$0x20];
	[tilespmem:s0+$0xA040] =	vst v5;
	v5 =	vadd.s32 v1, v6;
	(pc) =	sbr.rel @p0 .LBB2_8-.Ltmp3, $4  }
0xbb: {  	v7 =	vld [tilespmem:s31+$0x30];
	[tilespmem:s0+$0xA050] =	vst v5;
	v6 =	vadd.s32 v1, v9  }
0xbc: {  	v5 =	vld [tilespmem:s31+$0x40];
	v9 =	vadd.s32 v1, v11;
	[tilespmem:s0+$0xA060] =	vst v6;
	s0 =	smov.u32 s31  }
0xbd: {  	v10 =	vadd.s32 v1, v10;
	v6 =	vld [tilespmem:s0+$0x50];
	[tilespmem:s0+$0xA070] =	vst v9  }
0xbe: {  	s31 =	sshra.s32 s20, $0x2;
	s20 =	sadd.s32 $0x200, s20;
	[tilespmem:s0+$0xA000] =	vst v10;
	v10 =	vadd.s32 v1, v12;
	v9 =	vld [tilespmem:s0+$0x60]  }
0xbf: {  	v11 =	vld [tilespmem:s31+$0x70];
	[tilespmem:s0+$0xA010] =	vst v10;
	v8 =	vadd.s32 v1, v8  }
0xc0: {  	v10 =	vld [tilespmem:s31+$0x0];
	[tilespmem:s0+$0xA020] =	vst v8;
	v7 =	vadd.s32 v1, v7  }
0xc1: {  	v8 =	vld [tilespmem:s31+$0x10];
	[tilespmem:s0+$0xA030] =	vst v7;
	v5 =	vadd.s32 v1, v5  }
0xc2: {  	v7 =	vld [tilespmem:s31+$0x20];
	[tilespmem:s0+$0xA040] =	vst v5;
	v5 =	vadd.s32 v1, v6  }
0xc3: {  	v6 =	vld [tilespmem:s31+$0x30];
	[tilespmem:s0+$0xA050] =	vst v5;
	v5 =	vadd.s32 v1, v9  }
0xc4: {  	v61 =	vld [tilespmem:s31+$0x40];
	[tilespmem:s0+$0xA060] =	vst v5;
	v5 =	vadd.s32 v1, v11  }
0xc5: {  	v62 =	vld [tilespmem:s31+$0x50];
	v10 =	vadd.s32 v1, v10;
	[tilespmem:s31+$0xA070] =	vst v5  }
0xc6: {  	v63 =	vld [tilespmem:s31+$0x60];
	[tilespmem:s31+$0xA000] =	vst v10;
	v5 =	vadd.s32 v1, v8  }
0xc7: {  	[tilespmem:s31+$0xA010] =	vst v5;
	v5 =	vadd.s32 v1, v7  }
0xc8: {  	[tilespmem:s31+$0xA020] =	vst v5;
	v5 =	vadd.s32 v1, v6  }
0xc9: {  	[tilespmem:s31+$0xA030] =	vst v5;
	v5 =	vadd.s32 v1, v61  }
0xca: {  	[tilespmem:s31+$0xA040] =	vst v5;
	v5 =	vadd.s32 v1, v62  }
0xcb: {  	[tilespmem:s31+$0xA050] =	vst v5;
	v5 =	vadd.s32 v1, v63  }
0xcc: {  	[tilespmem:s31+$0xA060] =	vst v5  }
0xcd: {  	s2 =	simm.s32 $0xA000;
	[bflag:$0x0] =	sbarrier.arrive $0xFFFF  }
0xce: {  	[tilespmem:s23], [sflag:$0x1] =	stream.indirect.gather [hbm4b:s4+s22], $0x40, s2, s22, $0xb8;
	[tilespmem:$0x1F400] =	vst v63  }
0xcf: {  	s3 =	simm.s32 $0xA080  }
0xd0: {  	[tilespmem:s24], [sflag:$0x2] =	stream.indirect.gather [hbm4b:s4+s22], $0x40, s3, s22, $0xb8;
	[tilespmem:$0x1F400] =	vst v63  }
0xd1: {  	_ =	swait.ge [sflag:s25], $0x2000  }
0xd2: {  	[sflag:s25] =	ssyncset.done $0x0  }
0xd3: {  	s20 =	simm.s32 $0x5000;
	[sflag:s25] =	ssyncadd.s32 $0xFFFFE000  }
0xd4: {  	[spmem:s1] =	stream.indirect.scatter.add.f32 [tilespmem:s23], [sflag:$0x3], $0x40, s20, s22, $0xb8;
	[tilespmem:$0x1F400] =	vst v63  }
0xd5: {  	_ =	swait.ge [sflag:s19], $0x2000  }
0xd6: {  	[sflag:s19] =	ssyncset.done $0x0  }
0xd7: {  	[sflag:s19] =	ssyncadd.s32 $0xFFFFE000  }
0xd8: {  	_ =	swait.ge [sflag:s26], $0x2000  }
0xd9: {  	[sflag:s26] =	ssyncset.done $0x0  }
0xda: {  	s31 =	simm.s32 $0x5080;
	[sflag:s26] =	ssyncadd.s32 $0xFFFFE000  }
0xdb: {  	[spmem:s1] =	stream.indirect.scatter.add.f32 [tilespmem:s24], [sflag:$0x3], $0x40, s31, s22, $0xb8;
	[tilespmem:$0x1F400] =	vst v63  }
0xdc: {  	_ =	swait.ge [sflag:s19], $0x2000  }
0xdd: {  	s0 =	simm.s32 $0x100;
	s20 =	simm.s32 $0x800;
	[sflag:s19] =	ssyncset.done $0x0  }
.LBB2_10:
0xde: {  	s31 =	sadd.s32 $0xA000, s0  }
0xdf: {  	[sflag:s19] =	ssyncadd.s32 $0xFFFFE000;
	s2 =	smov.u32 s20;
	s3 =	sadd.s32 $0x400, s20  }
0xe0: {  	[tilespmem:s23], [sflag:$0x1] =	stream.indirect.gather [hbm4b:s4+s22], $0x40, s31, s22, $0xb8;
	[tilespmem:$0x1F400] =	vst v63  }
0xe1: {  	p0 =	sne.s32 s20, $0x13C00;
	s20 =	sadd.s32 $0xA080, s0  }
0xe2: {  	[tilespmem:s24], [sflag:$0x2] =	stream.indirect.gather [hbm4b:s4+s22], $0x40, s20, s22, $0xb8;
	[tilespmem:$0x1F400] =	vst v63  }
0xe3: {  	_ =	swait.ge [sflag:s25], $0x2000  }
0xe4: {  	[sflag:s25] =	ssyncset.done $0x0  }
0xe5: {  	s20 =	sadd.s32 $0x5000, s0;
	[sflag:s25] =	ssyncadd.s32 $0xFFFFE000  }
0xe6: {  	[spmem:s1] =	stream.indirect.scatter.add.f32 [tilespmem:s23], [sflag:$0x3], $0x40, s20, s22, $0xb8;
	[tilespmem:$0x1F400] =	vst v63  }
0xe7: {  	_ =	swait.ge [sflag:s19], $0x2000  }
0xe8: {  	[sflag:s19] =	ssyncset.done $0x0  }
0xe9: {  	[sflag:s19] =	ssyncadd.s32 $0xFFFFE000  }
0xea: {  	_ =	swait.ge [sflag:s26], $0x2000  }
.Ltmp4:
0xeb: {  	[sflag:s26] =	ssyncset.done $0x0;
	(pc) =	sbr.rel @p0 .LBB2_10-.Ltmp4, $4  }
0xec: {  	s0 =	sadd.s32 $0x5080, s0;
	[sflag:s26] =	ssyncadd.s32 $0xFFFFE000  }
0xed: {  	[spmem:s1] =	stream.indirect.scatter.add.f32 [tilespmem:s24], [sflag:$0x3], $0x40, s0, s22, $0xb8;
	[tilespmem:$0x1F400] =	vst v63  }
0xee: {  	_ =	swait.ge [sflag:s19], $0x2000  }
0xef: {  	s20 =	smov.u32 s3;
	s0 =	sshra.s32 s2, $0x2;
	[sflag:s19] =	ssyncset.done $0x0  }
0xf0: {  	s2 =	sadd.s32 $0xA000, s0;
	[sflag:s19] =	ssyncadd.s32 $0xFFFFE000  }
0xf1: {  	[tilespmem:s23], [sflag:$0x1] =	stream.indirect.gather [hbm4b:s4+s22], $0x40, s2, s22, $0xb8;
	[tilespmem:$0x1F400] =	vst v63  }
0xf2: {  	s20 =	sadd.s32 $0xA080, s0  }
0xf3: {  	[tilespmem:s24], [sflag:$0x2] =	stream.indirect.gather [hbm4b:s4+s22], $0x40, s20, s22, $0xb8;
	[tilespmem:$0x1F400] =	vst v63  }
0xf4: {  	_ =	swait.ge [sflag:s25], $0x2000  }
0xf5: {  	[sflag:s25] =	ssyncset.done $0x0  }
0xf6: {  	s3 =	sadd.s32 $0x5000, s0;
	[sflag:s25] =	ssyncadd.s32 $0xFFFFE000  }
0xf7: {  	[spmem:s1] =	stream.indirect.scatter.add.f32 [tilespmem:s23], [sflag:$0x3], $0x40, s3, s22, $0xb8;
	[tilespmem:$0x1F400] =	vst v63  }
0xf8: {  	_ =	swait.ge [sflag:s19], $0x2000  }
0xf9: {  	[sflag:s19] =	ssyncset.done $0x0  }
0xfa: {  	[sflag:s19] =	ssyncadd.s32 $0xFFFFE000  }
0xfb: {  	_ =	swait.ge [sflag:s26], $0x2000  }
0xfc: {  	[sflag:s26] =	ssyncset.done $0x0  }
0xfd: {  	s20 =	sadd.s32 $0x5080, s0;
	[sflag:s26] =	ssyncadd.s32 $0xFFFFE000  }
0xfe: {  	[spmem:s1] =	stream.indirect.scatter.add.f32 [tilespmem:s24], [sflag:$0x3], $0x40, s20, s22, $0xb8;
	[tilespmem:$0x1F400] =	vst v63  }
0xff: {  	_ =	swait.ge [sflag:s19], $0x2000  }
0x100: {  	[sflag:s19] =	ssyncset.done $0x0  }
0x101: {  	[sflag:s19] =	ssyncadd.s32 $0xFFFFE000  }
0x102: {  	[bflag:$0x0] =	sbarrier.arrive $0xFFFF  }
0x103: {  	[hbm:s15], [sflag:s29] =	dma.local [spmem:s30], $0x1400  }
0x104: {  	_ =	swait.ge [sflag:s19], $0x1400  }
0x105: {  	[sflag:s19] =	ssyncset.done $0x0  }
0x106: {  	[sflag:s19] =	ssyncadd.s32 $0xFFFFEC00  }
0x107: {  	[bflag:$0x0] =	sbarrier.arrive $0xFFFF  }
0x108: {  	[spmem:s7] =	stream.linear.scatter [tilespmem:s21], [sflag:$0x3], $0x2000, $0x38;
	[tilespmem:$0x1F400] =	vst v63  }
0x109: {  	_ =	swait.ge [sflag:s19], $0x2000  }
0x10a: {  	[sflag:s19] =	ssyncset.done $0x0  }
0x10b: {  	[sflag:s19] =	ssyncadd.s32 $0xFFFFE000  }
0x10c: {  	[spmem:s8] =	stream.linear.scatter [tilespmem:s21], [sflag:$0x3], $0x2000, $0x38;
	[tilespmem:$0x1F400] =	vst v63  }
0x10d: {  	_ =	swait.ge [sflag:s19], $0x2000  }
0x10e: {  	[sflag:s19] =	ssyncset.done $0x0  }
0x10f: {  	[sflag:s19] =	ssyncadd.s32 $0xFFFFE000  }
0x110: {  	[spmem:s9] =	stream.linear.scatter [tilespmem:s21], [sflag:$0x3], $0x2000, $0x38;
	[tilespmem:$0x1F400] =	vst v63  }
0x111: {  	_ =	swait.ge [sflag:s19], $0x2000  }
0x112: {  	[sflag:s19] =	ssyncset.done $0x0  }
0x113: {  	[sflag:s19] =	ssyncadd.s32 $0xFFFFE000  }
0x114: {  	[spmem:s10] =	stream.linear.scatter [tilespmem:s21], [sflag:$0x3], $0x2000, $0x38;
	[tilespmem:$0x1F400] =	vst v63  }
0x115: {  	_ =	swait.ge [sflag:s19], $0x2000  }
0x116: {  	[sflag:s19] =	ssyncset.done $0x0  }
0x117: {  	[sflag:s19] =	ssyncadd.s32 $0xFFFFE000  }
0x118: {  	[spmem:s11] =	stream.linear.scatter [tilespmem:s21], [sflag:$0x3], $0x2000, $0x38;
	[tilespmem:$0x1F400] =	vst v63  }
0x119: {  	_ =	swait.ge [sflag:s19], $0x2000  }
0x11a: {  	[sflag:s19] =	ssyncset.done $0x0  }
0x11b: {  	[sflag:s19] =	ssyncadd.s32 $0xFFFFE000  }
0x11c: {  	[spmem:s12] =	stream.linear.scatter [tilespmem:s21], [sflag:$0x3], $0x400, $0x38;
	[tilespmem:$0x1F400] =	vst v63  }
0x11d: {  	_ =	swait.ge [sflag:s19], $0x400  }
0x11e: {  	[sflag:s19] =	ssyncset.done $0x0  }
0x11f: {  	s0 =	simm.s32 $0x0;
	[sflag:s19] =	ssyncadd.s32 $0xFFFFFC00  }
0x120: {  	v6 =	vld [tilespmem:s0+$0x70]  }
0x121: {  	v9 =	vld [tilespmem:s0+$0x0]  }
0x122: {  	v10 =	vld [tilespmem:s0+$0x10]  }
0x123: {  	v8 =	vld [tilespmem:s0+$0x20]  }
0x124: {  	v7 =	vld [tilespmem:s0+$0x30]  }
0x125: {  	v5 =	vld [tilespmem:s0+$0x40];
	v11 =	vadd.s32 v2, v6  }
0x126: {  	v6 =	vld [tilespmem:s0+$0x50];
	v9 =	vadd.s32 v2, v9;
	[tilespmem:s0+$0xA070] =	vst v11  }
0x127: {  	s31 =	simm.s32 $0x80;
	s20 =	simm.s32 $0x400;
	v10 =	vadd.s32 v2, v10;
	[tilespmem:s0+$0xA000] =	vst v9;
	v9 =	vld [tilespmem:s0+$0x60]  }
.LBB2_12:
0x128: {  	p0 =	sne.s32 s20, $0x13E00;
	v11 =	vld [tilespmem:s31+$0x70];
	[tilespmem:s0+$0xA010] =	vst v10;
	v8 =	vadd.s32 v2, v8  }
0x129: {  	v10 =	vld [tilespmem:s31+$0x0];
	[tilespmem:s0+$0xA020] =	vst v8;
	v7 =	vadd.s32 v2, v7  }
0x12a: {  	v12 =	vld [tilespmem:s31+$0x10];
	[tilespmem:s0+$0xA030] =	vst v7;
	v5 =	vadd.s32 v2, v5  }
.Ltmp5:
0x12b: {  	v8 =	vld [tilespmem:s31+$0x20];
	[tilespmem:s0+$0xA040] =	vst v5;
	v5 =	vadd.s32 v2, v6;
	(pc) =	sbr.rel @p0 .LBB2_12-.Ltmp5, $4  }
0x12c: {  	v7 =	vld [tilespmem:s31+$0x30];
	[tilespmem:s0+$0xA050] =	vst v5;
	v6 =	vadd.s32 v2, v9  }
0x12d: {  	v5 =	vld [tilespmem:s31+$0x40];
	v9 =	vadd.s32 v2, v11;
	[tilespmem:s0+$0xA060] =	vst v6;
	s0 =	smov.u32 s31  }
0x12e: {  	v10 =	vadd.s32 v2, v10;
	v6 =	vld [tilespmem:s0+$0x50];
	[tilespmem:s0+$0xA070] =	vst v9  }
0x12f: {  	s31 =	sshra.s32 s20, $0x2;
	s20 =	sadd.s32 $0x200, s20;
	[tilespmem:s0+$0xA000] =	vst v10;
	v10 =	vadd.s32 v2, v12;
	v9 =	vld [tilespmem:s0+$0x60]  }
0x130: {  	v11 =	vld [tilespmem:s31+$0x70];
	[tilespmem:s0+$0xA010] =	vst v10;
	v8 =	vadd.s32 v2, v8  }
0x131: {  	v10 =	vld [tilespmem:s31+$0x0];
	[tilespmem:s0+$0xA020] =	vst v8;
	v7 =	vadd.s32 v2, v7  }
0x132: {  	v8 =	vld [tilespmem:s31+$0x10];
	[tilespmem:s0+$0xA030] =	vst v7;
	v5 =	vadd.s32 v2, v5  }
0x133: {  	v7 =	vld [tilespmem:s31+$0x20];
	[tilespmem:s0+$0xA040] =	vst v5;
	v5 =	vadd.s32 v2, v6  }
0x134: {  	v6 =	vld [tilespmem:s31+$0x30];
	[tilespmem:s0+$0xA050] =	vst v5;
	v5 =	vadd.s32 v2, v9  }
0x135: {  	v61 =	vld [tilespmem:s31+$0x40];
	[tilespmem:s0+$0xA060] =	vst v5;
	v5 =	vadd.s32 v2, v11  }
0x136: {  	v62 =	vld [tilespmem:s31+$0x50];
	v10 =	vadd.s32 v2, v10;
	[tilespmem:s31+$0xA070] =	vst v5  }
0x137: {  	v63 =	vld [tilespmem:s31+$0x60];
	[tilespmem:s31+$0xA000] =	vst v10;
	v5 =	vadd.s32 v2, v8  }
0x138: {  	[tilespmem:s31+$0xA010] =	vst v5;
	v5 =	vadd.s32 v2, v7  }
0x139: {  	[tilespmem:s31+$0xA020] =	vst v5;
	v5 =	vadd.s32 v2, v6  }
0x13a: {  	[tilespmem:s31+$0xA030] =	vst v5;
	v5 =	vadd.s32 v2, v61  }
0x13b: {  	[tilespmem:s31+$0xA040] =	vst v5;
	v5 =	vadd.s32 v2, v62  }
0x13c: {  	[tilespmem:s31+$0xA050] =	vst v5;
	v5 =	vadd.s32 v2, v63  }
0x13d: {  	[tilespmem:s31+$0xA060] =	vst v5  }
0x13e: {  	s2 =	simm.s32 $0xA000;
	[bflag:$0x0] =	sbarrier.arrive $0xFFFF  }
0x13f: {  	[tilespmem:s23], [sflag:$0x1] =	stream.indirect.gather [hbm4b:s4+s22], $0x40, s2, s22, $0xb8;
	[tilespmem:$0x1F400] =	vst v63  }
0x140: {  	s3 =	simm.s32 $0xA080  }
0x141: {  	[tilespmem:s24], [sflag:$0x2] =	stream.indirect.gather [hbm4b:s4+s22], $0x40, s3, s22, $0xb8;
	[tilespmem:$0x1F400] =	vst v63  }
0x142: {  	_ =	swait.ge [sflag:s25], $0x2000  }
0x143: {  	[sflag:s25] =	ssyncset.done $0x0  }
0x144: {  	s20 =	simm.s32 $0x5000;
	[sflag:s25] =	ssyncadd.s32 $0xFFFFE000  }
0x145: {  	[spmem:s1] =	stream.indirect.scatter.add.f32 [tilespmem:s23], [sflag:$0x3], $0x40, s20, s22, $0xb8;
	[tilespmem:$0x1F400] =	vst v63  }
0x146: {  	_ =	swait.ge [sflag:s19], $0x2000  }
0x147: {  	[sflag:s19] =	ssyncset.done $0x0  }
0x148: {  	[sflag:s19] =	ssyncadd.s32 $0xFFFFE000  }
0x149: {  	_ =	swait.ge [sflag:s26], $0x2000  }
0x14a: {  	[sflag:s26] =	ssyncset.done $0x0  }
0x14b: {  	s31 =	simm.s32 $0x5080;
	[sflag:s26] =	ssyncadd.s32 $0xFFFFE000  }
0x14c: {  	[spmem:s1] =	stream.indirect.scatter.add.f32 [tilespmem:s24], [sflag:$0x3], $0x40, s31, s22, $0xb8;
	[tilespmem:$0x1F400] =	vst v63  }
0x14d: {  	_ =	swait.ge [sflag:s19], $0x2000  }
0x14e: {  	s0 =	simm.s32 $0x100;
	s20 =	simm.s32 $0x800;
	[sflag:s19] =	ssyncset.done $0x0  }
.LBB2_14:
0x14f: {  	s2 =	sadd.s32 $0xA000, s0  }
0x150: {  	[sflag:s19] =	ssyncadd.s32 $0xFFFFE000;
	s3 =	smov.u32 s20;
	s31 =	sadd.s32 $0x400, s20  }
0x151: {  	[tilespmem:s23], [sflag:$0x1] =	stream.indirect.gather [hbm4b:s4+s22], $0x40, s2, s22, $0xb8;
	[tilespmem:$0x1F400] =	vst v63  }
0x152: {  	p0 =	sne.s32 s20, $0x13C00;
	s2 =	sadd.s32 $0xA080, s0  }
0x153: {  	[tilespmem:s24], [sflag:$0x2] =	stream.indirect.gather [hbm4b:s4+s22], $0x40, s2, s22, $0xb8;
	[tilespmem:$0x1F400] =	vst v63  }
0x154: {  	_ =	swait.ge [sflag:s25], $0x2000  }
0x155: {  	[sflag:s25] =	ssyncset.done $0x0  }
0x156: {  	s2 =	sadd.s32 $0x5000, s0;
	[sflag:s25] =	ssyncadd.s32 $0xFFFFE000  }
0x157: {  	[spmem:s1] =	stream.indirect.scatter.add.f32 [tilespmem:s23], [sflag:$0x3], $0x40, s2, s22, $0xb8;
	[tilespmem:$0x1F400] =	vst v63  }
0x158: {  	_ =	swait.ge [sflag:s19], $0x2000  }
0x159: {  	[sflag:s19] =	ssyncset.done $0x0  }
0x15a: {  	[sflag:s19] =	ssyncadd.s32 $0xFFFFE000  }
0x15b: {  	_ =	swait.ge [sflag:s26], $0x2000  }
.Ltmp6:
0x15c: {  	[sflag:s26] =	ssyncset.done $0x0;
	(pc) =	sbr.rel @p0 .LBB2_14-.Ltmp6, $4  }
0x15d: {  	s0 =	sadd.s32 $0x5080, s0;
	[sflag:s26] =	ssyncadd.s32 $0xFFFFE000  }
0x15e: {  	[spmem:s1] =	stream.indirect.scatter.add.f32 [tilespmem:s24], [sflag:$0x3], $0x40, s0, s22, $0xb8;
	[tilespmem:$0x1F400] =	vst v63  }
0x15f: {  	_ =	swait.ge [sflag:s19], $0x2000  }
0x160: {  	s20 =	smov.u32 s31;
	s0 =	sshra.s32 s3, $0x2;
	[sflag:s19] =	ssyncset.done $0x0  }
0x161: {  	s2 =	sadd.s32 $0xA000, s0;
	[sflag:s19] =	ssyncadd.s32 $0xFFFFE000  }
0x162: {  	[tilespmem:s23], [sflag:$0x1] =	stream.indirect.gather [hbm4b:s4+s22], $0x40, s2, s22, $0xb8;
	[tilespmem:$0x1F400] =	vst v63  }
0x163: {  	s20 =	sadd.s32 $0xA080, s0  }
0x164: {  	[tilespmem:s24], [sflag:$0x2] =	stream.indirect.gather [hbm4b:s4+s22], $0x40, s20, s22, $0xb8;
	[tilespmem:$0x1F400] =	vst v63  }
0x165: {  	_ =	swait.ge [sflag:s25], $0x2000  }
0x166: {  	[sflag:s25] =	ssyncset.done $0x0  }
0x167: {  	s3 =	sadd.s32 $0x5000, s0;
	[sflag:s25] =	ssyncadd.s32 $0xFFFFE000  }
0x168: {  	[spmem:s1] =	stream.indirect.scatter.add.f32 [tilespmem:s23], [sflag:$0x3], $0x40, s3, s22, $0xb8;
	[tilespmem:$0x1F400] =	vst v63  }
0x169: {  	_ =	swait.ge [sflag:s19], $0x2000  }
0x16a: {  	[sflag:s19] =	ssyncset.done $0x0  }
0x16b: {  	[sflag:s19] =	ssyncadd.s32 $0xFFFFE000  }
0x16c: {  	_ =	swait.ge [sflag:s26], $0x2000  }
0x16d: {  	[sflag:s26] =	ssyncset.done $0x0  }
0x16e: {  	s20 =	sadd.s32 $0x5080, s0;
	[sflag:s26] =	ssyncadd.s32 $0xFFFFE000  }
0x16f: {  	[spmem:s1] =	stream.indirect.scatter.add.f32 [tilespmem:s24], [sflag:$0x3], $0x40, s20, s22, $0xb8;
	[tilespmem:$0x1F400] =	vst v63  }
0x170: {  	_ =	swait.ge [sflag:s19], $0x2000  }
0x171: {  	[sflag:s19] =	ssyncset.done $0x0  }
0x172: {  	[sflag:s19] =	ssyncadd.s32 $0xFFFFE000  }
0x173: {  	[bflag:$0x0] =	sbarrier.arrive $0xFFFF  }
0x174: {  	[hbm:s16], [sflag:s29] =	dma.local [spmem:s30], $0x1400  }
0x175: {  	_ =	swait.ge [sflag:s19], $0x1400  }
0x176: {  	[sflag:s19] =	ssyncset.done $0x0  }
0x177: {  	[sflag:s19] =	ssyncadd.s32 $0xFFFFEC00  }
0x178: {  	[bflag:$0x0] =	sbarrier.arrive $0xFFFF  }
0x179: {  	[spmem:s7] =	stream.linear.scatter [tilespmem:s21], [sflag:$0x3], $0x2000, $0x38;
	[tilespmem:$0x1F400] =	vst v63  }
0x17a: {  	_ =	swait.ge [sflag:s19], $0x2000  }
0x17b: {  	[sflag:s19] =	ssyncset.done $0x0  }
0x17c: {  	[sflag:s19] =	ssyncadd.s32 $0xFFFFE000  }
0x17d: {  	[spmem:s8] =	stream.linear.scatter [tilespmem:s21], [sflag:$0x3], $0x2000, $0x38;
	[tilespmem:$0x1F400] =	vst v63  }
0x17e: {  	_ =	swait.ge [sflag:s19], $0x2000  }
0x17f: {  	[sflag:s19] =	ssyncset.done $0x0  }
0x180: {  	[sflag:s19] =	ssyncadd.s32 $0xFFFFE000  }
0x181: {  	[spmem:s9] =	stream.linear.scatter [tilespmem:s21], [sflag:$0x3], $0x2000, $0x38;
	[tilespmem:$0x1F400] =	vst v63  }
0x182: {  	_ =	swait.ge [sflag:s19], $0x2000  }
0x183: {  	[sflag:s19] =	ssyncset.done $0x0  }
0x184: {  	[sflag:s19] =	ssyncadd.s32 $0xFFFFE000  }
0x185: {  	[spmem:s10] =	stream.linear.scatter [tilespmem:s21], [sflag:$0x3], $0x2000, $0x38;
	[tilespmem:$0x1F400] =	vst v63  }
0x186: {  	_ =	swait.ge [sflag:s19], $0x2000  }
0x187: {  	[sflag:s19] =	ssyncset.done $0x0  }
0x188: {  	[sflag:s19] =	ssyncadd.s32 $0xFFFFE000  }
0x189: {  	[spmem:s11] =	stream.linear.scatter [tilespmem:s21], [sflag:$0x3], $0x2000, $0x38;
	[tilespmem:$0x1F400] =	vst v63  }
0x18a: {  	_ =	swait.ge [sflag:s19], $0x2000  }
0x18b: {  	[sflag:s19] =	ssyncset.done $0x0  }
0x18c: {  	[sflag:s19] =	ssyncadd.s32 $0xFFFFE000  }
0x18d: {  	[spmem:s12] =	stream.linear.scatter [tilespmem:s21], [sflag:$0x3], $0x400, $0x38;
	[tilespmem:$0x1F400] =	vst v63  }
0x18e: {  	_ =	swait.ge [sflag:s19], $0x400  }
0x18f: {  	[sflag:s19] =	ssyncset.done $0x0  }
0x190: {  	s0 =	simm.s32 $0x0;
	[sflag:s19] =	ssyncadd.s32 $0xFFFFFC00  }
0x191: {  	v6 =	vld [tilespmem:s0+$0x70]  }
0x192: {  	v9 =	vld [tilespmem:s0+$0x0]  }
0x193: {  	v10 =	vld [tilespmem:s0+$0x10]  }
0x194: {  	v8 =	vld [tilespmem:s0+$0x20]  }
0x195: {  	v7 =	vld [tilespmem:s0+$0x30]  }
0x196: {  	v5 =	vld [tilespmem:s0+$0x40];
	v11 =	vadd.s32 v3, v6  }
0x197: {  	v6 =	vld [tilespmem:s0+$0x50];
	v9 =	vadd.s32 v3, v9;
	[tilespmem:s0+$0xA070] =	vst v11  }
0x198: {  	s31 =	simm.s32 $0x80;
	s20 =	simm.s32 $0x400;
	v10 =	vadd.s32 v3, v10;
	[tilespmem:s0+$0xA000] =	vst v9;
	v9 =	vld [tilespmem:s0+$0x60]  }
.LBB2_16:
0x199: {  	p0 =	sne.s32 s20, $0x13E00;
	v11 =	vld [tilespmem:s31+$0x70];
	[tilespmem:s0+$0xA010] =	vst v10;
	v8 =	vadd.s32 v3, v8  }
0x19a: {  	v10 =	vld [tilespmem:s31+$0x0];
	[tilespmem:s0+$0xA020] =	vst v8;
	v7 =	vadd.s32 v3, v7  }
0x19b: {  	v12 =	vld [tilespmem:s31+$0x10];
	[tilespmem:s0+$0xA030] =	vst v7;
	v5 =	vadd.s32 v3, v5  }
.Ltmp7:
0x19c: {  	v8 =	vld [tilespmem:s31+$0x20];
	[tilespmem:s0+$0xA040] =	vst v5;
	v5 =	vadd.s32 v3, v6;
	(pc) =	sbr.rel @p0 .LBB2_16-.Ltmp7, $4  }
0x19d: {  	v7 =	vld [tilespmem:s31+$0x30];
	[tilespmem:s0+$0xA050] =	vst v5;
	v6 =	vadd.s32 v3, v9  }
0x19e: {  	v5 =	vld [tilespmem:s31+$0x40];
	v9 =	vadd.s32 v3, v11;
	[tilespmem:s0+$0xA060] =	vst v6;
	s0 =	smov.u32 s31  }
0x19f: {  	v10 =	vadd.s32 v3, v10;
	v6 =	vld [tilespmem:s0+$0x50];
	[tilespmem:s0+$0xA070] =	vst v9  }
0x1a0: {  	s31 =	sshra.s32 s20, $0x2;
	s20 =	sadd.s32 $0x200, s20;
	[tilespmem:s0+$0xA000] =	vst v10;
	v10 =	vadd.s32 v3, v12;
	v9 =	vld [tilespmem:s0+$0x60]  }
0x1a1: {  	v11 =	vld [tilespmem:s31+$0x70];
	[tilespmem:s0+$0xA010] =	vst v10;
	v8 =	vadd.s32 v3, v8  }
0x1a2: {  	v10 =	vld [tilespmem:s31+$0x0];
	[tilespmem:s0+$0xA020] =	vst v8;
	v7 =	vadd.s32 v3, v7  }
0x1a3: {  	v8 =	vld [tilespmem:s31+$0x10];
	[tilespmem:s0+$0xA030] =	vst v7;
	v5 =	vadd.s32 v3, v5  }
0x1a4: {  	v7 =	vld [tilespmem:s31+$0x20];
	[tilespmem:s0+$0xA040] =	vst v5;
	v5 =	vadd.s32 v3, v6  }
0x1a5: {  	v6 =	vld [tilespmem:s31+$0x30];
	[tilespmem:s0+$0xA050] =	vst v5;
	v5 =	vadd.s32 v3, v9  }
0x1a6: {  	v61 =	vld [tilespmem:s31+$0x40];
	[tilespmem:s0+$0xA060] =	vst v5;
	v5 =	vadd.s32 v3, v11  }
0x1a7: {  	v62 =	vld [tilespmem:s31+$0x50];
	v10 =	vadd.s32 v3, v10;
	[tilespmem:s31+$0xA070] =	vst v5  }
0x1a8: {  	v63 =	vld [tilespmem:s31+$0x60];
	[tilespmem:s31+$0xA000] =	vst v10;
	v5 =	vadd.s32 v3, v8  }
0x1a9: {  	[tilespmem:s31+$0xA010] =	vst v5;
	v5 =	vadd.s32 v3, v7  }
0x1aa: {  	[tilespmem:s31+$0xA020] =	vst v5;
	v5 =	vadd.s32 v3, v6  }
0x1ab: {  	[tilespmem:s31+$0xA030] =	vst v5;
	v5 =	vadd.s32 v3, v61  }
0x1ac: {  	[tilespmem:s31+$0xA040] =	vst v5;
	v5 =	vadd.s32 v3, v62  }
0x1ad: {  	[tilespmem:s31+$0xA050] =	vst v5;
	v5 =	vadd.s32 v3, v63  }
0x1ae: {  	[tilespmem:s31+$0xA060] =	vst v5  }
0x1af: {  	s2 =	simm.s32 $0xA000;
	[bflag:$0x0] =	sbarrier.arrive $0xFFFF  }
0x1b0: {  	[tilespmem:s23], [sflag:$0x1] =	stream.indirect.gather [hbm4b:s4+s22], $0x40, s2, s22, $0xb8;
	[tilespmem:$0x1F400] =	vst v63  }
0x1b1: {  	s3 =	simm.s32 $0xA080  }
0x1b2: {  	[tilespmem:s24], [sflag:$0x2] =	stream.indirect.gather [hbm4b:s4+s22], $0x40, s3, s22, $0xb8;
	[tilespmem:$0x1F400] =	vst v63  }
0x1b3: {  	_ =	swait.ge [sflag:s25], $0x2000  }
0x1b4: {  	[sflag:s25] =	ssyncset.done $0x0  }
0x1b5: {  	s20 =	simm.s32 $0x5000;
	[sflag:s25] =	ssyncadd.s32 $0xFFFFE000  }
0x1b6: {  	[spmem:s1] =	stream.indirect.scatter.add.f32 [tilespmem:s23], [sflag:$0x3], $0x40, s20, s22, $0xb8;
	[tilespmem:$0x1F400] =	vst v63  }
0x1b7: {  	_ =	swait.ge [sflag:s19], $0x2000  }
0x1b8: {  	[sflag:s19] =	ssyncset.done $0x0  }
0x1b9: {  	[sflag:s19] =	ssyncadd.s32 $0xFFFFE000  }
0x1ba: {  	_ =	swait.ge [sflag:s26], $0x2000  }
0x1bb: {  	[sflag:s26] =	ssyncset.done $0x0  }
0x1bc: {  	s31 =	simm.s32 $0x5080;
	[sflag:s26] =	ssyncadd.s32 $0xFFFFE000  }
0x1bd: {  	[spmem:s1] =	stream.indirect.scatter.add.f32 [tilespmem:s24], [sflag:$0x3], $0x40, s31, s22, $0xb8;
	[tilespmem:$0x1F400] =	vst v63  }
0x1be: {  	_ =	swait.ge [sflag:s19], $0x2000  }
0x1bf: {  	s0 =	simm.s32 $0x100;
	s20 =	simm.s32 $0x800;
	[sflag:s19] =	ssyncset.done $0x0  }
.LBB2_18:
0x1c0: {  	s2 =	sadd.s32 $0xA000, s0  }
0x1c1: {  	[sflag:s19] =	ssyncadd.s32 $0xFFFFE000;
	s3 =	smov.u32 s20;
	s31 =	sadd.s32 $0x400, s20  }
0x1c2: {  	[tilespmem:s23], [sflag:$0x1] =	stream.indirect.gather [hbm4b:s4+s22], $0x40, s2, s22, $0xb8;
	[tilespmem:$0x1F400] =	vst v63  }
0x1c3: {  	p0 =	sne.s32 s20, $0x13C00;
	s2 =	sadd.s32 $0xA080, s0  }
0x1c4: {  	[tilespmem:s24], [sflag:$0x2] =	stream.indirect.gather [hbm4b:s4+s22], $0x40, s2, s22, $0xb8;
	[tilespmem:$0x1F400] =	vst v63  }
0x1c5: {  	_ =	swait.ge [sflag:s25], $0x2000  }
0x1c6: {  	[sflag:s25] =	ssyncset.done $0x0  }
0x1c7: {  	s2 =	sadd.s32 $0x5000, s0;
	[sflag:s25] =	ssyncadd.s32 $0xFFFFE000  }
0x1c8: {  	[spmem:s1] =	stream.indirect.scatter.add.f32 [tilespmem:s23], [sflag:$0x3], $0x40, s2, s22, $0xb8;
	[tilespmem:$0x1F400] =	vst v63  }
0x1c9: {  	_ =	swait.ge [sflag:s19], $0x2000  }
0x1ca: {  	[sflag:s19] =	ssyncset.done $0x0  }
0x1cb: {  	[sflag:s19] =	ssyncadd.s32 $0xFFFFE000  }
0x1cc: {  	_ =	swait.ge [sflag:s26], $0x2000  }
.Ltmp8:
0x1cd: {  	[sflag:s26] =	ssyncset.done $0x0;
	(pc) =	sbr.rel @p0 .LBB2_18-.Ltmp8, $4  }
0x1ce: {  	s0 =	sadd.s32 $0x5080, s0;
	[sflag:s26] =	ssyncadd.s32 $0xFFFFE000  }
0x1cf: {  	[spmem:s1] =	stream.indirect.scatter.add.f32 [tilespmem:s24], [sflag:$0x3], $0x40, s0, s22, $0xb8;
	[tilespmem:$0x1F400] =	vst v63  }
0x1d0: {  	_ =	swait.ge [sflag:s19], $0x2000  }
0x1d1: {  	s20 =	smov.u32 s31;
	s0 =	sshra.s32 s3, $0x2;
	[sflag:s19] =	ssyncset.done $0x0  }
0x1d2: {  	s2 =	sadd.s32 $0xA000, s0;
	[sflag:s19] =	ssyncadd.s32 $0xFFFFE000  }
0x1d3: {  	[tilespmem:s23], [sflag:$0x1] =	stream.indirect.gather [hbm4b:s4+s22], $0x40, s2, s22, $0xb8;
	[tilespmem:$0x1F400] =	vst v63  }
0x1d4: {  	s3 =	sadd.s32 $0xA080, s0  }
0x1d5: {  	[tilespmem:s24], [sflag:$0x2] =	stream.indirect.gather [hbm4b:s4+s22], $0x40, s3, s22, $0xb8;
	[tilespmem:$0x1F400] =	vst v63  }
0x1d6: {  	_ =	swait.ge [sflag:s25], $0x2000  }
0x1d7: {  	[sflag:s25] =	ssyncset.done $0x0  }
0x1d8: {  	s20 =	sadd.s32 $0x5000, s0;
	[sflag:s25] =	ssyncadd.s32 $0xFFFFE000  }
0x1d9: {  	[spmem:s1] =	stream.indirect.scatter.add.f32 [tilespmem:s23], [sflag:$0x3], $0x40, s20, s22, $0xb8;
	[tilespmem:$0x1F400] =	vst v63  }
0x1da: {  	_ =	swait.ge [sflag:s19], $0x2000  }
0x1db: {  	[sflag:s19] =	ssyncset.done $0x0  }
0x1dc: {  	[sflag:s19] =	ssyncadd.s32 $0xFFFFE000  }
0x1dd: {  	_ =	swait.ge [sflag:s26], $0x2000  }
0x1de: {  	[sflag:s26] =	ssyncset.done $0x0  }
0x1df: {  	s31 =	sadd.s32 $0x5080, s0;
	[sflag:s26] =	ssyncadd.s32 $0xFFFFE000  }
0x1e0: {  	[spmem:s1] =	stream.indirect.scatter.add.f32 [tilespmem:s24], [sflag:$0x3], $0x40, s31, s22, $0xb8;
	[tilespmem:$0x1F400] =	vst v63  }
0x1e1: {  	_ =	swait.ge [sflag:s19], $0x2000  }
0x1e2: {  	s28 =	sadd.s32 $0x1, s28;
	[sflag:s19] =	ssyncset.done $0x0  }
0x1e3: {  	p0 =	sne.s32 s28, s18;
	[sflag:s19] =	ssyncadd.s32 $0xFFFFE000  }
.Ltmp9:
0x1e4: {  	[bflag:$0x0] =	sbarrier.arrive $0xFFFF;
	(pc) =	sbr.rel @p0 .LBB2_1-.Ltmp9, $4  }
0x1e5: {  	[hbm:s17], [sflag:s29] =	dma.local [spmem:s30], $0x1400  }
0x1e6: {  	_ =	swait.ge [sflag:s19], $0x1400  }
0x1e7: {  	[sflag:s19] =	ssyncset.done $0x0  }
0x1e8: {  	[sflag:s19] =	ssyncadd.s32 $0xFFFFEC00  }
0x1e9: {  	_ =	sfence.sel $0x180000  }
0x1ea: {  	[bflag:$0x0] =	sbarrier.arrive $0xFFFF  }
0x1eb: {  	_ =	strace $0x9000004A  }
0x1ec: {  	s0 =	stileid.u32;
	[bflag:$0x2] =	sbarrier.arrive $0xFFFF  }
0x1ed: {  	p0 =	sne.s32 s0, $0x0;
	s0 =	rddreg [dreg:$0x2]  }
0x1ee: {  	s0 =	sadd.s32 @!p0 $0x100000, s0  }
0x1ef: {  	[sflag:s0] =	ssyncadd.tile.s32 @!p0 $0x1;
	_ =	shalt  }
.Lfunc_end2:
_tile_overlayer_lowered:
.L_overlay_start_2:
0x1f0: {  	(tag) =	ssettag $0x2  }
0x1f1: {  	s0 =	rddreg [dreg:$0x0];
	s2 =	stileid.u32  }
0x1f2: {  	s1 =	rddreg [dreg:$0x1];
	p0 =	sne.s32 s2, $0x0  }
0x1f3: {  	s3 =	rddreg [dreg:$0x2];
	[bflag:$0x3] =	sbarrier.arrive $0xFFFF;
	s2 =	simm.s32 @!p0 $0x1C03  }
0x1f4: {  	[timem:s3], [sflag:s2] =	dma.local @!p0 [hbm:s0], s1  }
0x1f5: {  	s0 =	simm.s32 @!p0 $0x3  }
0x1f6: {  	_ =	swait.ge @!p0 [sflag:s0], s1  }
0x1f7: {  	s1 =	ssub.s32 @!p0 $0x0, s1;
	[sflag:s0] =	ssyncset.done @!p0 $0x0  }
0x1f8: {  	[sflag:s0] =	ssyncadd.s32 @!p0 s1  }
0x1f9: {  	[bflag:$0x3] =	sbarrier.arrive $0xFFFF  }
0x1fa: {  	_ =	shalt  }

// kernel: kernel.16.cloned.1.call-start
scs
__scs_entry_jumppad:
0x0: {  	(pc) =	sbr.rel $0x88, $3  }
0x1: {  	(tag) =	ssettag $0x0;
	lr =	simm.s32 $0x1  }
0x2: {  	[smem:$0x3F97] =	sst lr;
	_ =	strace $0xD0000000  }
0x3: {  	_ = 	snop  }
0x4: {  	_ = 	snop  }
0x5: {  	_ = 	snop  }
0x6: {  	_ = 	snop  }
0x7: {  	_ = 	snop  }
__scs_overlays_trampoline_lowered:
0x8: {  	[smem:$0x3FA6] =	sst s0  }
0x9: {  	[smem:$0x3FA7] =	sst s1  }
0xa: {  	[smem:$0x3FA8] =	sst s2  }
0xb: {  	[smem:$0x3FA9] =	sst s3  }
0xc: {  	[smem:$0x3FAA] =	sst s4  }
0xd: {  	[smem:$0x3FAB] =	sst s5  }
0xe: {  	[smem:$0x3FAC] =	sst s6  }
0xf: {  	[smem:$0x3FAD] =	sst s7  }
0x10: {  	[smem:$0x3FAE] =	sst s8  }
0x11: {  	[smem:$0x3FAF] =	sst s9;
	s0 =	simm.s32 @!p0 $0x0  }
0x12: {  	s1 =	sld [smem:$0x3F95];
	s0 =	simm.s32 @p0 $0x1  }
0x13: {  	[smem:$0x3FB0] =	sst s0;
	s0 =	simm.s32 @!p1 $0x0  }
0x14: {  	s2 =	sld [smem:$0x3F94];
	s0 =	simm.s32 @p1 $0x1  }
0x15: {  	[smem:$0x3FB1] =	sst s0;
	s0 =	simm.s32 @!p2 $0x0  }
0x16: {  	s3 =	sld [smem:$0x3FDB];
	s0 =	simm.s32 @p2 $0x1  }
0x17: {  	s4 =	simm.s32 $0x1BF5;
	[smem:$0x3FB3] =	sst s0  }
0x18: {  	s0 =	sld [smem:$0x3F96];
	_ =	swait.ge [sflag:s4], $0x0  }
0x19: {  	s7 =	sld [smem:$0x3F97]  }
0x1a: {  	s8 =	sadd.s32 $0xFFFFE003, lr  }
0x1b: {  	s9 =	sadd.s32 $0xFFFFFEF7, lr;
	s5 =	simm.s32 $0xFFFFFFFF;
	p2 =	slt.u32 s8, $0xFFFFF086  }
0x1c: {  	p1 =	slt.u32 s9, $0xF7A;
	s5 =	simm.s32 @!p2 $0x0  }
0x1d: {  	s5 =	simm.s32 @p1 $0x1;
	p0 =	seq.s32 s7, s2  }
0x1e: {  	s7 =	smul.u32 @!p0 $0xF7A, s2;
	p2 =	seq.s32 @!p0 s5, $0x0  }
0x1f: {  	s9 =	smul.u32 $0xF7A, s1;
	s8 =	simm.s32 @!p0 $0x1BF5;
	p2 =	por !p2, p0  }
0x20: {  	[sflag:s8] =	ssyncset.s32 @!p0 $0xFFFFF086;
	s6 =	sadd.s32 @!p0 s3, s7;
	s7 =	simm.s32 @!p0 $0x108  }
0x21: {  	s3 =	sadd.s32 s3, s9;
	s6 =	sadd.s32 @!p0 $0x88, s6;
	s7 =	simm.s32 @p2 $0x1082  }
0x22: {  	[simem:s7], [sflag:s8] =	dma.local @!p0 [hbm:s6], $0xF7A  }
0x23: {  	s9 =	sor.u32 $0xD0000000, s2;
	s6 =	simm.s32 $0x108;
	_ =	swait.ge @!p0 [sflag:s8], $0x0  }
0x24: {  	s3 =	sadd.s32 $0x88, s3;
	s6 =	simm.s32 @!p1 $0x1082;
	[sflag:s4] =	ssyncset.s32 $0xFFFFF086  }
0x25: {  	[simem:s6], [sflag:s4] =	dma.local [hbm:s3], $0xF7A  }
0x26: {  	[smem:$0x3F97] =	sst s1;
	(tag) =	ssettag s2;
	_ =	strace s9  }
0x27: {  	s1 =	sld [smem:$0x3FA7]  }
0x28: {  	s2 =	sld [smem:$0x3FA8]  }
0x29: {  	s4 =	sld [smem:$0x3FAA]  }
0x2a: {  	p0 =	seq.s32 s5, $0x0;
	s5 =	sld [smem:$0x3FAB]  }
0x2b: {  	s6 =	sld [smem:$0x3FAC]  }
0x2c: {  	s7 =	sld [smem:$0x3FAD]  }
0x2d: {  	s3 =	simm.s32 $0x108;
	s8 =	sld [smem:$0x3FAE]  }
0x2e: {  	s3 =	simm.s32 @!p0 $0x1082;
	s9 =	sld [smem:$0x3FAF]  }
0x2f: {  	lr =	sadd.s32 s0, s3;
	s0 =	sld [smem:$0x3FA6]  }
0x30: {  	s3 =	sld [smem:$0x3FA9]  }
0x31: {  	[smem:$0x3FB2] =	sst s10  }
0x32: {  	s10 =	sld [smem:$0x3FB0];
	_ =	sdelay $0x3  }
0x33: {  	p0 =	seq.s32 s10, $0x1;
	s10 =	sld [smem:$0x3FB2];
	_ =	sdelay $0x3  }
0x34: {  	[smem:$0x3FB2] =	sst s10  }
0x35: {  	s10 =	sld [smem:$0x3FB1];
	_ =	sdelay $0x3  }
0x36: {  	p1 =	seq.s32 s10, $0x1;
	s10 =	sld [smem:$0x3FB2];
	_ =	sdelay $0x3  }
0x37: {  	[smem:$0x3FB2] =	sst s10  }
0x38: {  	s10 =	sld [smem:$0x3FB3]  }
0x39: {  	_ = 	snop;
	(pc) =	sbr.ind lr, $3  }
0x3a: {  	_ = 	snop  }
0x3b: {  	_ = 	snop  }
0x3c: {  	p2 =	seq.s32 s10, $0x1;
	s10 =	sld [smem:$0x3FB2]  }
0x3d: {  	_ =	shalt  }
0x3e: {  	_ =	shalt  }
0x3f: {  	_ =	shalt  }
0x40: {  	_ =	shalt  }
0x41: {  	_ =	shalt  }
0x42: {  	_ =	shalt  }
0x43: {  	_ =	shalt  }
0x44: {  	_ =	shalt  }
0x45: {  	_ =	shalt  }
0x46: {  	_ =	shalt  }
0x47: {  	_ =	shalt  }
0x48: {  	_ =	shalt  }
0x49: {  	_ =	shalt  }
0x4a: {  	_ =	shalt  }
0x4b: {  	_ =	shalt  }
0x4c: {  	_ =	shalt  }
0x4d: {  	_ =	shalt  }
0x4e: {  	_ =	shalt  }
0x4f: {  	_ =	shalt  }
0x50: {  	_ =	shalt  }
0x51: {  	_ =	shalt  }
0x52: {  	_ =	shalt  }
0x53: {  	_ =	shalt  }
0x54: {  	_ =	shalt  }
0x55: {  	_ =	shalt  }
0x56: {  	_ =	shalt  }
0x57: {  	_ =	shalt  }
0x58: {  	_ =	shalt  }
0x59: {  	_ =	shalt  }
0x5a: {  	_ =	shalt  }
0x5b: {  	_ =	shalt  }
0x5c: {  	_ =	shalt  }
0x5d: {  	_ =	shalt  }
0x5e: {  	_ =	shalt  }
0x5f: {  	_ =	shalt  }
0x60: {  	_ =	shalt  }
0x61: {  	_ =	shalt  }
0x62: {  	_ =	shalt  }
0x63: {  	_ =	shalt  }
0x64: {  	_ =	shalt  }
0x65: {  	_ =	shalt  }
0x66: {  	_ =	shalt  }
0x67: {  	_ =	shalt  }
0x68: {  	_ =	shalt  }
0x69: {  	_ =	shalt  }
0x6a: {  	_ =	shalt  }
0x6b: {  	_ =	shalt  }
0x6c: {  	_ =	shalt  }
0x6d: {  	_ =	shalt  }
0x6e: {  	_ =	shalt  }
0x6f: {  	_ =	shalt  }
0x70: {  	_ =	shalt  }
0x71: {  	_ =	shalt  }
0x72: {  	_ =	shalt  }
0x73: {  	_ =	shalt  }
0x74: {  	_ =	shalt  }
0x75: {  	_ =	shalt  }
0x76: {  	_ =	shalt  }
0x77: {  	_ =	shalt  }
0x78: {  	_ =	shalt  }
0x79: {  	_ =	shalt  }
0x7a: {  	_ =	shalt  }
0x7b: {  	_ =	shalt  }
0x7c: {  	_ =	shalt  }
0x7d: {  	_ =	shalt  }
0x7e: {  	_ =	shalt  }
0x7f: {  	_ =	shalt  }
0x80: {  	_ =	shalt  }
0x81: {  	_ =	shalt  }
0x82: {  	_ =	shalt  }
0x83: {  	_ =	shalt  }
0x84: {  	_ =	shalt  }
0x85: {  	_ =	shalt  }
0x86: {  	_ =	shalt  }
0x87: {  	_ =	shalt  }
.Lfunc_end0:
.L_simem_size_0:
called_computation.2_lowered:
.L_overlay_start_0:
0x88: {  	s2 =	sld [smem:$0x3FD9]  }
0x89: {  	s3 =	sld [smem:$0x3FFE];
	_ =	sdelay $0x1  }
0x8a: {  	s1 =	srdreg.scid  }
0x8b: {  	s0 =	sand.u32 $0x1, s1  }
0x8c: {  	s16 =	sshll.u32 s0, $0xA;
	s2 =	sadd.s32 s3, s2  }
0x8d: {  	s2 =	sadd.s32 s2, s16  }
0x8e: {  	[smem:$0x3FBE] =	sst s2  }
0x8f: {  	_ = 	snop  }
0x90: {  	(tm) =	ssettm $0x1  }
0x91: {  	s17 =	sld [smem:$0x3FFB];
	_ =	sdelay $0x3  }
0x92: {  	_ =	strace s17  }
0x93: {  	s2 =	sld [smem:$0x3FFC];
	_ =	sdelay $0x3  }
0x94: {  	_ =	strace s2  }
0x95: {  	s2 =	sld [smem:$0x3FFD];
	_ =	sdelay $0x3  }
0x96: {  	_ =	strace s2  }
0x97: {  	_ =	strace $0x8FFFFFFF  }
0x98: {  	s18 =	sld [smem:$0x3FDB];
	_ =	sdelay $0x1  }
0x99: {  	s19 =	simm.s32 $_scs_section_size  }
0x9a: {  	s4 =	simm.s32 $_size__tile_overlayer_lowered;
	s5 =	simm.s32 $_tile_overlayer_lowered  }
0x9b: {  	s22 =	simm.s32 $0x1BFF;
	s21 =	sshll.u32 s5, $0x1;
	s2 =	sadd.s32 s19, s18  }
0x9c: {  	s6 =	simm.s32 $0x0;
	s20 =	sshll.u32 s4, $0x1;
	s4 =	sadd.s32 s21, s2  }
0x9d: {  	[timem:s6], [sflag:s22] =	dma.local [hbm:s4], s20  }
0x9e: {  	_ =	swait.ge [sflag:s22], s20  }
0x9f: {  	s3 =	ssub.s32 $0x0, s20;
	[sflag:s22] =	ssyncset.done $0x0  }
0xa0: {  	[sflag:s22] =	ssyncadd.s32 s3;
	_ =	sdelay $0x1  }
0xa1: {  	s23 =	simm.s32 $0x1B8B  }
0xa2: {  	_ =	swait.ge [sflag:s23], $0x1  }
0xa3: {  	[sflag:s23] =	ssyncset.done $0x0  }
0xa4: {  	s25 =	simm.s32 $0x1B8E;
	s24 =	sld [smem:$0x3FFE];
	[sflag:s23] =	ssyncadd.s32 $0xFFFFFFFF  }
0xa5: {  	s26 =	simm.s32 $execute0_lowered;
	[smem:$0x3FD2] =	sst s25  }
0xa6: {  	s4 =	sshll.u32 s26, $0x1;
	_ =	strace $0x8000004C;
	[dreg:$0x1] =	wrdreg $0xFFFFFFFF  }
0xa7: {  	s28 =	simm.s32 $_size_execute0_lowered;
	s2 =	sadd.s32 s2, s4;
	[dreg:$0x0] =	wrdreg $0x0  }
0xa8: {  	s4 =	sshll.u32 s28, $0x1;
	[dreg:$0x2] =	wrdreg s2  }
0xa9: {  	[dreg:$0x3] =	wrdreg s4  }
0xaa: {  	[dreg:$0x4] =	wrdreg $0xC0  }
0xab: {  	_ =	task [dreg:s6], $0x5FFFF  }
0xac: {  	[dreg:$0x1] =	wrdreg $0xFFFFFFFF  }
0xad: {  	[dreg:$0x0] =	wrdreg $0x60  }
0xae: {  	[dreg:$0x2] =	wrdreg s24  }
0xaf: {  	[dreg:$0x3] =	wrdreg $0x150000  }
0xb0: {  	[dreg:$0x4] =	wrdreg $0x9  }
0xb1: {  	_ =	task.clear_ibuf [dreg:s6], $0x5FFFF;
	_ =	strace $0x9000004C  }
0xb2: {  	s29 =	simm.s32 $0x9;
	_ =	strace $0x8000004E  }
0xb3: {  	_ =	swait.ge [sflag:s29], $0x1  }
0xb4: {  	[sflag:s29] =	ssyncadd.s32 $0xFFFFFFFF  }
0xb5: {  	_ =	strace $0x9000004E  }
0xb6: {  	_ =	sfence  }
0xb7: {  	s30 =	sld [smem:$0x0];
	_ =	sdelay $0x2  }
0xb8: {  	s31 =	sshll.u32 s1, $0xD;
	s1 =	sshrl.u32 s1, $0x2  }
0xb9: {  	s3 =	sand.u32 $0x4000, s31;
	s1 =	sadd.s32 s1, s30  }
0xba: {  	s0 =	sor.u32 s3, s0;
	s1 =	sshll.u32 s1, $0x11  }
0xbb: {  	s0 =	sor.u32 s1, s0  }
0xbc: {  	s0 =	sadd.s32 $0x8F2B, s0  }
0xbd: {  	[sflag:s0] =	ssyncadd.remote.s32 $0x1  }
0xbe: {  	_ =	sfence.sel $0xFFFF  }
0xbf: {  	[dreg:$0x0] =	wrdreg $0xFFFFFFFF;
	(pc) =	sbr.abs _section_cstart, $3  }
0xc0: {  	[dreg:$0x1] =	wrdreg $0xFFFFFFFF  }
0xc1: {  	_ =	task.clear_ibuf [dreg:s6], $0x2FFFF;
	_ =	strace $0x9FFFFFFF  }
0xc2: {  	(tm) =	ssettm $0x7FFFFFFF  }
0xc3: {  	_ =	shalt  }
tec
execute0_lowered:
.L_overlay_start_1:
0x0: {  	(tag) =	ssettag $0x1  }
0x1: {  	s5 =	rddreg [dreg:$0x0]  }
0x2: {  	s2 =	rddreg [dreg:$0x1];
	s3 =	simm.s32 $0x0;
	s1 =	stileid.u32  }
0x3: {  	s4 =	srdreg.scid;
	s19 =	simm.s32 $0x13000;
	s20 =	simm.s32 $0x80  }
0x4: {  	s21 =	simm.s32 $0xF000;
	s22 =	simm.s32 $0x11000;
	s6 =	smul.u32 $0xA00, s1  }
0x5: {  	s25 =	simm.s32 $0x0;
	[smem:$0x7FF] =	sst s3;
	s9 =	smul.u32 $0x29000, s1  }
0x6: {  	s7 =	sand.u32 $0x1, s4;
	s15 =	sadd.s32 $0x10FC00, s5;
	s13 =	smul.u32 $0x280, s1  }
0x7: {  	s4 =	sadd.s32 $0xBFC00, s5;
	s17 =	smul.u32 $0x28000, s1;
	_ =	strace $0x8000004D  }
0x8: {  	s8 =	ssub.s32 $0x2, s7;
	s23 =	smul.u32 $0x2800, s7;
	s10 =	sadd.s32 s6, s5  }
0x9: {  	s28 =	sshrl.u32 s8, $0x1;
	s29 =	sshrl.u32 s9, $0x2;
	s30 =	sshrl.u32 s17, $0x2  }
0xa: {  	s17 =	simm.s32 $0x3;
	s16 =	ssub.s32 s8, s28;
	s5 =	sadd.s32 $0x15C00, s10  }
0xb: {  	s6 =	sadd.s32 s29, s2;
	s7 =	sadd.s32 $0x1C00, s10;
	s14 =	sadd.s32 s13, s23  }
0xc: {  	s24 =	sadd.s32 $0x5000, s23;
	v0 =	vmov s23;
	s23 =	simm.s32 $0x1;
	s8 =	sadd.s32 $0x2000, s6  }
0xd: {  	s9 =	sadd.s32 $0x4000, s6;
	s10 =	sadd.s32 $0x6000, s6;
	s11 =	sadd.s32 $0x8000, s6  }
0xe: {  	s12 =	sadd.s32 $0xA000, s6;
	s14 =	sshll.u32 s14, $0x3;
	s18 =	sadd.s32 s13, s24  }
0xf: {  	s16 =	smax.u32 s16, $0x1;
	v1 =	vmov s24;
	s24 =	simm.s32 $0x2;
	s31 =	sshll.u32 s18, $0x3  }
0x10: {  	v2 =	vimm.f32 $0.0e+00;
	s13 =	sadd.s32 s15, s14;
	s14 =	sadd.s32 s30, s2;
	s15 =	sadd.s32 s15, s31  }
.LBB2_1:
0x11: {  	[tilespmem:s3], [sflag:$0x3] =	stream.linear.gather [hbm4b:s5+s3], $0x5000, $0x38;
	[tilespmem:$0x1F400] =	vst v63  }
0x12: {  	_ =	swait.ge [sflag:s17], $0x5000  }
0x13: {  	[sflag:s17] =	ssyncset.done $0x0  }
0x14: {  	s0 =	simm.s32 $0x5000;
	[sflag:s17] =	ssyncadd.s32 $0xFFFFB000  }
0x15: {  	[tilespmem:s0], [sflag:$0x3] =	stream.linear.gather [hbm4b:s7+s3], $0x5000, $0x38;
	[tilespmem:$0x1F400] =	vst v63  }
0x16: {  	_ =	swait.ge [sflag:s17], $0x5000  }
0x17: {  	[sflag:s17] =	ssyncset.done $0x0  }
0x18: {  	s28 =	simm.s32 $0x100;
	s26 =	simm.s32 $0x0;
	[sflag:s17] =	ssyncadd.s32 $0xFFFFB000  }
.LBB2_2:
0x19: {  	p0 =	sne.s32 s28, $0x7F00;
	[tilespmem:s26+$0x13030] =	vst v2;
	s29 =	smov.u32 s28;
	s28 =	sadd.s32 $0x100, s28  }
.Ltmp0:
0x1a: {  	[tilespmem:s26+$0x13020] =	vst v2;
	(pc) =	sbr.rel @p0 .LBB2_2-.Ltmp0, $3  }
0x1b: {  	[tilespmem:s26+$0x13000] =	vst v2  }
0x1c: {  	[tilespmem:s26+$0x13010] =	vst v2;
	_ =	sdelay $0x1  }
0x1d: {  	s26 =	sshra.s32 s29, $0x2  }
0x1e: {  	[tilespmem:s26+$0x13030] =	vst v2  }
0x1f: {  	[tilespmem:s26+$0x13020] =	vst v2  }
0x20: {  	[tilespmem:s26+$0x13000] =	vst v2  }
0x21: {  	[tilespmem:s26+$0x13010] =	vst v2  }
0x22: {  	[spmem:s6] =	stream.linear.scatter [tilespmem:s19], [sflag:$0x3], $0x2000, $0x38;
	[tilespmem:$0x1F400] =	vst v63  }
0x23: {  	_ =	swait.ge [sflag:s17], $0x2000  }
0x24: {  	[sflag:s17] =	ssyncset.done $0x0  }
0x25: {  	[sflag:s17] =	ssyncadd.s32 $0xFFFFE000  }
0x26: {  	[spmem:s8] =	stream.linear.scatter [tilespmem:s19], [sflag:$0x3], $0x2000, $0x38;
	[tilespmem:$0x1F400] =	vst v63  }
0x27: {  	_ =	swait.ge [sflag:s17], $0x2000  }
0x28: {  	[sflag:s17] =	ssyncset.done $0x0  }
0x29: {  	[sflag:s17] =	ssyncadd.s32 $0xFFFFE000  }
0x2a: {  	[spmem:s9] =	stream.linear.scatter [tilespmem:s19], [sflag:$0x3], $0x2000, $0x38;
	[tilespmem:$0x1F400] =	vst v63  }
0x2b: {  	_ =	swait.ge [sflag:s17], $0x2000  }
0x2c: {  	[sflag:s17] =	ssyncset.done $0x0  }
0x2d: {  	[sflag:s17] =	ssyncadd.s32 $0xFFFFE000  }
0x2e: {  	[spmem:s10] =	stream.linear.scatter [tilespmem:s19], [sflag:$0x3], $0x2000, $0x38;
	[tilespmem:$0x1F400] =	vst v63  }
0x2f: {  	_ =	swait.ge [sflag:s17], $0x2000  }
0x30: {  	[sflag:s17] =	ssyncset.done $0x0  }
0x31: {  	[sflag:s17] =	ssyncadd.s32 $0xFFFFE000  }
0x32: {  	[spmem:s11] =	stream.linear.scatter [tilespmem:s19], [sflag:$0x3], $0x2000, $0x38;
	[tilespmem:$0x1F400] =	vst v63  }
0x33: {  	_ =	swait.ge [sflag:s17], $0x2000  }
0x34: {  	[sflag:s17] =	ssyncset.done $0x0  }
0x35: {  	[sflag:s17] =	ssyncadd.s32 $0xFFFFE000  }
0x36: {  	[spmem:s12] =	stream.linear.scatter [tilespmem:s19], [sflag:$0x3], $0x400, $0x38;
	[tilespmem:$0x1F400] =	vst v63  }
0x37: {  	_ =	swait.ge [sflag:s17], $0x400  }
0x38: {  	[sflag:s17] =	ssyncset.done $0x0  }
0x39: {  	s28 =	simm.s32 $0x0;
	[sflag:s17] =	ssyncadd.s32 $0xFFFFFC00  }
0x3a: {  	v4 =	vld [tilespmem:s28+$0x70]  }
0x3b: {  	v7 =	vld [tilespmem:s28+$0x0]  }
0x3c: {  	v8 =	vld [tilespmem:s28+$0x10]  }
0x3d: {  	v6 =	vld [tilespmem:s28+$0x20]  }
0x3e: {  	v5 =	vld [tilespmem:s28+$0x30]  }
0x3f: {  	v3 =	vld [tilespmem:s28+$0x40];
	v9 =	vadd.s32 v0, v4  }
0x40: {  	v4 =	vld [tilespmem:s28+$0x50];
	v7 =	vadd.s32 v0, v7;
	[tilespmem:s28+$0xA070] =	vst v9  }
0x41: {  	s26 =	simm.s32 $0x80;
	s29 =	simm.s32 $0x400;
	v8 =	vadd.s32 v0, v8;
	[tilespmem:s28+$0xA000] =	vst v7;
	v7 =	vld [tilespmem:s28+$0x60]  }
.LBB2_4:
0x42: {  	p0 =	sne.s32 s29, $0x13E00;
	v9 =	vld [tilespmem:s26+$0x70];
	[tilespmem:s28+$0xA010] =	vst v8;
	v6 =	vadd.s32 v0, v6  }
0x43: {  	v8 =	vld [tilespmem:s26+$0x0];
	[tilespmem:s28+$0xA020] =	vst v6;
	v5 =	vadd.s32 v0, v5  }
0x44: {  	v10 =	vld [tilespmem:s26+$0x10];
	[tilespmem:s28+$0xA030] =	vst v5;
	v3 =	vadd.s32 v0, v3  }
.Ltmp1:
0x45: {  	v6 =	vld [tilespmem:s26+$0x20];
	[tilespmem:s28+$0xA040] =	vst v3;
	v3 =	vadd.s32 v0, v4;
	(pc) =	sbr.rel @p0 .LBB2_4-.Ltmp1, $4  }
0x46: {  	v5 =	vld [tilespmem:s26+$0x30];
	[tilespmem:s28+$0xA050] =	vst v3;
	v4 =	vadd.s32 v0, v7  }
0x47: {  	v3 =	vld [tilespmem:s26+$0x40];
	v7 =	vadd.s32 v0, v9;
	[tilespmem:s28+$0xA060] =	vst v4;
	s28 =	smov.u32 s26  }
0x48: {  	v8 =	vadd.s32 v0, v8;
	v4 =	vld [tilespmem:s28+$0x50];
	[tilespmem:s28+$0xA070] =	vst v7  }
0x49: {  	s26 =	sshra.s32 s29, $0x2;
	s29 =	sadd.s32 $0x200, s29;
	[tilespmem:s28+$0xA000] =	vst v8;
	v8 =	vadd.s32 v0, v10;
	v7 =	vld [tilespmem:s28+$0x60]  }
0x4a: {  	v9 =	vld [tilespmem:s26+$0x70];
	[tilespmem:s28+$0xA010] =	vst v8;
	v6 =	vadd.s32 v0, v6  }
0x4b: {  	v8 =	vld [tilespmem:s26+$0x0];
	[tilespmem:s28+$0xA020] =	vst v6;
	v5 =	vadd.s32 v0, v5  }
0x4c: {  	v6 =	vld [tilespmem:s26+$0x10];
	[tilespmem:s28+$0xA030] =	vst v5;
	v3 =	vadd.s32 v0, v3  }
0x4d: {  	v5 =	vld [tilespmem:s26+$0x20];
	[tilespmem:s28+$0xA040] =	vst v3;
	v3 =	vadd.s32 v0, v4  }
0x4e: {  	v60 =	vld [tilespmem:s26+$0x30];
	[tilespmem:s28+$0xA050] =	vst v3;
	v3 =	vadd.s32 v0, v7  }
0x4f: {  	v61 =	vld [tilespmem:s26+$0x40];
	[tilespmem:s28+$0xA060] =	vst v3;
	v3 =	vadd.s32 v0, v9  }
0x50: {  	v62 =	vld [tilespmem:s26+$0x50];
	v8 =	vadd.s32 v0, v8;
	[tilespmem:s26+$0xA070] =	vst v3  }
0x51: {  	v63 =	vld [tilespmem:s26+$0x60];
	[tilespmem:s26+$0xA000] =	vst v8;
	v3 =	vadd.s32 v0, v6  }
0x52: {  	[tilespmem:s26+$0xA010] =	vst v3;
	v3 =	vadd.s32 v0, v5  }
0x53: {  	[tilespmem:s26+$0xA020] =	vst v3;
	v3 =	vadd.s32 v0, v60  }
0x54: {  	[tilespmem:s26+$0xA030] =	vst v3;
	v3 =	vadd.s32 v0, v61  }
0x55: {  	[tilespmem:s26+$0xA040] =	vst v3;
	v3 =	vadd.s32 v0, v62  }
0x56: {  	[tilespmem:s26+$0xA050] =	vst v3;
	v3 =	vadd.s32 v0, v63  }
0x57: {  	[tilespmem:s26+$0xA060] =	vst v3  }
0x58: {  	s18 =	simm.s32 $0xA000;
	[bflag:$0x0] =	sbarrier.arrive $0xFFFF  }
0x59: {  	[tilespmem:s21], [sflag:$0x1] =	stream.indirect.gather [hbm4b:s4+s20], $0x40, s18, s20, $0xb8;
	[tilespmem:$0x1F400] =	vst v63  }
0x5a: {  	s29 =	simm.s32 $0xA080  }
0x5b: {  	[tilespmem:s22], [sflag:$0x2] =	stream.indirect.gather [hbm4b:s4+s20], $0x40, s29, s20, $0xb8;
	[tilespmem:$0x1F400] =	vst v63  }
0x5c: {  	_ =	swait.ge [sflag:s23], $0x2000  }
0x5d: {  	[sflag:s23] =	ssyncset.done $0x0  }
0x5e: {  	s30 =	simm.s32 $0x5000;
	[sflag:s23] =	ssyncadd.s32 $0xFFFFE000  }
0x5f: {  	[spmem:s2] =	stream.indirect.scatter.add.f32 [tilespmem:s21], [sflag:$0x3], $0x40, s30, s20, $0xb8;
	[tilespmem:$0x1F400] =	vst v63  }
0x60: {  	_ =	swait.ge [sflag:s17], $0x2000  }
0x61: {  	[sflag:s17] =	ssyncset.done $0x0  }
0x62: {  	[sflag:s17] =	ssyncadd.s32 $0xFFFFE000  }
0x63: {  	_ =	swait.ge [sflag:s24], $0x2000  }
0x64: {  	[sflag:s24] =	ssyncset.done $0x0  }
0x65: {  	s31 =	simm.s32 $0x5080;
	[sflag:s24] =	ssyncadd.s32 $0xFFFFE000  }
0x66: {  	[spmem:s2] =	stream.indirect.scatter.add.f32 [tilespmem:s22], [sflag:$0x3], $0x40, s31, s20, $0xb8;
	[tilespmem:$0x1F400] =	vst v63  }
0x67: {  	_ =	swait.ge [sflag:s17], $0x2000  }
0x68: {  	s28 =	simm.s32 $0x800;
	s26 =	simm.s32 $0x100;
	[sflag:s17] =	ssyncset.done $0x0  }
.LBB2_6:
0x69: {  	s29 =	sadd.s32 $0xA000, s26  }
0x6a: {  	[sflag:s17] =	ssyncadd.s32 $0xFFFFE000;
	s30 =	smov.u32 s28;
	s31 =	sadd.s32 $0x400, s28  }
0x6b: {  	[tilespmem:s21], [sflag:$0x1] =	stream.indirect.gather [hbm4b:s4+s20], $0x40, s29, s20, $0xb8;
	[tilespmem:$0x1F400] =	vst v63  }
0x6c: {  	p0 =	sne.s32 s28, $0x13C00;
	s28 =	sadd.s32 $0xA080, s26  }
0x6d: {  	[tilespmem:s22], [sflag:$0x2] =	stream.indirect.gather [hbm4b:s4+s20], $0x40, s28, s20, $0xb8;
	[tilespmem:$0x1F400] =	vst v63  }
0x6e: {  	_ =	swait.ge [sflag:s23], $0x2000  }
0x6f: {  	[sflag:s23] =	ssyncset.done $0x0  }
0x70: {  	s28 =	sadd.s32 $0x5000, s26;
	[sflag:s23] =	ssyncadd.s32 $0xFFFFE000  }
0x71: {  	[spmem:s2] =	stream.indirect.scatter.add.f32 [tilespmem:s21], [sflag:$0x3], $0x40, s28, s20, $0xb8;
	[tilespmem:$0x1F400] =	vst v63  }
0x72: {  	_ =	swait.ge [sflag:s17], $0x2000  }
0x73: {  	[sflag:s17] =	ssyncset.done $0x0  }
0x74: {  	[sflag:s17] =	ssyncadd.s32 $0xFFFFE000  }
0x75: {  	_ =	swait.ge [sflag:s24], $0x2000  }
.Ltmp2:
0x76: {  	[sflag:s24] =	ssyncset.done $0x0;
	(pc) =	sbr.rel @p0 .LBB2_6-.Ltmp2, $4  }
0x77: {  	s26 =	sadd.s32 $0x5080, s26;
	[sflag:s24] =	ssyncadd.s32 $0xFFFFE000  }
0x78: {  	[spmem:s2] =	stream.indirect.scatter.add.f32 [tilespmem:s22], [sflag:$0x3], $0x40, s26, s20, $0xb8;
	[tilespmem:$0x1F400] =	vst v63  }
0x79: {  	_ =	swait.ge [sflag:s17], $0x2000  }
0x7a: {  	s28 =	smov.u32 s31;
	s26 =	sshra.s32 s30, $0x2;
	[sflag:s17] =	ssyncset.done $0x0  }
0x7b: {  	s28 =	sadd.s32 $0xA000, s26;
	[sflag:s17] =	ssyncadd.s32 $0xFFFFE000  }
0x7c: {  	[tilespmem:s21], [sflag:$0x1] =	stream.indirect.gather [hbm4b:s4+s20], $0x40, s28, s20, $0xb8;
	[tilespmem:$0x1F400] =	vst v63  }
0x7d: {  	s28 =	sadd.s32 $0xA080, s26  }
0x7e: {  	[tilespmem:s22], [sflag:$0x2] =	stream.indirect.gather [hbm4b:s4+s20], $0x40, s28, s20, $0xb8;
	[tilespmem:$0x1F400] =	vst v63  }
0x7f: {  	_ =	swait.ge [sflag:s23], $0x2000  }
0x80: {  	[sflag:s23] =	ssyncset.done $0x0  }
0x81: {  	s28 =	sadd.s32 $0x5000, s26;
	[sflag:s23] =	ssyncadd.s32 $0xFFFFE000  }
0x82: {  	[spmem:s2] =	stream.indirect.scatter.add.f32 [tilespmem:s21], [sflag:$0x3], $0x40, s28, s20, $0xb8;
	[tilespmem:$0x1F400] =	vst v63  }
0x83: {  	_ =	swait.ge [sflag:s17], $0x2000  }
0x84: {  	[sflag:s17] =	ssyncset.done $0x0  }
0x85: {  	[sflag:s17] =	ssyncadd.s32 $0xFFFFE000  }
0x86: {  	_ =	swait.ge [sflag:s24], $0x2000  }
0x87: {  	[sflag:s24] =	ssyncset.done $0x0  }
0x88: {  	s0 =	sadd.s32 $0x5080, s26;
	[sflag:s24] =	ssyncadd.s32 $0xFFFFE000  }
0x89: {  	[spmem:s2] =	stream.indirect.scatter.add.f32 [tilespmem:s22], [sflag:$0x3], $0x40, s0, s20, $0xb8;
	[tilespmem:$0x1F400] =	vst v63  }
0x8a: {  	_ =	swait.ge [sflag:s17], $0x2000  }
0x8b: {  	[sflag:s17] =	ssyncset.done $0x0  }
0x8c: {  	s18 =	sshll.u32 s1, $0x6;
	[sflag:s17] =	ssyncadd.s32 $0xFFFFE000  }
0x8d: {  	s26 =	sor.u32 $0x1C03, s18;
	s28 =	sshrl.u32 s14, $0x3;
	[bflag:$0x0] =	sbarrier.arrive $0xFFFF  }
0x8e: {  	[hbm:s13], [sflag:s26] =	dma.local [spmem:s28], $0x1400  }
0x8f: {  	_ =	swait.ge [sflag:s17], $0x1400  }
0x90: {  	[sflag:s17] =	ssyncset.done $0x0  }
0x91: {  	[sflag:s17] =	ssyncadd.s32 $0xFFFFEC00  }
0x92: {  	[bflag:$0x0] =	sbarrier.arrive $0xFFFF  }
0x93: {  	[spmem:s6] =	stream.linear.scatter [tilespmem:s19], [sflag:$0x3], $0x2000, $0x38;
	[tilespmem:$0x1F400] =	vst v63  }
0x94: {  	_ =	swait.ge [sflag:s17], $0x2000  }
0x95: {  	[sflag:s17] =	ssyncset.done $0x0  }
0x96: {  	[sflag:s17] =	ssyncadd.s32 $0xFFFFE000  }
0x97: {  	[spmem:s8] =	stream.linear.scatter [tilespmem:s19], [sflag:$0x3], $0x2000, $0x38;
	[tilespmem:$0x1F400] =	vst v63  }
0x98: {  	_ =	swait.ge [sflag:s17], $0x2000  }
0x99: {  	[sflag:s17] =	ssyncset.done $0x0  }
0x9a: {  	[sflag:s17] =	ssyncadd.s32 $0xFFFFE000  }
0x9b: {  	[spmem:s9] =	stream.linear.scatter [tilespmem:s19], [sflag:$0x3], $0x2000, $0x38;
	[tilespmem:$0x1F400] =	vst v63  }
0x9c: {  	_ =	swait.ge [sflag:s17], $0x2000  }
0x9d: {  	[sflag:s17] =	ssyncset.done $0x0  }
0x9e: {  	[sflag:s17] =	ssyncadd.s32 $0xFFFFE000  }
0x9f: {  	[spmem:s10] =	stream.linear.scatter [tilespmem:s19], [sflag:$0x3], $0x2000, $0x38;
	[tilespmem:$0x1F400] =	vst v63  }
0xa0: {  	_ =	swait.ge [sflag:s17], $0x2000  }
0xa1: {  	[sflag:s17] =	ssyncset.done $0x0  }
0xa2: {  	[sflag:s17] =	ssyncadd.s32 $0xFFFFE000  }
0xa3: {  	[spmem:s11] =	stream.linear.scatter [tilespmem:s19], [sflag:$0x3], $0x2000, $0x38;
	[tilespmem:$0x1F400] =	vst v63  }
0xa4: {  	_ =	swait.ge [sflag:s17], $0x2000  }
0xa5: {  	[sflag:s17] =	ssyncset.done $0x0  }
0xa6: {  	[sflag:s17] =	ssyncadd.s32 $0xFFFFE000  }
0xa7: {  	[spmem:s12] =	stream.linear.scatter [tilespmem:s19], [sflag:$0x3], $0x400, $0x38;
	[tilespmem:$0x1F400] =	vst v63  }
0xa8: {  	_ =	swait.ge [sflag:s17], $0x400  }
0xa9: {  	[sflag:s17] =	ssyncset.done $0x0  }
0xaa: {  	s30 =	simm.s32 $0x0;
	[sflag:s17] =	ssyncadd.s32 $0xFFFFFC00  }
0xab: {  	v4 =	vld [tilespmem:s30+$0x70]  }
0xac: {  	v7 =	vld [tilespmem:s30+$0x0]  }
0xad: {  	v8 =	vld [tilespmem:s30+$0x10]  }
0xae: {  	v6 =	vld [tilespmem:s30+$0x20]  }
0xaf: {  	v5 =	vld [tilespmem:s30+$0x30]  }
0xb0: {  	v3 =	vld [tilespmem:s30+$0x40];
	v9 =	vadd.s32 v1, v4  }
0xb1: {  	v4 =	vld [tilespmem:s30+$0x50];
	v7 =	vadd.s32 v1, v7;
	[tilespmem:s30+$0xA070] =	vst v9  }
0xb2: {  	s29 =	simm.s32 $0x80;
	s31 =	simm.s32 $0x400;
	v8 =	vadd.s32 v1, v8;
	[tilespmem:s30+$0xA000] =	vst v7;
	v7 =	vld [tilespmem:s30+$0x60]  }
.LBB2_8:
0xb3: {  	p0 =	sne.s32 s31, $0x13E00;
	v9 =	vld [tilespmem:s29+$0x70];
	[tilespmem:s30+$0xA010] =	vst v8;
	v6 =	vadd.s32 v1, v6  }
0xb4: {  	v8 =	vld [tilespmem:s29+$0x0];
	[tilespmem:s30+$0xA020] =	vst v6;
	v5 =	vadd.s32 v1, v5  }
0xb5: {  	v10 =	vld [tilespmem:s29+$0x10];
	[tilespmem:s30+$0xA030] =	vst v5;
	v3 =	vadd.s32 v1, v3  }
.Ltmp3:
0xb6: {  	v6 =	vld [tilespmem:s29+$0x20];
	[tilespmem:s30+$0xA040] =	vst v3;
	v3 =	vadd.s32 v1, v4;
	(pc) =	sbr.rel @p0 .LBB2_8-.Ltmp3, $4  }
0xb7: {  	v5 =	vld [tilespmem:s29+$0x30];
	[tilespmem:s30+$0xA050] =	vst v3;
	v4 =	vadd.s32 v1, v7  }
0xb8: {  	v3 =	vld [tilespmem:s29+$0x40];
	v7 =	vadd.s32 v1, v9;
	[tilespmem:s30+$0xA060] =	vst v4;
	s30 =	smov.u32 s29  }
0xb9: {  	v8 =	vadd.s32 v1, v8;
	v4 =	vld [tilespmem:s30+$0x50];
	[tilespmem:s30+$0xA070] =	vst v7  }
0xba: {  	s29 =	sshra.s32 s31, $0x2;
	s31 =	sadd.s32 $0x200, s31;
	[tilespmem:s30+$0xA000] =	vst v8;
	v8 =	vadd.s32 v1, v10;
	v7 =	vld [tilespmem:s30+$0x60]  }
0xbb: {  	v9 =	vld [tilespmem:s29+$0x70];
	[tilespmem:s30+$0xA010] =	vst v8;
	v6 =	vadd.s32 v1, v6  }
0xbc: {  	v8 =	vld [tilespmem:s29+$0x0];
	[tilespmem:s30+$0xA020] =	vst v6;
	v5 =	vadd.s32 v1, v5  }
0xbd: {  	v6 =	vld [tilespmem:s29+$0x10];
	[tilespmem:s30+$0xA030] =	vst v5;
	v3 =	vadd.s32 v1, v3  }
0xbe: {  	v5 =	vld [tilespmem:s29+$0x20];
	[tilespmem:s30+$0xA040] =	vst v3;
	v3 =	vadd.s32 v1, v4  }
0xbf: {  	v60 =	vld [tilespmem:s29+$0x30];
	[tilespmem:s30+$0xA050] =	vst v3;
	v3 =	vadd.s32 v1, v7  }
0xc0: {  	v61 =	vld [tilespmem:s29+$0x40];
	[tilespmem:s30+$0xA060] =	vst v3;
	v3 =	vadd.s32 v1, v9  }
0xc1: {  	v62 =	vld [tilespmem:s29+$0x50];
	v8 =	vadd.s32 v1, v8;
	[tilespmem:s29+$0xA070] =	vst v3  }
0xc2: {  	v63 =	vld [tilespmem:s29+$0x60];
	[tilespmem:s29+$0xA000] =	vst v8;
	v3 =	vadd.s32 v1, v6  }
0xc3: {  	[tilespmem:s29+$0xA010] =	vst v3;
	v3 =	vadd.s32 v1, v5  }
0xc4: {  	[tilespmem:s29+$0xA020] =	vst v3;
	v3 =	vadd.s32 v1, v60  }
0xc5: {  	[tilespmem:s29+$0xA030] =	vst v3;
	v3 =	vadd.s32 v1, v61  }
0xc6: {  	[tilespmem:s29+$0xA040] =	vst v3;
	v3 =	vadd.s32 v1, v62  }
0xc7: {  	[tilespmem:s29+$0xA050] =	vst v3;
	v3 =	vadd.s32 v1, v63  }
0xc8: {  	[tilespmem:s29+$0xA060] =	vst v3  }
0xc9: {  	s29 =	simm.s32 $0xA000;
	[bflag:$0x0] =	sbarrier.arrive $0xFFFF  }
0xca: {  	[tilespmem:s21], [sflag:$0x1] =	stream.indirect.gather [hbm4b:s4+s20], $0x40, s29, s20, $0xb8;
	[tilespmem:$0x1F400] =	vst v63  }
0xcb: {  	s29 =	simm.s32 $0xA080  }
0xcc: {  	[tilespmem:s22], [sflag:$0x2] =	stream.indirect.gather [hbm4b:s4+s20], $0x40, s29, s20, $0xb8;
	[tilespmem:$0x1F400] =	vst v63  }
0xcd: {  	_ =	swait.ge [sflag:s23], $0x2000  }
0xce: {  	[sflag:s23] =	ssyncset.done $0x0  }
0xcf: {  	s29 =	simm.s32 $0x5000;
	[sflag:s23] =	ssyncadd.s32 $0xFFFFE000  }
0xd0: {  	[spmem:s2] =	stream.indirect.scatter.add.f32 [tilespmem:s21], [sflag:$0x3], $0x40, s29, s20, $0xb8;
	[tilespmem:$0x1F400] =	vst v63  }
0xd1: {  	_ =	swait.ge [sflag:s17], $0x2000  }
0xd2: {  	[sflag:s17] =	ssyncset.done $0x0  }
0xd3: {  	[sflag:s17] =	ssyncadd.s32 $0xFFFFE000  }
0xd4: {  	_ =	swait.ge [sflag:s24], $0x2000  }
0xd5: {  	[sflag:s24] =	ssyncset.done $0x0  }
0xd6: {  	s29 =	simm.s32 $0x5080;
	[sflag:s24] =	ssyncadd.s32 $0xFFFFE000  }
0xd7: {  	[spmem:s2] =	stream.indirect.scatter.add.f32 [tilespmem:s22], [sflag:$0x3], $0x40, s29, s20, $0xb8;
	[tilespmem:$0x1F400] =	vst v63  }
0xd8: {  	_ =	swait.ge [sflag:s17], $0x2000  }
0xd9: {  	s30 =	simm.s32 $0x800;
	s29 =	simm.s32 $0x100;
	[sflag:s17] =	ssyncset.done $0x0  }
.LBB2_10:
0xda: {  	s31 =	sadd.s32 $0xA000, s29  }
0xdb: {  	[sflag:s17] =	ssyncadd.s32 $0xFFFFE000;
	s0 =	smov.u32 s30;
	s18 =	sadd.s32 $0x400, s30  }
0xdc: {  	[tilespmem:s21], [sflag:$0x1] =	stream.indirect.gather [hbm4b:s4+s20], $0x40, s31, s20, $0xb8;
	[tilespmem:$0x1F400] =	vst v63  }
0xdd: {  	p0 =	sne.s32 s30, $0x13C00;
	s30 =	sadd.s32 $0xA080, s29  }
0xde: {  	[tilespmem:s22], [sflag:$0x2] =	stream.indirect.gather [hbm4b:s4+s20], $0x40, s30, s20, $0xb8;
	[tilespmem:$0x1F400] =	vst v63  }
0xdf: {  	_ =	swait.ge [sflag:s23], $0x2000  }
0xe0: {  	[sflag:s23] =	ssyncset.done $0x0  }
0xe1: {  	s30 =	sadd.s32 $0x5000, s29;
	[sflag:s23] =	ssyncadd.s32 $0xFFFFE000  }
0xe2: {  	[spmem:s2] =	stream.indirect.scatter.add.f32 [tilespmem:s21], [sflag:$0x3], $0x40, s30, s20, $0xb8;
	[tilespmem:$0x1F400] =	vst v63  }
0xe3: {  	_ =	swait.ge [sflag:s17], $0x2000  }
0xe4: {  	[sflag:s17] =	ssyncset.done $0x0  }
0xe5: {  	[sflag:s17] =	ssyncadd.s32 $0xFFFFE000  }
0xe6: {  	_ =	swait.ge [sflag:s24], $0x2000  }
.Ltmp4:
0xe7: {  	[sflag:s24] =	ssyncset.done $0x0;
	(pc) =	sbr.rel @p0 .LBB2_10-.Ltmp4, $4  }
0xe8: {  	s29 =	sadd.s32 $0x5080, s29;
	[sflag:s24] =	ssyncadd.s32 $0xFFFFE000  }
0xe9: {  	[spmem:s2] =	stream.indirect.scatter.add.f32 [tilespmem:s22], [sflag:$0x3], $0x40, s29, s20, $0xb8;
	[tilespmem:$0x1F400] =	vst v63  }
0xea: {  	_ =	swait.ge [sflag:s17], $0x2000  }
0xeb: {  	s30 =	smov.u32 s18;
	s29 =	sshra.s32 s0, $0x2;
	[sflag:s17] =	ssyncset.done $0x0  }
0xec: {  	s0 =	sadd.s32 $0xA000, s29;
	[sflag:s17] =	ssyncadd.s32 $0xFFFFE000  }
0xed: {  	[tilespmem:s21], [sflag:$0x1] =	stream.indirect.gather [hbm4b:s4+s20], $0x40, s0, s20, $0xb8;
	[tilespmem:$0x1F400] =	vst v63  }
0xee: {  	s18 =	sadd.s32 $0xA080, s29  }
0xef: {  	[tilespmem:s22], [sflag:$0x2] =	stream.indirect.gather [hbm4b:s4+s20], $0x40, s18, s20, $0xb8;
	[tilespmem:$0x1F400] =	vst v63  }
0xf0: {  	_ =	swait.ge [sflag:s23], $0x2000  }
0xf1: {  	[sflag:s23] =	ssyncset.done $0x0  }
0xf2: {  	s30 =	sadd.s32 $0x5000, s29;
	[sflag:s23] =	ssyncadd.s32 $0xFFFFE000  }
0xf3: {  	[spmem:s2] =	stream.indirect.scatter.add.f32 [tilespmem:s21], [sflag:$0x3], $0x40, s30, s20, $0xb8;
	[tilespmem:$0x1F400] =	vst v63  }
0xf4: {  	_ =	swait.ge [sflag:s17], $0x2000  }
0xf5: {  	[sflag:s17] =	ssyncset.done $0x0  }
0xf6: {  	[sflag:s17] =	ssyncadd.s32 $0xFFFFE000  }
0xf7: {  	_ =	swait.ge [sflag:s24], $0x2000  }
0xf8: {  	[sflag:s24] =	ssyncset.done $0x0  }
0xf9: {  	s31 =	sadd.s32 $0x5080, s29;
	[sflag:s24] =	ssyncadd.s32 $0xFFFFE000  }
0xfa: {  	[spmem:s2] =	stream.indirect.scatter.add.f32 [tilespmem:s22], [sflag:$0x3], $0x40, s31, s20, $0xb8;
	[tilespmem:$0x1F400] =	vst v63  }
0xfb: {  	_ =	swait.ge [sflag:s17], $0x2000  }
0xfc: {  	s25 =	sadd.s32 $0x1, s25;
	[sflag:s17] =	ssyncset.done $0x0  }
0xfd: {  	p0 =	sne.s32 s25, s16;
	[sflag:s17] =	ssyncadd.s32 $0xFFFFE000  }
.Ltmp5:
0xfe: {  	[bflag:$0x0] =	sbarrier.arrive $0xFFFF;
	(pc) =	sbr.rel @p0 .LBB2_1-.Ltmp5, $4  }
0xff: {  	[hbm:s15], [sflag:s26] =	dma.local [spmem:s28], $0x1400  }
0x100: {  	_ =	swait.ge [sflag:s17], $0x1400  }
0x101: {  	[sflag:s17] =	ssyncset.done $0x0  }
0x102: {  	[sflag:s17] =	ssyncadd.s32 $0xFFFFEC00  }
0x103: {  	_ =	sfence.sel $0x180000  }
0x104: {  	[bflag:$0x0] =	sbarrier.arrive $0xFFFF  }
0x105: {  	_ =	strace $0x9000004D  }
0x106: {  	[bflag:$0x2] =	sbarrier.arrive $0xFFFF  }
0x107: {  	p0 =	sne.s32 s1, $0x0;
	s0 =	rddreg [dreg:$0x2]  }
0x108: {  	s0 =	sadd.s32 @!p0 $0x100000, s0  }
0x109: {  	[sflag:s0] =	ssyncadd.tile.s32 @!p0 $0x1;
	_ =	shalt  }
.Lfunc_end2:
_tile_overlayer_lowered:
.L_overlay_start_2:
0x10a: {  	(tag) =	ssettag $0x2  }
0x10b: {  	s0 =	rddreg [dreg:$0x0];
	s2 =	stileid.u32  }
0x10c: {  	s1 =	rddreg [dreg:$0x1];
	p0 =	sne.s32 s2, $0x0  }
0x10d: {  	s3 =	rddreg [dreg:$0x2];
	[bflag:$0x3] =	sbarrier.arrive $0xFFFF;
	s2 =	simm.s32 @!p0 $0x1C03  }
0x10e: {  	[timem:s3], [sflag:s2] =	dma.local @!p0 [hbm:s0], s1  }
0x10f: {  	s0 =	simm.s32 @!p0 $0x3  }
0x110: {  	_ =	swait.ge @!p0 [sflag:s0], s1  }
0x111: {  	s1 =	ssub.s32 @!p0 $0x0, s1;
	[sflag:s0] =	ssyncset.done @!p0 $0x0  }
0x112: {  	[sflag:s0] =	ssyncadd.s32 @!p0 s1  }
0x113: {  	[bflag:$0x3] =	sbarrier.arrive $0xFFFF  }
0x114: {  	_ =	shalt  }

// kernel: kernel.19.cloned.1.call-start
scs
__scs_entry_jumppad:
0x0: {  	(pc) =	sbr.rel $0x88, $3  }
0x1: {  	(tag) =	ssettag $0x0;
	lr =	simm.s32 $0x1  }
0x2: {  	[smem:$0x3F97] =	sst lr;
	_ =	strace $0xD0000000  }
0x3: {  	_ = 	snop  }
0x4: {  	_ = 	snop  }
0x5: {  	_ = 	snop  }
0x6: {  	_ = 	snop  }
0x7: {  	_ = 	snop  }
__scs_overlays_trampoline_lowered:
0x8: {  	[smem:$0x3FA6] =	sst s0  }
0x9: {  	[smem:$0x3FA7] =	sst s1  }
0xa: {  	[smem:$0x3FA8] =	sst s2  }
0xb: {  	[smem:$0x3FA9] =	sst s3  }
0xc: {  	[smem:$0x3FAA] =	sst s4  }
0xd: {  	[smem:$0x3FAB] =	sst s5  }
0xe: {  	[smem:$0x3FAC] =	sst s6  }
0xf: {  	[smem:$0x3FAD] =	sst s7  }
0x10: {  	[smem:$0x3FAE] =	sst s8  }
0x11: {  	[smem:$0x3FAF] =	sst s9;
	s0 =	simm.s32 @!p0 $0x0  }
0x12: {  	s1 =	sld [smem:$0x3F95];
	s0 =	simm.s32 @p0 $0x1  }
0x13: {  	[smem:$0x3FB0] =	sst s0;
	s0 =	simm.s32 @!p1 $0x0  }
0x14: {  	s2 =	sld [smem:$0x3F94];
	s0 =	simm.s32 @p1 $0x1  }
0x15: {  	[smem:$0x3FB1] =	sst s0;
	s0 =	simm.s32 @!p2 $0x0  }
0x16: {  	s3 =	sld [smem:$0x3FDB];
	s0 =	simm.s32 @p2 $0x1  }
0x17: {  	s4 =	simm.s32 $0x1BF5;
	[smem:$0x3FB3] =	sst s0  }
0x18: {  	s0 =	sld [smem:$0x3F96];
	_ =	swait.ge [sflag:s4], $0x0  }
0x19: {  	s7 =	sld [smem:$0x3F97]  }
0x1a: {  	s8 =	sadd.s32 $0xFFFFE003, lr  }
0x1b: {  	s9 =	sadd.s32 $0xFFFFFEF7, lr;
	s5 =	simm.s32 $0xFFFFFFFF;
	p2 =	slt.u32 s8, $0xFFFFF086  }
0x1c: {  	p1 =	slt.u32 s9, $0xF7A;
	s5 =	simm.s32 @!p2 $0x0  }
0x1d: {  	s5 =	simm.s32 @p1 $0x1;
	p0 =	seq.s32 s7, s2  }
0x1e: {  	s7 =	smul.u32 @!p0 $0xF7A, s2;
	p2 =	seq.s32 @!p0 s5, $0x0  }
0x1f: {  	s9 =	smul.u32 $0xF7A, s1;
	s8 =	simm.s32 @!p0 $0x1BF5;
	p2 =	por !p2, p0  }
0x20: {  	[sflag:s8] =	ssyncset.s32 @!p0 $0xFFFFF086;
	s6 =	sadd.s32 @!p0 s3, s7;
	s7 =	simm.s32 @!p0 $0x108  }
0x21: {  	s3 =	sadd.s32 s3, s9;
	s6 =	sadd.s32 @!p0 $0x88, s6;
	s7 =	simm.s32 @p2 $0x1082  }
0x22: {  	[simem:s7], [sflag:s8] =	dma.local @!p0 [hbm:s6], $0xF7A  }
0x23: {  	s9 =	sor.u32 $0xD0000000, s2;
	s6 =	simm.s32 $0x108;
	_ =	swait.ge @!p0 [sflag:s8], $0x0  }
0x24: {  	s3 =	sadd.s32 $0x88, s3;
	s6 =	simm.s32 @!p1 $0x1082;
	[sflag:s4] =	ssyncset.s32 $0xFFFFF086  }
0x25: {  	[simem:s6], [sflag:s4] =	dma.local [hbm:s3], $0xF7A  }
0x26: {  	[smem:$0x3F97] =	sst s1;
	(tag) =	ssettag s2;
	_ =	strace s9  }
0x27: {  	s1 =	sld [smem:$0x3FA7]  }
0x28: {  	s2 =	sld [smem:$0x3FA8]  }
0x29: {  	s4 =	sld [smem:$0x3FAA]  }
0x2a: {  	p0 =	seq.s32 s5, $0x0;
	s5 =	sld [smem:$0x3FAB]  }
0x2b: {  	s6 =	sld [smem:$0x3FAC]  }
0x2c: {  	s7 =	sld [smem:$0x3FAD]  }
0x2d: {  	s3 =	simm.s32 $0x108;
	s8 =	sld [smem:$0x3FAE]  }
0x2e: {  	s3 =	simm.s32 @!p0 $0x1082;
	s9 =	sld [smem:$0x3FAF]  }
0x2f: {  	lr =	sadd.s32 s0, s3;
	s0 =	sld [smem:$0x3FA6]  }
0x30: {  	s3 =	sld [smem:$0x3FA9]  }
0x31: {  	[smem:$0x3FB2] =	sst s10  }
0x32: {  	s10 =	sld [smem:$0x3FB0];
	_ =	sdelay $0x3  }
0x33: {  	p0 =	seq.s32 s10, $0x1;
	s10 =	sld [smem:$0x3FB2];
	_ =	sdelay $0x3  }
0x34: {  	[smem:$0x3FB2] =	sst s10  }
0x35: {  	s10 =	sld [smem:$0x3FB1];
	_ =	sdelay $0x3  }
0x36: {  	p1 =	seq.s32 s10, $0x1;
	s10 =	sld [smem:$0x3FB2];
	_ =	sdelay $0x3  }
0x37: {  	[smem:$0x3FB2] =	sst s10  }
0x38: {  	s10 =	sld [smem:$0x3FB3]  }
0x39: {  	_ = 	snop;
	(pc) =	sbr.ind lr, $3  }
0x3a: {  	_ = 	snop  }
0x3b: {  	_ = 	snop  }
0x3c: {  	p2 =	seq.s32 s10, $0x1;
	s10 =	sld [smem:$0x3FB2]  }
0x3d: {  	_ =	shalt  }
0x3e: {  	_ =	shalt  }
0x3f: {  	_ =	shalt  }
0x40: {  	_ =	shalt  }
0x41: {  	_ =	shalt  }
0x42: {  	_ =	shalt  }
0x43: {  	_ =	shalt  }
0x44: {  	_ =	shalt  }
0x45: {  	_ =	shalt  }
0x46: {  	_ =	shalt  }
0x47: {  	_ =	shalt  }
0x48: {  	_ =	shalt  }
0x49: {  	_ =	shalt  }
0x4a: {  	_ =	shalt  }
0x4b: {  	_ =	shalt  }
0x4c: {  	_ =	shalt  }
0x4d: {  	_ =	shalt  }
0x4e: {  	_ =	shalt  }
0x4f: {  	_ =	shalt  }
0x50: {  	_ =	shalt  }
0x51: {  	_ =	shalt  }
0x52: {  	_ =	shalt  }
0x53: {  	_ =	shalt  }
0x54: {  	_ =	shalt  }
0x55: {  	_ =	shalt  }
0x56: {  	_ =	shalt  }
0x57: {  	_ =	shalt  }
0x58: {  	_ =	shalt  }
0x59: {  	_ =	shalt  }
0x5a: {  	_ =	shalt  }
0x5b: {  	_ =	shalt  }
0x5c: {  	_ =	shalt  }
0x5d: {  	_ =	shalt  }
0x5e: {  	_ =	shalt  }
0x5f: {  	_ =	shalt  }
0x60: {  	_ =	shalt  }
0x61: {  	_ =	shalt  }
0x62: {  	_ =	shalt  }
0x63: {  	_ =	shalt  }
0x64: {  	_ =	shalt  }
0x65: {  	_ =	shalt  }
0x66: {  	_ =	shalt  }
0x67: {  	_ =	shalt  }
0x68: {  	_ =	shalt  }
0x69: {  	_ =	shalt  }
0x6a: {  	_ =	shalt  }
0x6b: {  	_ =	shalt  }
0x6c: {  	_ =	shalt  }
0x6d: {  	_ =	shalt  }
0x6e: {  	_ =	shalt  }
0x6f: {  	_ =	shalt  }
0x70: {  	_ =	shalt  }
0x71: {  	_ =	shalt  }
0x72: {  	_ =	shalt  }
0x73: {  	_ =	shalt  }
0x74: {  	_ =	shalt  }
0x75: {  	_ =	shalt  }
0x76: {  	_ =	shalt  }
0x77: {  	_ =	shalt  }
0x78: {  	_ =	shalt  }
0x79: {  	_ =	shalt  }
0x7a: {  	_ =	shalt  }
0x7b: {  	_ =	shalt  }
0x7c: {  	_ =	shalt  }
0x7d: {  	_ =	shalt  }
0x7e: {  	_ =	shalt  }
0x7f: {  	_ =	shalt  }
0x80: {  	_ =	shalt  }
0x81: {  	_ =	shalt  }
0x82: {  	_ =	shalt  }
0x83: {  	_ =	shalt  }
0x84: {  	_ =	shalt  }
0x85: {  	_ =	shalt  }
0x86: {  	_ =	shalt  }
0x87: {  	_ =	shalt  }
.Lfunc_end0:
.L_simem_size_0:
called_computation.3_lowered:
.L_overlay_start_0:
0x88: {  	s2 =	sld [smem:$0x3FD9]  }
0x89: {  	s3 =	sld [smem:$0x3FFE];
	_ =	sdelay $0x1  }
0x8a: {  	s1 =	srdreg.scid  }
0x8b: {  	s0 =	sand.u32 $0x1, s1  }
0x8c: {  	s16 =	sshll.u32 s0, $0xA;
	s2 =	sadd.s32 s3, s2  }
0x8d: {  	s2 =	sadd.s32 s2, s16  }
0x8e: {  	[smem:$0x3FBE] =	sst s2  }
0x8f: {  	_ = 	snop  }
0x90: {  	(tm) =	ssettm $0x1  }
0x91: {  	s17 =	sld [smem:$0x3FFB];
	_ =	sdelay $0x3  }
0x92: {  	_ =	strace s17  }
0x93: {  	s2 =	sld [smem:$0x3FFC];
	_ =	sdelay $0x3  }
0x94: {  	_ =	strace s2  }
0x95: {  	s2 =	sld [smem:$0x3FFD];
	_ =	sdelay $0x3  }
0x96: {  	_ =	strace s2  }
0x97: {  	_ =	strace $0x8FFFFFFF  }
0x98: {  	s18 =	sld [smem:$0x3FDB];
	_ =	sdelay $0x1  }
0x99: {  	s19 =	simm.s32 $_scs_section_size  }
0x9a: {  	s4 =	simm.s32 $_size__tile_overlayer_lowered;
	s5 =	simm.s32 $_tile_overlayer_lowered  }
0x9b: {  	s22 =	simm.s32 $0x1BFF;
	s21 =	sshll.u32 s5, $0x1;
	s2 =	sadd.s32 s19, s18  }
0x9c: {  	s6 =	simm.s32 $0x0;
	s20 =	sshll.u32 s4, $0x1;
	s4 =	sadd.s32 s21, s2  }
0x9d: {  	[timem:s6], [sflag:s22] =	dma.local [hbm:s4], s20  }
0x9e: {  	_ =	swait.ge [sflag:s22], s20  }
0x9f: {  	s3 =	ssub.s32 $0x0, s20;
	[sflag:s22] =	ssyncset.done $0x0  }
0xa0: {  	[sflag:s22] =	ssyncadd.s32 s3;
	_ =	sdelay $0x1  }
0xa1: {  	s23 =	simm.s32 $0x1B8B  }
0xa2: {  	_ =	swait.ge [sflag:s23], $0x1  }
0xa3: {  	[sflag:s23] =	ssyncset.done $0x0  }
0xa4: {  	s25 =	simm.s32 $0x1B8E;
	s24 =	sld [smem:$0x3FFE];
	[sflag:s23] =	ssyncadd.s32 $0xFFFFFFFF  }
0xa5: {  	s26 =	simm.s32 $execute0_lowered;
	[smem:$0x3FD2] =	sst s25  }
0xa6: {  	s4 =	sshll.u32 s26, $0x1;
	_ =	strace $0x8000004F;
	[dreg:$0x1] =	wrdreg $0xFFFFFFFF  }
0xa7: {  	s28 =	simm.s32 $_size_execute0_lowered;
	s2 =	sadd.s32 s2, s4;
	[dreg:$0x0] =	wrdreg $0x0  }
0xa8: {  	s4 =	sshll.u32 s28, $0x1;
	[dreg:$0x2] =	wrdreg s2  }
0xa9: {  	[dreg:$0x3] =	wrdreg s4  }
0xaa: {  	[dreg:$0x4] =	wrdreg $0xC0  }
0xab: {  	_ =	task [dreg:s6], $0x5FFFF  }
0xac: {  	[dreg:$0x1] =	wrdreg $0xFFFFFFFF  }
0xad: {  	[dreg:$0x0] =	wrdreg $0x60  }
0xae: {  	[dreg:$0x2] =	wrdreg s24  }
0xaf: {  	[dreg:$0x3] =	wrdreg $0xD8000  }
0xb0: {  	[dreg:$0x4] =	wrdreg $0x9  }
0xb1: {  	_ =	task.clear_ibuf [dreg:s6], $0x5FFFF;
	_ =	strace $0x9000004F  }
0xb2: {  	s29 =	simm.s32 $0x9;
	_ =	strace $0x80000051  }
0xb3: {  	_ =	swait.ge [sflag:s29], $0x1  }
0xb4: {  	[sflag:s29] =	ssyncadd.s32 $0xFFFFFFFF  }
0xb5: {  	_ =	strace $0x90000051  }
0xb6: {  	_ =	sfence  }
0xb7: {  	s30 =	sld [smem:$0x0];
	_ =	sdelay $0x2  }
0xb8: {  	s31 =	sshll.u32 s1, $0xD;
	s1 =	sshrl.u32 s1, $0x2  }
0xb9: {  	s3 =	sand.u32 $0x4000, s31;
	s1 =	sadd.s32 s1, s30  }
0xba: {  	s0 =	sor.u32 s3, s0;
	s1 =	sshll.u32 s1, $0x11  }
0xbb: {  	s0 =	sor.u32 s1, s0  }
0xbc: {  	s0 =	sadd.s32 $0x8F2B, s0  }
0xbd: {  	[sflag:s0] =	ssyncadd.remote.s32 $0x1  }
0xbe: {  	_ =	sfence.sel $0xFFFF  }
0xbf: {  	[dreg:$0x0] =	wrdreg $0xFFFFFFFF;
	(pc) =	sbr.abs _section_cstart, $3  }
0xc0: {  	[dreg:$0x1] =	wrdreg $0xFFFFFFFF  }
0xc1: {  	_ =	task.clear_ibuf [dreg:s6], $0x2FFFF;
	_ =	strace $0x9FFFFFFF  }
0xc2: {  	(tm) =	ssettm $0x7FFFFFFF  }
0xc3: {  	_ =	shalt  }
tec
execute0_lowered:
.L_overlay_start_1:
0x0: {  	(tag) =	ssettag $0x1  }
0x1: {  	s5 =	rddreg [dreg:$0x0];
	s0 =	srdreg.scid  }
0x2: {  	s2 =	rddreg [dreg:$0x1];
	s1 =	stileid.u32;
	s3 =	simm.s32 $0x0  }
0x3: {  	s16 =	simm.s32 $0x2800;
	s17 =	simm.s32 $0xB800;
	s7 =	smul.u32 $0x50, s1  }
0x4: {  	s18 =	simm.s32 $0x80;
	s19 =	simm.s32 $0x7800;
	s9 =	smul.u32 $0x1400, s1  }
0x5: {  	s20 =	simm.s32 $0x9800;
	s21 =	simm.s32 $0x1;
	s10 =	smul.u32 $0x29000, s1  }
0x6: {  	s22 =	simm.s32 $0x2;
	s6 =	sand.u32 $0x1, s0;
	s15 =	smul.u32 $0x28000, s1  }
0x7: {  	s24 =	simm.s32 $0x0;
	s0 =	rddreg [dreg:$0x2];
	s4 =	smul.u32 $0x500, s6  }
0x8: {  	[smem:$0x7FF] =	sst s3;
	s8 =	smul.u32 $0x14000, s6;
	s6 =	ssub.s32 $0x2, s6  }
0x9: {  	_ =	strace $0x80000050;
	s30 =	sshrl.u32 s6, $0x1;
	s31 =	sshrl.u32 s10, $0x2  }
0xa: {  	s15 =	sshrl.u32 s15, $0x2;
	s7 =	sadd.s32 s7, s4;
	s4 =	sadd.s32 $0x1FC00, s5  }
0xb: {  	s8 =	sadd.s32 s9, s8;
	s14 =	ssub.s32 s6, s30;
	s6 =	sadd.s32 s31, s2  }
0xc: {  	s23 =	sadd.s32 s15, s2;
	s15 =	simm.s32 $0x3;
	s7 =	sshll.u32 s7, $0x4  }
0xd: {  	s13 =	sadd.s32 s8, s5;
	s8 =	sadd.s32 $0x2000, s6;
	s9 =	sadd.s32 $0x4000, s6  }
0xe: {  	s10 =	sadd.s32 $0x6000, s6;
	s11 =	sadd.s32 $0x8000, s6;
	s12 =	sadd.s32 $0xA000, s6  }
0xf: {  	s14 =	smax.u32 s14, $0x1;
	s23 =	sshrl.u32 s23, $0x3;
	s7 =	sadd.s32 s7, s5  }
0x10: {  	v0 =	vimm.f32 $0.0e+00;
	s13 =	sadd.s32 $0x33C00, s13;
	s5 =	sadd.s32 $0x15C00, s7;
	s7 =	sadd.s32 $0x1C00, s7  }
.LBB2_1:
0x11: {  	[tilespmem:s3], [sflag:$0x3] =	stream.linear.gather [hbm4b:s5+s3], $0x2800, $0x38;
	[tilespmem:$0x17C00] =	vst v63  }
0x12: {  	_ =	swait.ge [sflag:s15], $0x2800  }
0x13: {  	[sflag:s15] =	ssyncset.done $0x0  }
0x14: {  	[sflag:s15] =	ssyncadd.s32 $0xFFFFD800  }
0x15: {  	[tilespmem:s16], [sflag:$0x3] =	stream.linear.gather [hbm4b:s7+s3], $0x2800, $0x38;
	[tilespmem:$0x17C00] =	vst v63  }
0x16: {  	_ =	swait.ge [sflag:s15], $0x2800  }
0x17: {  	[sflag:s15] =	ssyncset.done $0x0  }
0x18: {  	s26 =	simm.s32 $0x100;
	s25 =	simm.s32 $0x0;
	[sflag:s15] =	ssyncadd.s32 $0xFFFFD800  }
.LBB2_2:
0x19: {  	p0 =	sne.s32 s26, $0x7F00;
	[tilespmem:s25+$0xB830] =	vst v0;
	s28 =	smov.u32 s26;
	s26 =	sadd.s32 $0x100, s26  }
.Ltmp0:
0x1a: {  	[tilespmem:s25+$0xB820] =	vst v0;
	(pc) =	sbr.rel @p0 .LBB2_2-.Ltmp0, $3  }
0x1b: {  	[tilespmem:s25+$0xB800] =	vst v0  }
0x1c: {  	[tilespmem:s25+$0xB810] =	vst v0;
	_ =	sdelay $0x1  }
0x1d: {  	s25 =	sshra.s32 s28, $0x2  }
0x1e: {  	[tilespmem:s25+$0xB830] =	vst v0  }
0x1f: {  	[tilespmem:s25+$0xB820] =	vst v0  }
0x20: {  	[tilespmem:s25+$0xB800] =	vst v0  }
0x21: {  	[tilespmem:s25+$0xB810] =	vst v0  }
0x22: {  	[spmem:s6] =	stream.linear.scatter [tilespmem:s17], [sflag:$0x3], $0x2000, $0x38;
	[tilespmem:$0x17C00] =	vst v63  }
0x23: {  	_ =	swait.ge [sflag:s15], $0x2000  }
0x24: {  	[sflag:s15] =	ssyncset.done $0x0  }
0x25: {  	[sflag:s15] =	ssyncadd.s32 $0xFFFFE000  }
0x26: {  	[spmem:s8] =	stream.linear.scatter [tilespmem:s17], [sflag:$0x3], $0x2000, $0x38;
	[tilespmem:$0x17C00] =	vst v63  }
0x27: {  	_ =	swait.ge [sflag:s15], $0x2000  }
0x28: {  	[sflag:s15] =	ssyncset.done $0x0  }
0x29: {  	[sflag:s15] =	ssyncadd.s32 $0xFFFFE000  }
0x2a: {  	[spmem:s9] =	stream.linear.scatter [tilespmem:s17], [sflag:$0x3], $0x2000, $0x38;
	[tilespmem:$0x17C00] =	vst v63  }
0x2b: {  	_ =	swait.ge [sflag:s15], $0x2000  }
0x2c: {  	[sflag:s15] =	ssyncset.done $0x0  }
0x2d: {  	[sflag:s15] =	ssyncadd.s32 $0xFFFFE000  }
0x2e: {  	[spmem:s10] =	stream.linear.scatter [tilespmem:s17], [sflag:$0x3], $0x2000, $0x38;
	[tilespmem:$0x17C00] =	vst v63  }
0x2f: {  	_ =	swait.ge [sflag:s15], $0x2000  }
0x30: {  	[sflag:s15] =	ssyncset.done $0x0  }
0x31: {  	[sflag:s15] =	ssyncadd.s32 $0xFFFFE000  }
0x32: {  	[spmem:s11] =	stream.linear.scatter [tilespmem:s17], [sflag:$0x3], $0x2000, $0x38;
	[tilespmem:$0x17C00] =	vst v63  }
0x33: {  	_ =	swait.ge [sflag:s15], $0x2000  }
0x34: {  	[sflag:s15] =	ssyncset.done $0x0  }
0x35: {  	[sflag:s15] =	ssyncadd.s32 $0xFFFFE000  }
0x36: {  	[spmem:s12] =	stream.linear.scatter [tilespmem:s17], [sflag:$0x3], $0x400, $0x38;
	[tilespmem:$0x17C00] =	vst v63  }
0x37: {  	_ =	swait.ge [sflag:s15], $0x400  }
0x38: {  	[sflag:s15] =	ssyncset.done $0x0  }
0x39: {  	s25 =	simm.s32 $0x0;
	[sflag:s15] =	ssyncadd.s32 $0xFFFFFC00  }
0x3a: {  	v4 =	vld [tilespmem:s25+$0x70]  }
0x3b: {  	v5 =	vld [tilespmem:s25+$0x0]  }
0x3c: {  	v6 =	vld [tilespmem:s25+$0x10]  }
0x3d: {  	v3 =	vld [tilespmem:s25+$0x20]  }
0x3e: {  	v1 =	vld [tilespmem:s25+$0x30]  }
0x3f: {  	v2 =	vld [tilespmem:s25+$0x40];
	[tilespmem:s25+$0x5070] =	vst v4  }
0x40: {  	[tilespmem:s25+$0x5000] =	vst v5;
	v4 =	vld [tilespmem:s25+$0x50]  }
0x41: {  	s26 =	simm.s32 $0x80;
	s28 =	simm.s32 $0x400;
	[tilespmem:s25+$0x5010] =	vst v6;
	v5 =	vld [tilespmem:s25+$0x60]  }
.LBB2_4:
0x42: {  	p0 =	sne.s32 s28, $0x9E00;
	v6 =	vld [tilespmem:s26+$0x70];
	[tilespmem:s25+$0x5020] =	vst v3  }
0x43: {  	v7 =	vld [tilespmem:s26+$0x0];
	[tilespmem:s25+$0x5030] =	vst v1  }
0x44: {  	v8 =	vld [tilespmem:s26+$0x10];
	[tilespmem:s25+$0x5040] =	vst v2  }
.Ltmp1:
0x45: {  	v3 =	vld [tilespmem:s26+$0x20];
	[tilespmem:s25+$0x5050] =	vst v4;
	(pc) =	sbr.rel @p0 .LBB2_4-.Ltmp1, $4  }
0x46: {  	v1 =	vld [tilespmem:s26+$0x30];
	[tilespmem:s25+$0x5060] =	vst v5;
	s25 =	smov.u32 s26  }
0x47: {  	v2 =	vld [tilespmem:s25+$0x40];
	[tilespmem:s25+$0x5070] =	vst v6  }
0x48: {  	[tilespmem:s25+$0x5000] =	vst v7;
	v4 =	vld [tilespmem:s25+$0x50]  }
0x49: {  	s26 =	sshra.s32 s28, $0x2;
	s28 =	sadd.s32 $0x200, s28;
	[tilespmem:s25+$0x5010] =	vst v8;
	v5 =	vld [tilespmem:s25+$0x60]  }
0x4a: {  	v6 =	vld [tilespmem:s26+$0x70];
	[tilespmem:s25+$0x5020] =	vst v3  }
0x4b: {  	v3 =	vld [tilespmem:s26+$0x0];
	[tilespmem:s25+$0x5030] =	vst v1  }
0x4c: {  	v1 =	vld [tilespmem:s26+$0x10];
	[tilespmem:s25+$0x5040] =	vst v2  }
0x4d: {  	v2 =	vld [tilespmem:s26+$0x20];
	[tilespmem:s25+$0x5050] =	vst v4  }
0x4e: {  	v4 =	vld [tilespmem:s26+$0x30];
	[tilespmem:s25+$0x5060] =	vst v5  }
0x4f: {  	v5 =	vld [tilespmem:s26+$0x40];
	[tilespmem:s26+$0x5070] =	vst v6  }
0x50: {  	[tilespmem:s26+$0x5000] =	vst v3;
	v3 =	vld [tilespmem:s26+$0x50]  }
0x51: {  	[tilespmem:s26+$0x5010] =	vst v1;
	v1 =	vld [tilespmem:s26+$0x60]  }
0x52: {  	[tilespmem:s26+$0x5020] =	vst v2  }
0x53: {  	[tilespmem:s26+$0x5030] =	vst v4  }
0x54: {  	[tilespmem:s26+$0x5040] =	vst v5  }
0x55: {  	[tilespmem:s26+$0x5050] =	vst v3  }
0x56: {  	[tilespmem:s26+$0x5060] =	vst v1  }
0x57: {  	s28 =	simm.s32 $0x5000;
	[bflag:$0x0] =	sbarrier.arrive $0xFFFF  }
0x58: {  	[tilespmem:s19], [sflag:$0x1] =	stream.indirect.gather [hbm4b:s4+s18], $0x40, s28, s18, $0xb8;
	[tilespmem:$0x17C00] =	vst v63  }
0x59: {  	s29 =	simm.s32 $0x5080  }
0x5a: {  	[tilespmem:s20], [sflag:$0x2] =	stream.indirect.gather [hbm4b:s4+s18], $0x40, s29, s18, $0xb8;
	[tilespmem:$0x17C00] =	vst v63  }
0x5b: {  	_ =	swait.ge [sflag:s21], $0x2000  }
0x5c: {  	[sflag:s21] =	ssyncset.done $0x0  }
0x5d: {  	s30 =	simm.s32 $0x2800;
	[sflag:s21] =	ssyncadd.s32 $0xFFFFE000  }
0x5e: {  	[spmem:s2] =	stream.indirect.scatter.add.f32 [tilespmem:s19], [sflag:$0x3], $0x40, s30, s18, $0xb8;
	[tilespmem:$0x17C00] =	vst v63  }
0x5f: {  	_ =	swait.ge [sflag:s15], $0x2000  }
0x60: {  	[sflag:s15] =	ssyncset.done $0x0  }
0x61: {  	[sflag:s15] =	ssyncadd.s32 $0xFFFFE000  }
0x62: {  	_ =	swait.ge [sflag:s22], $0x2000  }
0x63: {  	[sflag:s22] =	ssyncset.done $0x0  }
0x64: {  	s31 =	simm.s32 $0x2880;
	[sflag:s22] =	ssyncadd.s32 $0xFFFFE000  }
0x65: {  	[spmem:s2] =	stream.indirect.scatter.add.f32 [tilespmem:s20], [sflag:$0x3], $0x40, s31, s18, $0xb8;
	[tilespmem:$0x17C00] =	vst v63  }
0x66: {  	_ =	swait.ge [sflag:s15], $0x2000  }
0x67: {  	s25 =	simm.s32 $0x100;
	s26 =	simm.s32 $0x800;
	[sflag:s15] =	ssyncset.done $0x0  }
.LBB2_6:
0x68: {  	s28 =	sadd.s32 $0x5000, s25  }
0x69: {  	[sflag:s15] =	ssyncadd.s32 $0xFFFFE000;
	s29 =	smov.u32 s26;
	s30 =	sadd.s32 $0x400, s26  }
0x6a: {  	[tilespmem:s19], [sflag:$0x1] =	stream.indirect.gather [hbm4b:s4+s18], $0x40, s28, s18, $0xb8;
	[tilespmem:$0x17C00] =	vst v63  }
0x6b: {  	p0 =	sne.s32 s26, $0x9C00;
	s26 =	sadd.s32 $0x5080, s25  }
0x6c: {  	[tilespmem:s20], [sflag:$0x2] =	stream.indirect.gather [hbm4b:s4+s18], $0x40, s26, s18, $0xb8;
	[tilespmem:$0x17C00] =	vst v63  }
0x6d: {  	_ =	swait.ge [sflag:s21], $0x2000  }
0x6e: {  	[sflag:s21] =	ssyncset.done $0x0  }
0x6f: {  	s26 =	sadd.s32 $0x2800, s25;
	[sflag:s21] =	ssyncadd.s32 $0xFFFFE000  }
0x70: {  	[spmem:s2] =	stream.indirect.scatter.add.f32 [tilespmem:s19], [sflag:$0x3], $0x40, s26, s18, $0xb8;
	[tilespmem:$0x17C00] =	vst v63  }
0x71: {  	_ =	swait.ge [sflag:s15], $0x2000  }
0x72: {  	[sflag:s15] =	ssyncset.done $0x0  }
0x73: {  	[sflag:s15] =	ssyncadd.s32 $0xFFFFE000  }
0x74: {  	_ =	swait.ge [sflag:s22], $0x2000  }
.Ltmp2:
0x75: {  	[sflag:s22] =	ssyncset.done $0x0;
	(pc) =	sbr.rel @p0 .LBB2_6-.Ltmp2, $4  }
0x76: {  	s25 =	sadd.s32 $0x2880, s25;
	[sflag:s22] =	ssyncadd.s32 $0xFFFFE000  }
0x77: {  	[spmem:s2] =	stream.indirect.scatter.add.f32 [tilespmem:s20], [sflag:$0x3], $0x40, s25, s18, $0xb8;
	[tilespmem:$0x17C00] =	vst v63  }
0x78: {  	_ =	swait.ge [sflag:s15], $0x2000  }
0x79: {  	s26 =	smov.u32 s30;
	s25 =	sshra.s32 s29, $0x2;
	[sflag:s15] =	ssyncset.done $0x0  }
0x7a: {  	s26 =	sadd.s32 $0x5000, s25;
	[sflag:s15] =	ssyncadd.s32 $0xFFFFE000  }
0x7b: {  	[tilespmem:s19], [sflag:$0x1] =	stream.indirect.gather [hbm4b:s4+s18], $0x40, s26, s18, $0xb8;
	[tilespmem:$0x17C00] =	vst v63  }
0x7c: {  	s28 =	sadd.s32 $0x5080, s25  }
0x7d: {  	[tilespmem:s20], [sflag:$0x2] =	stream.indirect.gather [hbm4b:s4+s18], $0x40, s28, s18, $0xb8;
	[tilespmem:$0x17C00] =	vst v63  }
0x7e: {  	_ =	swait.ge [sflag:s21], $0x2000  }
0x7f: {  	[sflag:s21] =	ssyncset.done $0x0  }
0x80: {  	s29 =	sadd.s32 $0x2800, s25;
	[sflag:s21] =	ssyncadd.s32 $0xFFFFE000  }
0x81: {  	[spmem:s2] =	stream.indirect.scatter.add.f32 [tilespmem:s19], [sflag:$0x3], $0x40, s29, s18, $0xb8;
	[tilespmem:$0x17C00] =	vst v63  }
0x82: {  	_ =	swait.ge [sflag:s15], $0x2000  }
0x83: {  	[sflag:s15] =	ssyncset.done $0x0  }
0x84: {  	[sflag:s15] =	ssyncadd.s32 $0xFFFFE000  }
0x85: {  	_ =	swait.ge [sflag:s22], $0x2000  }
0x86: {  	[sflag:s22] =	ssyncset.done $0x0  }
0x87: {  	s30 =	sadd.s32 $0x2880, s25;
	[sflag:s22] =	ssyncadd.s32 $0xFFFFE000  }
0x88: {  	[spmem:s2] =	stream.indirect.scatter.add.f32 [tilespmem:s20], [sflag:$0x3], $0x40, s30, s18, $0xb8;
	[tilespmem:$0x17C00] =	vst v63  }
0x89: {  	_ =	swait.ge [sflag:s15], $0x2000  }
0x8a: {  	s24 =	sadd.s32 $0x1, s24;
	[sflag:s15] =	ssyncset.done $0x0  }
0x8b: {  	s31 =	sshll.u32 s1, $0x6;
	p0 =	sne.s32 s24, s14;
	[sflag:s15] =	ssyncadd.s32 $0xFFFFE000  }
.Ltmp3:
0x8c: {  	s25 =	sor.u32 $0x1C03, s31;
	[bflag:$0x0] =	sbarrier.arrive $0xFFFF;
	(pc) =	sbr.rel @p0 .LBB2_1-.Ltmp3, $4  }
0x8d: {  	[hbm:s13], [sflag:s25] =	dma.local [spmem:s23], $0x1400  }
0x8e: {  	_ =	swait.ge [sflag:s15], $0x1400  }
0x8f: {  	[sflag:s15] =	ssyncset.done $0x0  }
0x90: {  	[sflag:s15] =	ssyncadd.s32 $0xFFFFEC00  }
0x91: {  	_ =	sfence.sel $0x180000  }
0x92: {  	[bflag:$0x0] =	sbarrier.arrive $0xFFFF  }
0x93: {  	p0 =	sne.s32 s1, $0x0;
	_ =	strace $0x90000050  }
0x94: {  	s0 =	sadd.s32 @!p0 $0x100000, s0;
	[bflag:$0x2] =	sbarrier.arrive $0xFFFF  }
0x95: {  	[sflag:s0] =	ssyncadd.tile.s32 @!p0 $0x1;
	_ =	shalt  }
.Lfunc_end2:
_tile_overlayer_lowered:
.L_overlay_start_2:
0x96: {  	(tag) =	ssettag $0x2  }
0x97: {  	s0 =	rddreg [dreg:$0x0];
	s2 =	stileid.u32  }
0x98: {  	s1 =	rddreg [dreg:$0x1];
	p0 =	sne.s32 s2, $0x0  }
0x99: {  	s3 =	rddreg [dreg:$0x2];
	[bflag:$0x3] =	sbarrier.arrive $0xFFFF;
	s2 =	simm.s32 @!p0 $0x1C03  }
0x9a: {  	[timem:s3], [sflag:s2] =	dma.local @!p0 [hbm:s0], s1  }
0x9b: {  	s0 =	simm.s32 @!p0 $0x3  }
0x9c: {  	_ =	swait.ge @!p0 [sflag:s0], s1  }
0x9d: {  	s1 =	ssub.s32 @!p0 $0x0, s1;
	[sflag:s0] =	ssyncset.done @!p0 $0x0  }
0x9e: {  	[sflag:s0] =	ssyncadd.s32 @!p0 s1  }
0x9f: {  	[bflag:$0x3] =	sbarrier.arrive $0xFFFF  }
0xa0: {  	_ =	shalt  }

</sc_bundles>
